<compile_context>
chip_gen: v7x
topology: tpu7x:2x2x1
jax: 0.10.2.dev20260603
libtpu: 0.0.44.dev20260713+nightly
codegen_flags: <defaults>
</compile_context>

<pallas_src>
import functools
import math

import jax
import jax.numpy as jnp
from jax import lax
from jax.experimental import pallas as pl
from jax.experimental.pallas import tpu as pltpu
from jax.experimental.pallas import tpu_sc as plsc

N_RAYS = 4096
MAX_STEP = 1024
GRID = 128
NCELL = GRID * GRID * GRID
CONE = 0.00390625
NEAR = 0.05
MIN_OPT_THICKNESS = 0.01
DT_MIN = math.sqrt(3.0) / 1024.0
DT_MAX = math.sqrt(3.0) / 16.0

SLABS = (1280, 1280, 1280, 256)
RB_A = 256
RB_C = 256
CCHUNK = 1024
K_SC = 4096


def _ray_setup(oxv, oyv, ozv, dxv, dyv, dzv):
    norm = jnp.sqrt(dxv * dxv + dyv * dyv + dzv * dzv) + 1e-9
    ux, uy, uz = dxv / norm, dyv / norm, dzv / norm

    def inv(u):
        return 1.0 / jnp.where(jnp.abs(u) > 1e-9, u, 1e-9)

    ix, iy, iz = inv(ux), inv(uy), inv(uz)
    t0x, t1x = (0.0 - oxv) * ix, (1.0 - oxv) * ix
    t0y, t1y = (0.0 - oyv) * iy, (1.0 - oyv) * iy
    t0z, t1z = (0.0 - ozv) * iz, (1.0 - ozv) * iz
    tmin = jnp.maximum(
        jnp.maximum(jnp.minimum(t0x, t1x), jnp.minimum(t0y, t1y)),
        jnp.minimum(t0z, t1z))
    tmin = jnp.maximum(tmin, NEAR)
    tmax = jnp.minimum(
        jnp.minimum(jnp.maximum(t0x, t1x), jnp.maximum(t0y, t1y)),
        jnp.maximum(t0z, t1z))
    return ux, uy, uz, tmin, tmax


def _index_body(ox, oy, oz, dx, dy, dz, g, s, flat_ref):
    ux, uy, uz, tmin, _ = _ray_setup(
        ox[...], oy[...], oz[...], dx[...], dy[...], dz[...])
    t = jnp.maximum(tmin * g[...], tmin + s[...])
    px = ox[...] + ux * t
    py = oy[...] + uy * t
    pz = oz[...] + uz * t

    def cell(p):
        return jnp.clip((p * float(GRID)).astype(jnp.int32), 0, GRID - 1)

    flat_ref[...] = (cell(px) * GRID + cell(py)) * GRID + cell(pz)


def _index_call(ox, oy, oz, dx, dy, dz, g, s):
    slab = ox.shape[0]
    nb = slab // RB_A
    ray_spec = pl.BlockSpec((RB_A, 1), lambda i: (i, 0))
    const_spec = pl.BlockSpec((1, MAX_STEP), lambda i: (0, 0))
    return pl.pallas_call(
        _index_body,
        grid=(nb,),
        in_specs=[ray_spec] * 6 + [const_spec] * 2,
        out_specs=pl.BlockSpec((RB_A, MAX_STEP), lambda i: (i, 0)),
        out_shape=jax.ShapeDtypeStruct((slab, MAX_STEP), jnp.int32),
    )(ox, oy, oz, dx, dy, dz, g, s)


def _gridsum_body(x_ref, acc_ref):
    @pl.when(pl.program_id(0) == 0)
    def _():
        acc_ref[...] = jnp.zeros_like(acc_ref)

    acc_ref[...] += jnp.sum(x_ref[...], axis=(0, 1), keepdims=True)


def _gridsum_call(grid2d):
    nb = grid2d.shape[0] // 128
    return pl.pallas_call(
        _gridsum_body,
        grid=(nb,),
        in_specs=[pl.BlockSpec((128, grid2d.shape[1]), lambda i: (i, 0))],
        out_specs=pl.BlockSpec((1, 1), lambda i: (0, 0)),
        out_shape=jax.ShapeDtypeStruct((1, 1), jnp.float32),
    )(grid2d)


def _sc_gather_call(flat_idx, density_grid):
    n = flat_idx.shape[0]
    info = plsc.get_sparse_core_info()
    nc, ns = info.num_cores, info.num_subcores
    nw = nc * ns
    per_w = n // nw
    chunks = per_w // K_SC
    half = K_SC // 2
    mesh = plsc.VectorSubcoreMesh(core_axis_name="c", subcore_axis_name="s")

    assert chunks >= 2 and chunks % 2 == 0

    @functools.partial(
        pl.kernel,
        mesh=mesh,
        out_type=jax.ShapeDtypeStruct((n,), jnp.float32),
        scratch_types=[
            pltpu.VMEM((K_SC,), jnp.int32),
            pltpu.VMEM((K_SC,), jnp.int32),
            pltpu.VMEM((K_SC,), jnp.float32),
            pltpu.VMEM((K_SC,), jnp.float32),
            pltpu.SemaphoreType.DMA,
            pltpu.SemaphoreType.DMA,
            pltpu.SemaphoreType.DMA,
            pltpu.SemaphoreType.DMA,
            pltpu.SemaphoreType.DMA,
            pltpu.SemaphoreType.DMA,
            pltpu.SemaphoreType.DMA,
            pltpu.SemaphoreType.DMA,
        ],
    )
    def k(idx_hbm, grid_hbm, out_hbm,
          idx0, idx1, dens0, dens1,
          si0, si1, sg0, sg1, sh0, sh1, so0, so1):
        wid = lax.axis_index("s") * nc + lax.axis_index("c")
        base = wid * per_w
        idx_v = (idx0, idx1)
        dens_v = (dens0, dens1)
        sem_i = (si0, si1)
        sem_g = (sg0, sg1)
        sem_h = (sh0, sh1)
        sem_o = (so0, so1)

        def idx_copy(c, b):
            return pltpu.make_async_copy(
                idx_hbm.at[pl.ds(base + c * K_SC, K_SC)], idx_v[b], sem_i[b])

        def out_copy(c, b):
            return pltpu.make_async_copy(
                dens_v[b], out_hbm.at[pl.ds(base + c * K_SC, K_SC)], sem_o[b])

        def gather_a(b):
            return pltpu.make_async_copy(
                grid_hbm.at[idx_v[b].at[pl.ds(0, half)]],
                dens_v[b].at[pl.ds(0, half)], sem_g[b])

        def gather_b(b):
            return pltpu.make_async_copy(
                grid_hbm.at[idx_v[b].at[pl.ds(half, half)]],
                dens_v[b].at[pl.ds(half, half)], sem_h[b])

        idx_copy(0, 0).start()

        def body(g, carry):
            for b in range(2):
                c = g * 2 + b
                @pl.when(g >= 1)
                def _():
                    out_copy(c - 2, b).wait()

                idx_copy(c, b).wait()
                if b == 0:
                    idx_copy(c + 1, 1).start()
                else:
                    @pl.when(g < chunks // 2 - 1)
                    def _():
                        idx_copy(c + 1, 0).start()

                gather_a(b).start()
                gather_b(b).start()
                gather_a(b).wait()
                gather_b(b).wait()
                out_copy(c, b).start()
            return carry

        lax.fori_loop(0, chunks // 2, body, 0)
        out_copy(chunks - 2, 0).wait()
        out_copy(chunks - 1, 1).wait()

    return k(flat_idx, density_grid)


def _assemble_body(ox, oy, oz, dx, dy, dz, dens, gsum, gi, si, o2a, nsa,
                   out_ref, nst_ref):
    c = pl.program_id(1)
    ux, uy, uz, tmin, tmax = _ray_setup(
        ox[...], oy[...], oz[...], dx[...], dy[...], dz[...])
    t = jnp.maximum(tmin * gi[...], tmin + si[...])
    dt = jnp.clip(t * CONE, DT_MIN, DT_MAX)
    px = ox[...] + ux * t
    py = oy[...] + uy * t
    pz = oz[...] + uz * t
    valid = ((t < tmax)
             & (px >= 0.0) & (px < 1.0)
             & (py >= 0.0) & (py < 1.0)
             & (pz >= 0.0) & (pz < 1.0))

    rowi = lax.broadcasted_iota(jnp.int32, (128, CCHUNK), 0)
    coli = lax.broadcasted_iota(jnp.int32, (128, CCHUNK), 1)
    expand = (rowi == coli // 8).astype(jnp.float32)
    densi = lax.dot_general(
        dens[...], expand, (((1,), (0,)), ((), ())),
        preferred_element_type=jnp.float32,
        precision=lax.Precision.HIGHEST)

    mean = gsum[0, 0] / float(NCELL)
    thresh = jnp.minimum(mean, MIN_OPT_THICKNESS)
    occ = valid & (densi > thresh)
    occf = occ.astype(jnp.float32)

    chan = lax.broadcasted_iota(jnp.int32, (RB_C, CCHUNK), 1) % 8
    ones = jnp.ones_like(t)
    res = jnp.where(
        chan == 0, px,
        jnp.where(chan == 1, py,
                  jnp.where(chan == 2, pz,
                            jnp.where(chan == 3, dt,
                                      jnp.where(chan == 4, ux * ones,
                                                jnp.where(chan == 5, uy * ones,
                                                          jnp.where(chan == 6, uz * ones,
                                                                    densi)))))))
    out_ref[...] = res * occf

    @pl.when(c == 0)
    def _():
        nst_ref[...] = jnp.zeros_like(nst_ref)

    nst_ref[...] += jnp.sum(occ.astype(jnp.int32), axis=1, keepdims=True) // 8


def _assemble_call(ray_start, ox, oy, oz, dx, dy, dz, dens, gsum, gi, si,
                   out2_acc=None, nst_acc=None):
    slab = ox.shape[0]
    nb = slab // RB_C
    ncc = (MAX_STEP * 8) // CCHUNK
    sb = ray_start // RB_C
    ray_spec = pl.BlockSpec((RB_C, 1), lambda i, c: (i, 0))
    any_spec = pl.BlockSpec(memory_space=pl.ANY)
    in_specs = [ray_spec] * 6 + [
        pl.BlockSpec((RB_C, CCHUNK // 8), lambda i, c: (i, c)),
        pl.BlockSpec((1, 1), lambda i, c: (0, 0)),
        pl.BlockSpec((1, CCHUNK), lambda i, c: (0, c)),
        pl.BlockSpec((1, CCHUNK), lambda i, c: (0, c)),
    ]
    args = [ox, oy, oz, dx, dy, dz, dens, gsum, gi, si]
    aliases = {}
    if out2_acc is not None:
        in_specs += [any_spec, any_spec]
        args += [out2_acc, nst_acc]
        aliases = {10: 0, 11: 1}
    body = _assemble_body if out2_acc is not None else (
        lambda *a: _assemble_body(*a[:10], None, None, *a[10:]))
    out2, nst = pl.pallas_call(
        body,
        grid=(nb, ncc),
        in_specs=in_specs,
        out_specs=[
            pl.BlockSpec((RB_C, CCHUNK), lambda i, c: (i + sb, c)),
            pl.BlockSpec((RB_C, 1), lambda i, c: (i + sb, 0)),
        ],
        out_shape=[
            jax.ShapeDtypeStruct((N_RAYS, MAX_STEP * 8), jnp.float32),
            jax.ShapeDtypeStruct((N_RAYS, 1), jnp.int32),
        ],
        input_output_aliases=aliases,
    )(*args)
    return out2, nst


def kernel(rays_o, rays_d, density_grid):
    ox, oy, oz = (rays_o[:, i:i + 1] for i in range(3))
    dx, dy, dz = (rays_d[:, i:i + 1] for i in range(3))
    steps = jnp.arange(MAX_STEP, dtype=jnp.float32)
    g = jnp.power(1.0 + CONE, steps).reshape(1, MAX_STEP)
    s = (steps * DT_MIN).reshape(1, MAX_STEP)
    gi = jnp.repeat(g, 8, axis=1)
    si = jnp.repeat(s, 8, axis=1)

    gsum = _gridsum_call(density_grid.reshape(NCELL // MAX_STEP, MAX_STEP))

    starts = [sum(SLABS[:k]) for k in range(len(SLABS))]
    dens_slabs = []
    rays_slabs = []
    for k, (st, sz) in enumerate(zip(starts, SLABS)):
        rs = tuple(a[st:st + sz] for a in (ox, oy, oz, dx, dy, dz))
        flat = _index_call(*rs, g, s)
        dens_slabs.append(_sc_gather_call(flat.reshape(-1), density_grid))
        rays_slabs.append(rs)

    out2, nst = None, None
    for k, (st, sz) in enumerate(zip(starts, SLABS)):
        out2, nst = _assemble_call(
            st, *rays_slabs[k], dens_slabs[k].reshape(sz, MAX_STEP),
            gsum, gi, si, out2, nst)

    coords = out2.reshape(N_RAYS, MAX_STEP, 8)
    return coords, nst.reshape(N_RAYS)

# --- scband reference (transcript-rebuilt; emitter-appended) ---
"""Pipeline reference for scband-ngpgrid-sampler-27144193310746 (READ-ONLY COPY).

The authoritative reference and input builder live on the scoring server;
editing this copy changes nothing except your own understanding.
"""

import jax, jax.numpy as jnp
import numpy as np
import math

N_RAYS = 4096
MAX_STEP = 1024
GRID = 128
CONE = 0.00390625
NEAR = 0.05
AABB_MIN = 0.0
AABB_MAX = 1.0
MIN_OPT_THICKNESS = 0.01


def setup_inputs(seed: int = 0) -> dict:
    key = jax.random.key(seed)
    k1, k2, k3 = jax.random.split(key, 3)
    # ray origins inside the unit aabb, directions random on the sphere
    rays_o = jax.random.uniform(k1, (N_RAYS, 3), dtype=jnp.float32) * 0.2 + 0.4
    rays_d = jax.random.normal(k2, (N_RAYS, 3), dtype=jnp.float32)
    # density occupancy grid (float proxy for density_grid / bitfield), 128^3 cells
    density_grid = jax.random.uniform(k3, (GRID * GRID * GRID,), dtype=jnp.float32)
    return {"rays_o": rays_o, "rays_d": rays_d, "density_grid": density_grid}


def _march(rays_o, rays_d, density_grid):
    dirs = rays_d / (jnp.linalg.norm(rays_d, axis=-1, keepdims=True) + 1e-9)
    inv_d = 1.0 / jnp.where(jnp.abs(dirs) > 1e-9, dirs, 1e-9)
    t0 = (AABB_MIN - rays_o) * inv_d
    t1 = (AABB_MAX - rays_o) * inv_d
    tmin = jnp.maximum(jnp.max(jnp.minimum(t0, t1), axis=-1), NEAR)
    tmax = jnp.min(jnp.maximum(t0, t1), axis=-1)
    dt_min = math.sqrt(3.0) * (AABB_MAX - AABB_MIN) / 1024.0
    dt_max = math.sqrt(3.0) * (AABB_MAX - AABB_MIN) / 16.0
    steps = jnp.arange(MAX_STEP, dtype=jnp.float32)
    # cone-angle stepping (dt = clamp(t*cone, dt_min, dt_max)) approximated by
    # geometric growth of t, lower-bounded by uniform dt_min stepping
    t = tmin[:, None] * jnp.power(1.0 + CONE, steps)[None, :]
    t = jnp.maximum(t, tmin[:, None] + steps[None, :] * dt_min)
    dt = jnp.clip(t * CONE, dt_min, dt_max)
    pos = rays_o[:, None, :] + dirs[:, None, :] * t[..., None]
    in_aabb = jnp.all((pos >= AABB_MIN) & (pos < AABB_MAX), axis=-1)
    valid = (t < tmax[:, None]) & in_aabb
    # occupancy-grid lookup: big irregular gather (memory bound)
    gi = jnp.clip(((pos - AABB_MIN) / (AABB_MAX - AABB_MIN) * GRID).astype(jnp.int32), 0, GRID - 1)
    flat = (gi[..., 0] * GRID + gi[..., 1]) * GRID + gi[..., 2]
    dens = jnp.take(density_grid, flat.reshape(-1)).reshape(pos.shape[0], MAX_STEP)
    mean_density = jnp.mean(density_grid)
    thresh = jnp.minimum(mean_density, MIN_OPT_THICKNESS)
    occ = valid & (dens > thresh)
    occf = occ.astype(jnp.float32)
    # coords layout per NGP: pos(3), dt(1), dir(3), plus gathered density channel
    coords = jnp.concatenate(
        [pos, dt[..., None], jnp.broadcast_to(dirs[:, None, :], pos.shape), dens[..., None]], axis=-1
    )
    coords = coords * occf[..., None]
    numsteps = jnp.sum(occ, axis=1).astype(jnp.int32)
    return coords, numsteps


def reference(rays_o, rays_d, density_grid):
    coords, numsteps = _march(rays_o, rays_d, density_grid)
    return coords, numsteps

if __name__ == "__main__":
    import jax
    _d = setup_inputs()
    print(jax.jit(kernel)(*tuple(_d.values())))

</pallas_src>

<mosaic_0001>
#map = affine_map<(d0, d1) -> (0)>
module attributes {stable_mosaic.version = 14 : i64} {
  func.func @k(%arg0: i32, %arg1: i32, %arg2: memref<1310720xi32, #tpu.memory_space<hbm>>, %arg3: memref<2097152xf32, #tpu.memory_space<hbm>>, %arg4: memref<1310720xf32, #tpu.memory_space<hbm>>, %arg5: memref<4096xi32, #tpu.memory_space<vmem>>, %arg6: memref<4096xi32, #tpu.memory_space<vmem>>, %arg7: memref<4096xf32, #tpu.memory_space<vmem>>, %arg8: memref<4096xf32, #tpu.memory_space<vmem>>, %arg9: memref<!tpu.dma_semaphore, #tpu.memory_space<semaphore_mem>>, %arg10: memref<!tpu.dma_semaphore, #tpu.memory_space<semaphore_mem>>, %arg11: memref<!tpu.dma_semaphore, #tpu.memory_space<semaphore_mem>>, %arg12: memref<!tpu.dma_semaphore, #tpu.memory_space<semaphore_mem>>, %arg13: memref<!tpu.dma_semaphore, #tpu.memory_space<semaphore_mem>>, %arg14: memref<!tpu.dma_semaphore, #tpu.memory_space<semaphore_mem>>, %arg15: memref<!tpu.dma_semaphore, #tpu.memory_space<semaphore_mem>>, %arg16: memref<!tpu.dma_semaphore, #tpu.memory_space<semaphore_mem>>) attributes {dimension_semantics = [#tpu.dimension_semantics<core_parallel>, #tpu.dimension_semantics<subcore_parallel>], iteration_bounds = array<i64: 2, 16>, scalar_prefetch = 0 : i64, scratch_operands = 12 : i64, tpu.core_type = #tpu.core_type<sc_vector_subcore>, window_params = [{transform_indices = #map}, {transform_indices = #map}, {transform_indices = #map}]} {
    %mul3A = arith.constant 2 : i32
    %mul3A_0 = arith.muli %arg1, %mul3A : i32
    %add3A = arith.addi %mul3A_0, %arg0 : i32
    %mul3A_1 = arith.constant 40960 : i32
    %mul3A_2 = arith.muli %add3A, %mul3A_1 : i32
    %add3A_3 = arith.constant 0 : i32
    %add3A_4 = arith.addi %mul3A_2, %add3A_3 : i32
    %dma_start3A = tpu.memref_slice %arg2[%add3A_4] : memref<1310720xi32, #tpu.memory_space<hbm>> -> memref<4096xi32, #tpu.memory_space<hbm>>
    %dma_start3A_5 = tpu.memref_slice %arg2[%add3A_4] : memref<1310720xi32, #tpu.memory_space<hbm>> -> memref<4096xi32, #tpu.memory_space<hbm>>
    tpu.enqueue_dma source(%dma_start3A_5 : memref<4096xi32, #tpu.memory_space<hbm>>) target(%arg5 : memref<4096xi32, #tpu.memory_space<vmem>>) target_semaphore(%arg9 : memref<!tpu.dma_semaphore, #tpu.memory_space<semaphore_mem>>)
    %scan3A = arith.constant 0 : i32
    %scan3A_6 = arith.constant 0 : i32
    %scan3A_7 = arith.constant 5 : i32
    %scan3A_8 = arith.addi %scan3A_6, %scan3A_7 : i32
    %scan3A_9 = arith.constant 1 : i32
    scf.for %scan3A_18 = %scan3A_6 to %scan3A_8 step %scan3A_9  : i32 {
      %mul3A_19 = arith.constant 2 : i32
      %mul3A_20 = arith.muli %scan3A_18, %mul3A_19 : i32
      %add3A_21 = arith.constant 0 : i32
      %add3A_22 = arith.addi %mul3A_20, %add3A_21 : i32
      %ge3A = arith.constant 1 : i32
      %ge3A_23 = arith.cmpi sge, %scan3A_18, %ge3A : i32
      %convert_element_type3A = arith.extui %ge3A_23 : i1 to i32
      %cond3A = arith.constant 0 : i32
      %cond3A_24 = arith.cmpi ne, %convert_element_type3A, %cond3A : i32
      scf.if %cond3A_24 {
        %sub3A = arith.constant 2 : i32
        %sub3A_113 = arith.subi %add3A_22, %sub3A : i32
        %mul3A_114 = arith.constant 4096 : i32
        %mul3A_115 = arith.muli %sub3A_113, %mul3A_114 : i32
        %add3A_116 = arith.addi %mul3A_2, %mul3A_115 : i32
        %dma_wait3A_117 = tpu.memref_slice %arg4[%add3A_116] : memref<1310720xf32, #tpu.memory_space<hbm>> -> memref<4096xf32, #tpu.memory_space<hbm>>
        %dma_wait3A_118 = tpu.memref_slice %arg4[%add3A_116] : memref<1310720xf32, #tpu.memory_space<hbm>> -> memref<4096xf32, #tpu.memory_space<hbm>>
        tpu.wait_dma2 semaphore(%arg15 : memref<!tpu.dma_semaphore, #tpu.memory_space<semaphore_mem>>) src(%arg7 : memref<4096xf32, #tpu.memory_space<vmem>>) dst(%dma_wait3A_118 : memref<4096xf32, #tpu.memory_space<hbm>>)
      } else {
      }
      %mul3A_25 = arith.constant 4096 : i32
      %mul3A_26 = arith.muli %add3A_22, %mul3A_25 : i32
      %add3A_27 = arith.addi %mul3A_2, %mul3A_26 : i32
      %dma_wait3A_28 = tpu.memref_slice %arg2[%add3A_27] : memref<1310720xi32, #tpu.memory_space<hbm>> -> memref<4096xi32, #tpu.memory_space<hbm>>
      %dma_wait3A_29 = tpu.memref_slice %arg2[%add3A_27] : memref<1310720xi32, #tpu.memory_space<hbm>> -> memref<4096xi32, #tpu.memory_space<hbm>>
      tpu.wait_dma2 semaphore(%arg9 : memref<!tpu.dma_semaphore, #tpu.memory_space<semaphore_mem>>) src(%dma_wait3A_29 : memref<4096xi32, #tpu.memory_space<hbm>>) dst(%arg5 : memref<4096xi32, #tpu.memory_space<vmem>>)
      %add3A_30 = arith.constant 1 : i32
      %add3A_31 = arith.addi %add3A_22, %add3A_30 : i32
      %mul3A_32 = arith.constant 4096 : i32
      %mul3A_33 = arith.muli %add3A_31, %mul3A_32 : i32
      %add3A_34 = arith.addi %mul3A_2, %mul3A_33 : i32
      %dma_start3A_35 = tpu.memref_slice %arg2[%add3A_34] : memref<1310720xi32, #tpu.memory_space<hbm>> -> memref<4096xi32, #tpu.memory_space<hbm>>
      %dma_start3A_36 = tpu.memref_slice %arg2[%add3A_34] : memref<1310720xi32, #tpu.memory_space<hbm>> -> memref<4096xi32, #tpu.memory_space<hbm>>
      tpu.enqueue_dma source(%dma_start3A_36 : memref<4096xi32, #tpu.memory_space<hbm>>) target(%arg6 : memref<4096xi32, #tpu.memory_space<vmem>>) target_semaphore(%arg10 : memref<!tpu.dma_semaphore, #tpu.memory_space<semaphore_mem>>)
      %dma_start3A_37 = arith.constant 0 : i32
      %dma_start3A_38 = tpu.memref_slice %arg7[%dma_start3A_37] : memref<4096xf32, #tpu.memory_space<vmem>> -> memref<2048xf32, #tpu.memory_space<vmem>>
      %dma_start3A_39 = arith.constant 0 : i32
      %dma_start3A_40 = tpu.memref_slice %arg5[%dma_start3A_39] : memref<4096xi32, #tpu.memory_space<vmem>> -> memref<2048xi32, #tpu.memory_space<vmem>>
      %dma_start3A_41 = arith.constant 0 : i32
      %dma_start3A_42 = tpu.memref_slice %arg3[%dma_start3A_41] : memref<2097152xf32, #tpu.memory_space<hbm>> -> memref<2097152xf32, #tpu.memory_space<hbm>>
      tpu.enqueue_indirect_dma source(%dma_start3A_42 : memref<2097152xf32, #tpu.memory_space<hbm>>) target(%dma_start3A_38 : memref<2048xf32, #tpu.memory_space<vmem>>) offsets(%dma_start3A_40 : memref<2048xi32, #tpu.memory_space<vmem>>) semaphore(%arg11 : memref<!tpu.dma_semaphore, #tpu.memory_space<semaphore_mem>>)
      %dma_start3A_43 = arith.constant 2048 : i32
      %dma_start3A_44 = tpu.memref_slice %arg7[%dma_start3A_43] : memref<4096xf32, #tpu.memory_space<vmem>> -> memref<2048xf32, #tpu.memory_space<vmem>>
      %dma_start3A_45 = arith.constant 2048 : i32
      %dma_start3A_46 = tpu.memref_slice %arg5[%dma_start3A_45] : memref<4096xi32, #tpu.memory_space<vmem>> -> memref<2048xi32, #tpu.memory_space<vmem>>
      %dma_start3A_47 = arith.constant 0 : i32
      %dma_start3A_48 = tpu.memref_slice %arg3[%dma_start3A_47] : memref<2097152xf32, #tpu.memory_space<hbm>> -> memref<2097152xf32, #tpu.memory_space<hbm>>
      tpu.enqueue_indirect_dma source(%dma_start3A_48 : memref<2097152xf32, #tpu.memory_space<hbm>>) target(%dma_start3A_44 : memref<2048xf32, #tpu.memory_space<vmem>>) offsets(%dma_start3A_46 : memref<2048xi32, #tpu.memory_space<vmem>>) semaphore(%arg13 : memref<!tpu.dma_semaphore, #tpu.memory_space<semaphore_mem>>)
      %dma_wait3A_49 = arith.constant 0 : i32
      %dma_wait3A_50 = tpu.memref_slice %arg7[%dma_wait3A_49] : memref<4096xf32, #tpu.memory_space<vmem>> -> memref<2048xf32, #tpu.memory_space<vmem>>
      %dma_wait3A_51 = arith.constant 0 : i32
      %dma_wait3A_52 = tpu.memref_slice %arg5[%dma_wait3A_51] : memref<4096xi32, #tpu.memory_space<vmem>> -> memref<2048xi32, #tpu.memory_space<vmem>>
      %dma_wait3A_53 = arith.constant 0 : i32
      %dma_wait3A_54 = tpu.memref_slice %arg3[%dma_wait3A_53] : memref<2097152xf32, #tpu.memory_space<hbm>> -> memref<2097152xf32, #tpu.memory_space<hbm>>
      tpu.wait_indirect_dma semaphore(%arg11 : memref<!tpu.dma_semaphore, #tpu.memory_space<semaphore_mem>>) src(%dma_wait3A_54 : memref<2097152xf32, #tpu.memory_space<hbm>>) dst(%dma_wait3A_50 : memref<2048xf32, #tpu.memory_space<vmem>>)
      %dma_wait3A_55 = arith.constant 2048 : i32
      %dma_wait3A_56 = tpu.memref_slice %arg7[%dma_wait3A_55] : memref<4096xf32, #tpu.memory_space<vmem>> -> memref<2048xf32, #tpu.memory_space<vmem>>
      %dma_wait3A_57 = arith.constant 2048 : i32
      %dma_wait3A_58 = tpu.memref_slice %arg5[%dma_wait3A_57] : memref<4096xi32, #tpu.memory_space<vmem>> -> memref<2048xi32, #tpu.memory_space<vmem>>
      %dma_wait3A_59 = arith.constant 0 : i32
      %dma_wait3A_60 = tpu.memref_slice %arg3[%dma_wait3A_59] : memref<2097152xf32, #tpu.memory_space<hbm>> -> memref<2097152xf32, #tpu.memory_space<hbm>>
      tpu.wait_indirect_dma semaphore(%arg13 : memref<!tpu.dma_semaphore, #tpu.memory_space<semaphore_mem>>) src(%dma_wait3A_60 : memref<2097152xf32, #tpu.memory_space<hbm>>) dst(%dma_wait3A_56 : memref<2048xf32, #tpu.memory_space<vmem>>)
      %mul3A_61 = arith.constant 4096 : i32
      %mul3A_62 = arith.muli %add3A_22, %mul3A_61 : i32
      %add3A_63 = arith.addi %mul3A_2, %mul3A_62 : i32
      %dma_start3A_64 = tpu.memref_slice %arg4[%add3A_63] : memref<1310720xf32, #tpu.memory_space<hbm>> -> memref<4096xf32, #tpu.memory_space<hbm>>
      %dma_start3A_65 = tpu.memref_slice %arg4[%add3A_63] : memref<1310720xf32, #tpu.memory_space<hbm>> -> memref<4096xf32, #tpu.memory_space<hbm>>
      tpu.enqueue_dma source(%arg7 : memref<4096xf32, #tpu.memory_space<vmem>>) target(%dma_start3A_65 : memref<4096xf32, #tpu.memory_space<hbm>>) target_semaphore(%arg15 : memref<!tpu.dma_semaphore, #tpu.memory_space<semaphore_mem>>)
      %mul3A_66 = arith.constant 2 : i32
      %mul3A_67 = arith.muli %scan3A_18, %mul3A_66 : i32
      %add3A_68 = arith.constant 1 : i32
      %add3A_69 = arith.addi %mul3A_67, %add3A_68 : i32
      %ge3A_70 = arith.constant 1 : i32
      %ge3A_71 = arith.cmpi sge, %scan3A_18, %ge3A_70 : i32
      %convert_element_type3A_72 = arith.extui %ge3A_71 : i1 to i32
      %cond3A_73 = arith.constant 0 : i32
      %cond3A_74 = arith.cmpi ne, %convert_element_type3A_72, %cond3A_73 : i32
      scf.if %cond3A_74 {
        %sub3A = arith.constant 2 : i32
        %sub3A_113 = arith.subi %add3A_69, %sub3A : i32
        %mul3A_114 = arith.constant 4096 : i32
        %mul3A_115 = arith.muli %sub3A_113, %mul3A_114 : i32
        %add3A_116 = arith.addi %mul3A_2, %mul3A_115 : i32
        %dma_wait3A_117 = tpu.memref_slice %arg4[%add3A_116] : memref<1310720xf32, #tpu.memory_space<hbm>> -> memref<4096xf32, #tpu.memory_space<hbm>>
        %dma_wait3A_118 = tpu.memref_slice %arg4[%add3A_116] : memref<1310720xf32, #tpu.memory_space<hbm>> -> memref<4096xf32, #tpu.memory_space<hbm>>
        tpu.wait_dma2 semaphore(%arg16 : memref<!tpu.dma_semaphore, #tpu.memory_space<semaphore_mem>>) src(%arg8 : memref<4096xf32, #tpu.memory_space<vmem>>) dst(%dma_wait3A_118 : memref<4096xf32, #tpu.memory_space<hbm>>)
      } else {
      }
      %mul3A_75 = arith.constant 4096 : i32
      %mul3A_76 = arith.muli %add3A_69, %mul3A_75 : i32
      %add3A_77 = arith.addi %mul3A_2, %mul3A_76 : i32
      %dma_wait3A_78 = tpu.memref_slice %arg2[%add3A_77] : memref<1310720xi32, #tpu.memory_space<hbm>> -> memref<4096xi32, #tpu.memory_space<hbm>>
      %dma_wait3A_79 = tpu.memref_slice %arg2[%add3A_77] : memref<1310720xi32, #tpu.memory_space<hbm>> -> memref<4096xi32, #tpu.memory_space<hbm>>
      tpu.wait_dma2 semaphore(%arg10 : memref<!tpu.dma_semaphore, #tpu.memory_space<semaphore_mem>>) src(%dma_wait3A_79 : memref<4096xi32, #tpu.memory_space<hbm>>) dst(%arg6 : memref<4096xi32, #tpu.memory_space<vmem>>)
      %lt3A = arith.constant 4 : i32
      %lt3A_80 = arith.cmpi slt, %scan3A_18, %lt3A : i32
      %convert_element_type3A_81 = arith.extui %lt3A_80 : i1 to i32
      %cond3A_82 = arith.constant 0 : i32
      %cond3A_83 = arith.cmpi ne, %convert_element_type3A_81, %cond3A_82 : i32
      scf.if %cond3A_83 {
        %add3A_113 = arith.constant 1 : i32
        %add3A_114 = arith.addi %add3A_69, %add3A_113 : i32
        %mul3A_115 = arith.constant 4096 : i32
        %mul3A_116 = arith.muli %add3A_114, %mul3A_115 : i32
        %add3A_117 = arith.addi %mul3A_2, %mul3A_116 : i32
        %dma_start3A_118 = tpu.memref_slice %arg2[%add3A_117] : memref<1310720xi32, #tpu.memory_space<hbm>> -> memref<4096xi32, #tpu.memory_space<hbm>>
        %dma_start3A_119 = tpu.memref_slice %arg2[%add3A_117] : memref<1310720xi32, #tpu.memory_space<hbm>> -> memref<4096xi32, #tpu.memory_space<hbm>>
        tpu.enqueue_dma source(%dma_start3A_119 : memref<4096xi32, #tpu.memory_space<hbm>>) target(%arg5 : memref<4096xi32, #tpu.memory_space<vmem>>) target_semaphore(%arg9 : memref<!tpu.dma_semaphore, #tpu.memory_space<semaphore_mem>>)
      } else {
      }
      %dma_start3A_84 = arith.constant 0 : i32
      %dma_start3A_85 = tpu.memref_slice %arg8[%dma_start3A_84] : memref<4096xf32, #tpu.memory_space<vmem>> -> memref<2048xf32, #tpu.memory_space<vmem>>
      %dma_start3A_86 = arith.constant 0 : i32
      %dma_start3A_87 = tpu.memref_slice %arg6[%dma_start3A_86] : memref<4096xi32, #tpu.memory_space<vmem>> -> memref<2048xi32, #tpu.memory_space<vmem>>
      %dma_start3A_88 = arith.constant 0 : i32
      %dma_start3A_89 = tpu.memref_slice %arg3[%dma_start3A_88] : memref<2097152xf32, #tpu.memory_space<hbm>> -> memref<2097152xf32, #tpu.memory_space<hbm>>
      tpu.enqueue_indirect_dma source(%dma_start3A_89 : memref<2097152xf32, #tpu.memory_space<hbm>>) target(%dma_start3A_85 : memref<2048xf32, #tpu.memory_space<vmem>>) offsets(%dma_start3A_87 : memref<2048xi32, #tpu.memory_space<vmem>>) semaphore(%arg12 : memref<!tpu.dma_semaphore, #tpu.memory_space<semaphore_mem>>)
      %dma_start3A_90 = arith.constant 2048 : i32
      %dma_start3A_91 = tpu.memref_slice %arg8[%dma_start3A_90] : memref<4096xf32, #tpu.memory_space<vmem>> -> memref<2048xf32, #tpu.memory_space<vmem>>
      %dma_start3A_92 = arith.constant 2048 : i32
      %dma_start3A_93 = tpu.memref_slice %arg6[%dma_start3A_92] : memref<4096xi32, #tpu.memory_space<vmem>> -> memref<2048xi32, #tpu.memory_space<vmem>>
      %dma_start3A_94 = arith.constant 0 : i32
      %dma_start3A_95 = tpu.memref_slice %arg3[%dma_start3A_94] : memref<2097152xf32, #tpu.memory_space<hbm>> -> memref<2097152xf32, #tpu.memory_space<hbm>>
      tpu.enqueue_indirect_dma source(%dma_start3A_95 : memref<2097152xf32, #tpu.memory_space<hbm>>) target(%dma_start3A_91 : memref<2048xf32, #tpu.memory_space<vmem>>) offsets(%dma_start3A_93 : memref<2048xi32, #tpu.memory_space<vmem>>) semaphore(%arg14 : memref<!tpu.dma_semaphore, #tpu.memory_space<semaphore_mem>>)
      %dma_wait3A_96 = arith.constant 0 : i32
      %dma_wait3A_97 = tpu.memref_slice %arg8[%dma_wait3A_96] : memref<4096xf32, #tpu.memory_space<vmem>> -> memref<2048xf32, #tpu.memory_space<vmem>>
      %dma_wait3A_98 = arith.constant 0 : i32
      %dma_wait3A_99 = tpu.memref_slice %arg6[%dma_wait3A_98] : memref<4096xi32, #tpu.memory_space<vmem>> -> memref<2048xi32, #tpu.memory_space<vmem>>
      %dma_wait3A_100 = arith.constant 0 : i32
      %dma_wait3A_101 = tpu.memref_slice %arg3[%dma_wait3A_100] : memref<2097152xf32, #tpu.memory_space<hbm>> -> memref<2097152xf32, #tpu.memory_space<hbm>>
      tpu.wait_indirect_dma semaphore(%arg12 : memref<!tpu.dma_semaphore, #tpu.memory_space<semaphore_mem>>) src(%dma_wait3A_101 : memref<2097152xf32, #tpu.memory_space<hbm>>) dst(%dma_wait3A_97 : memref<2048xf32, #tpu.memory_space<vmem>>)
      %dma_wait3A_102 = arith.constant 2048 : i32
      %dma_wait3A_103 = tpu.memref_slice %arg8[%dma_wait3A_102] : memref<4096xf32, #tpu.memory_space<vmem>> -> memref<2048xf32, #tpu.memory_space<vmem>>
      %dma_wait3A_104 = arith.constant 2048 : i32
      %dma_wait3A_105 = tpu.memref_slice %arg6[%dma_wait3A_104] : memref<4096xi32, #tpu.memory_space<vmem>> -> memref<2048xi32, #tpu.memory_space<vmem>>
      %dma_wait3A_106 = arith.constant 0 : i32
      %dma_wait3A_107 = tpu.memref_slice %arg3[%dma_wait3A_106] : memref<2097152xf32, #tpu.memory_space<hbm>> -> memref<2097152xf32, #tpu.memory_space<hbm>>
      tpu.wait_indirect_dma semaphore(%arg14 : memref<!tpu.dma_semaphore, #tpu.memory_space<semaphore_mem>>) src(%dma_wait3A_107 : memref<2097152xf32, #tpu.memory_space<hbm>>) dst(%dma_wait3A_103 : memref<2048xf32, #tpu.memory_space<vmem>>)
      %mul3A_108 = arith.constant 4096 : i32
      %mul3A_109 = arith.muli %add3A_69, %mul3A_108 : i32
      %add3A_110 = arith.addi %mul3A_2, %mul3A_109 : i32
      %dma_start3A_111 = tpu.memref_slice %arg4[%add3A_110] : memref<1310720xf32, #tpu.memory_space<hbm>> -> memref<4096xf32, #tpu.memory_space<hbm>>
      %dma_start3A_112 = tpu.memref_slice %arg4[%add3A_110] : memref<1310720xf32, #tpu.memory_space<hbm>> -> memref<4096xf32, #tpu.memory_space<hbm>>
      tpu.enqueue_dma source(%arg8 : memref<4096xf32, #tpu.memory_space<vmem>>) target(%dma_start3A_112 : memref<4096xf32, #tpu.memory_space<hbm>>) target_semaphore(%arg16 : memref<!tpu.dma_semaphore, #tpu.memory_space<semaphore_mem>>)
    }
    %scan3A_10 = arith.constant 5 : i32
    %add3A_11 = arith.constant 32768 : i32
    %add3A_12 = arith.addi %mul3A_2, %add3A_11 : i32
    %dma_wait3A = tpu.memref_slice %arg4[%add3A_12] : memref<1310720xf32, #tpu.memory_space<hbm>> -> memref<4096xf32, #tpu.memory_space<hbm>>
    %dma_wait3A_13 = tpu.memref_slice %arg4[%add3A_12] : memref<1310720xf32, #tpu.memory_space<hbm>> -> memref<4096xf32, #tpu.memory_space<hbm>>
    tpu.wait_dma2 semaphore(%arg15 : memref<!tpu.dma_semaphore, #tpu.memory_space<semaphore_mem>>) src(%arg7 : memref<4096xf32, #tpu.memory_space<vmem>>) dst(%dma_wait3A_13 : memref<4096xf32, #tpu.memory_space<hbm>>)
    %add3A_14 = arith.constant 36864 : i32
    %add3A_15 = arith.addi %mul3A_2, %add3A_14 : i32
    %dma_wait3A_16 = tpu.memref_slice %arg4[%add3A_15] : memref<1310720xf32, #tpu.memory_space<hbm>> -> memref<4096xf32, #tpu.memory_space<hbm>>
    %dma_wait3A_17 = tpu.memref_slice %arg4[%add3A_15] : memref<1310720xf32, #tpu.memory_space<hbm>> -> memref<4096xf32, #tpu.memory_space<hbm>>
    tpu.wait_dma2 semaphore(%arg16 : memref<!tpu.dma_semaphore, #tpu.memory_space<semaphore_mem>>) src(%arg8 : memref<4096xf32, #tpu.memory_space<vmem>>) dst(%dma_wait3A_17 : memref<4096xf32, #tpu.memory_space<hbm>>)
    return
  }
}

#map = affine_map<(d0, d1) -> (0)>
module attributes {stable_mosaic.version = 14 : i64} {
  func.func @k(%arg0: i32, %arg1: i32, %arg2: memref<262144xi32, #tpu.memory_space<hbm>>, %arg3: memref<2097152xf32, #tpu.memory_space<hbm>>, %arg4: memref<262144xf32, #tpu.memory_space<hbm>>, %arg5: memref<4096xi32, #tpu.memory_space<vmem>>, %arg6: memref<4096xi32, #tpu.memory_space<vmem>>, %arg7: memref<4096xf32, #tpu.memory_space<vmem>>, %arg8: memref<4096xf32, #tpu.memory_space<vmem>>, %arg9: memref<!tpu.dma_semaphore, #tpu.memory_space<semaphore_mem>>, %arg10: memref<!tpu.dma_semaphore, #tpu.memory_space<semaphore_mem>>, %arg11: memref<!tpu.dma_semaphore, #tpu.memory_space<semaphore_mem>>, %arg12: memref<!tpu.dma_semaphore, #tpu.memory_space<semaphore_mem>>, %arg13: memref<!tpu.dma_semaphore, #tpu.memory_space<semaphore_mem>>, %arg14: memref<!tpu.dma_semaphore, #tpu.memory_space<semaphore_mem>>, %arg15: memref<!tpu.dma_semaphore, #tpu.memory_space<semaphore_mem>>, %arg16: memref<!tpu.dma_semaphore, #tpu.memory_space<semaphore_mem>>) attributes {dimension_semantics = [#tpu.dimension_semantics<core_parallel>, #tpu.dimension_semantics<subcore_parallel>], iteration_bounds = array<i64: 2, 16>, scalar_prefetch = 0 : i64, scratch_operands = 12 : i64, tpu.core_type = #tpu.core_type<sc_vector_subcore>, window_params = [{transform_indices = #map}, {transform_indices = #map}, {transform_indices = #map}]} {
    %mul3A = arith.constant 2 : i32
    %mul3A_0 = arith.muli %arg1, %mul3A : i32
    %add3A = arith.addi %mul3A_0, %arg0 : i32
    %mul3A_1 = arith.constant 8192 : i32
    %mul3A_2 = arith.muli %add3A, %mul3A_1 : i32
    %add3A_3 = arith.constant 0 : i32
    %add3A_4 = arith.addi %mul3A_2, %add3A_3 : i32
    %dma_start3A = tpu.memref_slice %arg2[%add3A_4] : memref<262144xi32, #tpu.memory_space<hbm>> -> memref<4096xi32, #tpu.memory_space<hbm>>
    %dma_start3A_5 = tpu.memref_slice %arg2[%add3A_4] : memref<262144xi32, #tpu.memory_space<hbm>> -> memref<4096xi32, #tpu.memory_space<hbm>>
    tpu.enqueue_dma source(%dma_start3A_5 : memref<4096xi32, #tpu.memory_space<hbm>>) target(%arg5 : memref<4096xi32, #tpu.memory_space<vmem>>) target_semaphore(%arg9 : memref<!tpu.dma_semaphore, #tpu.memory_space<semaphore_mem>>)
    %scan3A = arith.constant 0 : i32
    %scan3A_6 = arith.constant 0 : i32
    %mul3A_7 = arith.constant 2 : i32
    %mul3A_8 = arith.muli %scan3A_6, %mul3A_7 : i32
    %add3A_9 = arith.constant 0 : i32
    %add3A_10 = arith.addi %mul3A_8, %add3A_9 : i32
    %ge3A = arith.constant 1 : i32
    %ge3A_11 = arith.cmpi sge, %scan3A_6, %ge3A : i32
    %convert_element_type3A = arith.extui %ge3A_11 : i1 to i32
    %cond3A = arith.constant 0 : i32
    %cond3A_12 = arith.cmpi ne, %convert_element_type3A, %cond3A : i32
    scf.if %cond3A_12 {
      %sub3A = arith.constant 2 : i32
      %sub3A_109 = arith.subi %add3A_10, %sub3A : i32
      %mul3A_110 = arith.constant 4096 : i32
      %mul3A_111 = arith.muli %sub3A_109, %mul3A_110 : i32
      %add3A_112 = arith.addi %mul3A_2, %mul3A_111 : i32
      %dma_wait3A_113 = tpu.memref_slice %arg4[%add3A_112] : memref<262144xf32, #tpu.memory_space<hbm>> -> memref<4096xf32, #tpu.memory_space<hbm>>
      %dma_wait3A_114 = tpu.memref_slice %arg4[%add3A_112] : memref<262144xf32, #tpu.memory_space<hbm>> -> memref<4096xf32, #tpu.memory_space<hbm>>
      tpu.wait_dma2 semaphore(%arg15 : memref<!tpu.dma_semaphore, #tpu.memory_space<semaphore_mem>>) src(%arg7 : memref<4096xf32, #tpu.memory_space<vmem>>) dst(%dma_wait3A_114 : memref<4096xf32, #tpu.memory_space<hbm>>)
    } else {
    }
    %mul3A_13 = arith.constant 4096 : i32
    %mul3A_14 = arith.muli %add3A_10, %mul3A_13 : i32
    %add3A_15 = arith.addi %mul3A_2, %mul3A_14 : i32
    %dma_wait3A = tpu.memref_slice %arg2[%add3A_15] : memref<262144xi32, #tpu.memory_space<hbm>> -> memref<4096xi32, #tpu.memory_space<hbm>>
    %dma_wait3A_16 = tpu.memref_slice %arg2[%add3A_15] : memref<262144xi32, #tpu.memory_space<hbm>> -> memref<4096xi32, #tpu.memory_space<hbm>>
    tpu.wait_dma2 semaphore(%arg9 : memref<!tpu.dma_semaphore, #tpu.memory_space<semaphore_mem>>) src(%dma_wait3A_16 : memref<4096xi32, #tpu.memory_space<hbm>>) dst(%arg5 : memref<4096xi32, #tpu.memory_space<vmem>>)
    %add3A_17 = arith.constant 1 : i32
    %add3A_18 = arith.addi %add3A_10, %add3A_17 : i32
    %mul3A_19 = arith.constant 4096 : i32
    %mul3A_20 = arith.muli %add3A_18, %mul3A_19 : i32
    %add3A_21 = arith.addi %mul3A_2, %mul3A_20 : i32
    %dma_start3A_22 = tpu.memref_slice %arg2[%add3A_21] : memref<262144xi32, #tpu.memory_space<hbm>> -> memref<4096xi32, #tpu.memory_space<hbm>>
    %dma_start3A_23 = tpu.memref_slice %arg2[%add3A_21] : memref<262144xi32, #tpu.memory_space<hbm>> -> memref<4096xi32, #tpu.memory_space<hbm>>
    tpu.enqueue_dma source(%dma_start3A_23 : memref<4096xi32, #tpu.memory_space<hbm>>) target(%arg6 : memref<4096xi32, #tpu.memory_space<vmem>>) target_semaphore(%arg10 : memref<!tpu.dma_semaphore, #tpu.memory_space<semaphore_mem>>)
    %dma_start3A_24 = arith.constant 0 : i32
    %dma_start3A_25 = tpu.memref_slice %arg7[%dma_start3A_24] : memref<4096xf32, #tpu.memory_space<vmem>> -> memref<2048xf32, #tpu.memory_space<vmem>>
    %dma_start3A_26 = arith.constant 0 : i32
    %dma_start3A_27 = tpu.memref_slice %arg5[%dma_start3A_26] : memref<4096xi32, #tpu.memory_space<vmem>> -> memref<2048xi32, #tpu.memory_space<vmem>>
    %dma_start3A_28 = arith.constant 0 : i32
    %dma_start3A_29 = tpu.memref_slice %arg3[%dma_start3A_28] : memref<2097152xf32, #tpu.memory_space<hbm>> -> memref<2097152xf32, #tpu.memory_space<hbm>>
    tpu.enqueue_indirect_dma source(%dma_start3A_29 : memref<2097152xf32, #tpu.memory_space<hbm>>) target(%dma_start3A_25 : memref<2048xf32, #tpu.memory_space<vmem>>) offsets(%dma_start3A_27 : memref<2048xi32, #tpu.memory_space<vmem>>) semaphore(%arg11 : memref<!tpu.dma_semaphore, #tpu.memory_space<semaphore_mem>>)
    %dma_start3A_30 = arith.constant 2048 : i32
    %dma_start3A_31 = tpu.memref_slice %arg7[%dma_start3A_30] : memref<4096xf32, #tpu.memory_space<vmem>> -> memref<2048xf32, #tpu.memory_space<vmem>>
    %dma_start3A_32 = arith.constant 2048 : i32
    %dma_start3A_33 = tpu.memref_slice %arg5[%dma_start3A_32] : memref<4096xi32, #tpu.memory_space<vmem>> -> memref<2048xi32, #tpu.memory_space<vmem>>
    %dma_start3A_34 = arith.constant 0 : i32
    %dma_start3A_35 = tpu.memref_slice %arg3[%dma_start3A_34] : memref<2097152xf32, #tpu.memory_space<hbm>> -> memref<2097152xf32, #tpu.memory_space<hbm>>
    tpu.enqueue_indirect_dma source(%dma_start3A_35 : memref<2097152xf32, #tpu.memory_space<hbm>>) target(%dma_start3A_31 : memref<2048xf32, #tpu.memory_space<vmem>>) offsets(%dma_start3A_33 : memref<2048xi32, #tpu.memory_space<vmem>>) semaphore(%arg13 : memref<!tpu.dma_semaphore, #tpu.memory_space<semaphore_mem>>)
    %dma_wait3A_36 = arith.constant 0 : i32
    %dma_wait3A_37 = tpu.memref_slice %arg7[%dma_wait3A_36] : memref<4096xf32, #tpu.memory_space<vmem>> -> memref<2048xf32, #tpu.memory_space<vmem>>
    %dma_wait3A_38 = arith.constant 0 : i32
    %dma_wait3A_39 = tpu.memref_slice %arg5[%dma_wait3A_38] : memref<4096xi32, #tpu.memory_space<vmem>> -> memref<2048xi32, #tpu.memory_space<vmem>>
    %dma_wait3A_40 = arith.constant 0 : i32
    %dma_wait3A_41 = tpu.memref_slice %arg3[%dma_wait3A_40] : memref<2097152xf32, #tpu.memory_space<hbm>> -> memref<2097152xf32, #tpu.memory_space<hbm>>
    tpu.wait_indirect_dma semaphore(%arg11 : memref<!tpu.dma_semaphore, #tpu.memory_space<semaphore_mem>>) src(%dma_wait3A_41 : memref<2097152xf32, #tpu.memory_space<hbm>>) dst(%dma_wait3A_37 : memref<2048xf32, #tpu.memory_space<vmem>>)
    %dma_wait3A_42 = arith.constant 2048 : i32
    %dma_wait3A_43 = tpu.memref_slice %arg7[%dma_wait3A_42] : memref<4096xf32, #tpu.memory_space<vmem>> -> memref<2048xf32, #tpu.memory_space<vmem>>
    %dma_wait3A_44 = arith.constant 2048 : i32
    %dma_wait3A_45 = tpu.memref_slice %arg5[%dma_wait3A_44] : memref<4096xi32, #tpu.memory_space<vmem>> -> memref<2048xi32, #tpu.memory_space<vmem>>
    %dma_wait3A_46 = arith.constant 0 : i32
    %dma_wait3A_47 = tpu.memref_slice %arg3[%dma_wait3A_46] : memref<2097152xf32, #tpu.memory_space<hbm>> -> memref<2097152xf32, #tpu.memory_space<hbm>>
    tpu.wait_indirect_dma semaphore(%arg13 : memref<!tpu.dma_semaphore, #tpu.memory_space<semaphore_mem>>) src(%dma_wait3A_47 : memref<2097152xf32, #tpu.memory_space<hbm>>) dst(%dma_wait3A_43 : memref<2048xf32, #tpu.memory_space<vmem>>)
    %mul3A_48 = arith.constant 4096 : i32
    %mul3A_49 = arith.muli %add3A_10, %mul3A_48 : i32
    %add3A_50 = arith.addi %mul3A_2, %mul3A_49 : i32
    %dma_start3A_51 = tpu.memref_slice %arg4[%add3A_50] : memref<262144xf32, #tpu.memory_space<hbm>> -> memref<4096xf32, #tpu.memory_space<hbm>>
    %dma_start3A_52 = tpu.memref_slice %arg4[%add3A_50] : memref<262144xf32, #tpu.memory_space<hbm>> -> memref<4096xf32, #tpu.memory_space<hbm>>
    tpu.enqueue_dma source(%arg7 : memref<4096xf32, #tpu.memory_space<vmem>>) target(%dma_start3A_52 : memref<4096xf32, #tpu.memory_space<hbm>>) target_semaphore(%arg15 : memref<!tpu.dma_semaphore, #tpu.memory_space<semaphore_mem>>)
    %mul3A_53 = arith.constant 2 : i32
    %mul3A_54 = arith.muli %scan3A_6, %mul3A_53 : i32
    %add3A_55 = arith.constant 1 : i32
    %add3A_56 = arith.addi %mul3A_54, %add3A_55 : i32
    %ge3A_57 = arith.constant 1 : i32
    %ge3A_58 = arith.cmpi sge, %scan3A_6, %ge3A_57 : i32
    %convert_element_type3A_59 = arith.extui %ge3A_58 : i1 to i32
    %cond3A_60 = arith.constant 0 : i32
    %cond3A_61 = arith.cmpi ne, %convert_element_type3A_59, %cond3A_60 : i32
    scf.if %cond3A_61 {
      %sub3A = arith.constant 2 : i32
      %sub3A_109 = arith.subi %add3A_56, %sub3A : i32
      %mul3A_110 = arith.constant 4096 : i32
      %mul3A_111 = arith.muli %sub3A_109, %mul3A_110 : i32
      %add3A_112 = arith.addi %mul3A_2, %mul3A_111 : i32
      %dma_wait3A_113 = tpu.memref_slice %arg4[%add3A_112] : memref<262144xf32, #tpu.memory_space<hbm>> -> memref<4096xf32, #tpu.memory_space<hbm>>
      %dma_wait3A_114 = tpu.memref_slice %arg4[%add3A_112] : memref<262144xf32, #tpu.memory_space<hbm>> -> memref<4096xf32, #tpu.memory_space<hbm>>
      tpu.wait_dma2 semaphore(%arg16 : memref<!tpu.dma_semaphore, #tpu.memory_space<semaphore_mem>>) src(%arg8 : memref<4096xf32, #tpu.memory_space<vmem>>) dst(%dma_wait3A_114 : memref<4096xf32, #tpu.memory_space<hbm>>)
    } else {
    }
    %mul3A_62 = arith.constant 4096 : i32
    %mul3A_63 = arith.muli %add3A_56, %mul3A_62 : i32
    %add3A_64 = arith.addi %mul3A_2, %mul3A_63 : i32
    %dma_wait3A_65 = tpu.memref_slice %arg2[%add3A_64] : memref<262144xi32, #tpu.memory_space<hbm>> -> memref<4096xi32, #tpu.memory_space<hbm>>
    %dma_wait3A_66 = tpu.memref_slice %arg2[%add3A_64] : memref<262144xi32, #tpu.memory_space<hbm>> -> memref<4096xi32, #tpu.memory_space<hbm>>
    tpu.wait_dma2 semaphore(%arg10 : memref<!tpu.dma_semaphore, #tpu.memory_space<semaphore_mem>>) src(%dma_wait3A_66 : memref<4096xi32, #tpu.memory_space<hbm>>) dst(%arg6 : memref<4096xi32, #tpu.memory_space<vmem>>)
    %lt3A = arith.constant 0 : i32
    %lt3A_67 = arith.cmpi slt, %scan3A_6, %lt3A : i32
    %convert_element_type3A_68 = arith.extui %lt3A_67 : i1 to i32
    %cond3A_69 = arith.constant 0 : i32
    %cond3A_70 = arith.cmpi ne, %convert_element_type3A_68, %cond3A_69 : i32
    scf.if %cond3A_70 {
      %add3A_109 = arith.constant 1 : i32
      %add3A_110 = arith.addi %add3A_56, %add3A_109 : i32
      %mul3A_111 = arith.constant 4096 : i32
      %mul3A_112 = arith.muli %add3A_110, %mul3A_111 : i32
      %add3A_113 = arith.addi %mul3A_2, %mul3A_112 : i32
      %dma_start3A_114 = tpu.memref_slice %arg2[%add3A_113] : memref<262144xi32, #tpu.memory_space<hbm>> -> memref<4096xi32, #tpu.memory_space<hbm>>
      %dma_start3A_115 = tpu.memref_slice %arg2[%add3A_113] : memref<262144xi32, #tpu.memory_space<hbm>> -> memref<4096xi32, #tpu.memory_space<hbm>>
      tpu.enqueue_dma source(%dma_start3A_115 : memref<4096xi32, #tpu.memory_space<hbm>>) target(%arg5 : memref<4096xi32, #tpu.memory_space<vmem>>) target_semaphore(%arg9 : memref<!tpu.dma_semaphore, #tpu.memory_space<semaphore_mem>>)
    } else {
    }
    %dma_start3A_71 = arith.constant 0 : i32
    %dma_start3A_72 = tpu.memref_slice %arg8[%dma_start3A_71] : memref<4096xf32, #tpu.memory_space<vmem>> -> memref<2048xf32, #tpu.memory_space<vmem>>
    %dma_start3A_73 = arith.constant 0 : i32
    %dma_start3A_74 = tpu.memref_slice %arg6[%dma_start3A_73] : memref<4096xi32, #tpu.memory_space<vmem>> -> memref<2048xi32, #tpu.memory_space<vmem>>
    %dma_start3A_75 = arith.constant 0 : i32
    %dma_start3A_76 = tpu.memref_slice %arg3[%dma_start3A_75] : memref<2097152xf32, #tpu.memory_space<hbm>> -> memref<2097152xf32, #tpu.memory_space<hbm>>
    tpu.enqueue_indirect_dma source(%dma_start3A_76 : memref<2097152xf32, #tpu.memory_space<hbm>>) target(%dma_start3A_72 : memref<2048xf32, #tpu.memory_space<vmem>>) offsets(%dma_start3A_74 : memref<2048xi32, #tpu.memory_space<vmem>>) semaphore(%arg12 : memref<!tpu.dma_semaphore, #tpu.memory_space<semaphore_mem>>)
    %dma_start3A_77 = arith.constant 2048 : i32
    %dma_start3A_78 = tpu.memref_slice %arg8[%dma_start3A_77] : memref<4096xf32, #tpu.memory_space<vmem>> -> memref<2048xf32, #tpu.memory_space<vmem>>
    %dma_start3A_79 = arith.constant 2048 : i32
    %dma_start3A_80 = tpu.memref_slice %arg6[%dma_start3A_79] : memref<4096xi32, #tpu.memory_space<vmem>> -> memref<2048xi32, #tpu.memory_space<vmem>>
    %dma_start3A_81 = arith.constant 0 : i32
    %dma_start3A_82 = tpu.memref_slice %arg3[%dma_start3A_81] : memref<2097152xf32, #tpu.memory_space<hbm>> -> memref<2097152xf32, #tpu.memory_space<hbm>>
    tpu.enqueue_indirect_dma source(%dma_start3A_82 : memref<2097152xf32, #tpu.memory_space<hbm>>) target(%dma_start3A_78 : memref<2048xf32, #tpu.memory_space<vmem>>) offsets(%dma_start3A_80 : memref<2048xi32, #tpu.memory_space<vmem>>) semaphore(%arg14 : memref<!tpu.dma_semaphore, #tpu.memory_space<semaphore_mem>>)
    %dma_wait3A_83 = arith.constant 0 : i32
    %dma_wait3A_84 = tpu.memref_slice %arg8[%dma_wait3A_83] : memref<4096xf32, #tpu.memory_space<vmem>> -> memref<2048xf32, #tpu.memory_space<vmem>>
    %dma_wait3A_85 = arith.constant 0 : i32
    %dma_wait3A_86 = tpu.memref_slice %arg6[%dma_wait3A_85] : memref<4096xi32, #tpu.memory_space<vmem>> -> memref<2048xi32, #tpu.memory_space<vmem>>
    %dma_wait3A_87 = arith.constant 0 : i32
    %dma_wait3A_88 = tpu.memref_slice %arg3[%dma_wait3A_87] : memref<2097152xf32, #tpu.memory_space<hbm>> -> memref<2097152xf32, #tpu.memory_space<hbm>>
    tpu.wait_indirect_dma semaphore(%arg12 : memref<!tpu.dma_semaphore, #tpu.memory_space<semaphore_mem>>) src(%dma_wait3A_88 : memref<2097152xf32, #tpu.memory_space<hbm>>) dst(%dma_wait3A_84 : memref<2048xf32, #tpu.memory_space<vmem>>)
    %dma_wait3A_89 = arith.constant 2048 : i32
    %dma_wait3A_90 = tpu.memref_slice %arg8[%dma_wait3A_89] : memref<4096xf32, #tpu.memory_space<vmem>> -> memref<2048xf32, #tpu.memory_space<vmem>>
    %dma_wait3A_91 = arith.constant 2048 : i32
    %dma_wait3A_92 = tpu.memref_slice %arg6[%dma_wait3A_91] : memref<4096xi32, #tpu.memory_space<vmem>> -> memref<2048xi32, #tpu.memory_space<vmem>>
    %dma_wait3A_93 = arith.constant 0 : i32
    %dma_wait3A_94 = tpu.memref_slice %arg3[%dma_wait3A_93] : memref<2097152xf32, #tpu.memory_space<hbm>> -> memref<2097152xf32, #tpu.memory_space<hbm>>
    tpu.wait_indirect_dma semaphore(%arg14 : memref<!tpu.dma_semaphore, #tpu.memory_space<semaphore_mem>>) src(%dma_wait3A_94 : memref<2097152xf32, #tpu.memory_space<hbm>>) dst(%dma_wait3A_90 : memref<2048xf32, #tpu.memory_space<vmem>>)
    %mul3A_95 = arith.constant 4096 : i32
    %mul3A_96 = arith.muli %add3A_56, %mul3A_95 : i32
    %add3A_97 = arith.addi %mul3A_2, %mul3A_96 : i32
    %dma_start3A_98 = tpu.memref_slice %arg4[%add3A_97] : memref<262144xf32, #tpu.memory_space<hbm>> -> memref<4096xf32, #tpu.memory_space<hbm>>
    %dma_start3A_99 = tpu.memref_slice %arg4[%add3A_97] : memref<262144xf32, #tpu.memory_space<hbm>> -> memref<4096xf32, #tpu.memory_space<hbm>>
    tpu.enqueue_dma source(%arg8 : memref<4096xf32, #tpu.memory_space<vmem>>) target(%dma_start3A_99 : memref<4096xf32, #tpu.memory_space<hbm>>) target_semaphore(%arg16 : memref<!tpu.dma_semaphore, #tpu.memory_space<semaphore_mem>>)
    %scan3A_100 = arith.constant 1 : i32
    %add3A_101 = arith.constant 0 : i32
    %add3A_102 = arith.addi %mul3A_2, %add3A_101 : i32
    %dma_wait3A_103 = tpu.memref_slice %arg4[%add3A_102] : memref<262144xf32, #tpu.memory_space<hbm>> -> memref<4096xf32, #tpu.memory_space<hbm>>
    %dma_wait3A_104 = tpu.memref_slice %arg4[%add3A_102] : memref<262144xf32, #tpu.memory_space<hbm>> -> memref<4096xf32, #tpu.memory_space<hbm>>
    tpu.wait_dma2 semaphore(%arg15 : memref<!tpu.dma_semaphore, #tpu.memory_space<semaphore_mem>>) src(%arg7 : memref<4096xf32, #tpu.memory_space<vmem>>) dst(%dma_wait3A_104 : memref<4096xf32, #tpu.memory_space<hbm>>)
    %add3A_105 = arith.constant 4096 : i32
    %add3A_106 = arith.addi %mul3A_2, %add3A_105 : i32
    %dma_wait3A_107 = tpu.memref_slice %arg4[%add3A_106] : memref<262144xf32, #tpu.memory_space<hbm>> -> memref<4096xf32, #tpu.memory_space<hbm>>
    %dma_wait3A_108 = tpu.memref_slice %arg4[%add3A_106] : memref<262144xf32, #tpu.memory_space<hbm>> -> memref<4096xf32, #tpu.memory_space<hbm>>
    tpu.wait_dma2 semaphore(%arg16 : memref<!tpu.dma_semaphore, #tpu.memory_space<semaphore_mem>>) src(%arg8 : memref<4096xf32, #tpu.memory_space<vmem>>) dst(%dma_wait3A_108 : memref<4096xf32, #tpu.memory_space<hbm>>)
    return
  }
}

#map = affine_map<(d0, d1) -> (0)>
module attributes {stable_mosaic.version = 14 : i64} {
  func.func @k(%arg0: i32, %arg1: i32, %arg2: memref<1310720xi32, #tpu.memory_space<hbm>>, %arg3: memref<2097152xf32, #tpu.memory_space<hbm>>, %arg4: memref<1310720xf32, #tpu.memory_space<hbm>>, %arg5: memref<4096xi32, #tpu.memory_space<vmem>>, %arg6: memref<4096xi32, #tpu.memory_space<vmem>>, %arg7: memref<4096xf32, #tpu.memory_space<vmem>>, %arg8: memref<4096xf32, #tpu.memory_space<vmem>>, %arg9: memref<!tpu.dma_semaphore, #tpu.memory_space<semaphore_mem>>, %arg10: memref<!tpu.dma_semaphore, #tpu.memory_space<semaphore_mem>>, %arg11: memref<!tpu.dma_semaphore, #tpu.memory_space<semaphore_mem>>, %arg12: memref<!tpu.dma_semaphore, #tpu.memory_space<semaphore_mem>>, %arg13: memref<!tpu.dma_semaphore, #tpu.memory_space<semaphore_mem>>, %arg14: memref<!tpu.dma_semaphore, #tpu.memory_space<semaphore_mem>>, %arg15: memref<!tpu.dma_semaphore, #tpu.memory_space<semaphore_mem>>, %arg16: memref<!tpu.dma_semaphore, #tpu.memory_space<semaphore_mem>>) attributes {dimension_semantics = [#tpu.dimension_semantics<core_parallel>, #tpu.dimension_semantics<subcore_parallel>], iteration_bounds = array<i64: 2, 16>, scalar_prefetch = 0 : i64, scratch_operands = 12 : i64, tpu.core_type = #tpu.core_type<sc_vector_subcore>, window_params = [{transform_indices = #map}, {transform_indices = #map}, {transform_indices = #map}]} {
    %mul3A = arith.constant 2 : i32
    %mul3A_0 = arith.muli %arg1, %mul3A : i32
    %add3A = arith.addi %mul3A_0, %arg0 : i32
    %mul3A_1 = arith.constant 40960 : i32
    %mul3A_2 = arith.muli %add3A, %mul3A_1 : i32
    %add3A_3 = arith.constant 0 : i32
    %add3A_4 = arith.addi %mul3A_2, %add3A_3 : i32
    %dma_start3A = tpu.memref_slice %arg2[%add3A_4] : memref<1310720xi32, #tpu.memory_space<hbm>> -> memref<4096xi32, #tpu.memory_space<hbm>>
    %dma_start3A_5 = tpu.memref_slice %arg2[%add3A_4] : memref<1310720xi32, #tpu.memory_space<hbm>> -> memref<4096xi32, #tpu.memory_space<hbm>>
    tpu.enqueue_dma source(%dma_start3A_5 : memref<4096xi32, #tpu.memory_space<hbm>>) target(%arg5 : memref<4096xi32, #tpu.memory_space<vmem>>) target_semaphore(%arg9 : memref<!tpu.dma_semaphore, #tpu.memory_space<semaphore_mem>>)
    %scan3A = arith.constant 0 : i32
    %scan3A_6 = arith.constant 0 : i32
    %scan3A_7 = arith.constant 5 : i32
    %scan3A_8 = arith.addi %scan3A_6, %scan3A_7 : i32
    %scan3A_9 = arith.constant 1 : i32
    scf.for %scan3A_18 = %scan3A_6 to %scan3A_8 step %scan3A_9  : i32 {
      %mul3A_19 = arith.constant 2 : i32
      %mul3A_20 = arith.muli %scan3A_18, %mul3A_19 : i32
      %add3A_21 = arith.constant 0 : i32
      %add3A_22 = arith.addi %mul3A_20, %add3A_21 : i32
      %ge3A = arith.constant 1 : i32
      %ge3A_23 = arith.cmpi sge, %scan3A_18, %ge3A : i32
      %convert_element_type3A = arith.extui %ge3A_23 : i1 to i32
      %cond3A = arith.constant 0 : i32
      %cond3A_24 = arith.cmpi ne, %convert_element_type3A, %cond3A : i32
      scf.if %cond3A_24 {
        %sub3A = arith.constant 2 : i32
        %sub3A_113 = arith.subi %add3A_22, %sub3A : i32
        %mul3A_114 = arith.constant 4096 : i32
        %mul3A_115 = arith.muli %sub3A_113, %mul3A_114 : i32
        %add3A_116 = arith.addi %mul3A_2, %mul3A_115 : i32
        %dma_wait3A_117 = tpu.memref_slice %arg4[%add3A_116] : memref<1310720xf32, #tpu.memory_space<hbm>> -> memref<4096xf32, #tpu.memory_space<hbm>>
        %dma_wait3A_118 = tpu.memref_slice %arg4[%add3A_116] : memref<1310720xf32, #tpu.memory_space<hbm>> -> memref<4096xf32, #tpu.memory_space<hbm>>
        tpu.wait_dma2 semaphore(%arg15 : memref<!tpu.dma_semaphore, #tpu.memory_space<semaphore_mem>>) src(%arg7 : memref<4096xf32, #tpu.memory_space<vmem>>) dst(%dma_wait3A_118 : memref<4096xf32, #tpu.memory_space<hbm>>)
      } else {
      }
      %mul3A_25 = arith.constant 4096 : i32
      %mul3A_26 = arith.muli %add3A_22, %mul3A_25 : i32
      %add3A_27 = arith.addi %mul3A_2, %mul3A_26 : i32
      %dma_wait3A_28 = tpu.memref_slice %arg2[%add3A_27] : memref<1310720xi32, #tpu.memory_space<hbm>> -> memref<4096xi32, #tpu.memory_space<hbm>>
      %dma_wait3A_29 = tpu.memref_slice %arg2[%add3A_27] : memref<1310720xi32, #tpu.memory_space<hbm>> -> memref<4096xi32, #tpu.memory_space<hbm>>
      tpu.wait_dma2 semaphore(%arg9 : memref<!tpu.dma_semaphore, #tpu.memory_space<semaphore_mem>>) src(%dma_wait3A_29 : memref<4096xi32, #tpu.memory_space<hbm>>) dst(%arg5 : memref<4096xi32, #tpu.memory_space<vmem>>)
      %add3A_30 = arith.constant 1 : i32
      %add3A_31 = arith.addi %add3A_22, %add3A_30 : i32
      %mul3A_32 = arith.constant 4096 : i32
      %mul3A_33 = arith.muli %add3A_31, %mul3A_32 : i32
      %add3A_34 = arith.addi %mul3A_2, %mul3A_33 : i32
      %dma_start3A_35 = tpu.memref_slice %arg2[%add3A_34] : memref<1310720xi32, #tpu.memory_space<hbm>> -> memref<4096xi32, #tpu.memory_space<hbm>>
      %dma_start3A_36 = tpu.memref_slice %arg2[%add3A_34] : memref<1310720xi32, #tpu.memory_space<hbm>> -> memref<4096xi32, #tpu.memory_space<hbm>>
      tpu.enqueue_dma source(%dma_start3A_36 : memref<4096xi32, #tpu.memory_space<hbm>>) target(%arg6 : memref<4096xi32, #tpu.memory_space<vmem>>) target_semaphore(%arg10 : memref<!tpu.dma_semaphore, #tpu.memory_space<semaphore_mem>>)
      %dma_start3A_37 = arith.constant 0 : i32
      %dma_start3A_38 = tpu.memref_slice %arg7[%dma_start3A_37] : memref<4096xf32, #tpu.memory_space<vmem>> -> memref<2048xf32, #tpu.memory_space<vmem>>
      %dma_start3A_39 = arith.constant 0 : i32
      %dma_start3A_40 = tpu.memref_slice %arg5[%dma_start3A_39] : memref<4096xi32, #tpu.memory_space<vmem>> -> memref<2048xi32, #tpu.memory_space<vmem>>
      %dma_start3A_41 = arith.constant 0 : i32
      %dma_start3A_42 = tpu.memref_slice %arg3[%dma_start3A_41] : memref<2097152xf32, #tpu.memory_space<hbm>> -> memref<2097152xf32, #tpu.memory_space<hbm>>
      tpu.enqueue_indirect_dma source(%dma_start3A_42 : memref<2097152xf32, #tpu.memory_space<hbm>>) target(%dma_start3A_38 : memref<2048xf32, #tpu.memory_space<vmem>>) offsets(%dma_start3A_40 : memref<2048xi32, #tpu.memory_space<vmem>>) semaphore(%arg11 : memref<!tpu.dma_semaphore, #tpu.memory_space<semaphore_mem>>)
      %dma_start3A_43 = arith.constant 2048 : i32
      %dma_start3A_44 = tpu.memref_slice %arg7[%dma_start3A_43] : memref<4096xf32, #tpu.memory_space<vmem>> -> memref<2048xf32, #tpu.memory_space<vmem>>
      %dma_start3A_45 = arith.constant 2048 : i32
      %dma_start3A_46 = tpu.memref_slice %arg5[%dma_start3A_45] : memref<4096xi32, #tpu.memory_space<vmem>> -> memref<2048xi32, #tpu.memory_space<vmem>>
      %dma_start3A_47 = arith.constant 0 : i32
      %dma_start3A_48 = tpu.memref_slice %arg3[%dma_start3A_47] : memref<2097152xf32, #tpu.memory_space<hbm>> -> memref<2097152xf32, #tpu.memory_space<hbm>>
      tpu.enqueue_indirect_dma source(%dma_start3A_48 : memref<2097152xf32, #tpu.memory_space<hbm>>) target(%dma_start3A_44 : memref<2048xf32, #tpu.memory_space<vmem>>) offsets(%dma_start3A_46 : memref<2048xi32, #tpu.memory_space<vmem>>) semaphore(%arg13 : memref<!tpu.dma_semaphore, #tpu.memory_space<semaphore_mem>>)
      %dma_wait3A_49 = arith.constant 0 : i32
      %dma_wait3A_50 = tpu.memref_slice %arg7[%dma_wait3A_49] : memref<4096xf32, #tpu.memory_space<vmem>> -> memref<2048xf32, #tpu.memory_space<vmem>>
      %dma_wait3A_51 = arith.constant 0 : i32
      %dma_wait3A_52 = tpu.memref_slice %arg5[%dma_wait3A_51] : memref<4096xi32, #tpu.memory_space<vmem>> -> memref<2048xi32, #tpu.memory_space<vmem>>
      %dma_wait3A_53 = arith.constant 0 : i32
      %dma_wait3A_54 = tpu.memref_slice %arg3[%dma_wait3A_53] : memref<2097152xf32, #tpu.memory_space<hbm>> -> memref<2097152xf32, #tpu.memory_space<hbm>>
      tpu.wait_indirect_dma semaphore(%arg11 : memref<!tpu.dma_semaphore, #tpu.memory_space<semaphore_mem>>) src(%dma_wait3A_54 : memref<2097152xf32, #tpu.memory_space<hbm>>) dst(%dma_wait3A_50 : memref<2048xf32, #tpu.memory_space<vmem>>)
      %dma_wait3A_55 = arith.constant 2048 : i32
      %dma_wait3A_56 = tpu.memref_slice %arg7[%dma_wait3A_55] : memref<4096xf32, #tpu.memory_space<vmem>> -> memref<2048xf32, #tpu.memory_space<vmem>>
      %dma_wait3A_57 = arith.constant 2048 : i32
      %dma_wait3A_58 = tpu.memref_slice %arg5[%dma_wait3A_57] : memref<4096xi32, #tpu.memory_space<vmem>> -> memref<2048xi32, #tpu.memory_space<vmem>>
      %dma_wait3A_59 = arith.constant 0 : i32
      %dma_wait3A_60 = tpu.memref_slice %arg3[%dma_wait3A_59] : memref<2097152xf32, #tpu.memory_space<hbm>> -> memref<2097152xf32, #tpu.memory_space<hbm>>
      tpu.wait_indirect_dma semaphore(%arg13 : memref<!tpu.dma_semaphore, #tpu.memory_space<semaphore_mem>>) src(%dma_wait3A_60 : memref<2097152xf32, #tpu.memory_space<hbm>>) dst(%dma_wait3A_56 : memref<2048xf32, #tpu.memory_space<vmem>>)
      %mul3A_61 = arith.constant 4096 : i32
      %mul3A_62 = arith.muli %add3A_22, %mul3A_61 : i32
      %add3A_63 = arith.addi %mul3A_2, %mul3A_62 : i32
      %dma_start3A_64 = tpu.memref_slice %arg4[%add3A_63] : memref<1310720xf32, #tpu.memory_space<hbm>> -> memref<4096xf32, #tpu.memory_space<hbm>>
      %dma_start3A_65 = tpu.memref_slice %arg4[%add3A_63] : memref<1310720xf32, #tpu.memory_space<hbm>> -> memref<4096xf32, #tpu.memory_space<hbm>>
      tpu.enqueue_dma source(%arg7 : memref<4096xf32, #tpu.memory_space<vmem>>) target(%dma_start3A_65 : memref<4096xf32, #tpu.memory_space<hbm>>) target_semaphore(%arg15 : memref<!tpu.dma_semaphore, #tpu.memory_space<semaphore_mem>>)
      %mul3A_66 = arith.constant 2 : i32
      %mul3A_67 = arith.muli %scan3A_18, %mul3A_66 : i32
      %add3A_68 = arith.constant 1 : i32
      %add3A_69 = arith.addi %mul3A_67, %add3A_68 : i32
      %ge3A_70 = arith.constant 1 : i32
      %ge3A_71 = arith.cmpi sge, %scan3A_18, %ge3A_70 : i32
      %convert_element_type3A_72 = arith.extui %ge3A_71 : i1 to i32
      %cond3A_73 = arith.constant 0 : i32
      %cond3A_74 = arith.cmpi ne, %convert_element_type3A_72, %cond3A_73 : i32
      scf.if %cond3A_74 {
        %sub3A = arith.constant 2 : i32
        %sub3A_113 = arith.subi %add3A_69, %sub3A : i32
        %mul3A_114 = arith.constant 4096 : i32
        %mul3A_115 = arith.muli %sub3A_113, %mul3A_114 : i32
        %add3A_116 = arith.addi %mul3A_2, %mul3A_115 : i32
        %dma_wait3A_117 = tpu.memref_slice %arg4[%add3A_116] : memref<1310720xf32, #tpu.memory_space<hbm>> -> memref<4096xf32, #tpu.memory_space<hbm>>
        %dma_wait3A_118 = tpu.memref_slice %arg4[%add3A_116] : memref<1310720xf32, #tpu.memory_space<hbm>> -> memref<4096xf32, #tpu.memory_space<hbm>>
        tpu.wait_dma2 semaphore(%arg16 : memref<!tpu.dma_semaphore, #tpu.memory_space<semaphore_mem>>) src(%arg8 : memref<4096xf32, #tpu.memory_space<vmem>>) dst(%dma_wait3A_118 : memref<4096xf32, #tpu.memory_space<hbm>>)
      } else {
      }
      %mul3A_75 = arith.constant 4096 : i32
      %mul3A_76 = arith.muli %add3A_69, %mul3A_75 : i32
      %add3A_77 = arith.addi %mul3A_2, %mul3A_76 : i32
      %dma_wait3A_78 = tpu.memref_slice %arg2[%add3A_77] : memref<1310720xi32, #tpu.memory_space<hbm>> -> memref<4096xi32, #tpu.memory_space<hbm>>
      %dma_wait3A_79 = tpu.memref_slice %arg2[%add3A_77] : memref<1310720xi32, #tpu.memory_space<hbm>> -> memref<4096xi32, #tpu.memory_space<hbm>>
      tpu.wait_dma2 semaphore(%arg10 : memref<!tpu.dma_semaphore, #tpu.memory_space<semaphore_mem>>) src(%dma_wait3A_79 : memref<4096xi32, #tpu.memory_space<hbm>>) dst(%arg6 : memref<4096xi32, #tpu.memory_space<vmem>>)
      %lt3A = arith.constant 4 : i32
      %lt3A_80 = arith.cmpi slt, %scan3A_18, %lt3A : i32
      %convert_element_type3A_81 = arith.extui %lt3A_80 : i1 to i32
      %cond3A_82 = arith.constant 0 : i32
      %cond3A_83 = arith.cmpi ne, %convert_element_type3A_81, %cond3A_82 : i32
      scf.if %cond3A_83 {
        %add3A_113 = arith.constant 1 : i32
        %add3A_114 = arith.addi %add3A_69, %add3A_113 : i32
        %mul3A_115 = arith.constant 4096 : i32
        %mul3A_116 = arith.muli %add3A_114, %mul3A_115 : i32
        %add3A_117 = arith.addi %mul3A_2, %mul3A_116 : i32
        %dma_start3A_118 = tpu.memref_slice %arg2[%add3A_117] : memref<1310720xi32, #tpu.memory_space<hbm>> -> memref<4096xi32, #tpu.memory_space<hbm>>
        %dma_start3A_119 = tpu.memref_slice %arg2[%add3A_117] : memref<1310720xi32, #tpu.memory_space<hbm>> -> memref<4096xi32, #tpu.memory_space<hbm>>
        tpu.enqueue_dma source(%dma_start3A_119 : memref<4096xi32, #tpu.memory_space<hbm>>) target(%arg5 : memref<4096xi32, #tpu.memory_space<vmem>>) target_semaphore(%arg9 : memref<!tpu.dma_semaphore, #tpu.memory_space<semaphore_mem>>)
      } else {
      }
      %dma_start3A_84 = arith.constant 0 : i32
      %dma_start3A_85 = tpu.memref_slice %arg8[%dma_start3A_84] : memref<4096xf32, #tpu.memory_space<vmem>> -> memref<2048xf32, #tpu.memory_space<vmem>>
      %dma_start3A_86 = arith.constant 0 : i32
      %dma_start3A_87 = tpu.memref_slice %arg6[%dma_start3A_86] : memref<4096xi32, #tpu.memory_space<vmem>> -> memref<2048xi32, #tpu.memory_space<vmem>>
      %dma_start3A_88 = arith.constant 0 : i32
      %dma_start3A_89 = tpu.memref_slice %arg3[%dma_start3A_88] : memref<2097152xf32, #tpu.memory_space<hbm>> -> memref<2097152xf32, #tpu.memory_space<hbm>>
      tpu.enqueue_indirect_dma source(%dma_start3A_89 : memref<2097152xf32, #tpu.memory_space<hbm>>) target(%dma_start3A_85 : memref<2048xf32, #tpu.memory_space<vmem>>) offsets(%dma_start3A_87 : memref<2048xi32, #tpu.memory_space<vmem>>) semaphore(%arg12 : memref<!tpu.dma_semaphore, #tpu.memory_space<semaphore_mem>>)
      %dma_start3A_90 = arith.constant 2048 : i32
      %dma_start3A_91 = tpu.memref_slice %arg8[%dma_start3A_90] : memref<4096xf32, #tpu.memory_space<vmem>> -> memref<2048xf32, #tpu.memory_space<vmem>>
      %dma_start3A_92 = arith.constant 2048 : i32
      %dma_start3A_93 = tpu.memref_slice %arg6[%dma_start3A_92] : memref<4096xi32, #tpu.memory_space<vmem>> -> memref<2048xi32, #tpu.memory_space<vmem>>
      %dma_start3A_94 = arith.constant 0 : i32
      %dma_start3A_95 = tpu.memref_slice %arg3[%dma_start3A_94] : memref<2097152xf32, #tpu.memory_space<hbm>> -> memref<2097152xf32, #tpu.memory_space<hbm>>
      tpu.enqueue_indirect_dma source(%dma_start3A_95 : memref<2097152xf32, #tpu.memory_space<hbm>>) target(%dma_start3A_91 : memref<2048xf32, #tpu.memory_space<vmem>>) offsets(%dma_start3A_93 : memref<2048xi32, #tpu.memory_space<vmem>>) semaphore(%arg14 : memref<!tpu.dma_semaphore, #tpu.memory_space<semaphore_mem>>)
      %dma_wait3A_96 = arith.constant 0 : i32
      %dma_wait3A_97 = tpu.memref_slice %arg8[%dma_wait3A_96] : memref<4096xf32, #tpu.memory_space<vmem>> -> memref<2048xf32, #tpu.memory_space<vmem>>
      %dma_wait3A_98 = arith.constant 0 : i32
      %dma_wait3A_99 = tpu.memref_slice %arg6[%dma_wait3A_98] : memref<4096xi32, #tpu.memory_space<vmem>> -> memref<2048xi32, #tpu.memory_space<vmem>>
      %dma_wait3A_100 = arith.constant 0 : i32
      %dma_wait3A_101 = tpu.memref_slice %arg3[%dma_wait3A_100] : memref<2097152xf32, #tpu.memory_space<hbm>> -> memref<2097152xf32, #tpu.memory_space<hbm>>
      tpu.wait_indirect_dma semaphore(%arg12 : memref<!tpu.dma_semaphore, #tpu.memory_space<semaphore_mem>>) src(%dma_wait3A_101 : memref<2097152xf32, #tpu.memory_space<hbm>>) dst(%dma_wait3A_97 : memref<2048xf32, #tpu.memory_space<vmem>>)
      %dma_wait3A_102 = arith.constant 2048 : i32
      %dma_wait3A_103 = tpu.memref_slice %arg8[%dma_wait3A_102] : memref<4096xf32, #tpu.memory_space<vmem>> -> memref<2048xf32, #tpu.memory_space<vmem>>
      %dma_wait3A_104 = arith.constant 2048 : i32
      %dma_wait3A_105 = tpu.memref_slice %arg6[%dma_wait3A_104] : memref<4096xi32, #tpu.memory_space<vmem>> -> memref<2048xi32, #tpu.memory_space<vmem>>
      %dma_wait3A_106 = arith.constant 0 : i32
      %dma_wait3A_107 = tpu.memref_slice %arg3[%dma_wait3A_106] : memref<2097152xf32, #tpu.memory_space<hbm>> -> memref<2097152xf32, #tpu.memory_space<hbm>>
      tpu.wait_indirect_dma semaphore(%arg14 : memref<!tpu.dma_semaphore, #tpu.memory_space<semaphore_mem>>) src(%dma_wait3A_107 : memref<2097152xf32, #tpu.memory_space<hbm>>) dst(%dma_wait3A_103 : memref<2048xf32, #tpu.memory_space<vmem>>)
      %mul3A_108 = arith.constant 4096 : i32
      %mul3A_109 = arith.muli %add3A_69, %mul3A_108 : i32
      %add3A_110 = arith.addi %mul3A_2, %mul3A_109 : i32
      %dma_start3A_111 = tpu.memref_slice %arg4[%add3A_110] : memref<1310720xf32, #tpu.memory_space<hbm>> -> memref<4096xf32, #tpu.memory_space<hbm>>
      %dma_start3A_112 = tpu.memref_slice %arg4[%add3A_110] : memref<1310720xf32, #tpu.memory_space<hbm>> -> memref<4096xf32, #tpu.memory_space<hbm>>
      tpu.enqueue_dma source(%arg8 : memref<4096xf32, #tpu.memory_space<vmem>>) target(%dma_start3A_112 : memref<4096xf32, #tpu.memory_space<hbm>>) target_semaphore(%arg16 : memref<!tpu.dma_semaphore, #tpu.memory_space<semaphore_mem>>)
    }
    %scan3A_10 = arith.constant 5 : i32
    %add3A_11 = arith.constant 32768 : i32
    %add3A_12 = arith.addi %mul3A_2, %add3A_11 : i32
    %dma_wait3A = tpu.memref_slice %arg4[%add3A_12] : memref<1310720xf32, #tpu.memory_space<hbm>> -> memref<4096xf32, #tpu.memory_space<hbm>>
    %dma_wait3A_13 = tpu.memref_slice %arg4[%add3A_12] : memref<1310720xf32, #tpu.memory_space<hbm>> -> memref<4096xf32, #tpu.memory_space<hbm>>
    tpu.wait_dma2 semaphore(%arg15 : memref<!tpu.dma_semaphore, #tpu.memory_space<semaphore_mem>>) src(%arg7 : memref<4096xf32, #tpu.memory_space<vmem>>) dst(%dma_wait3A_13 : memref<4096xf32, #tpu.memory_space<hbm>>)
    %add3A_14 = arith.constant 36864 : i32
    %add3A_15 = arith.addi %mul3A_2, %add3A_14 : i32
    %dma_wait3A_16 = tpu.memref_slice %arg4[%add3A_15] : memref<1310720xf32, #tpu.memory_space<hbm>> -> memref<4096xf32, #tpu.memory_space<hbm>>
    %dma_wait3A_17 = tpu.memref_slice %arg4[%add3A_15] : memref<1310720xf32, #tpu.memory_space<hbm>> -> memref<4096xf32, #tpu.memory_space<hbm>>
    tpu.wait_dma2 semaphore(%arg16 : memref<!tpu.dma_semaphore, #tpu.memory_space<semaphore_mem>>) src(%arg8 : memref<4096xf32, #tpu.memory_space<vmem>>) dst(%dma_wait3A_17 : memref<4096xf32, #tpu.memory_space<hbm>>)
    return
  }
}

#map = affine_map<(d0, d1) -> (0)>
module attributes {stable_mosaic.version = 14 : i64} {
  func.func @k(%arg0: i32, %arg1: i32, %arg2: memref<1310720xi32, #tpu.memory_space<hbm>>, %arg3: memref<2097152xf32, #tpu.memory_space<hbm>>, %arg4: memref<1310720xf32, #tpu.memory_space<hbm>>, %arg5: memref<4096xi32, #tpu.memory_space<vmem>>, %arg6: memref<4096xi32, #tpu.memory_space<vmem>>, %arg7: memref<4096xf32, #tpu.memory_space<vmem>>, %arg8: memref<4096xf32, #tpu.memory_space<vmem>>, %arg9: memref<!tpu.dma_semaphore, #tpu.memory_space<semaphore_mem>>, %arg10: memref<!tpu.dma_semaphore, #tpu.memory_space<semaphore_mem>>, %arg11: memref<!tpu.dma_semaphore, #tpu.memory_space<semaphore_mem>>, %arg12: memref<!tpu.dma_semaphore, #tpu.memory_space<semaphore_mem>>, %arg13: memref<!tpu.dma_semaphore, #tpu.memory_space<semaphore_mem>>, %arg14: memref<!tpu.dma_semaphore, #tpu.memory_space<semaphore_mem>>, %arg15: memref<!tpu.dma_semaphore, #tpu.memory_space<semaphore_mem>>, %arg16: memref<!tpu.dma_semaphore, #tpu.memory_space<semaphore_mem>>) attributes {dimension_semantics = [#tpu.dimension_semantics<core_parallel>, #tpu.dimension_semantics<subcore_parallel>], iteration_bounds = array<i64: 2, 16>, scalar_prefetch = 0 : i64, scratch_operands = 12 : i64, tpu.core_type = #tpu.core_type<sc_vector_subcore>, window_params = [{transform_indices = #map}, {transform_indices = #map}, {transform_indices = #map}]} {
    %mul3A = arith.constant 2 : i32
    %mul3A_0 = arith.muli %arg1, %mul3A : i32
    %add3A = arith.addi %mul3A_0, %arg0 : i32
    %mul3A_1 = arith.constant 40960 : i32
    %mul3A_2 = arith.muli %add3A, %mul3A_1 : i32
    %add3A_3 = arith.constant 0 : i32
    %add3A_4 = arith.addi %mul3A_2, %add3A_3 : i32
    %dma_start3A = tpu.memref_slice %arg2[%add3A_4] : memref<1310720xi32, #tpu.memory_space<hbm>> -> memref<4096xi32, #tpu.memory_space<hbm>>
    %dma_start3A_5 = tpu.memref_slice %arg2[%add3A_4] : memref<1310720xi32, #tpu.memory_space<hbm>> -> memref<4096xi32, #tpu.memory_space<hbm>>
    tpu.enqueue_dma source(%dma_start3A_5 : memref<4096xi32, #tpu.memory_space<hbm>>) target(%arg5 : memref<4096xi32, #tpu.memory_space<vmem>>) target_semaphore(%arg9 : memref<!tpu.dma_semaphore, #tpu.memory_space<semaphore_mem>>)
    %scan3A = arith.constant 0 : i32
    %scan3A_6 = arith.constant 0 : i32
    %scan3A_7 = arith.constant 5 : i32
    %scan3A_8 = arith.addi %scan3A_6, %scan3A_7 : i32
    %scan3A_9 = arith.constant 1 : i32
    scf.for %scan3A_18 = %scan3A_6 to %scan3A_8 step %scan3A_9  : i32 {
      %mul3A_19 = arith.constant 2 : i32
      %mul3A_20 = arith.muli %scan3A_18, %mul3A_19 : i32
      %add3A_21 = arith.constant 0 : i32
      %add3A_22 = arith.addi %mul3A_20, %add3A_21 : i32
      %ge3A = arith.constant 1 : i32
      %ge3A_23 = arith.cmpi sge, %scan3A_18, %ge3A : i32
      %convert_element_type3A = arith.extui %ge3A_23 : i1 to i32
      %cond3A = arith.constant 0 : i32
      %cond3A_24 = arith.cmpi ne, %convert_element_type3A, %cond3A : i32
      scf.if %cond3A_24 {
        %sub3A = arith.constant 2 : i32
        %sub3A_113 = arith.subi %add3A_22, %sub3A : i32
        %mul3A_114 = arith.constant 4096 : i32
        %mul3A_115 = arith.muli %sub3A_113, %mul3A_114 : i32
        %add3A_116 = arith.addi %mul3A_2, %mul3A_115 : i32
        %dma_wait3A_117 = tpu.memref_slice %arg4[%add3A_116] : memref<1310720xf32, #tpu.memory_space<hbm>> -> memref<4096xf32, #tpu.memory_space<hbm>>
        %dma_wait3A_118 = tpu.memref_slice %arg4[%add3A_116] : memref<1310720xf32, #tpu.memory_space<hbm>> -> memref<4096xf32, #tpu.memory_space<hbm>>
        tpu.wait_dma2 semaphore(%arg15 : memref<!tpu.dma_semaphore, #tpu.memory_space<semaphore_mem>>) src(%arg7 : memref<4096xf32, #tpu.memory_space<vmem>>) dst(%dma_wait3A_118 : memref<4096xf32, #tpu.memory_space<hbm>>)
      } else {
      }
      %mul3A_25 = arith.constant 4096 : i32
      %mul3A_26 = arith.muli %add3A_22, %mul3A_25 : i32
      %add3A_27 = arith.addi %mul3A_2, %mul3A_26 : i32
      %dma_wait3A_28 = tpu.memref_slice %arg2[%add3A_27] : memref<1310720xi32, #tpu.memory_space<hbm>> -> memref<4096xi32, #tpu.memory_space<hbm>>
      %dma_wait3A_29 = tpu.memref_slice %arg2[%add3A_27] : memref<1310720xi32, #tpu.memory_space<hbm>> -> memref<4096xi32, #tpu.memory_space<hbm>>
      tpu.wait_dma2 semaphore(%arg9 : memref<!tpu.dma_semaphore, #tpu.memory_space<semaphore_mem>>) src(%dma_wait3A_29 : memref<4096xi32, #tpu.memory_space<hbm>>) dst(%arg5 : memref<4096xi32, #tpu.memory_space<vmem>>)
      %add3A_30 = arith.constant 1 : i32
      %add3A_31 = arith.addi %add3A_22, %add3A_30 : i32
      %mul3A_32 = arith.constant 4096 : i32
      %mul3A_33 = arith.muli %add3A_31, %mul3A_32 : i32
      %add3A_34 = arith.addi %mul3A_2, %mul3A_33 : i32
      %dma_start3A_35 = tpu.memref_slice %arg2[%add3A_34] : memref<1310720xi32, #tpu.memory_space<hbm>> -> memref<4096xi32, #tpu.memory_space<hbm>>
      %dma_start3A_36 = tpu.memref_slice %arg2[%add3A_34] : memref<1310720xi32, #tpu.memory_space<hbm>> -> memref<4096xi32, #tpu.memory_space<hbm>>
      tpu.enqueue_dma source(%dma_start3A_36 : memref<4096xi32, #tpu.memory_space<hbm>>) target(%arg6 : memref<4096xi32, #tpu.memory_space<vmem>>) target_semaphore(%arg10 : memref<!tpu.dma_semaphore, #tpu.memory_space<semaphore_mem>>)
      %dma_start3A_37 = arith.constant 0 : i32
      %dma_start3A_38 = tpu.memref_slice %arg7[%dma_start3A_37] : memref<4096xf32, #tpu.memory_space<vmem>> -> memref<2048xf32, #tpu.memory_space<vmem>>
      %dma_start3A_39 = arith.constant 0 : i32
      %dma_start3A_40 = tpu.memref_slice %arg5[%dma_start3A_39] : memref<4096xi32, #tpu.memory_space<vmem>> -> memref<2048xi32, #tpu.memory_space<vmem>>
      %dma_start3A_41 = arith.constant 0 : i32
      %dma_start3A_42 = tpu.memref_slice %arg3[%dma_start3A_41] : memref<2097152xf32, #tpu.memory_space<hbm>> -> memref<2097152xf32, #tpu.memory_space<hbm>>
      tpu.enqueue_indirect_dma source(%dma_start3A_42 : memref<2097152xf32, #tpu.memory_space<hbm>>) target(%dma_start3A_38 : memref<2048xf32, #tpu.memory_space<vmem>>) offsets(%dma_start3A_40 : memref<2048xi32, #tpu.memory_space<vmem>>) semaphore(%arg11 : memref<!tpu.dma_semaphore, #tpu.memory_space<semaphore_mem>>)
      %dma_start3A_43 = arith.constant 2048 : i32
      %dma_start3A_44 = tpu.memref_slice %arg7[%dma_start3A_43] : memref<4096xf32, #tpu.memory_space<vmem>> -> memref<2048xf32, #tpu.memory_space<vmem>>
      %dma_start3A_45 = arith.constant 2048 : i32
      %dma_start3A_46 = tpu.memref_slice %arg5[%dma_start3A_45] : memref<4096xi32, #tpu.memory_space<vmem>> -> memref<2048xi32, #tpu.memory_space<vmem>>
      %dma_start3A_47 = arith.constant 0 : i32
      %dma_start3A_48 = tpu.memref_slice %arg3[%dma_start3A_47] : memref<2097152xf32, #tpu.memory_space<hbm>> -> memref<2097152xf32, #tpu.memory_space<hbm>>
      tpu.enqueue_indirect_dma source(%dma_start3A_48 : memref<2097152xf32, #tpu.memory_space<hbm>>) target(%dma_start3A_44 : memref<2048xf32, #tpu.memory_space<vmem>>) offsets(%dma_start3A_46 : memref<2048xi32, #tpu.memory_space<vmem>>) semaphore(%arg13 : memref<!tpu.dma_semaphore, #tpu.memory_space<semaphore_mem>>)
      %dma_wait3A_49 = arith.constant 0 : i32
      %dma_wait3A_50 = tpu.memref_slice %arg7[%dma_wait3A_49] : memref<4096xf32, #tpu.memory_space<vmem>> -> memref<2048xf32, #tpu.memory_space<vmem>>
      %dma_wait3A_51 = arith.constant 0 : i32
      %dma_wait3A_52 = tpu.memref_slice %arg5[%dma_wait3A_51] : memref<4096xi32, #tpu.memory_space<vmem>> -> memref<2048xi32, #tpu.memory_space<vmem>>
      %dma_wait3A_53 = arith.constant 0 : i32
      %dma_wait3A_54 = tpu.memref_slice %arg3[%dma_wait3A_53] : memref<2097152xf32, #tpu.memory_space<hbm>> -> memref<2097152xf32, #tpu.memory_space<hbm>>
      tpu.wait_indirect_dma semaphore(%arg11 : memref<!tpu.dma_semaphore, #tpu.memory_space<semaphore_mem>>) src(%dma_wait3A_54 : memref<2097152xf32, #tpu.memory_space<hbm>>) dst(%dma_wait3A_50 : memref<2048xf32, #tpu.memory_space<vmem>>)
      %dma_wait3A_55 = arith.constant 2048 : i32
      %dma_wait3A_56 = tpu.memref_slice %arg7[%dma_wait3A_55] : memref<4096xf32, #tpu.memory_space<vmem>> -> memref<2048xf32, #tpu.memory_space<vmem>>
      %dma_wait3A_57 = arith.constant 2048 : i32
      %dma_wait3A_58 = tpu.memref_slice %arg5[%dma_wait3A_57] : memref<4096xi32, #tpu.memory_space<vmem>> -> memref<2048xi32, #tpu.memory_space<vmem>>
      %dma_wait3A_59 = arith.constant 0 : i32
      %dma_wait3A_60 = tpu.memref_slice %arg3[%dma_wait3A_59] : memref<2097152xf32, #tpu.memory_space<hbm>> -> memref<2097152xf32, #tpu.memory_space<hbm>>
      tpu.wait_indirect_dma semaphore(%arg13 : memref<!tpu.dma_semaphore, #tpu.memory_space<semaphore_mem>>) src(%dma_wait3A_60 : memref<2097152xf32, #tpu.memory_space<hbm>>) dst(%dma_wait3A_56 : memref<2048xf32, #tpu.memory_space<vmem>>)
      %mul3A_61 = arith.constant 4096 : i32
      %mul3A_62 = arith.muli %add3A_22, %mul3A_61 : i32
      %add3A_63 = arith.addi %mul3A_2, %mul3A_62 : i32
      %dma_start3A_64 = tpu.memref_slice %arg4[%add3A_63] : memref<1310720xf32, #tpu.memory_space<hbm>> -> memref<4096xf32, #tpu.memory_space<hbm>>
      %dma_start3A_65 = tpu.memref_slice %arg4[%add3A_63] : memref<1310720xf32, #tpu.memory_space<hbm>> -> memref<4096xf32, #tpu.memory_space<hbm>>
      tpu.enqueue_dma source(%arg7 : memref<4096xf32, #tpu.memory_space<vmem>>) target(%dma_start3A_65 : memref<4096xf32, #tpu.memory_space<hbm>>) target_semaphore(%arg15 : memref<!tpu.dma_semaphore, #tpu.memory_space<semaphore_mem>>)
      %mul3A_66 = arith.constant 2 : i32
      %mul3A_67 = arith.muli %scan3A_18, %mul3A_66 : i32
      %add3A_68 = arith.constant 1 : i32
      %add3A_69 = arith.addi %mul3A_67, %add3A_68 : i32
      %ge3A_70 = arith.constant 1 : i32
      %ge3A_71 = arith.cmpi sge, %scan3A_18, %ge3A_70 : i32
      %convert_element_type3A_72 = arith.extui %ge3A_71 : i1 to i32
      %cond3A_73 = arith.constant 0 : i32
      %cond3A_74 = arith.cmpi ne, %convert_element_type3A_72, %cond3A_73 : i32
      scf.if %cond3A_74 {
        %sub3A = arith.constant 2 : i32
        %sub3A_113 = arith.subi %add3A_69, %sub3A : i32
        %mul3A_114 = arith.constant 4096 : i32
        %mul3A_115 = arith.muli %sub3A_113, %mul3A_114 : i32
        %add3A_116 = arith.addi %mul3A_2, %mul3A_115 : i32
        %dma_wait3A_117 = tpu.memref_slice %arg4[%add3A_116] : memref<1310720xf32, #tpu.memory_space<hbm>> -> memref<4096xf32, #tpu.memory_space<hbm>>
        %dma_wait3A_118 = tpu.memref_slice %arg4[%add3A_116] : memref<1310720xf32, #tpu.memory_space<hbm>> -> memref<4096xf32, #tpu.memory_space<hbm>>
        tpu.wait_dma2 semaphore(%arg16 : memref<!tpu.dma_semaphore, #tpu.memory_space<semaphore_mem>>) src(%arg8 : memref<4096xf32, #tpu.memory_space<vmem>>) dst(%dma_wait3A_118 : memref<4096xf32, #tpu.memory_space<hbm>>)
      } else {
      }
      %mul3A_75 = arith.constant 4096 : i32
      %mul3A_76 = arith.muli %add3A_69, %mul3A_75 : i32
      %add3A_77 = arith.addi %mul3A_2, %mul3A_76 : i32
      %dma_wait3A_78 = tpu.memref_slice %arg2[%add3A_77] : memref<1310720xi32, #tpu.memory_space<hbm>> -> memref<4096xi32, #tpu.memory_space<hbm>>
      %dma_wait3A_79 = tpu.memref_slice %arg2[%add3A_77] : memref<1310720xi32, #tpu.memory_space<hbm>> -> memref<4096xi32, #tpu.memory_space<hbm>>
      tpu.wait_dma2 semaphore(%arg10 : memref<!tpu.dma_semaphore, #tpu.memory_space<semaphore_mem>>) src(%dma_wait3A_79 : memref<4096xi32, #tpu.memory_space<hbm>>) dst(%arg6 : memref<4096xi32, #tpu.memory_space<vmem>>)
      %lt3A = arith.constant 4 : i32
      %lt3A_80 = arith.cmpi slt, %scan3A_18, %lt3A : i32
      %convert_element_type3A_81 = arith.extui %lt3A_80 : i1 to i32
      %cond3A_82 = arith.constant 0 : i32
      %cond3A_83 = arith.cmpi ne, %convert_element_type3A_81, %cond3A_82 : i32
      scf.if %cond3A_83 {
        %add3A_113 = arith.constant 1 : i32
        %add3A_114 = arith.addi %add3A_69, %add3A_113 : i32
        %mul3A_115 = arith.constant 4096 : i32
        %mul3A_116 = arith.muli %add3A_114, %mul3A_115 : i32
        %add3A_117 = arith.addi %mul3A_2, %mul3A_116 : i32
        %dma_start3A_118 = tpu.memref_slice %arg2[%add3A_117] : memref<1310720xi32, #tpu.memory_space<hbm>> -> memref<4096xi32, #tpu.memory_space<hbm>>
        %dma_start3A_119 = tpu.memref_slice %arg2[%add3A_117] : memref<1310720xi32, #tpu.memory_space<hbm>> -> memref<4096xi32, #tpu.memory_space<hbm>>
        tpu.enqueue_dma source(%dma_start3A_119 : memref<4096xi32, #tpu.memory_space<hbm>>) target(%arg5 : memref<4096xi32, #tpu.memory_space<vmem>>) target_semaphore(%arg9 : memref<!tpu.dma_semaphore, #tpu.memory_space<semaphore_mem>>)
      } else {
      }
      %dma_start3A_84 = arith.constant 0 : i32
      %dma_start3A_85 = tpu.memref_slice %arg8[%dma_start3A_84] : memref<4096xf32, #tpu.memory_space<vmem>> -> memref<2048xf32, #tpu.memory_space<vmem>>
      %dma_start3A_86 = arith.constant 0 : i32
      %dma_start3A_87 = tpu.memref_slice %arg6[%dma_start3A_86] : memref<4096xi32, #tpu.memory_space<vmem>> -> memref<2048xi32, #tpu.memory_space<vmem>>
      %dma_start3A_88 = arith.constant 0 : i32
      %dma_start3A_89 = tpu.memref_slice %arg3[%dma_start3A_88] : memref<2097152xf32, #tpu.memory_space<hbm>> -> memref<2097152xf32, #tpu.memory_space<hbm>>
      tpu.enqueue_indirect_dma source(%dma_start3A_89 : memref<2097152xf32, #tpu.memory_space<hbm>>) target(%dma_start3A_85 : memref<2048xf32, #tpu.memory_space<vmem>>) offsets(%dma_start3A_87 : memref<2048xi32, #tpu.memory_space<vmem>>) semaphore(%arg12 : memref<!tpu.dma_semaphore, #tpu.memory_space<semaphore_mem>>)
      %dma_start3A_90 = arith.constant 2048 : i32
      %dma_start3A_91 = tpu.memref_slice %arg8[%dma_start3A_90] : memref<4096xf32, #tpu.memory_space<vmem>> -> memref<2048xf32, #tpu.memory_space<vmem>>
      %dma_start3A_92 = arith.constant 2048 : i32
      %dma_start3A_93 = tpu.memref_slice %arg6[%dma_start3A_92] : memref<4096xi32, #tpu.memory_space<vmem>> -> memref<2048xi32, #tpu.memory_space<vmem>>
      %dma_start3A_94 = arith.constant 0 : i32
      %dma_start3A_95 = tpu.memref_slice %arg3[%dma_start3A_94] : memref<2097152xf32, #tpu.memory_space<hbm>> -> memref<2097152xf32, #tpu.memory_space<hbm>>
      tpu.enqueue_indirect_dma source(%dma_start3A_95 : memref<2097152xf32, #tpu.memory_space<hbm>>) target(%dma_start3A_91 : memref<2048xf32, #tpu.memory_space<vmem>>) offsets(%dma_start3A_93 : memref<2048xi32, #tpu.memory_space<vmem>>) semaphore(%arg14 : memref<!tpu.dma_semaphore, #tpu.memory_space<semaphore_mem>>)
      %dma_wait3A_96 = arith.constant 0 : i32
      %dma_wait3A_97 = tpu.memref_slice %arg8[%dma_wait3A_96] : memref<4096xf32, #tpu.memory_space<vmem>> -> memref<2048xf32, #tpu.memory_space<vmem>>
      %dma_wait3A_98 = arith.constant 0 : i32
      %dma_wait3A_99 = tpu.memref_slice %arg6[%dma_wait3A_98] : memref<4096xi32, #tpu.memory_space<vmem>> -> memref<2048xi32, #tpu.memory_space<vmem>>
      %dma_wait3A_100 = arith.constant 0 : i32
      %dma_wait3A_101 = tpu.memref_slice %arg3[%dma_wait3A_100] : memref<2097152xf32, #tpu.memory_space<hbm>> -> memref<2097152xf32, #tpu.memory_space<hbm>>
      tpu.wait_indirect_dma semaphore(%arg12 : memref<!tpu.dma_semaphore, #tpu.memory_space<semaphore_mem>>) src(%dma_wait3A_101 : memref<2097152xf32, #tpu.memory_space<hbm>>) dst(%dma_wait3A_97 : memref<2048xf32, #tpu.memory_space<vmem>>)
      %dma_wait3A_102 = arith.constant 2048 : i32
      %dma_wait3A_103 = tpu.memref_slice %arg8[%dma_wait3A_102] : memref<4096xf32, #tpu.memory_space<vmem>> -> memref<2048xf32, #tpu.memory_space<vmem>>
      %dma_wait3A_104 = arith.constant 2048 : i32
      %dma_wait3A_105 = tpu.memref_slice %arg6[%dma_wait3A_104] : memref<4096xi32, #tpu.memory_space<vmem>> -> memref<2048xi32, #tpu.memory_space<vmem>>
      %dma_wait3A_106 = arith.constant 0 : i32
      %dma_wait3A_107 = tpu.memref_slice %arg3[%dma_wait3A_106] : memref<2097152xf32, #tpu.memory_space<hbm>> -> memref<2097152xf32, #tpu.memory_space<hbm>>
      tpu.wait_indirect_dma semaphore(%arg14 : memref<!tpu.dma_semaphore, #tpu.memory_space<semaphore_mem>>) src(%dma_wait3A_107 : memref<2097152xf32, #tpu.memory_space<hbm>>) dst(%dma_wait3A_103 : memref<2048xf32, #tpu.memory_space<vmem>>)
      %mul3A_108 = arith.constant 4096 : i32
      %mul3A_109 = arith.muli %add3A_69, %mul3A_108 : i32
      %add3A_110 = arith.addi %mul3A_2, %mul3A_109 : i32
      %dma_start3A_111 = tpu.memref_slice %arg4[%add3A_110] : memref<1310720xf32, #tpu.memory_space<hbm>> -> memref<4096xf32, #tpu.memory_space<hbm>>
      %dma_start3A_112 = tpu.memref_slice %arg4[%add3A_110] : memref<1310720xf32, #tpu.memory_space<hbm>> -> memref<4096xf32, #tpu.memory_space<hbm>>
      tpu.enqueue_dma source(%arg8 : memref<4096xf32, #tpu.memory_space<vmem>>) target(%dma_start3A_112 : memref<4096xf32, #tpu.memory_space<hbm>>) target_semaphore(%arg16 : memref<!tpu.dma_semaphore, #tpu.memory_space<semaphore_mem>>)
    }
    %scan3A_10 = arith.constant 5 : i32
    %add3A_11 = arith.constant 32768 : i32
    %add3A_12 = arith.addi %mul3A_2, %add3A_11 : i32
    %dma_wait3A = tpu.memref_slice %arg4[%add3A_12] : memref<1310720xf32, #tpu.memory_space<hbm>> -> memref<4096xf32, #tpu.memory_space<hbm>>
    %dma_wait3A_13 = tpu.memref_slice %arg4[%add3A_12] : memref<1310720xf32, #tpu.memory_space<hbm>> -> memref<4096xf32, #tpu.memory_space<hbm>>
    tpu.wait_dma2 semaphore(%arg15 : memref<!tpu.dma_semaphore, #tpu.memory_space<semaphore_mem>>) src(%arg7 : memref<4096xf32, #tpu.memory_space<vmem>>) dst(%dma_wait3A_13 : memref<4096xf32, #tpu.memory_space<hbm>>)
    %add3A_14 = arith.constant 36864 : i32
    %add3A_15 = arith.addi %mul3A_2, %add3A_14 : i32
    %dma_wait3A_16 = tpu.memref_slice %arg4[%add3A_15] : memref<1310720xf32, #tpu.memory_space<hbm>> -> memref<4096xf32, #tpu.memory_space<hbm>>
    %dma_wait3A_17 = tpu.memref_slice %arg4[%add3A_15] : memref<1310720xf32, #tpu.memory_space<hbm>> -> memref<4096xf32, #tpu.memory_space<hbm>>
    tpu.wait_dma2 semaphore(%arg16 : memref<!tpu.dma_semaphore, #tpu.memory_space<semaphore_mem>>) src(%arg8 : memref<4096xf32, #tpu.memory_space<vmem>>) dst(%dma_wait3A_17 : memref<4096xf32, #tpu.memory_space<hbm>>)
    return
  }
}

module attributes {stable_mosaic.version = 14 : i64} {
  func.func @_index_body(%arg0: i32, %arg1: memref<256x1xf32, #tpu.memory_space<vmem>>, %arg2: memref<256x1xf32, #tpu.memory_space<vmem>>, %arg3: memref<256x1xf32, #tpu.memory_space<vmem>>, %arg4: memref<256x1xf32, #tpu.memory_space<vmem>>, %arg5: memref<256x1xf32, #tpu.memory_space<vmem>>, %arg6: memref<256x1xf32, #tpu.memory_space<vmem>>, %arg7: memref<1x1024xf32, #tpu.memory_space<vmem>>, %arg8: memref<1x1024xf32, #tpu.memory_space<vmem>>, %arg9: memref<256x1024xi32, #tpu.memory_space<vmem>>) attributes {dimension_semantics = [#tpu.dimension_semantics<arbitrary>], iteration_bounds = array<i64: 5>, scalar_prefetch = 0 : i64, scratch_operands = 0 : i64, tpu.core_type = #tpu.core_type<tc>, window_params = [{transform_indices = @transform_0, window_bounds = array<i64: 256, 1>}, {transform_indices = @transform_1, window_bounds = array<i64: 256, 1>}, {transform_indices = @transform_2, window_bounds = array<i64: 256, 1>}, {transform_indices = @transform_3, window_bounds = array<i64: 256, 1>}, {transform_indices = @transform_4, window_bounds = array<i64: 256, 1>}, {transform_indices = @transform_5, window_bounds = array<i64: 256, 1>}, {pipeline_mode = #tpu.pipeline_mode<synchronous>, transform_indices = @transform_6, window_bounds = array<i64: 1, 1024>}, {pipeline_mode = #tpu.pipeline_mode<synchronous>, transform_indices = @transform_7, window_bounds = array<i64: 1, 1024>}, {transform_indices = @transform_8, window_bounds = array<i64: 256, 1024>}]} {
    %get3A = arith.constant 0 : index
    %get3A_0 = arith.constant 0 : index
    %get3A_1 = vector.load %arg1[%get3A, %get3A_0] : memref<256x1xf32, #tpu.memory_space<vmem>>, vector<256x1xf32>
    %get3A_2 = arith.constant 0 : index
    %get3A_3 = arith.constant 0 : index
    %get3A_4 = vector.load %arg2[%get3A_2, %get3A_3] : memref<256x1xf32, #tpu.memory_space<vmem>>, vector<256x1xf32>
    %get3A_5 = arith.constant 0 : index
    %get3A_6 = arith.constant 0 : index
    %get3A_7 = vector.load %arg3[%get3A_5, %get3A_6] : memref<256x1xf32, #tpu.memory_space<vmem>>, vector<256x1xf32>
    %get3A_8 = arith.constant 0 : index
    %get3A_9 = arith.constant 0 : index
    %get3A_10 = vector.load %arg4[%get3A_8, %get3A_9] : memref<256x1xf32, #tpu.memory_space<vmem>>, vector<256x1xf32>
    %get3A_11 = arith.constant 0 : index
    %get3A_12 = arith.constant 0 : index
    %get3A_13 = vector.load %arg5[%get3A_11, %get3A_12] : memref<256x1xf32, #tpu.memory_space<vmem>>, vector<256x1xf32>
    %get3A_14 = arith.constant 0 : index
    %get3A_15 = arith.constant 0 : index
    %get3A_16 = vector.load %arg6[%get3A_14, %get3A_15] : memref<256x1xf32, #tpu.memory_space<vmem>>, vector<256x1xf32>
    %mul3A = arith.mulf %get3A_10, %get3A_10 : vector<256x1xf32>
    %mul3A_17 = arith.mulf %get3A_13, %get3A_13 : vector<256x1xf32>
    %add3A = arith.addf %mul3A, %mul3A_17 : vector<256x1xf32>
    %mul3A_18 = arith.mulf %get3A_16, %get3A_16 : vector<256x1xf32>
    %add3A_19 = arith.addf %add3A, %mul3A_18 : vector<256x1xf32>
    %sqrt3A = math.sqrt %add3A_19 : vector<256x1xf32>
    %add3A_20 = arith.constant 9.99999971E-10 : f32
    %add3A_21 = vector.broadcast %add3A_20 : f32 to vector<256x1xf32>
    %add3A_22 = arith.addf %sqrt3A, %add3A_21 : vector<256x1xf32>
    %div3A = arith.divf %get3A_10, %add3A_22 : vector<256x1xf32>
    %div3A_23 = arith.divf %get3A_13, %add3A_22 : vector<256x1xf32>
    %div3A_24 = arith.divf %get3A_16, %add3A_22 : vector<256x1xf32>
    %abs3A = math.absf %div3A : vector<256x1xf32>
    %gt3A = arith.constant 9.99999971E-10 : f32
    %gt3A_25 = vector.broadcast %gt3A : f32 to vector<256x1xf32>
    %gt3A_26 = arith.cmpf ogt, %abs3A, %gt3A_25 : vector<256x1xf32>
    %jit3A = arith.constant 9.99999971E-10 : f32
    %broadcast_in_dim3A = vector.broadcast %jit3A : f32 to vector<256x1xf32>
    %select_n3A = arith.select %gt3A_26, %div3A, %broadcast_in_dim3A : vector<256x1xi1>, vector<256x1xf32>
    %div3A_27 = arith.constant 1.000000e+00 : f32
    %div3A_28 = vector.broadcast %div3A_27 : f32 to vector<256x1xf32>
    %div3A_29 = arith.divf %div3A_28, %select_n3A : vector<256x1xf32>
    %abs3A_30 = math.absf %div3A_23 : vector<256x1xf32>
    %gt3A_31 = arith.constant 9.99999971E-10 : f32
    %gt3A_32 = vector.broadcast %gt3A_31 : f32 to vector<256x1xf32>
    %gt3A_33 = arith.cmpf ogt, %abs3A_30, %gt3A_32 : vector<256x1xf32>
    %jit3A_34 = arith.constant 9.99999971E-10 : f32
    %broadcast_in_dim3A_35 = vector.broadcast %jit3A_34 : f32 to vector<256x1xf32>
    %select_n3A_36 = arith.select %gt3A_33, %div3A_23, %broadcast_in_dim3A_35 : vector<256x1xi1>, vector<256x1xf32>
    %div3A_37 = arith.constant 1.000000e+00 : f32
    %div3A_38 = vector.broadcast %div3A_37 : f32 to vector<256x1xf32>
    %div3A_39 = arith.divf %div3A_38, %select_n3A_36 : vector<256x1xf32>
    %abs3A_40 = math.absf %div3A_24 : vector<256x1xf32>
    %gt3A_41 = arith.constant 9.99999971E-10 : f32
    %gt3A_42 = vector.broadcast %gt3A_41 : f32 to vector<256x1xf32>
    %gt3A_43 = arith.cmpf ogt, %abs3A_40, %gt3A_42 : vector<256x1xf32>
    %jit3A_44 = arith.constant 9.99999971E-10 : f32
    %broadcast_in_dim3A_45 = vector.broadcast %jit3A_44 : f32 to vector<256x1xf32>
    %select_n3A_46 = arith.select %gt3A_43, %div3A_24, %broadcast_in_dim3A_45 : vector<256x1xi1>, vector<256x1xf32>
    %div3A_47 = arith.constant 1.000000e+00 : f32
    %div3A_48 = vector.broadcast %div3A_47 : f32 to vector<256x1xf32>
    %div3A_49 = arith.divf %div3A_48, %select_n3A_46 : vector<256x1xf32>
    %sub3A = arith.constant 0.000000e+00 : f32
    %sub3A_50 = vector.broadcast %sub3A : f32 to vector<256x1xf32>
    %sub3A_51 = arith.subf %sub3A_50, %get3A_1 : vector<256x1xf32>
    %mul3A_52 = arith.mulf %sub3A_51, %div3A_29 : vector<256x1xf32>
    %sub3A_53 = arith.constant 1.000000e+00 : f32
    %sub3A_54 = vector.broadcast %sub3A_53 : f32 to vector<256x1xf32>
    %sub3A_55 = arith.subf %sub3A_54, %get3A_1 : vector<256x1xf32>
    %mul3A_56 = arith.mulf %sub3A_55, %div3A_29 : vector<256x1xf32>
    %sub3A_57 = arith.constant 0.000000e+00 : f32
    %sub3A_58 = vector.broadcast %sub3A_57 : f32 to vector<256x1xf32>
    %sub3A_59 = arith.subf %sub3A_58, %get3A_4 : vector<256x1xf32>
    %mul3A_60 = arith.mulf %sub3A_59, %div3A_39 : vector<256x1xf32>
    %sub3A_61 = arith.constant 1.000000e+00 : f32
    %sub3A_62 = vector.broadcast %sub3A_61 : f32 to vector<256x1xf32>
    %sub3A_63 = arith.subf %sub3A_62, %get3A_4 : vector<256x1xf32>
    %mul3A_64 = arith.mulf %sub3A_63, %div3A_39 : vector<256x1xf32>
    %sub3A_65 = arith.constant 0.000000e+00 : f32
    %sub3A_66 = vector.broadcast %sub3A_65 : f32 to vector<256x1xf32>
    %sub3A_67 = arith.subf %sub3A_66, %get3A_7 : vector<256x1xf32>
    %mul3A_68 = arith.mulf %sub3A_67, %div3A_49 : vector<256x1xf32>
    %sub3A_69 = arith.constant 1.000000e+00 : f32
    %sub3A_70 = vector.broadcast %sub3A_69 : f32 to vector<256x1xf32>
    %sub3A_71 = arith.subf %sub3A_70, %get3A_7 : vector<256x1xf32>
    %mul3A_72 = arith.mulf %sub3A_71, %div3A_49 : vector<256x1xf32>
    %min3A = arith.minimumf %mul3A_52, %mul3A_56 : vector<256x1xf32>
    %min3A_73 = arith.minimumf %mul3A_60, %mul3A_64 : vector<256x1xf32>
    %max3A = arith.maximumf %min3A, %min3A_73 : vector<256x1xf32>
    %min3A_74 = arith.minimumf %mul3A_68, %mul3A_72 : vector<256x1xf32>
    %max3A_75 = arith.maximumf %max3A, %min3A_74 : vector<256x1xf32>
    %max3A_76 = arith.constant 5.000000e-02 : f32
    %max3A_77 = vector.broadcast %max3A_76 : f32 to vector<256x1xf32>
    %max3A_78 = arith.maximumf %max3A_75, %max3A_77 : vector<256x1xf32>
    %get3A_79 = arith.constant 0 : index
    %get3A_80 = arith.constant 0 : index
    %get3A_81 = vector.load %arg7[%get3A_79, %get3A_80] : memref<1x1024xf32, #tpu.memory_space<vmem>>, vector<1x1024xf32>
    %mul3A_82 = vector.broadcast %max3A_78 : vector<256x1xf32> to vector<256x1024xf32>
    %mul3A_83 = vector.broadcast %get3A_81 : vector<1x1024xf32> to vector<256x1024xf32>
    %mul3A_84 = arith.mulf %mul3A_82, %mul3A_83 : vector<256x1024xf32>
    %get3A_85 = arith.constant 0 : index
    %get3A_86 = arith.constant 0 : index
    %get3A_87 = vector.load %arg8[%get3A_85, %get3A_86] : memref<1x1024xf32, #tpu.memory_space<vmem>>, vector<1x1024xf32>
    %add3A_88 = vector.broadcast %max3A_78 : vector<256x1xf32> to vector<256x1024xf32>
    %add3A_89 = vector.broadcast %get3A_87 : vector<1x1024xf32> to vector<256x1024xf32>
    %add3A_90 = arith.addf %add3A_88, %add3A_89 : vector<256x1024xf32>
    %max3A_91 = arith.maximumf %mul3A_84, %add3A_90 : vector<256x1024xf32>
    %get3A_92 = arith.constant 0 : index
    %get3A_93 = arith.constant 0 : index
    %get3A_94 = vector.load %arg1[%get3A_92, %get3A_93] : memref<256x1xf32, #tpu.memory_space<vmem>>, vector<256x1xf32>
    %mul3A_95 = vector.broadcast %div3A : vector<256x1xf32> to vector<256x1024xf32>
    %mul3A_96 = arith.mulf %mul3A_95, %max3A_91 : vector<256x1024xf32>
    %add3A_97 = vector.broadcast %get3A_94 : vector<256x1xf32> to vector<256x1024xf32>
    %add3A_98 = arith.addf %add3A_97, %mul3A_96 : vector<256x1024xf32>
    %get3A_99 = arith.constant 0 : index
    %get3A_100 = arith.constant 0 : index
    %get3A_101 = vector.load %arg2[%get3A_99, %get3A_100] : memref<256x1xf32, #tpu.memory_space<vmem>>, vector<256x1xf32>
    %mul3A_102 = vector.broadcast %div3A_23 : vector<256x1xf32> to vector<256x1024xf32>
    %mul3A_103 = arith.mulf %mul3A_102, %max3A_91 : vector<256x1024xf32>
    %add3A_104 = vector.broadcast %get3A_101 : vector<256x1xf32> to vector<256x1024xf32>
    %add3A_105 = arith.addf %add3A_104, %mul3A_103 : vector<256x1024xf32>
    %get3A_106 = arith.constant 0 : index
    %get3A_107 = arith.constant 0 : index
    %get3A_108 = vector.load %arg3[%get3A_106, %get3A_107] : memref<256x1xf32, #tpu.memory_space<vmem>>, vector<256x1xf32>
    %mul3A_109 = vector.broadcast %div3A_24 : vector<256x1xf32> to vector<256x1024xf32>
    %mul3A_110 = arith.mulf %mul3A_109, %max3A_91 : vector<256x1024xf32>
    %add3A_111 = vector.broadcast %get3A_108 : vector<256x1xf32> to vector<256x1024xf32>
    %add3A_112 = arith.addf %add3A_111, %mul3A_110 : vector<256x1024xf32>
    %mul3A_113 = arith.constant 1.280000e+02 : f32
    %mul3A_114 = vector.broadcast %mul3A_113 : f32 to vector<256x1024xf32>
    %mul3A_115 = arith.mulf %add3A_98, %mul3A_114 : vector<256x1024xf32>
    %convert_element_type3A = arith.fptosi %mul3A_115 : vector<256x1024xf32> to vector<256x1024xi32>
    %jit3A_116 = arith.constant 0 : i32
    %jit3A_117 = arith.constant 127 : i32
    %max3A_118 = vector.broadcast %jit3A_116 : i32 to vector<256x1024xi32>
    %max3A_119 = arith.maxsi %max3A_118, %convert_element_type3A : vector<256x1024xi32>
    %min3A_120 = vector.broadcast %jit3A_117 : i32 to vector<256x1024xi32>
    %min3A_121 = arith.minsi %min3A_120, %max3A_119 : vector<256x1024xi32>
    %mul3A_122 = arith.constant 128 : i32
    %mul3A_123 = vector.broadcast %mul3A_122 : i32 to vector<256x1024xi32>
    %mul3A_124 = arith.muli %min3A_121, %mul3A_123 : vector<256x1024xi32>
    %mul3A_125 = arith.constant 1.280000e+02 : f32
    %mul3A_126 = vector.broadcast %mul3A_125 : f32 to vector<256x1024xf32>
    %mul3A_127 = arith.mulf %add3A_105, %mul3A_126 : vector<256x1024xf32>
    %convert_element_type3A_128 = arith.fptosi %mul3A_127 : vector<256x1024xf32> to vector<256x1024xi32>
    %jit3A_129 = arith.constant 0 : i32
    %jit3A_130 = arith.constant 127 : i32
    %max3A_131 = vector.broadcast %jit3A_129 : i32 to vector<256x1024xi32>
    %max3A_132 = arith.maxsi %max3A_131, %convert_element_type3A_128 : vector<256x1024xi32>
    %min3A_133 = vector.broadcast %jit3A_130 : i32 to vector<256x1024xi32>
    %min3A_134 = arith.minsi %min3A_133, %max3A_132 : vector<256x1024xi32>
    %add3A_135 = arith.addi %mul3A_124, %min3A_134 : vector<256x1024xi32>
    %mul3A_136 = arith.constant 128 : i32
    %mul3A_137 = vector.broadcast %mul3A_136 : i32 to vector<256x1024xi32>
    %mul3A_138 = arith.muli %add3A_135, %mul3A_137 : vector<256x1024xi32>
    %mul3A_139 = arith.constant 1.280000e+02 : f32
    %mul3A_140 = vector.broadcast %mul3A_139 : f32 to vector<256x1024xf32>
    %mul3A_141 = arith.mulf %add3A_112, %mul3A_140 : vector<256x1024xf32>
    %convert_element_type3A_142 = arith.fptosi %mul3A_141 : vector<256x1024xf32> to vector<256x1024xi32>
    %jit3A_143 = arith.constant 0 : i32
    %jit3A_144 = arith.constant 127 : i32
    %max3A_145 = vector.broadcast %jit3A_143 : i32 to vector<256x1024xi32>
    %max3A_146 = arith.maxsi %max3A_145, %convert_element_type3A_142 : vector<256x1024xi32>
    %min3A_147 = vector.broadcast %jit3A_144 : i32 to vector<256x1024xi32>
    %min3A_148 = arith.minsi %min3A_147, %max3A_146 : vector<256x1024xi32>
    %add3A_149 = arith.addi %mul3A_138, %min3A_148 : vector<256x1024xi32>
    %swap3A = arith.constant 0 : index
    %swap3A_150 = arith.constant 0 : index
    %swap3A_151 = vector.load %arg9[%swap3A, %swap3A_150] : memref<256x1024xi32, #tpu.memory_space<vmem>>, vector<256x1024xi32>
    tpu.vector_store %arg9[%swap3A, %swap3A_150], %add3A_149 {strides = array<i32>} : memref<256x1024xi32, #tpu.memory_space<vmem>>, vector<256x1024xi32>,
    return
  }
  func.func @transform_0(%arg0: i32) -> (i32, i32) {
    %c0_i32 = arith.constant 0 : i32
    %c0_i32_0 = arith.constant 0 : i32
    return %arg0, %c0_i32 : i32, i32
  }
  func.func @transform_1(%arg0: i32) -> (i32, i32) {
    %c0_i32 = arith.constant 0 : i32
    %c0_i32_0 = arith.constant 0 : i32
    return %arg0, %c0_i32 : i32, i32
  }
  func.func @transform_2(%arg0: i32) -> (i32, i32) {
    %c0_i32 = arith.constant 0 : i32
    %c0_i32_0 = arith.constant 0 : i32
    return %arg0, %c0_i32 : i32, i32
  }
  func.func @transform_3(%arg0: i32) -> (i32, i32) {
    %c0_i32 = arith.constant 0 : i32
    %c0_i32_0 = arith.constant 0 : i32
    return %arg0, %c0_i32 : i32, i32
  }
  func.func @transform_4(%arg0: i32) -> (i32, i32) {
    %c0_i32 = arith.constant 0 : i32
    %c0_i32_0 = arith.constant 0 : i32
    return %arg0, %c0_i32 : i32, i32
  }
  func.func @transform_5(%arg0: i32) -> (i32, i32) {
    %c0_i32 = arith.constant 0 : i32
    %c0_i32_0 = arith.constant 0 : i32
    return %arg0, %c0_i32 : i32, i32
  }
  func.func @transform_6(%arg0: i32) -> (i32, i32) {
    %c0_i32 = arith.constant 0 : i32
    %c0_i32_0 = arith.constant 0 : i32
    %c0_i32_1 = arith.constant 0 : i32
    return %c0_i32, %c0_i32_0 : i32, i32
  }
  func.func @transform_7(%arg0: i32) -> (i32, i32) {
    %c0_i32 = arith.constant 0 : i32
    %c0_i32_0 = arith.constant 0 : i32
    %c0_i32_1 = arith.constant 0 : i32
    return %c0_i32, %c0_i32_0 : i32, i32
  }
  func.func @transform_8(%arg0: i32) -> (i32, i32) {
    %c0_i32 = arith.constant 0 : i32
    %c0_i32_0 = arith.constant 0 : i32
    return %arg0, %c0_i32 : i32, i32
  }
}

module attributes {stable_mosaic.version = 14 : i64} {
  func.func @_index_body(%arg0: i32, %arg1: memref<256x1xf32, #tpu.memory_space<vmem>>, %arg2: memref<256x1xf32, #tpu.memory_space<vmem>>, %arg3: memref<256x1xf32, #tpu.memory_space<vmem>>, %arg4: memref<256x1xf32, #tpu.memory_space<vmem>>, %arg5: memref<256x1xf32, #tpu.memory_space<vmem>>, %arg6: memref<256x1xf32, #tpu.memory_space<vmem>>, %arg7: memref<1x1024xf32, #tpu.memory_space<vmem>>, %arg8: memref<1x1024xf32, #tpu.memory_space<vmem>>, %arg9: memref<256x1024xi32, #tpu.memory_space<vmem>>) attributes {dimension_semantics = [#tpu.dimension_semantics<arbitrary>], iteration_bounds = array<i64: 1>, scalar_prefetch = 0 : i64, scratch_operands = 0 : i64, tpu.core_type = #tpu.core_type<tc>, window_params = [{transform_indices = @transform_0, window_bounds = array<i64: 256, 1>}, {transform_indices = @transform_1, window_bounds = array<i64: 256, 1>}, {transform_indices = @transform_2, window_bounds = array<i64: 256, 1>}, {transform_indices = @transform_3, window_bounds = array<i64: 256, 1>}, {transform_indices = @transform_4, window_bounds = array<i64: 256, 1>}, {transform_indices = @transform_5, window_bounds = array<i64: 256, 1>}, {pipeline_mode = #tpu.pipeline_mode<synchronous>, transform_indices = @transform_6, window_bounds = array<i64: 1, 1024>}, {pipeline_mode = #tpu.pipeline_mode<synchronous>, transform_indices = @transform_7, window_bounds = array<i64: 1, 1024>}, {transform_indices = @transform_8, window_bounds = array<i64: 256, 1024>}]} {
    %get3A = arith.constant 0 : index
    %get3A_0 = arith.constant 0 : index
    %get3A_1 = vector.load %arg1[%get3A, %get3A_0] : memref<256x1xf32, #tpu.memory_space<vmem>>, vector<256x1xf32>
    %get3A_2 = arith.constant 0 : index
    %get3A_3 = arith.constant 0 : index
    %get3A_4 = vector.load %arg2[%get3A_2, %get3A_3] : memref<256x1xf32, #tpu.memory_space<vmem>>, vector<256x1xf32>
    %get3A_5 = arith.constant 0 : index
    %get3A_6 = arith.constant 0 : index
    %get3A_7 = vector.load %arg3[%get3A_5, %get3A_6] : memref<256x1xf32, #tpu.memory_space<vmem>>, vector<256x1xf32>
    %get3A_8 = arith.constant 0 : index
    %get3A_9 = arith.constant 0 : index
    %get3A_10 = vector.load %arg4[%get3A_8, %get3A_9] : memref<256x1xf32, #tpu.memory_space<vmem>>, vector<256x1xf32>
    %get3A_11 = arith.constant 0 : index
    %get3A_12 = arith.constant 0 : index
    %get3A_13 = vector.load %arg5[%get3A_11, %get3A_12] : memref<256x1xf32, #tpu.memory_space<vmem>>, vector<256x1xf32>
    %get3A_14 = arith.constant 0 : index
    %get3A_15 = arith.constant 0 : index
    %get3A_16 = vector.load %arg6[%get3A_14, %get3A_15] : memref<256x1xf32, #tpu.memory_space<vmem>>, vector<256x1xf32>
    %mul3A = arith.mulf %get3A_10, %get3A_10 : vector<256x1xf32>
    %mul3A_17 = arith.mulf %get3A_13, %get3A_13 : vector<256x1xf32>
    %add3A = arith.addf %mul3A, %mul3A_17 : vector<256x1xf32>
    %mul3A_18 = arith.mulf %get3A_16, %get3A_16 : vector<256x1xf32>
    %add3A_19 = arith.addf %add3A, %mul3A_18 : vector<256x1xf32>
    %sqrt3A = math.sqrt %add3A_19 : vector<256x1xf32>
    %add3A_20 = arith.constant 9.99999971E-10 : f32
    %add3A_21 = vector.broadcast %add3A_20 : f32 to vector<256x1xf32>
    %add3A_22 = arith.addf %sqrt3A, %add3A_21 : vector<256x1xf32>
    %div3A = arith.divf %get3A_10, %add3A_22 : vector<256x1xf32>
    %div3A_23 = arith.divf %get3A_13, %add3A_22 : vector<256x1xf32>
    %div3A_24 = arith.divf %get3A_16, %add3A_22 : vector<256x1xf32>
    %abs3A = math.absf %div3A : vector<256x1xf32>
    %gt3A = arith.constant 9.99999971E-10 : f32
    %gt3A_25 = vector.broadcast %gt3A : f32 to vector<256x1xf32>
    %gt3A_26 = arith.cmpf ogt, %abs3A, %gt3A_25 : vector<256x1xf32>
    %jit3A = arith.constant 9.99999971E-10 : f32
    %broadcast_in_dim3A = vector.broadcast %jit3A : f32 to vector<256x1xf32>
    %select_n3A = arith.select %gt3A_26, %div3A, %broadcast_in_dim3A : vector<256x1xi1>, vector<256x1xf32>
    %div3A_27 = arith.constant 1.000000e+00 : f32
    %div3A_28 = vector.broadcast %div3A_27 : f32 to vector<256x1xf32>
    %div3A_29 = arith.divf %div3A_28, %select_n3A : vector<256x1xf32>
    %abs3A_30 = math.absf %div3A_23 : vector<256x1xf32>
    %gt3A_31 = arith.constant 9.99999971E-10 : f32
    %gt3A_32 = vector.broadcast %gt3A_31 : f32 to vector<256x1xf32>
    %gt3A_33 = arith.cmpf ogt, %abs3A_30, %gt3A_32 : vector<256x1xf32>
    %jit3A_34 = arith.constant 9.99999971E-10 : f32
    %broadcast_in_dim3A_35 = vector.broadcast %jit3A_34 : f32 to vector<256x1xf32>
    %select_n3A_36 = arith.select %gt3A_33, %div3A_23, %broadcast_in_dim3A_35 : vector<256x1xi1>, vector<256x1xf32>
    %div3A_37 = arith.constant 1.000000e+00 : f32
    %div3A_38 = vector.broadcast %div3A_37 : f32 to vector<256x1xf32>
    %div3A_39 = arith.divf %div3A_38, %select_n3A_36 : vector<256x1xf32>
    %abs3A_40 = math.absf %div3A_24 : vector<256x1xf32>
    %gt3A_41 = arith.constant 9.99999971E-10 : f32
    %gt3A_42 = vector.broadcast %gt3A_41 : f32 to vector<256x1xf32>
    %gt3A_43 = arith.cmpf ogt, %abs3A_40, %gt3A_42 : vector<256x1xf32>
    %jit3A_44 = arith.constant 9.99999971E-10 : f32
    %broadcast_in_dim3A_45 = vector.broadcast %jit3A_44 : f32 to vector<256x1xf32>
    %select_n3A_46 = arith.select %gt3A_43, %div3A_24, %broadcast_in_dim3A_45 : vector<256x1xi1>, vector<256x1xf32>
    %div3A_47 = arith.constant 1.000000e+00 : f32
    %div3A_48 = vector.broadcast %div3A_47 : f32 to vector<256x1xf32>
    %div3A_49 = arith.divf %div3A_48, %select_n3A_46 : vector<256x1xf32>
    %sub3A = arith.constant 0.000000e+00 : f32
    %sub3A_50 = vector.broadcast %sub3A : f32 to vector<256x1xf32>
    %sub3A_51 = arith.subf %sub3A_50, %get3A_1 : vector<256x1xf32>
    %mul3A_52 = arith.mulf %sub3A_51, %div3A_29 : vector<256x1xf32>
    %sub3A_53 = arith.constant 1.000000e+00 : f32
    %sub3A_54 = vector.broadcast %sub3A_53 : f32 to vector<256x1xf32>
    %sub3A_55 = arith.subf %sub3A_54, %get3A_1 : vector<256x1xf32>
    %mul3A_56 = arith.mulf %sub3A_55, %div3A_29 : vector<256x1xf32>
    %sub3A_57 = arith.constant 0.000000e+00 : f32
    %sub3A_58 = vector.broadcast %sub3A_57 : f32 to vector<256x1xf32>
    %sub3A_59 = arith.subf %sub3A_58, %get3A_4 : vector<256x1xf32>
    %mul3A_60 = arith.mulf %sub3A_59, %div3A_39 : vector<256x1xf32>
    %sub3A_61 = arith.constant 1.000000e+00 : f32
    %sub3A_62 = vector.broadcast %sub3A_61 : f32 to vector<256x1xf32>
    %sub3A_63 = arith.subf %sub3A_62, %get3A_4 : vector<256x1xf32>
    %mul3A_64 = arith.mulf %sub3A_63, %div3A_39 : vector<256x1xf32>
    %sub3A_65 = arith.constant 0.000000e+00 : f32
    %sub3A_66 = vector.broadcast %sub3A_65 : f32 to vector<256x1xf32>
    %sub3A_67 = arith.subf %sub3A_66, %get3A_7 : vector<256x1xf32>
    %mul3A_68 = arith.mulf %sub3A_67, %div3A_49 : vector<256x1xf32>
    %sub3A_69 = arith.constant 1.000000e+00 : f32
    %sub3A_70 = vector.broadcast %sub3A_69 : f32 to vector<256x1xf32>
    %sub3A_71 = arith.subf %sub3A_70, %get3A_7 : vector<256x1xf32>
    %mul3A_72 = arith.mulf %sub3A_71, %div3A_49 : vector<256x1xf32>
    %min3A = arith.minimumf %mul3A_52, %mul3A_56 : vector<256x1xf32>
    %min3A_73 = arith.minimumf %mul3A_60, %mul3A_64 : vector<256x1xf32>
    %max3A = arith.maximumf %min3A, %min3A_73 : vector<256x1xf32>
    %min3A_74 = arith.minimumf %mul3A_68, %mul3A_72 : vector<256x1xf32>
    %max3A_75 = arith.maximumf %max3A, %min3A_74 : vector<256x1xf32>
    %max3A_76 = arith.constant 5.000000e-02 : f32
    %max3A_77 = vector.broadcast %max3A_76 : f32 to vector<256x1xf32>
    %max3A_78 = arith.maximumf %max3A_75, %max3A_77 : vector<256x1xf32>
    %get3A_79 = arith.constant 0 : index
    %get3A_80 = arith.constant 0 : index
    %get3A_81 = vector.load %arg7[%get3A_79, %get3A_80] : memref<1x1024xf32, #tpu.memory_space<vmem>>, vector<1x1024xf32>
    %mul3A_82 = vector.broadcast %max3A_78 : vector<256x1xf32> to vector<256x1024xf32>
    %mul3A_83 = vector.broadcast %get3A_81 : vector<1x1024xf32> to vector<256x1024xf32>
    %mul3A_84 = arith.mulf %mul3A_82, %mul3A_83 : vector<256x1024xf32>
    %get3A_85 = arith.constant 0 : index
    %get3A_86 = arith.constant 0 : index
    %get3A_87 = vector.load %arg8[%get3A_85, %get3A_86] : memref<1x1024xf32, #tpu.memory_space<vmem>>, vector<1x1024xf32>
    %add3A_88 = vector.broadcast %max3A_78 : vector<256x1xf32> to vector<256x1024xf32>
    %add3A_89 = vector.broadcast %get3A_87 : vector<1x1024xf32> to vector<256x1024xf32>
    %add3A_90 = arith.addf %add3A_88, %add3A_89 : vector<256x1024xf32>
    %max3A_91 = arith.maximumf %mul3A_84, %add3A_90 : vector<256x1024xf32>
    %get3A_92 = arith.constant 0 : index
    %get3A_93 = arith.constant 0 : index
    %get3A_94 = vector.load %arg1[%get3A_92, %get3A_93] : memref<256x1xf32, #tpu.memory_space<vmem>>, vector<256x1xf32>
    %mul3A_95 = vector.broadcast %div3A : vector<256x1xf32> to vector<256x1024xf32>
    %mul3A_96 = arith.mulf %mul3A_95, %max3A_91 : vector<256x1024xf32>
    %add3A_97 = vector.broadcast %get3A_94 : vector<256x1xf32> to vector<256x1024xf32>
    %add3A_98 = arith.addf %add3A_97, %mul3A_96 : vector<256x1024xf32>
    %get3A_99 = arith.constant 0 : index
    %get3A_100 = arith.constant 0 : index
    %get3A_101 = vector.load %arg2[%get3A_99, %get3A_100] : memref<256x1xf32, #tpu.memory_space<vmem>>, vector<256x1xf32>
    %mul3A_102 = vector.broadcast %div3A_23 : vector<256x1xf32> to vector<256x1024xf32>
    %mul3A_103 = arith.mulf %mul3A_102, %max3A_91 : vector<256x1024xf32>
    %add3A_104 = vector.broadcast %get3A_101 : vector<256x1xf32> to vector<256x1024xf32>
    %add3A_105 = arith.addf %add3A_104, %mul3A_103 : vector<256x1024xf32>
    %get3A_106 = arith.constant 0 : index
    %get3A_107 = arith.constant 0 : index
    %get3A_108 = vector.load %arg3[%get3A_106, %get3A_107] : memref<256x1xf32, #tpu.memory_space<vmem>>, vector<256x1xf32>
    %mul3A_109 = vector.broadcast %div3A_24 : vector<256x1xf32> to vector<256x1024xf32>
    %mul3A_110 = arith.mulf %mul3A_109, %max3A_91 : vector<256x1024xf32>
    %add3A_111 = vector.broadcast %get3A_108 : vector<256x1xf32> to vector<256x1024xf32>
    %add3A_112 = arith.addf %add3A_111, %mul3A_110 : vector<256x1024xf32>
    %mul3A_113 = arith.constant 1.280000e+02 : f32
    %mul3A_114 = vector.broadcast %mul3A_113 : f32 to vector<256x1024xf32>
    %mul3A_115 = arith.mulf %add3A_98, %mul3A_114 : vector<256x1024xf32>
    %convert_element_type3A = arith.fptosi %mul3A_115 : vector<256x1024xf32> to vector<256x1024xi32>
    %jit3A_116 = arith.constant 0 : i32
    %jit3A_117 = arith.constant 127 : i32
    %max3A_118 = vector.broadcast %jit3A_116 : i32 to vector<256x1024xi32>
    %max3A_119 = arith.maxsi %max3A_118, %convert_element_type3A : vector<256x1024xi32>
    %min3A_120 = vector.broadcast %jit3A_117 : i32 to vector<256x1024xi32>
    %min3A_121 = arith.minsi %min3A_120, %max3A_119 : vector<256x1024xi32>
    %mul3A_122 = arith.constant 128 : i32
    %mul3A_123 = vector.broadcast %mul3A_122 : i32 to vector<256x1024xi32>
    %mul3A_124 = arith.muli %min3A_121, %mul3A_123 : vector<256x1024xi32>
    %mul3A_125 = arith.constant 1.280000e+02 : f32
    %mul3A_126 = vector.broadcast %mul3A_125 : f32 to vector<256x1024xf32>
    %mul3A_127 = arith.mulf %add3A_105, %mul3A_126 : vector<256x1024xf32>
    %convert_element_type3A_128 = arith.fptosi %mul3A_127 : vector<256x1024xf32> to vector<256x1024xi32>
    %jit3A_129 = arith.constant 0 : i32
    %jit3A_130 = arith.constant 127 : i32
    %max3A_131 = vector.broadcast %jit3A_129 : i32 to vector<256x1024xi32>
    %max3A_132 = arith.maxsi %max3A_131, %convert_element_type3A_128 : vector<256x1024xi32>
    %min3A_133 = vector.broadcast %jit3A_130 : i32 to vector<256x1024xi32>
    %min3A_134 = arith.minsi %min3A_133, %max3A_132 : vector<256x1024xi32>
    %add3A_135 = arith.addi %mul3A_124, %min3A_134 : vector<256x1024xi32>
    %mul3A_136 = arith.constant 128 : i32
    %mul3A_137 = vector.broadcast %mul3A_136 : i32 to vector<256x1024xi32>
    %mul3A_138 = arith.muli %add3A_135, %mul3A_137 : vector<256x1024xi32>
    %mul3A_139 = arith.constant 1.280000e+02 : f32
    %mul3A_140 = vector.broadcast %mul3A_139 : f32 to vector<256x1024xf32>
    %mul3A_141 = arith.mulf %add3A_112, %mul3A_140 : vector<256x1024xf32>
    %convert_element_type3A_142 = arith.fptosi %mul3A_141 : vector<256x1024xf32> to vector<256x1024xi32>
    %jit3A_143 = arith.constant 0 : i32
    %jit3A_144 = arith.constant 127 : i32
    %max3A_145 = vector.broadcast %jit3A_143 : i32 to vector<256x1024xi32>
    %max3A_146 = arith.maxsi %max3A_145, %convert_element_type3A_142 : vector<256x1024xi32>
    %min3A_147 = vector.broadcast %jit3A_144 : i32 to vector<256x1024xi32>
    %min3A_148 = arith.minsi %min3A_147, %max3A_146 : vector<256x1024xi32>
    %add3A_149 = arith.addi %mul3A_138, %min3A_148 : vector<256x1024xi32>
    %swap3A = arith.constant 0 : index
    %swap3A_150 = arith.constant 0 : index
    %swap3A_151 = vector.load %arg9[%swap3A, %swap3A_150] : memref<256x1024xi32, #tpu.memory_space<vmem>>, vector<256x1024xi32>
    tpu.vector_store %arg9[%swap3A, %swap3A_150], %add3A_149 {strides = array<i32>} : memref<256x1024xi32, #tpu.memory_space<vmem>>, vector<256x1024xi32>,
    return
  }
  func.func @transform_0(%arg0: i32) -> (i32, i32) {
    %c0_i32 = arith.constant 0 : i32
    %c0_i32_0 = arith.constant 0 : i32
    return %arg0, %c0_i32 : i32, i32
  }
  func.func @transform_1(%arg0: i32) -> (i32, i32) {
    %c0_i32 = arith.constant 0 : i32
    %c0_i32_0 = arith.constant 0 : i32
    return %arg0, %c0_i32 : i32, i32
  }
  func.func @transform_2(%arg0: i32) -> (i32, i32) {
    %c0_i32 = arith.constant 0 : i32
    %c0_i32_0 = arith.constant 0 : i32
    return %arg0, %c0_i32 : i32, i32
  }
  func.func @transform_3(%arg0: i32) -> (i32, i32) {
    %c0_i32 = arith.constant 0 : i32
    %c0_i32_0 = arith.constant 0 : i32
    return %arg0, %c0_i32 : i32, i32
  }
  func.func @transform_4(%arg0: i32) -> (i32, i32) {
    %c0_i32 = arith.constant 0 : i32
    %c0_i32_0 = arith.constant 0 : i32
    return %arg0, %c0_i32 : i32, i32
  }
  func.func @transform_5(%arg0: i32) -> (i32, i32) {
    %c0_i32 = arith.constant 0 : i32
    %c0_i32_0 = arith.constant 0 : i32
    return %arg0, %c0_i32 : i32, i32
  }
  func.func @transform_6(%arg0: i32) -> (i32, i32) {
    %c0_i32 = arith.constant 0 : i32
    %c0_i32_0 = arith.constant 0 : i32
    %c0_i32_1 = arith.constant 0 : i32
    return %c0_i32, %c0_i32_0 : i32, i32
  }
  func.func @transform_7(%arg0: i32) -> (i32, i32) {
    %c0_i32 = arith.constant 0 : i32
    %c0_i32_0 = arith.constant 0 : i32
    %c0_i32_1 = arith.constant 0 : i32
    return %c0_i32, %c0_i32_0 : i32, i32
  }
  func.func @transform_8(%arg0: i32) -> (i32, i32) {
    %c0_i32 = arith.constant 0 : i32
    %c0_i32_0 = arith.constant 0 : i32
    return %arg0, %c0_i32 : i32, i32
  }
}

module attributes {stable_mosaic.version = 14 : i64} {
  func.func @_gridsum_body(%arg0: i32, %arg1: memref<128x1024xf32, #tpu.memory_space<vmem>>, %arg2: memref<1x1xf32, #tpu.memory_space<vmem>>) attributes {dimension_semantics = [#tpu.dimension_semantics<arbitrary>], iteration_bounds = array<i64: 16>, scalar_prefetch = 0 : i64, scratch_operands = 0 : i64, tpu.core_type = #tpu.core_type<tc>, window_params = [{transform_indices = @transform_0, window_bounds = array<i64: 128, 1024>}, {pipeline_mode = #tpu.pipeline_mode<synchronous>, transform_indices = @transform_1, window_bounds = array<i64: 1, 1>}]} {
    %eq3A = arith.constant 0 : i32
    %eq3A_0 = arith.cmpi eq, %arg0, %eq3A : i32
    %convert_element_type3A = arith.extui %eq3A_0 : i1 to i32
    %cond3A = arith.constant 0 : i32
    %cond3A_1 = arith.cmpi ne, %convert_element_type3A, %cond3A : i32
    scf.if %cond3A_1 {
      %broadcast_in_dim3A_13 = arith.constant 0.000000e+00 : f32
      %broadcast_in_dim3A_14 = vector.broadcast %broadcast_in_dim3A_13 : f32 to vector<1x1xf32>
      %swap3A_15 = arith.constant 0 : index
      %swap3A_16 = arith.constant 0 : index
      %swap3A_17 = vector.load %arg2[%swap3A_15, %swap3A_16] : memref<1x1xf32, #tpu.memory_space<vmem>>, vector<1x1xf32>
      tpu.vector_store %arg2[%swap3A_15, %swap3A_16], %broadcast_in_dim3A_14 {strides = array<i32>} : memref<1x1xf32, #tpu.memory_space<vmem>>, vector<1x1xf32>,
    } else {
    }
    %get3A = arith.constant 0 : index
    %get3A_2 = arith.constant 0 : index
    %get3A_3 = vector.load %arg2[%get3A, %get3A_2] : memref<1x1xf32, #tpu.memory_space<vmem>>, vector<1x1xf32>
    %get3A_4 = arith.constant 0 : index
    %get3A_5 = arith.constant 0 : index
    %get3A_6 = vector.load %arg1[%get3A_4, %get3A_5] : memref<128x1024xf32, #tpu.memory_space<vmem>>, vector<128x1024xf32>
    %reduce_sum3A = vector.shape_cast %get3A_6 : vector<128x1024xf32> to vector<1x128x1024xf32>
    %reduce_sum3A_7 = arith.constant dense<0.000000e+00> : vector<1xf32>
    %reduce_sum3A_8 = vector.multi_reduction <add>, %reduce_sum3A, %reduce_sum3A_7 [1, 2] : vector<1x128x1024xf32> to vector<1xf32>
    %reduce_sum3A_9 = vector.shape_cast %reduce_sum3A_8 : vector<1xf32> to vector<1x1x1xf32>
    %reduce_sum3A_10 = vector.extract %reduce_sum3A_9[0, 0, 0] : f32 from vector<1x1x1xf32>
    %broadcast_in_dim3A = vector.broadcast %reduce_sum3A_10 : f32 to vector<1x1xf32>
    %add3A = arith.addf %get3A_3, %broadcast_in_dim3A : vector<1x1xf32>
    %swap3A = arith.constant 0 : index
    %swap3A_11 = arith.constant 0 : index
    %swap3A_12 = vector.load %arg2[%swap3A, %swap3A_11] : memref<1x1xf32, #tpu.memory_space<vmem>>, vector<1x1xf32>
    tpu.vector_store %arg2[%swap3A, %swap3A_11], %add3A {strides = array<i32>} : memref<1x1xf32, #tpu.memory_space<vmem>>, vector<1x1xf32>,
    return
  }
  func.func @transform_0(%arg0: i32) -> (i32, i32) {
    %c0_i32 = arith.constant 0 : i32
    %c0_i32_0 = arith.constant 0 : i32
    return %arg0, %c0_i32 : i32, i32
  }
  func.func @transform_1(%arg0: i32) -> (i32, i32) {
    %c0_i32 = arith.constant 0 : i32
    %c0_i32_0 = arith.constant 0 : i32
    %c0_i32_1 = arith.constant 0 : i32
    return %c0_i32, %c0_i32_0 : i32, i32
  }
}

module attributes {stable_mosaic.version = 14 : i64} {
  func.func @_lambda_(%arg0: i32, %arg1: i32, %arg2: memref<256x1xf32, #tpu.memory_space<vmem>>, %arg3: memref<256x1xf32, #tpu.memory_space<vmem>>, %arg4: memref<256x1xf32, #tpu.memory_space<vmem>>, %arg5: memref<256x1xf32, #tpu.memory_space<vmem>>, %arg6: memref<256x1xf32, #tpu.memory_space<vmem>>, %arg7: memref<256x1xf32, #tpu.memory_space<vmem>>, %arg8: memref<256x128xf32, #tpu.memory_space<vmem>>, %arg9: memref<1x1xf32, #tpu.memory_space<vmem>>, %arg10: memref<1x1024xf32, #tpu.memory_space<vmem>>, %arg11: memref<1x1024xf32, #tpu.memory_space<vmem>>, %arg12: memref<256x1024xf32, #tpu.memory_space<vmem>>, %arg13: memref<256x1xi32, #tpu.memory_space<vmem>>) attributes {dimension_semantics = [#tpu.dimension_semantics<arbitrary>, #tpu.dimension_semantics<arbitrary>], iteration_bounds = array<i64: 5, 8>, scalar_prefetch = 0 : i64, scratch_operands = 0 : i64, tpu.core_type = #tpu.core_type<tc>, window_params = [{transform_indices = @transform_0, window_bounds = array<i64: 256, 1>}, {transform_indices = @transform_1, window_bounds = array<i64: 256, 1>}, {transform_indices = @transform_2, window_bounds = array<i64: 256, 1>}, {transform_indices = @transform_3, window_bounds = array<i64: 256, 1>}, {transform_indices = @transform_4, window_bounds = array<i64: 256, 1>}, {transform_indices = @transform_5, window_bounds = array<i64: 256, 1>}, {transform_indices = @transform_6, window_bounds = array<i64: 256, 128>}, {pipeline_mode = #tpu.pipeline_mode<synchronous>, transform_indices = @transform_7, window_bounds = array<i64: 1, 1>}, {transform_indices = @transform_8, window_bounds = array<i64: 1, 1024>}, {transform_indices = @transform_9, window_bounds = array<i64: 1, 1024>}, {transform_indices = @transform_10, window_bounds = array<i64: 256, 1024>}, {transform_indices = @transform_11, window_bounds = array<i64: 256, 1>}]} {
    %get3A = arith.constant 0 : index
    %get3A_0 = arith.constant 0 : index
    %get3A_1 = vector.load %arg2[%get3A, %get3A_0] : memref<256x1xf32, #tpu.memory_space<vmem>>, vector<256x1xf32>
    %get3A_2 = arith.constant 0 : index
    %get3A_3 = arith.constant 0 : index
    %get3A_4 = vector.load %arg3[%get3A_2, %get3A_3] : memref<256x1xf32, #tpu.memory_space<vmem>>, vector<256x1xf32>
    %get3A_5 = arith.constant 0 : index
    %get3A_6 = arith.constant 0 : index
    %get3A_7 = vector.load %arg4[%get3A_5, %get3A_6] : memref<256x1xf32, #tpu.memory_space<vmem>>, vector<256x1xf32>
    %get3A_8 = arith.constant 0 : index
    %get3A_9 = arith.constant 0 : index
    %get3A_10 = vector.load %arg5[%get3A_8, %get3A_9] : memref<256x1xf32, #tpu.memory_space<vmem>>, vector<256x1xf32>
    %get3A_11 = arith.constant 0 : index
    %get3A_12 = arith.constant 0 : index
    %get3A_13 = vector.load %arg6[%get3A_11, %get3A_12] : memref<256x1xf32, #tpu.memory_space<vmem>>, vector<256x1xf32>
    %get3A_14 = arith.constant 0 : index
    %get3A_15 = arith.constant 0 : index
    %get3A_16 = vector.load %arg7[%get3A_14, %get3A_15] : memref<256x1xf32, #tpu.memory_space<vmem>>, vector<256x1xf32>
    %mul3A = arith.mulf %get3A_10, %get3A_10 : vector<256x1xf32>
    %mul3A_17 = arith.mulf %get3A_13, %get3A_13 : vector<256x1xf32>
    %add3A = arith.addf %mul3A, %mul3A_17 : vector<256x1xf32>
    %mul3A_18 = arith.mulf %get3A_16, %get3A_16 : vector<256x1xf32>
    %add3A_19 = arith.addf %add3A, %mul3A_18 : vector<256x1xf32>
    %sqrt3A = math.sqrt %add3A_19 : vector<256x1xf32>
    %add3A_20 = arith.constant 9.99999971E-10 : f32
    %add3A_21 = vector.broadcast %add3A_20 : f32 to vector<256x1xf32>
    %add3A_22 = arith.addf %sqrt3A, %add3A_21 : vector<256x1xf32>
    %div3A = arith.divf %get3A_10, %add3A_22 : vector<256x1xf32>
    %div3A_23 = arith.divf %get3A_13, %add3A_22 : vector<256x1xf32>
    %div3A_24 = arith.divf %get3A_16, %add3A_22 : vector<256x1xf32>
    %abs3A = math.absf %div3A : vector<256x1xf32>
    %gt3A = arith.constant 9.99999971E-10 : f32
    %gt3A_25 = vector.broadcast %gt3A : f32 to vector<256x1xf32>
    %gt3A_26 = arith.cmpf ogt, %abs3A, %gt3A_25 : vector<256x1xf32>
    %jit3A = arith.constant 9.99999971E-10 : f32
    %broadcast_in_dim3A = vector.broadcast %jit3A : f32 to vector<256x1xf32>
    %select_n3A = arith.select %gt3A_26, %div3A, %broadcast_in_dim3A : vector<256x1xi1>, vector<256x1xf32>
    %div3A_27 = arith.constant 1.000000e+00 : f32
    %div3A_28 = vector.broadcast %div3A_27 : f32 to vector<256x1xf32>
    %div3A_29 = arith.divf %div3A_28, %select_n3A : vector<256x1xf32>
    %abs3A_30 = math.absf %div3A_23 : vector<256x1xf32>
    %gt3A_31 = arith.constant 9.99999971E-10 : f32
    %gt3A_32 = vector.broadcast %gt3A_31 : f32 to vector<256x1xf32>
    %gt3A_33 = arith.cmpf ogt, %abs3A_30, %gt3A_32 : vector<256x1xf32>
    %jit3A_34 = arith.constant 9.99999971E-10 : f32
    %broadcast_in_dim3A_35 = vector.broadcast %jit3A_34 : f32 to vector<256x1xf32>
    %select_n3A_36 = arith.select %gt3A_33, %div3A_23, %broadcast_in_dim3A_35 : vector<256x1xi1>, vector<256x1xf32>
    %div3A_37 = arith.constant 1.000000e+00 : f32
    %div3A_38 = vector.broadcast %div3A_37 : f32 to vector<256x1xf32>
    %div3A_39 = arith.divf %div3A_38, %select_n3A_36 : vector<256x1xf32>
    %abs3A_40 = math.absf %div3A_24 : vector<256x1xf32>
    %gt3A_41 = arith.constant 9.99999971E-10 : f32
    %gt3A_42 = vector.broadcast %gt3A_41 : f32 to vector<256x1xf32>
    %gt3A_43 = arith.cmpf ogt, %abs3A_40, %gt3A_42 : vector<256x1xf32>
    %jit3A_44 = arith.constant 9.99999971E-10 : f32
    %broadcast_in_dim3A_45 = vector.broadcast %jit3A_44 : f32 to vector<256x1xf32>
    %select_n3A_46 = arith.select %gt3A_43, %div3A_24, %broadcast_in_dim3A_45 : vector<256x1xi1>, vector<256x1xf32>
    %div3A_47 = arith.constant 1.000000e+00 : f32
    %div3A_48 = vector.broadcast %div3A_47 : f32 to vector<256x1xf32>
    %div3A_49 = arith.divf %div3A_48, %select_n3A_46 : vector<256x1xf32>
    %sub3A = arith.constant 0.000000e+00 : f32
    %sub3A_50 = vector.broadcast %sub3A : f32 to vector<256x1xf32>
    %sub3A_51 = arith.subf %sub3A_50, %get3A_1 : vector<256x1xf32>
    %mul3A_52 = arith.mulf %sub3A_51, %div3A_29 : vector<256x1xf32>
    %sub3A_53 = arith.constant 1.000000e+00 : f32
    %sub3A_54 = vector.broadcast %sub3A_53 : f32 to vector<256x1xf32>
    %sub3A_55 = arith.subf %sub3A_54, %get3A_1 : vector<256x1xf32>
    %mul3A_56 = arith.mulf %sub3A_55, %div3A_29 : vector<256x1xf32>
    %sub3A_57 = arith.constant 0.000000e+00 : f32
    %sub3A_58 = vector.broadcast %sub3A_57 : f32 to vector<256x1xf32>
    %sub3A_59 = arith.subf %sub3A_58, %get3A_4 : vector<256x1xf32>
    %mul3A_60 = arith.mulf %sub3A_59, %div3A_39 : vector<256x1xf32>
    %sub3A_61 = arith.constant 1.000000e+00 : f32
    %sub3A_62 = vector.broadcast %sub3A_61 : f32 to vector<256x1xf32>
    %sub3A_63 = arith.subf %sub3A_62, %get3A_4 : vector<256x1xf32>
    %mul3A_64 = arith.mulf %sub3A_63, %div3A_39 : vector<256x1xf32>
    %sub3A_65 = arith.constant 0.000000e+00 : f32
    %sub3A_66 = vector.broadcast %sub3A_65 : f32 to vector<256x1xf32>
    %sub3A_67 = arith.subf %sub3A_66, %get3A_7 : vector<256x1xf32>
    %mul3A_68 = arith.mulf %sub3A_67, %div3A_49 : vector<256x1xf32>
    %sub3A_69 = arith.constant 1.000000e+00 : f32
    %sub3A_70 = vector.broadcast %sub3A_69 : f32 to vector<256x1xf32>
    %sub3A_71 = arith.subf %sub3A_70, %get3A_7 : vector<256x1xf32>
    %mul3A_72 = arith.mulf %sub3A_71, %div3A_49 : vector<256x1xf32>
    %min3A = arith.minimumf %mul3A_52, %mul3A_56 : vector<256x1xf32>
    %min3A_73 = arith.minimumf %mul3A_60, %mul3A_64 : vector<256x1xf32>
    %max3A = arith.maximumf %min3A, %min3A_73 : vector<256x1xf32>
    %min3A_74 = arith.minimumf %mul3A_68, %mul3A_72 : vector<256x1xf32>
    %max3A_75 = arith.maximumf %max3A, %min3A_74 : vector<256x1xf32>
    %max3A_76 = arith.constant 5.000000e-02 : f32
    %max3A_77 = vector.broadcast %max3A_76 : f32 to vector<256x1xf32>
    %max3A_78 = arith.maximumf %max3A_75, %max3A_77 : vector<256x1xf32>
    %max3A_79 = arith.maximumf %mul3A_52, %mul3A_56 : vector<256x1xf32>
    %max3A_80 = arith.maximumf %mul3A_60, %mul3A_64 : vector<256x1xf32>
    %min3A_81 = arith.minimumf %max3A_79, %max3A_80 : vector<256x1xf32>
    %max3A_82 = arith.maximumf %mul3A_68, %mul3A_72 : vector<256x1xf32>
    %min3A_83 = arith.minimumf %min3A_81, %max3A_82 : vector<256x1xf32>
    %get3A_84 = arith.constant 0 : index
    %get3A_85 = arith.constant 0 : index
    %get3A_86 = vector.load %arg10[%get3A_84, %get3A_85] : memref<1x1024xf32, #tpu.memory_space<vmem>>, vector<1x1024xf32>
    %mul3A_87 = vector.broadcast %max3A_78 : vector<256x1xf32> to vector<256x1024xf32>
    %mul3A_88 = vector.broadcast %get3A_86 : vector<1x1024xf32> to vector<256x1024xf32>
    %mul3A_89 = arith.mulf %mul3A_87, %mul3A_88 : vector<256x1024xf32>
    %get3A_90 = arith.constant 0 : index
    %get3A_91 = arith.constant 0 : index
    %get3A_92 = vector.load %arg11[%get3A_90, %get3A_91] : memref<1x1024xf32, #tpu.memory_space<vmem>>, vector<1x1024xf32>
    %add3A_93 = vector.broadcast %max3A_78 : vector<256x1xf32> to vector<256x1024xf32>
    %add3A_94 = vector.broadcast %get3A_92 : vector<1x1024xf32> to vector<256x1024xf32>
    %add3A_95 = arith.addf %add3A_93, %add3A_94 : vector<256x1024xf32>
    %max3A_96 = arith.maximumf %mul3A_89, %add3A_95 : vector<256x1024xf32>
    %mul3A_97 = arith.constant 3.906250e-03 : f32
    %mul3A_98 = vector.broadcast %mul3A_97 : f32 to vector<256x1024xf32>
    %mul3A_99 = arith.mulf %max3A_96, %mul3A_98 : vector<256x1024xf32>
    %jit3A_100 = arith.constant 0.00169145584 : f32
    %jit3A_101 = arith.constant 0.108253174 : f32
    %max3A_102 = vector.broadcast %jit3A_100 : f32 to vector<256x1024xf32>
    %max3A_103 = arith.maximumf %max3A_102, %mul3A_99 : vector<256x1024xf32>
    %min3A_104 = vector.broadcast %jit3A_101 : f32 to vector<256x1024xf32>
    %min3A_105 = arith.minimumf %min3A_104, %max3A_103 : vector<256x1024xf32>
    %get3A_106 = arith.constant 0 : index
    %get3A_107 = arith.constant 0 : index
    %get3A_108 = vector.load %arg2[%get3A_106, %get3A_107] : memref<256x1xf32, #tpu.memory_space<vmem>>, vector<256x1xf32>
    %mul3A_109 = vector.broadcast %div3A : vector<256x1xf32> to vector<256x1024xf32>
    %mul3A_110 = arith.mulf %mul3A_109, %max3A_96 : vector<256x1024xf32>
    %add3A_111 = vector.broadcast %get3A_108 : vector<256x1xf32> to vector<256x1024xf32>
    %add3A_112 = arith.addf %add3A_111, %mul3A_110 : vector<256x1024xf32>
    %get3A_113 = arith.constant 0 : index
    %get3A_114 = arith.constant 0 : index
    %get3A_115 = vector.load %arg3[%get3A_113, %get3A_114] : memref<256x1xf32, #tpu.memory_space<vmem>>, vector<256x1xf32>
    %mul3A_116 = vector.broadcast %div3A_23 : vector<256x1xf32> to vector<256x1024xf32>
    %mul3A_117 = arith.mulf %mul3A_116, %max3A_96 : vector<256x1024xf32>
    %add3A_118 = vector.broadcast %get3A_115 : vector<256x1xf32> to vector<256x1024xf32>
    %add3A_119 = arith.addf %add3A_118, %mul3A_117 : vector<256x1024xf32>
    %get3A_120 = arith.constant 0 : index
    %get3A_121 = arith.constant 0 : index
    %get3A_122 = vector.load %arg4[%get3A_120, %get3A_121] : memref<256x1xf32, #tpu.memory_space<vmem>>, vector<256x1xf32>
    %mul3A_123 = vector.broadcast %div3A_24 : vector<256x1xf32> to vector<256x1024xf32>
    %mul3A_124 = arith.mulf %mul3A_123, %max3A_96 : vector<256x1024xf32>
    %add3A_125 = vector.broadcast %get3A_122 : vector<256x1xf32> to vector<256x1024xf32>
    %add3A_126 = arith.addf %add3A_125, %mul3A_124 : vector<256x1024xf32>
    %lt3A = vector.broadcast %min3A_83 : vector<256x1xf32> to vector<256x1024xf32>
    %lt3A_127 = arith.cmpf olt, %max3A_96, %lt3A : vector<256x1024xf32>
    %ge3A = arith.constant 0.000000e+00 : f32
    %ge3A_128 = vector.broadcast %ge3A : f32 to vector<256x1024xf32>
    %ge3A_129 = arith.cmpf oge, %add3A_112, %ge3A_128 : vector<256x1024xf32>
    %and3A = arith.andi %lt3A_127, %ge3A_129 : vector<256x1024xi1>
    %lt3A_130 = arith.constant 1.000000e+00 : f32
    %lt3A_131 = vector.broadcast %lt3A_130 : f32 to vector<256x1024xf32>
    %lt3A_132 = arith.cmpf olt, %add3A_112, %lt3A_131 : vector<256x1024xf32>
    %and3A_133 = arith.andi %and3A, %lt3A_132 : vector<256x1024xi1>
    %ge3A_134 = arith.constant 0.000000e+00 : f32
    %ge3A_135 = vector.broadcast %ge3A_134 : f32 to vector<256x1024xf32>
    %ge3A_136 = arith.cmpf oge, %add3A_119, %ge3A_135 : vector<256x1024xf32>
    %and3A_137 = arith.andi %and3A_133, %ge3A_136 : vector<256x1024xi1>
    %lt3A_138 = arith.constant 1.000000e+00 : f32
    %lt3A_139 = vector.broadcast %lt3A_138 : f32 to vector<256x1024xf32>
    %lt3A_140 = arith.cmpf olt, %add3A_119, %lt3A_139 : vector<256x1024xf32>
    %and3A_141 = arith.andi %and3A_137, %lt3A_140 : vector<256x1024xi1>
    %ge3A_142 = arith.constant 0.000000e+00 : f32
    %ge3A_143 = vector.broadcast %ge3A_142 : f32 to vector<256x1024xf32>
    %ge3A_144 = arith.cmpf oge, %add3A_126, %ge3A_143 : vector<256x1024xf32>
    %and3A_145 = arith.andi %and3A_141, %ge3A_144 : vector<256x1024xi1>
    %lt3A_146 = arith.constant 1.000000e+00 : f32
    %lt3A_147 = vector.broadcast %lt3A_146 : f32 to vector<256x1024xf32>
    %lt3A_148 = arith.cmpf olt, %add3A_126, %lt3A_147 : vector<256x1024xf32>
    %and3A_149 = arith.andi %and3A_145, %lt3A_148 : vector<256x1024xi1>
    %iota3A = tpu.iota {dimensions = array<i32: 0>} : vector<128x1024xi32>
    %iota3A_150 = tpu.iota {dimensions = array<i32: 1>} : vector<128x1024xi32>
    %jit3A_151 = arith.constant 8 : i32
    %div3A_152 = vector.broadcast %jit3A_151 : i32 to vector<128x1024xi32>
    %div3A_153 = arith.divsi %iota3A_150, %div3A_152 : vector<128x1024xi32>
    %sign3A = arith.constant 0 : i32
    %sign3A_154 = vector.broadcast %sign3A : i32 to vector<128x1024xi32>
    %sign3A_155 = arith.cmpi sgt, %iota3A_150, %sign3A_154 : vector<128x1024xi32>
    %sign3A_156 = arith.extui %sign3A_155 : vector<128x1024xi1> to vector<128x1024xi32>
    %sign3A_157 = arith.constant 0 : i32
    %sign3A_158 = vector.broadcast %sign3A_157 : i32 to vector<128x1024xi32>
    %sign3A_159 = arith.cmpi slt, %iota3A_150, %sign3A_158 : vector<128x1024xi32>
    %sign3A_160 = arith.extui %sign3A_159 : vector<128x1024xi1> to vector<128x1024xi32>
    %sign3A_161 = arith.subi %sign3A_156, %sign3A_160 : vector<128x1024xi32>
    %sign3A_162 = arith.constant 0 : i32
    %sign3A_163 = arith.cmpi sgt, %jit3A_151, %sign3A_162 : i32
    %sign3A_164 = arith.extui %sign3A_163 : i1 to i32
    %sign3A_165 = arith.constant 0 : i32
    %sign3A_166 = arith.cmpi slt, %jit3A_151, %sign3A_165 : i32
    %sign3A_167 = arith.extui %sign3A_166 : i1 to i32
    %sign3A_168 = arith.subi %sign3A_164, %sign3A_167 : i32
    %ne3A = vector.broadcast %sign3A_168 : i32 to vector<128x1024xi32>
    %ne3A_169 = arith.cmpi ne, %sign3A_161, %ne3A : vector<128x1024xi32>
    %rem3A = vector.broadcast %jit3A_151 : i32 to vector<128x1024xi32>
    %rem3A_170 = arith.remsi %iota3A_150, %rem3A : vector<128x1024xi32>
    %ne3A_171 = arith.constant 0 : i32
    %ne3A_172 = vector.broadcast %ne3A_171 : i32 to vector<128x1024xi32>
    %ne3A_173 = arith.cmpi ne, %rem3A_170, %ne3A_172 : vector<128x1024xi32>
    %and3A_174 = arith.andi %ne3A_169, %ne3A_173 : vector<128x1024xi1>
    %sub3A_175 = arith.constant 1 : i32
    %sub3A_176 = vector.broadcast %sub3A_175 : i32 to vector<128x1024xi32>
    %sub3A_177 = arith.subi %div3A_153, %sub3A_176 : vector<128x1024xi32>
    %select_n3A_178 = arith.select %and3A_174, %sub3A_177, %div3A_153 : vector<128x1024xi1>, vector<128x1024xi32>
    %eq3A = arith.cmpi eq, %iota3A, %select_n3A_178 : vector<128x1024xi32>
    %convert_element_type3A = arith.extui %eq3A : vector<128x1024xi1> to vector<128x1024xi32>
    %convert_element_type3A_179 = arith.sitofp %convert_element_type3A : vector<128x1024xi32> to vector<128x1024xf32>
    %get3A_180 = arith.constant 0 : index
    %get3A_181 = arith.constant 0 : index
    %get3A_182 = vector.load %arg8[%get3A_180, %get3A_181] : memref<256x128xf32, #tpu.memory_space<vmem>>, vector<256x128xf32>
    %dot_general3A = arith.constant dense<0.000000e+00> : vector<256x1024xf32>
    %dot_general3A_183 = tpu.matmul %get3A_182, %convert_element_type3A_179, %dot_general3A {dimension_numbers = #tpu.dot_dimension_numbers<[1], [0], [0], [1], [0, 0, 1, 1], [], []>, precision = #tpu.contract_precision<fp32>, transpose_lhs_hint = false} : vector<256x128xf32>, vector<128x1024xf32>, vector<256x1024xf32> -> vector<256x1024xf32>
    %get3A_184 = arith.constant 0 : index
    %get3A_185 = arith.constant 0 : index
    %get3A_186 = vector.load %arg9[%get3A_184, %get3A_185] : memref<1x1xf32, #tpu.memory_space<vmem>>, vector<1x1xf32>
    %get3A_187 = vector.extract %get3A_186[0, 0] : f32 from vector<1x1xf32>
    %div3A_188 = arith.constant 0x4A000000 : f32
    %div3A_189 = arith.divf %get3A_187, %div3A_188 : f32
    %min3A_190 = arith.constant 0.00999999977 : f32
    %min3A_191 = arith.minimumf %div3A_189, %min3A_190 : f32
    %gt3A_192 = vector.broadcast %min3A_191 : f32 to vector<256x1024xf32>
    %gt3A_193 = arith.cmpf ogt, %dot_general3A_183, %gt3A_192 : vector<256x1024xf32>
    %and3A_194 = arith.andi %and3A_149, %gt3A_193 : vector<256x1024xi1>
    %convert_element_type3A_195 = arith.extui %and3A_194 : vector<256x1024xi1> to vector<256x1024xi32>
    %convert_element_type3A_196 = arith.sitofp %convert_element_type3A_195 : vector<256x1024xi32> to vector<256x1024xf32>
    %iota3A_197 = tpu.iota {dimensions = array<i32: 1>} : vector<256x1024xi32>
    %jit3A_198 = arith.constant 8 : i32
    %eq3A_199 = arith.constant 0 : i32
    %eq3A_200 = arith.cmpi eq, %jit3A_198, %eq3A_199 : i32
    %jit3A_201 = arith.constant 1 : i32
    %select_n3A_202 = arith.select %eq3A_200, %jit3A_201, %jit3A_198 : i32
    %rem3A_203 = vector.broadcast %select_n3A_202 : i32 to vector<256x1024xi32>
    %rem3A_204 = arith.remsi %iota3A_197, %rem3A_203 : vector<256x1024xi32>
    %ne3A_205 = arith.constant 0 : i32
    %ne3A_206 = vector.broadcast %ne3A_205 : i32 to vector<256x1024xi32>
    %ne3A_207 = arith.cmpi ne, %rem3A_204, %ne3A_206 : vector<256x1024xi32>
    %lt3A_208 = arith.constant 0 : i32
    %lt3A_209 = vector.broadcast %lt3A_208 : i32 to vector<256x1024xi32>
    %lt3A_210 = arith.cmpi slt, %rem3A_204, %lt3A_209 : vector<256x1024xi32>
    %lt3A_211 = arith.constant 0 : i32
    %lt3A_212 = arith.cmpi slt, %select_n3A_202, %lt3A_211 : i32
    %ne3A_213 = vector.broadcast %lt3A_212 : i1 to vector<256x1024xi1>
    %ne3A_214 = vector.broadcast %ne3A_213 : vector<256x1024xi1> to vector<256x1024xi1>
    %ne3A_215 = arith.xori %lt3A_210, %ne3A_214 : vector<256x1024xi1>
    %and3A_216 = arith.andi %ne3A_215, %ne3A_207 : vector<256x1024xi1>
    %add3A_217 = vector.broadcast %select_n3A_202 : i32 to vector<256x1024xi32>
    %add3A_218 = arith.addi %rem3A_204, %add3A_217 : vector<256x1024xi32>
    %select_n3A_219 = arith.select %and3A_216, %add3A_218, %rem3A_204 : vector<256x1024xi1>, vector<256x1024xi32>
    %broadcast_in_dim3A_220 = arith.constant 1.000000e+00 : f32
    %broadcast_in_dim3A_221 = vector.broadcast %broadcast_in_dim3A_220 : f32 to vector<256x1024xf32>
    %eq3A_222 = arith.constant 0 : i32
    %eq3A_223 = vector.broadcast %eq3A_222 : i32 to vector<256x1024xi32>
    %eq3A_224 = arith.cmpi eq, %select_n3A_219, %eq3A_223 : vector<256x1024xi32>
    %eq3A_225 = arith.constant 1 : i32
    %eq3A_226 = vector.broadcast %eq3A_225 : i32 to vector<256x1024xi32>
    %eq3A_227 = arith.cmpi eq, %select_n3A_219, %eq3A_226 : vector<256x1024xi32>
    %eq3A_228 = arith.constant 2 : i32
    %eq3A_229 = vector.broadcast %eq3A_228 : i32 to vector<256x1024xi32>
    %eq3A_230 = arith.cmpi eq, %select_n3A_219, %eq3A_229 : vector<256x1024xi32>
    %eq3A_231 = arith.constant 3 : i32
    %eq3A_232 = vector.broadcast %eq3A_231 : i32 to vector<256x1024xi32>
    %eq3A_233 = arith.cmpi eq, %select_n3A_219, %eq3A_232 : vector<256x1024xi32>
    %eq3A_234 = arith.constant 4 : i32
    %eq3A_235 = vector.broadcast %eq3A_234 : i32 to vector<256x1024xi32>
    %eq3A_236 = arith.cmpi eq, %select_n3A_219, %eq3A_235 : vector<256x1024xi32>
    %mul3A_237 = vector.broadcast %div3A : vector<256x1xf32> to vector<256x1024xf32>
    %mul3A_238 = arith.mulf %mul3A_237, %broadcast_in_dim3A_221 : vector<256x1024xf32>
    %eq3A_239 = arith.constant 5 : i32
    %eq3A_240 = vector.broadcast %eq3A_239 : i32 to vector<256x1024xi32>
    %eq3A_241 = arith.cmpi eq, %select_n3A_219, %eq3A_240 : vector<256x1024xi32>
    %mul3A_242 = vector.broadcast %div3A_23 : vector<256x1xf32> to vector<256x1024xf32>
    %mul3A_243 = arith.mulf %mul3A_242, %broadcast_in_dim3A_221 : vector<256x1024xf32>
    %eq3A_244 = arith.constant 6 : i32
    %eq3A_245 = vector.broadcast %eq3A_244 : i32 to vector<256x1024xi32>
    %eq3A_246 = arith.cmpi eq, %select_n3A_219, %eq3A_245 : vector<256x1024xi32>
    %mul3A_247 = vector.broadcast %div3A_24 : vector<256x1xf32> to vector<256x1024xf32>
    %mul3A_248 = arith.mulf %mul3A_247, %broadcast_in_dim3A_221 : vector<256x1024xf32>
    %select_n3A_249 = arith.select %eq3A_246, %mul3A_248, %dot_general3A_183 : vector<256x1024xi1>, vector<256x1024xf32>
    %select_n3A_250 = arith.select %eq3A_241, %mul3A_243, %select_n3A_249 : vector<256x1024xi1>, vector<256x1024xf32>
    %select_n3A_251 = arith.select %eq3A_236, %mul3A_238, %select_n3A_250 : vector<256x1024xi1>, vector<256x1024xf32>
    %select_n3A_252 = arith.select %eq3A_233, %min3A_105, %select_n3A_251 : vector<256x1024xi1>, vector<256x1024xf32>
    %select_n3A_253 = arith.select %eq3A_230, %add3A_126, %select_n3A_252 : vector<256x1024xi1>, vector<256x1024xf32>
    %select_n3A_254 = arith.select %eq3A_227, %add3A_119, %select_n3A_253 : vector<256x1024xi1>, vector<256x1024xf32>
    %select_n3A_255 = arith.select %eq3A_224, %add3A_112, %select_n3A_254 : vector<256x1024xi1>, vector<256x1024xf32>
    %mul3A_256 = arith.mulf %select_n3A_255, %convert_element_type3A_196 : vector<256x1024xf32>
    %swap3A = arith.constant 0 : index
    %swap3A_257 = arith.constant 0 : index
    %swap3A_258 = vector.load %arg12[%swap3A, %swap3A_257] : memref<256x1024xf32, #tpu.memory_space<vmem>>, vector<256x1024xf32>
    tpu.vector_store %arg12[%swap3A, %swap3A_257], %mul3A_256 {strides = array<i32>} : memref<256x1024xf32, #tpu.memory_space<vmem>>, vector<256x1024xf32>,
    %eq3A_259 = arith.constant 0 : i32
    %eq3A_260 = arith.cmpi eq, %arg1, %eq3A_259 : i32
    %convert_element_type3A_261 = arith.extui %eq3A_260 : i1 to i32
    %cond3A = arith.constant 0 : i32
    %cond3A_262 = arith.cmpi ne, %convert_element_type3A_261, %cond3A : i32
    scf.if %cond3A_262 {
      %broadcast_in_dim3A_304 = arith.constant 0 : i32
      %broadcast_in_dim3A_305 = vector.broadcast %broadcast_in_dim3A_304 : i32 to vector<256x1xi32>
      %swap3A_306 = arith.constant 0 : index
      %swap3A_307 = arith.constant 0 : index
      %swap3A_308 = vector.load %arg13[%swap3A_306, %swap3A_307] : memref<256x1xi32, #tpu.memory_space<vmem>>, vector<256x1xi32>
      tpu.vector_store %arg13[%swap3A_306, %swap3A_307], %broadcast_in_dim3A_305 {strides = array<i32>} : memref<256x1xi32, #tpu.memory_space<vmem>>, vector<256x1xi32>,
    } else {
    }
    %get3A_263 = arith.constant 0 : index
    %get3A_264 = arith.constant 0 : index
    %get3A_265 = vector.load %arg13[%get3A_263, %get3A_264] : memref<256x1xi32, #tpu.memory_space<vmem>>, vector<256x1xi32>
    %convert_element_type3A_266 = arith.extui %and3A_194 : vector<256x1024xi1> to vector<256x1024xi32>
    %reduce_sum3A = arith.constant dense<0> : vector<256xi32>
    %reduce_sum3A_267 = vector.multi_reduction <add>, %convert_element_type3A_266, %reduce_sum3A [1] : vector<256x1024xi32> to vector<256xi32>
    %broadcast_in_dim3A_268 = vector.shape_cast %reduce_sum3A_267 : vector<256xi32> to vector<256x1xi32>
    %jit3A_269 = arith.constant 8 : i32
    %div3A_270 = vector.broadcast %jit3A_269 : i32 to vector<256x1xi32>
    %div3A_271 = arith.divsi %broadcast_in_dim3A_268, %div3A_270 : vector<256x1xi32>
    %sign3A_272 = arith.constant 0 : i32
    %sign3A_273 = vector.broadcast %sign3A_272 : i32 to vector<256x1xi32>
    %sign3A_274 = arith.cmpi sgt, %broadcast_in_dim3A_268, %sign3A_273 : vector<256x1xi32>
    %sign3A_275 = arith.extui %sign3A_274 : vector<256x1xi1> to vector<256x1xi32>
    %sign3A_276 = arith.constant 0 : i32
    %sign3A_277 = vector.broadcast %sign3A_276 : i32 to vector<256x1xi32>
    %sign3A_278 = arith.cmpi slt, %broadcast_in_dim3A_268, %sign3A_277 : vector<256x1xi32>
    %sign3A_279 = arith.extui %sign3A_278 : vector<256x1xi1> to vector<256x1xi32>
    %sign3A_280 = arith.subi %sign3A_275, %sign3A_279 : vector<256x1xi32>
    %sign3A_281 = arith.constant 0 : i32
    %sign3A_282 = arith.cmpi sgt, %jit3A_269, %sign3A_281 : i32
    %sign3A_283 = arith.extui %sign3A_282 : i1 to i32
    %sign3A_284 = arith.constant 0 : i32
    %sign3A_285 = arith.cmpi slt, %jit3A_269, %sign3A_284 : i32
    %sign3A_286 = arith.extui %sign3A_285 : i1 to i32
    %sign3A_287 = arith.subi %sign3A_283, %sign3A_286 : i32
    %ne3A_288 = vector.broadcast %sign3A_287 : i32 to vector<256x1xi32>
    %ne3A_289 = arith.cmpi ne, %sign3A_280, %ne3A_288 : vector<256x1xi32>
    %rem3A_290 = vector.broadcast %jit3A_269 : i32 to vector<256x1xi32>
    %rem3A_291 = arith.remsi %broadcast_in_dim3A_268, %rem3A_290 : vector<256x1xi32>
    %ne3A_292 = arith.constant 0 : i32
    %ne3A_293 = vector.broadcast %ne3A_292 : i32 to vector<256x1xi32>
    %ne3A_294 = arith.cmpi ne, %rem3A_291, %ne3A_293 : vector<256x1xi32>
    %and3A_295 = arith.andi %ne3A_289, %ne3A_294 : vector<256x1xi1>
    %sub3A_296 = arith.constant 1 : i32
    %sub3A_297 = vector.broadcast %sub3A_296 : i32 to vector<256x1xi32>
    %sub3A_298 = arith.subi %div3A_271, %sub3A_297 : vector<256x1xi32>
    %select_n3A_299 = arith.select %and3A_295, %sub3A_298, %div3A_271 : vector<256x1xi1>, vector<256x1xi32>
    %add3A_300 = arith.addi %get3A_265, %select_n3A_299 : vector<256x1xi32>
    %swap3A_301 = arith.constant 0 : index
    %swap3A_302 = arith.constant 0 : index
    %swap3A_303 = vector.load %arg13[%swap3A_301, %swap3A_302] : memref<256x1xi32, #tpu.memory_space<vmem>>, vector<256x1xi32>
    tpu.vector_store %arg13[%swap3A_301, %swap3A_302], %add3A_300 {strides = array<i32>} : memref<256x1xi32, #tpu.memory_space<vmem>>, vector<256x1xi32>,
    return
  }
  func.func @transform_0(%arg0: i32, %arg1: i32) -> (i32, i32) {
    %c0_i32 = arith.constant 0 : i32
    %c0_i32_0 = arith.constant 0 : i32
    return %arg0, %c0_i32 : i32, i32
  }
  func.func @transform_1(%arg0: i32, %arg1: i32) -> (i32, i32) {
    %c0_i32 = arith.constant 0 : i32
    %c0_i32_0 = arith.constant 0 : i32
    return %arg0, %c0_i32 : i32, i32
  }
  func.func @transform_2(%arg0: i32, %arg1: i32) -> (i32, i32) {
    %c0_i32 = arith.constant 0 : i32
    %c0_i32_0 = arith.constant 0 : i32
    return %arg0, %c0_i32 : i32, i32
  }
  func.func @transform_3(%arg0: i32, %arg1: i32) -> (i32, i32) {
    %c0_i32 = arith.constant 0 : i32
    %c0_i32_0 = arith.constant 0 : i32
    return %arg0, %c0_i32 : i32, i32
  }
  func.func @transform_4(%arg0: i32, %arg1: i32) -> (i32, i32) {
    %c0_i32 = arith.constant 0 : i32
    %c0_i32_0 = arith.constant 0 : i32
    return %arg0, %c0_i32 : i32, i32
  }
  func.func @transform_5(%arg0: i32, %arg1: i32) -> (i32, i32) {
    %c0_i32 = arith.constant 0 : i32
    %c0_i32_0 = arith.constant 0 : i32
    return %arg0, %c0_i32 : i32, i32
  }
  func.func @transform_6(%arg0: i32, %arg1: i32) -> (i32, i32) {
    %c0_i32 = arith.constant 0 : i32
    return %arg0, %arg1 : i32, i32
  }
  func.func @transform_7(%arg0: i32, %arg1: i32) -> (i32, i32) {
    %c0_i32 = arith.constant 0 : i32
    %c0_i32_0 = arith.constant 0 : i32
    %c0_i32_1 = arith.constant 0 : i32
    return %c0_i32, %c0_i32_0 : i32, i32
  }
  func.func @transform_8(%arg0: i32, %arg1: i32) -> (i32, i32) {
    %c0_i32 = arith.constant 0 : i32
    %c0_i32_0 = arith.constant 0 : i32
    return %c0_i32, %arg1 : i32, i32
  }
  func.func @transform_9(%arg0: i32, %arg1: i32) -> (i32, i32) {
    %c0_i32 = arith.constant 0 : i32
    %c0_i32_0 = arith.constant 0 : i32
    return %c0_i32, %arg1 : i32, i32
  }
  func.func @transform_10(%arg0: i32, %arg1: i32) -> (i32, i32) {
    %add3A = arith.constant 0 : i32
    %add3A_0 = arith.addi %arg0, %add3A : i32
    %c0_i32 = arith.constant 0 : i32
    return %add3A_0, %arg1 : i32, i32
  }
  func.func @transform_11(%arg0: i32, %arg1: i32) -> (i32, i32) {
    %add3A = arith.constant 0 : i32
    %add3A_0 = arith.addi %arg0, %add3A : i32
    %c0_i32 = arith.constant 0 : i32
    %c0_i32_1 = arith.constant 0 : i32
    return %add3A_0, %c0_i32 : i32, i32
  }
}

module attributes {stable_mosaic.version = 14 : i64} {
  func.func @_assemble_body(%arg0: i32, %arg1: i32, %arg2: memref<256x1xf32, #tpu.memory_space<vmem>>, %arg3: memref<256x1xf32, #tpu.memory_space<vmem>>, %arg4: memref<256x1xf32, #tpu.memory_space<vmem>>, %arg5: memref<256x1xf32, #tpu.memory_space<vmem>>, %arg6: memref<256x1xf32, #tpu.memory_space<vmem>>, %arg7: memref<256x1xf32, #tpu.memory_space<vmem>>, %arg8: memref<256x128xf32, #tpu.memory_space<vmem>>, %arg9: memref<1x1xf32, #tpu.memory_space<vmem>>, %arg10: memref<1x1024xf32, #tpu.memory_space<vmem>>, %arg11: memref<1x1024xf32, #tpu.memory_space<vmem>>, %arg12: memref<4096x8192xf32, #tpu.memory_space<any>>, %arg13: memref<4096x1xi32, #tpu.memory_space<any>>, %arg14: memref<256x1024xf32, #tpu.memory_space<vmem>>, %arg15: memref<256x1xi32, #tpu.memory_space<vmem>>) attributes {dimension_semantics = [#tpu.dimension_semantics<arbitrary>, #tpu.dimension_semantics<arbitrary>], iteration_bounds = array<i64: 5, 8>, scalar_prefetch = 0 : i64, scratch_operands = 0 : i64, tpu.core_type = #tpu.core_type<tc>, window_params = [{transform_indices = @transform_0, window_bounds = array<i64: 256, 1>}, {transform_indices = @transform_1, window_bounds = array<i64: 256, 1>}, {transform_indices = @transform_2, window_bounds = array<i64: 256, 1>}, {transform_indices = @transform_3, window_bounds = array<i64: 256, 1>}, {transform_indices = @transform_4, window_bounds = array<i64: 256, 1>}, {transform_indices = @transform_5, window_bounds = array<i64: 256, 1>}, {transform_indices = @transform_6, window_bounds = array<i64: 256, 128>}, {pipeline_mode = #tpu.pipeline_mode<synchronous>, transform_indices = @transform_7, window_bounds = array<i64: 1, 1>}, {transform_indices = @transform_8, window_bounds = array<i64: 1, 1024>}, {transform_indices = @transform_9, window_bounds = array<i64: 1, 1024>}, {}, {}, {transform_indices = @transform_12, window_bounds = array<i64: 256, 1024>}, {transform_indices = @transform_13, window_bounds = array<i64: 256, 1>}]} {
    %get3A = arith.constant 0 : index
    %get3A_0 = arith.constant 0 : index
    %get3A_1 = vector.load %arg2[%get3A, %get3A_0] : memref<256x1xf32, #tpu.memory_space<vmem>>, vector<256x1xf32>
    %get3A_2 = arith.constant 0 : index
    %get3A_3 = arith.constant 0 : index
    %get3A_4 = vector.load %arg3[%get3A_2, %get3A_3] : memref<256x1xf32, #tpu.memory_space<vmem>>, vector<256x1xf32>
    %get3A_5 = arith.constant 0 : index
    %get3A_6 = arith.constant 0 : index
    %get3A_7 = vector.load %arg4[%get3A_5, %get3A_6] : memref<256x1xf32, #tpu.memory_space<vmem>>, vector<256x1xf32>
    %get3A_8 = arith.constant 0 : index
    %get3A_9 = arith.constant 0 : index
    %get3A_10 = vector.load %arg5[%get3A_8, %get3A_9] : memref<256x1xf32, #tpu.memory_space<vmem>>, vector<256x1xf32>
    %get3A_11 = arith.constant 0 : index
    %get3A_12 = arith.constant 0 : index
    %get3A_13 = vector.load %arg6[%get3A_11, %get3A_12] : memref<256x1xf32, #tpu.memory_space<vmem>>, vector<256x1xf32>
    %get3A_14 = arith.constant 0 : index
    %get3A_15 = arith.constant 0 : index
    %get3A_16 = vector.load %arg7[%get3A_14, %get3A_15] : memref<256x1xf32, #tpu.memory_space<vmem>>, vector<256x1xf32>
    %mul3A = arith.mulf %get3A_10, %get3A_10 : vector<256x1xf32>
    %mul3A_17 = arith.mulf %get3A_13, %get3A_13 : vector<256x1xf32>
    %add3A = arith.addf %mul3A, %mul3A_17 : vector<256x1xf32>
    %mul3A_18 = arith.mulf %get3A_16, %get3A_16 : vector<256x1xf32>
    %add3A_19 = arith.addf %add3A, %mul3A_18 : vector<256x1xf32>
    %sqrt3A = math.sqrt %add3A_19 : vector<256x1xf32>
    %add3A_20 = arith.constant 9.99999971E-10 : f32
    %add3A_21 = vector.broadcast %add3A_20 : f32 to vector<256x1xf32>
    %add3A_22 = arith.addf %sqrt3A, %add3A_21 : vector<256x1xf32>
    %div3A = arith.divf %get3A_10, %add3A_22 : vector<256x1xf32>
    %div3A_23 = arith.divf %get3A_13, %add3A_22 : vector<256x1xf32>
    %div3A_24 = arith.divf %get3A_16, %add3A_22 : vector<256x1xf32>
    %abs3A = math.absf %div3A : vector<256x1xf32>
    %gt3A = arith.constant 9.99999971E-10 : f32
    %gt3A_25 = vector.broadcast %gt3A : f32 to vector<256x1xf32>
    %gt3A_26 = arith.cmpf ogt, %abs3A, %gt3A_25 : vector<256x1xf32>
    %jit3A = arith.constant 9.99999971E-10 : f32
    %broadcast_in_dim3A = vector.broadcast %jit3A : f32 to vector<256x1xf32>
    %select_n3A = arith.select %gt3A_26, %div3A, %broadcast_in_dim3A : vector<256x1xi1>, vector<256x1xf32>
    %div3A_27 = arith.constant 1.000000e+00 : f32
    %div3A_28 = vector.broadcast %div3A_27 : f32 to vector<256x1xf32>
    %div3A_29 = arith.divf %div3A_28, %select_n3A : vector<256x1xf32>
    %abs3A_30 = math.absf %div3A_23 : vector<256x1xf32>
    %gt3A_31 = arith.constant 9.99999971E-10 : f32
    %gt3A_32 = vector.broadcast %gt3A_31 : f32 to vector<256x1xf32>
    %gt3A_33 = arith.cmpf ogt, %abs3A_30, %gt3A_32 : vector<256x1xf32>
    %jit3A_34 = arith.constant 9.99999971E-10 : f32
    %broadcast_in_dim3A_35 = vector.broadcast %jit3A_34 : f32 to vector<256x1xf32>
    %select_n3A_36 = arith.select %gt3A_33, %div3A_23, %broadcast_in_dim3A_35 : vector<256x1xi1>, vector<256x1xf32>
    %div3A_37 = arith.constant 1.000000e+00 : f32
    %div3A_38 = vector.broadcast %div3A_37 : f32 to vector<256x1xf32>
    %div3A_39 = arith.divf %div3A_38, %select_n3A_36 : vector<256x1xf32>
    %abs3A_40 = math.absf %div3A_24 : vector<256x1xf32>
    %gt3A_41 = arith.constant 9.99999971E-10 : f32
    %gt3A_42 = vector.broadcast %gt3A_41 : f32 to vector<256x1xf32>
    %gt3A_43 = arith.cmpf ogt, %abs3A_40, %gt3A_42 : vector<256x1xf32>
    %jit3A_44 = arith.constant 9.99999971E-10 : f32
    %broadcast_in_dim3A_45 = vector.broadcast %jit3A_44 : f32 to vector<256x1xf32>
    %select_n3A_46 = arith.select %gt3A_43, %div3A_24, %broadcast_in_dim3A_45 : vector<256x1xi1>, vector<256x1xf32>
    %div3A_47 = arith.constant 1.000000e+00 : f32
    %div3A_48 = vector.broadcast %div3A_47 : f32 to vector<256x1xf32>
    %div3A_49 = arith.divf %div3A_48, %select_n3A_46 : vector<256x1xf32>
    %sub3A = arith.constant 0.000000e+00 : f32
    %sub3A_50 = vector.broadcast %sub3A : f32 to vector<256x1xf32>
    %sub3A_51 = arith.subf %sub3A_50, %get3A_1 : vector<256x1xf32>
    %mul3A_52 = arith.mulf %sub3A_51, %div3A_29 : vector<256x1xf32>
    %sub3A_53 = arith.constant 1.000000e+00 : f32
    %sub3A_54 = vector.broadcast %sub3A_53 : f32 to vector<256x1xf32>
    %sub3A_55 = arith.subf %sub3A_54, %get3A_1 : vector<256x1xf32>
    %mul3A_56 = arith.mulf %sub3A_55, %div3A_29 : vector<256x1xf32>
    %sub3A_57 = arith.constant 0.000000e+00 : f32
    %sub3A_58 = vector.broadcast %sub3A_57 : f32 to vector<256x1xf32>
    %sub3A_59 = arith.subf %sub3A_58, %get3A_4 : vector<256x1xf32>
    %mul3A_60 = arith.mulf %sub3A_59, %div3A_39 : vector<256x1xf32>
    %sub3A_61 = arith.constant 1.000000e+00 : f32
    %sub3A_62 = vector.broadcast %sub3A_61 : f32 to vector<256x1xf32>
    %sub3A_63 = arith.subf %sub3A_62, %get3A_4 : vector<256x1xf32>
    %mul3A_64 = arith.mulf %sub3A_63, %div3A_39 : vector<256x1xf32>
    %sub3A_65 = arith.constant 0.000000e+00 : f32
    %sub3A_66 = vector.broadcast %sub3A_65 : f32 to vector<256x1xf32>
    %sub3A_67 = arith.subf %sub3A_66, %get3A_7 : vector<256x1xf32>
    %mul3A_68 = arith.mulf %sub3A_67, %div3A_49 : vector<256x1xf32>
    %sub3A_69 = arith.constant 1.000000e+00 : f32
    %sub3A_70 = vector.broadcast %sub3A_69 : f32 to vector<256x1xf32>
    %sub3A_71 = arith.subf %sub3A_70, %get3A_7 : vector<256x1xf32>
    %mul3A_72 = arith.mulf %sub3A_71, %div3A_49 : vector<256x1xf32>
    %min3A = arith.minimumf %mul3A_52, %mul3A_56 : vector<256x1xf32>
    %min3A_73 = arith.minimumf %mul3A_60, %mul3A_64 : vector<256x1xf32>
    %max3A = arith.maximumf %min3A, %min3A_73 : vector<256x1xf32>
    %min3A_74 = arith.minimumf %mul3A_68, %mul3A_72 : vector<256x1xf32>
    %max3A_75 = arith.maximumf %max3A, %min3A_74 : vector<256x1xf32>
    %max3A_76 = arith.constant 5.000000e-02 : f32
    %max3A_77 = vector.broadcast %max3A_76 : f32 to vector<256x1xf32>
    %max3A_78 = arith.maximumf %max3A_75, %max3A_77 : vector<256x1xf32>
    %max3A_79 = arith.maximumf %mul3A_52, %mul3A_56 : vector<256x1xf32>
    %max3A_80 = arith.maximumf %mul3A_60, %mul3A_64 : vector<256x1xf32>
    %min3A_81 = arith.minimumf %max3A_79, %max3A_80 : vector<256x1xf32>
    %max3A_82 = arith.maximumf %mul3A_68, %mul3A_72 : vector<256x1xf32>
    %min3A_83 = arith.minimumf %min3A_81, %max3A_82 : vector<256x1xf32>
    %get3A_84 = arith.constant 0 : index
    %get3A_85 = arith.constant 0 : index
    %get3A_86 = vector.load %arg10[%get3A_84, %get3A_85] : memref<1x1024xf32, #tpu.memory_space<vmem>>, vector<1x1024xf32>
    %mul3A_87 = vector.broadcast %max3A_78 : vector<256x1xf32> to vector<256x1024xf32>
    %mul3A_88 = vector.broadcast %get3A_86 : vector<1x1024xf32> to vector<256x1024xf32>
    %mul3A_89 = arith.mulf %mul3A_87, %mul3A_88 : vector<256x1024xf32>
    %get3A_90 = arith.constant 0 : index
    %get3A_91 = arith.constant 0 : index
    %get3A_92 = vector.load %arg11[%get3A_90, %get3A_91] : memref<1x1024xf32, #tpu.memory_space<vmem>>, vector<1x1024xf32>
    %add3A_93 = vector.broadcast %max3A_78 : vector<256x1xf32> to vector<256x1024xf32>
    %add3A_94 = vector.broadcast %get3A_92 : vector<1x1024xf32> to vector<256x1024xf32>
    %add3A_95 = arith.addf %add3A_93, %add3A_94 : vector<256x1024xf32>
    %max3A_96 = arith.maximumf %mul3A_89, %add3A_95 : vector<256x1024xf32>
    %mul3A_97 = arith.constant 3.906250e-03 : f32
    %mul3A_98 = vector.broadcast %mul3A_97 : f32 to vector<256x1024xf32>
    %mul3A_99 = arith.mulf %max3A_96, %mul3A_98 : vector<256x1024xf32>
    %jit3A_100 = arith.constant 0.00169145584 : f32
    %jit3A_101 = arith.constant 0.108253174 : f32
    %max3A_102 = vector.broadcast %jit3A_100 : f32 to vector<256x1024xf32>
    %max3A_103 = arith.maximumf %max3A_102, %mul3A_99 : vector<256x1024xf32>
    %min3A_104 = vector.broadcast %jit3A_101 : f32 to vector<256x1024xf32>
    %min3A_105 = arith.minimumf %min3A_104, %max3A_103 : vector<256x1024xf32>
    %get3A_106 = arith.constant 0 : index
    %get3A_107 = arith.constant 0 : index
    %get3A_108 = vector.load %arg2[%get3A_106, %get3A_107] : memref<256x1xf32, #tpu.memory_space<vmem>>, vector<256x1xf32>
    %mul3A_109 = vector.broadcast %div3A : vector<256x1xf32> to vector<256x1024xf32>
    %mul3A_110 = arith.mulf %mul3A_109, %max3A_96 : vector<256x1024xf32>
    %add3A_111 = vector.broadcast %get3A_108 : vector<256x1xf32> to vector<256x1024xf32>
    %add3A_112 = arith.addf %add3A_111, %mul3A_110 : vector<256x1024xf32>
    %get3A_113 = arith.constant 0 : index
    %get3A_114 = arith.constant 0 : index
    %get3A_115 = vector.load %arg3[%get3A_113, %get3A_114] : memref<256x1xf32, #tpu.memory_space<vmem>>, vector<256x1xf32>
    %mul3A_116 = vector.broadcast %div3A_23 : vector<256x1xf32> to vector<256x1024xf32>
    %mul3A_117 = arith.mulf %mul3A_116, %max3A_96 : vector<256x1024xf32>
    %add3A_118 = vector.broadcast %get3A_115 : vector<256x1xf32> to vector<256x1024xf32>
    %add3A_119 = arith.addf %add3A_118, %mul3A_117 : vector<256x1024xf32>
    %get3A_120 = arith.constant 0 : index
    %get3A_121 = arith.constant 0 : index
    %get3A_122 = vector.load %arg4[%get3A_120, %get3A_121] : memref<256x1xf32, #tpu.memory_space<vmem>>, vector<256x1xf32>
    %mul3A_123 = vector.broadcast %div3A_24 : vector<256x1xf32> to vector<256x1024xf32>
    %mul3A_124 = arith.mulf %mul3A_123, %max3A_96 : vector<256x1024xf32>
    %add3A_125 = vector.broadcast %get3A_122 : vector<256x1xf32> to vector<256x1024xf32>
    %add3A_126 = arith.addf %add3A_125, %mul3A_124 : vector<256x1024xf32>
    %lt3A = vector.broadcast %min3A_83 : vector<256x1xf32> to vector<256x1024xf32>
    %lt3A_127 = arith.cmpf olt, %max3A_96, %lt3A : vector<256x1024xf32>
    %ge3A = arith.constant 0.000000e+00 : f32
    %ge3A_128 = vector.broadcast %ge3A : f32 to vector<256x1024xf32>
    %ge3A_129 = arith.cmpf oge, %add3A_112, %ge3A_128 : vector<256x1024xf32>
    %and3A = arith.andi %lt3A_127, %ge3A_129 : vector<256x1024xi1>
    %lt3A_130 = arith.constant 1.000000e+00 : f32
    %lt3A_131 = vector.broadcast %lt3A_130 : f32 to vector<256x1024xf32>
    %lt3A_132 = arith.cmpf olt, %add3A_112, %lt3A_131 : vector<256x1024xf32>
    %and3A_133 = arith.andi %and3A, %lt3A_132 : vector<256x1024xi1>
    %ge3A_134 = arith.constant 0.000000e+00 : f32
    %ge3A_135 = vector.broadcast %ge3A_134 : f32 to vector<256x1024xf32>
    %ge3A_136 = arith.cmpf oge, %add3A_119, %ge3A_135 : vector<256x1024xf32>
    %and3A_137 = arith.andi %and3A_133, %ge3A_136 : vector<256x1024xi1>
    %lt3A_138 = arith.constant 1.000000e+00 : f32
    %lt3A_139 = vector.broadcast %lt3A_138 : f32 to vector<256x1024xf32>
    %lt3A_140 = arith.cmpf olt, %add3A_119, %lt3A_139 : vector<256x1024xf32>
    %and3A_141 = arith.andi %and3A_137, %lt3A_140 : vector<256x1024xi1>
    %ge3A_142 = arith.constant 0.000000e+00 : f32
    %ge3A_143 = vector.broadcast %ge3A_142 : f32 to vector<256x1024xf32>
    %ge3A_144 = arith.cmpf oge, %add3A_126, %ge3A_143 : vector<256x1024xf32>
    %and3A_145 = arith.andi %and3A_141, %ge3A_144 : vector<256x1024xi1>
    %lt3A_146 = arith.constant 1.000000e+00 : f32
    %lt3A_147 = vector.broadcast %lt3A_146 : f32 to vector<256x1024xf32>
    %lt3A_148 = arith.cmpf olt, %add3A_126, %lt3A_147 : vector<256x1024xf32>
    %and3A_149 = arith.andi %and3A_145, %lt3A_148 : vector<256x1024xi1>
    %iota3A = tpu.iota {dimensions = array<i32: 0>} : vector<128x1024xi32>
    %iota3A_150 = tpu.iota {dimensions = array<i32: 1>} : vector<128x1024xi32>
    %jit3A_151 = arith.constant 8 : i32
    %div3A_152 = vector.broadcast %jit3A_151 : i32 to vector<128x1024xi32>
    %div3A_153 = arith.divsi %iota3A_150, %div3A_152 : vector<128x1024xi32>
    %sign3A = arith.constant 0 : i32
    %sign3A_154 = vector.broadcast %sign3A : i32 to vector<128x1024xi32>
    %sign3A_155 = arith.cmpi sgt, %iota3A_150, %sign3A_154 : vector<128x1024xi32>
    %sign3A_156 = arith.extui %sign3A_155 : vector<128x1024xi1> to vector<128x1024xi32>
    %sign3A_157 = arith.constant 0 : i32
    %sign3A_158 = vector.broadcast %sign3A_157 : i32 to vector<128x1024xi32>
    %sign3A_159 = arith.cmpi slt, %iota3A_150, %sign3A_158 : vector<128x1024xi32>
    %sign3A_160 = arith.extui %sign3A_159 : vector<128x1024xi1> to vector<128x1024xi32>
    %sign3A_161 = arith.subi %sign3A_156, %sign3A_160 : vector<128x1024xi32>
    %sign3A_162 = arith.constant 0 : i32
    %sign3A_163 = arith.cmpi sgt, %jit3A_151, %sign3A_162 : i32
    %sign3A_164 = arith.extui %sign3A_163 : i1 to i32
    %sign3A_165 = arith.constant 0 : i32
    %sign3A_166 = arith.cmpi slt, %jit3A_151, %sign3A_165 : i32
    %sign3A_167 = arith.extui %sign3A_166 : i1 to i32
    %sign3A_168 = arith.subi %sign3A_164, %sign3A_167 : i32
    %ne3A = vector.broadcast %sign3A_168 : i32 to vector<128x1024xi32>
    %ne3A_169 = arith.cmpi ne, %sign3A_161, %ne3A : vector<128x1024xi32>
    %rem3A = vector.broadcast %jit3A_151 : i32 to vector<128x1024xi32>
    %rem3A_170 = arith.remsi %iota3A_150, %rem3A : vector<128x1024xi32>
    %ne3A_171 = arith.constant 0 : i32
    %ne3A_172 = vector.broadcast %ne3A_171 : i32 to vector<128x1024xi32>
    %ne3A_173 = arith.cmpi ne, %rem3A_170, %ne3A_172 : vector<128x1024xi32>
    %and3A_174 = arith.andi %ne3A_169, %ne3A_173 : vector<128x1024xi1>
    %sub3A_175 = arith.constant 1 : i32
    %sub3A_176 = vector.broadcast %sub3A_175 : i32 to vector<128x1024xi32>
    %sub3A_177 = arith.subi %div3A_153, %sub3A_176 : vector<128x1024xi32>
    %select_n3A_178 = arith.select %and3A_174, %sub3A_177, %div3A_153 : vector<128x1024xi1>, vector<128x1024xi32>
    %eq3A = arith.cmpi eq, %iota3A, %select_n3A_178 : vector<128x1024xi32>
    %convert_element_type3A = arith.extui %eq3A : vector<128x1024xi1> to vector<128x1024xi32>
    %convert_element_type3A_179 = arith.sitofp %convert_element_type3A : vector<128x1024xi32> to vector<128x1024xf32>
    %get3A_180 = arith.constant 0 : index
    %get3A_181 = arith.constant 0 : index
    %get3A_182 = vector.load %arg8[%get3A_180, %get3A_181] : memref<256x128xf32, #tpu.memory_space<vmem>>, vector<256x128xf32>
    %dot_general3A = arith.constant dense<0.000000e+00> : vector<256x1024xf32>
    %dot_general3A_183 = tpu.matmul %get3A_182, %convert_element_type3A_179, %dot_general3A {dimension_numbers = #tpu.dot_dimension_numbers<[1], [0], [0], [1], [0, 0, 1, 1], [], []>, precision = #tpu.contract_precision<fp32>, transpose_lhs_hint = false} : vector<256x128xf32>, vector<128x1024xf32>, vector<256x1024xf32> -> vector<256x1024xf32>
    %get3A_184 = arith.constant 0 : index
    %get3A_185 = arith.constant 0 : index
    %get3A_186 = vector.load %arg9[%get3A_184, %get3A_185] : memref<1x1xf32, #tpu.memory_space<vmem>>, vector<1x1xf32>
    %get3A_187 = vector.extract %get3A_186[0, 0] : f32 from vector<1x1xf32>
    %div3A_188 = arith.constant 0x4A000000 : f32
    %div3A_189 = arith.divf %get3A_187, %div3A_188 : f32
    %min3A_190 = arith.constant 0.00999999977 : f32
    %min3A_191 = arith.minimumf %div3A_189, %min3A_190 : f32
    %gt3A_192 = vector.broadcast %min3A_191 : f32 to vector<256x1024xf32>
    %gt3A_193 = arith.cmpf ogt, %dot_general3A_183, %gt3A_192 : vector<256x1024xf32>
    %and3A_194 = arith.andi %and3A_149, %gt3A_193 : vector<256x1024xi1>
    %convert_element_type3A_195 = arith.extui %and3A_194 : vector<256x1024xi1> to vector<256x1024xi32>
    %convert_element_type3A_196 = arith.sitofp %convert_element_type3A_195 : vector<256x1024xi32> to vector<256x1024xf32>
    %iota3A_197 = tpu.iota {dimensions = array<i32: 1>} : vector<256x1024xi32>
    %jit3A_198 = arith.constant 8 : i32
    %eq3A_199 = arith.constant 0 : i32
    %eq3A_200 = arith.cmpi eq, %jit3A_198, %eq3A_199 : i32
    %jit3A_201 = arith.constant 1 : i32
    %select_n3A_202 = arith.select %eq3A_200, %jit3A_201, %jit3A_198 : i32
    %rem3A_203 = vector.broadcast %select_n3A_202 : i32 to vector<256x1024xi32>
    %rem3A_204 = arith.remsi %iota3A_197, %rem3A_203 : vector<256x1024xi32>
    %ne3A_205 = arith.constant 0 : i32
    %ne3A_206 = vector.broadcast %ne3A_205 : i32 to vector<256x1024xi32>
    %ne3A_207 = arith.cmpi ne, %rem3A_204, %ne3A_206 : vector<256x1024xi32>
    %lt3A_208 = arith.constant 0 : i32
    %lt3A_209 = vector.broadcast %lt3A_208 : i32 to vector<256x1024xi32>
    %lt3A_210 = arith.cmpi slt, %rem3A_204, %lt3A_209 : vector<256x1024xi32>
    %lt3A_211 = arith.constant 0 : i32
    %lt3A_212 = arith.cmpi slt, %select_n3A_202, %lt3A_211 : i32
    %ne3A_213 = vector.broadcast %lt3A_212 : i1 to vector<256x1024xi1>
    %ne3A_214 = vector.broadcast %ne3A_213 : vector<256x1024xi1> to vector<256x1024xi1>
    %ne3A_215 = arith.xori %lt3A_210, %ne3A_214 : vector<256x1024xi1>
    %and3A_216 = arith.andi %ne3A_215, %ne3A_207 : vector<256x1024xi1>
    %add3A_217 = vector.broadcast %select_n3A_202 : i32 to vector<256x1024xi32>
    %add3A_218 = arith.addi %rem3A_204, %add3A_217 : vector<256x1024xi32>
    %select_n3A_219 = arith.select %and3A_216, %add3A_218, %rem3A_204 : vector<256x1024xi1>, vector<256x1024xi32>
    %broadcast_in_dim3A_220 = arith.constant 1.000000e+00 : f32
    %broadcast_in_dim3A_221 = vector.broadcast %broadcast_in_dim3A_220 : f32 to vector<256x1024xf32>
    %eq3A_222 = arith.constant 0 : i32
    %eq3A_223 = vector.broadcast %eq3A_222 : i32 to vector<256x1024xi32>
    %eq3A_224 = arith.cmpi eq, %select_n3A_219, %eq3A_223 : vector<256x1024xi32>
    %eq3A_225 = arith.constant 1 : i32
    %eq3A_226 = vector.broadcast %eq3A_225 : i32 to vector<256x1024xi32>
    %eq3A_227 = arith.cmpi eq, %select_n3A_219, %eq3A_226 : vector<256x1024xi32>
    %eq3A_228 = arith.constant 2 : i32
    %eq3A_229 = vector.broadcast %eq3A_228 : i32 to vector<256x1024xi32>
    %eq3A_230 = arith.cmpi eq, %select_n3A_219, %eq3A_229 : vector<256x1024xi32>
    %eq3A_231 = arith.constant 3 : i32
    %eq3A_232 = vector.broadcast %eq3A_231 : i32 to vector<256x1024xi32>
    %eq3A_233 = arith.cmpi eq, %select_n3A_219, %eq3A_232 : vector<256x1024xi32>
    %eq3A_234 = arith.constant 4 : i32
    %eq3A_235 = vector.broadcast %eq3A_234 : i32 to vector<256x1024xi32>
    %eq3A_236 = arith.cmpi eq, %select_n3A_219, %eq3A_235 : vector<256x1024xi32>
    %mul3A_237 = vector.broadcast %div3A : vector<256x1xf32> to vector<256x1024xf32>
    %mul3A_238 = arith.mulf %mul3A_237, %broadcast_in_dim3A_221 : vector<256x1024xf32>
    %eq3A_239 = arith.constant 5 : i32
    %eq3A_240 = vector.broadcast %eq3A_239 : i32 to vector<256x1024xi32>
    %eq3A_241 = arith.cmpi eq, %select_n3A_219, %eq3A_240 : vector<256x1024xi32>
    %mul3A_242 = vector.broadcast %div3A_23 : vector<256x1xf32> to vector<256x1024xf32>
    %mul3A_243 = arith.mulf %mul3A_242, %broadcast_in_dim3A_221 : vector<256x1024xf32>
    %eq3A_244 = arith.constant 6 : i32
    %eq3A_245 = vector.broadcast %eq3A_244 : i32 to vector<256x1024xi32>
    %eq3A_246 = arith.cmpi eq, %select_n3A_219, %eq3A_245 : vector<256x1024xi32>
    %mul3A_247 = vector.broadcast %div3A_24 : vector<256x1xf32> to vector<256x1024xf32>
    %mul3A_248 = arith.mulf %mul3A_247, %broadcast_in_dim3A_221 : vector<256x1024xf32>
    %select_n3A_249 = arith.select %eq3A_246, %mul3A_248, %dot_general3A_183 : vector<256x1024xi1>, vector<256x1024xf32>
    %select_n3A_250 = arith.select %eq3A_241, %mul3A_243, %select_n3A_249 : vector<256x1024xi1>, vector<256x1024xf32>
    %select_n3A_251 = arith.select %eq3A_236, %mul3A_238, %select_n3A_250 : vector<256x1024xi1>, vector<256x1024xf32>
    %select_n3A_252 = arith.select %eq3A_233, %min3A_105, %select_n3A_251 : vector<256x1024xi1>, vector<256x1024xf32>
    %select_n3A_253 = arith.select %eq3A_230, %add3A_126, %select_n3A_252 : vector<256x1024xi1>, vector<256x1024xf32>
    %select_n3A_254 = arith.select %eq3A_227, %add3A_119, %select_n3A_253 : vector<256x1024xi1>, vector<256x1024xf32>
    %select_n3A_255 = arith.select %eq3A_224, %add3A_112, %select_n3A_254 : vector<256x1024xi1>, vector<256x1024xf32>
    %mul3A_256 = arith.mulf %select_n3A_255, %convert_element_type3A_196 : vector<256x1024xf32>
    %swap3A = arith.constant 0 : index
    %swap3A_257 = arith.constant 0 : index
    %swap3A_258 = vector.load %arg14[%swap3A, %swap3A_257] : memref<256x1024xf32, #tpu.memory_space<vmem>>, vector<256x1024xf32>
    tpu.vector_store %arg14[%swap3A, %swap3A_257], %mul3A_256 {strides = array<i32>} : memref<256x1024xf32, #tpu.memory_space<vmem>>, vector<256x1024xf32>,
    %eq3A_259 = arith.constant 0 : i32
    %eq3A_260 = arith.cmpi eq, %arg1, %eq3A_259 : i32
    %convert_element_type3A_261 = arith.extui %eq3A_260 : i1 to i32
    %cond3A = arith.constant 0 : i32
    %cond3A_262 = arith.cmpi ne, %convert_element_type3A_261, %cond3A : i32
    scf.if %cond3A_262 {
      %broadcast_in_dim3A_304 = arith.constant 0 : i32
      %broadcast_in_dim3A_305 = vector.broadcast %broadcast_in_dim3A_304 : i32 to vector<256x1xi32>
      %swap3A_306 = arith.constant 0 : index
      %swap3A_307 = arith.constant 0 : index
      %swap3A_308 = vector.load %arg15[%swap3A_306, %swap3A_307] : memref<256x1xi32, #tpu.memory_space<vmem>>, vector<256x1xi32>
      tpu.vector_store %arg15[%swap3A_306, %swap3A_307], %broadcast_in_dim3A_305 {strides = array<i32>} : memref<256x1xi32, #tpu.memory_space<vmem>>, vector<256x1xi32>,
    } else {
    }
    %get3A_263 = arith.constant 0 : index
    %get3A_264 = arith.constant 0 : index
    %get3A_265 = vector.load %arg15[%get3A_263, %get3A_264] : memref<256x1xi32, #tpu.memory_space<vmem>>, vector<256x1xi32>
    %convert_element_type3A_266 = arith.extui %and3A_194 : vector<256x1024xi1> to vector<256x1024xi32>
    %reduce_sum3A = arith.constant dense<0> : vector<256xi32>
    %reduce_sum3A_267 = vector.multi_reduction <add>, %convert_element_type3A_266, %reduce_sum3A [1] : vector<256x1024xi32> to vector<256xi32>
    %broadcast_in_dim3A_268 = vector.shape_cast %reduce_sum3A_267 : vector<256xi32> to vector<256x1xi32>
    %jit3A_269 = arith.constant 8 : i32
    %div3A_270 = vector.broadcast %jit3A_269 : i32 to vector<256x1xi32>
    %div3A_271 = arith.divsi %broadcast_in_dim3A_268, %div3A_270 : vector<256x1xi32>
    %sign3A_272 = arith.constant 0 : i32
    %sign3A_273 = vector.broadcast %sign3A_272 : i32 to vector<256x1xi32>
    %sign3A_274 = arith.cmpi sgt, %broadcast_in_dim3A_268, %sign3A_273 : vector<256x1xi32>
    %sign3A_275 = arith.extui %sign3A_274 : vector<256x1xi1> to vector<256x1xi32>
    %sign3A_276 = arith.constant 0 : i32
    %sign3A_277 = vector.broadcast %sign3A_276 : i32 to vector<256x1xi32>
    %sign3A_278 = arith.cmpi slt, %broadcast_in_dim3A_268, %sign3A_277 : vector<256x1xi32>
    %sign3A_279 = arith.extui %sign3A_278 : vector<256x1xi1> to vector<256x1xi32>
    %sign3A_280 = arith.subi %sign3A_275, %sign3A_279 : vector<256x1xi32>
    %sign3A_281 = arith.constant 0 : i32
    %sign3A_282 = arith.cmpi sgt, %jit3A_269, %sign3A_281 : i32
    %sign3A_283 = arith.extui %sign3A_282 : i1 to i32
    %sign3A_284 = arith.constant 0 : i32
    %sign3A_285 = arith.cmpi slt, %jit3A_269, %sign3A_284 : i32
    %sign3A_286 = arith.extui %sign3A_285 : i1 to i32
    %sign3A_287 = arith.subi %sign3A_283, %sign3A_286 : i32
    %ne3A_288 = vector.broadcast %sign3A_287 : i32 to vector<256x1xi32>
    %ne3A_289 = arith.cmpi ne, %sign3A_280, %ne3A_288 : vector<256x1xi32>
    %rem3A_290 = vector.broadcast %jit3A_269 : i32 to vector<256x1xi32>
    %rem3A_291 = arith.remsi %broadcast_in_dim3A_268, %rem3A_290 : vector<256x1xi32>
    %ne3A_292 = arith.constant 0 : i32
    %ne3A_293 = vector.broadcast %ne3A_292 : i32 to vector<256x1xi32>
    %ne3A_294 = arith.cmpi ne, %rem3A_291, %ne3A_293 : vector<256x1xi32>
    %and3A_295 = arith.andi %ne3A_289, %ne3A_294 : vector<256x1xi1>
    %sub3A_296 = arith.constant 1 : i32
    %sub3A_297 = vector.broadcast %sub3A_296 : i32 to vector<256x1xi32>
    %sub3A_298 = arith.subi %div3A_271, %sub3A_297 : vector<256x1xi32>
    %select_n3A_299 = arith.select %and3A_295, %sub3A_298, %div3A_271 : vector<256x1xi1>, vector<256x1xi32>
    %add3A_300 = arith.addi %get3A_265, %select_n3A_299 : vector<256x1xi32>
    %swap3A_301 = arith.constant 0 : index
    %swap3A_302 = arith.constant 0 : index
    %swap3A_303 = vector.load %arg15[%swap3A_301, %swap3A_302] : memref<256x1xi32, #tpu.memory_space<vmem>>, vector<256x1xi32>
    tpu.vector_store %arg15[%swap3A_301, %swap3A_302], %add3A_300 {strides = array<i32>} : memref<256x1xi32, #tpu.memory_space<vmem>>, vector<256x1xi32>,
    return
  }
  func.func @transform_0(%arg0: i32, %arg1: i32) -> (i32, i32) {
    %c0_i32 = arith.constant 0 : i32
    %c0_i32_0 = arith.constant 0 : i32
    return %arg0, %c0_i32 : i32, i32
  }
  func.func @transform_1(%arg0: i32, %arg1: i32) -> (i32, i32) {
    %c0_i32 = arith.constant 0 : i32
    %c0_i32_0 = arith.constant 0 : i32
    return %arg0, %c0_i32 : i32, i32
  }
  func.func @transform_2(%arg0: i32, %arg1: i32) -> (i32, i32) {
    %c0_i32 = arith.constant 0 : i32
    %c0_i32_0 = arith.constant 0 : i32
    return %arg0, %c0_i32 : i32, i32
  }
  func.func @transform_3(%arg0: i32, %arg1: i32) -> (i32, i32) {
    %c0_i32 = arith.constant 0 : i32
    %c0_i32_0 = arith.constant 0 : i32
    return %arg0, %c0_i32 : i32, i32
  }
  func.func @transform_4(%arg0: i32, %arg1: i32) -> (i32, i32) {
    %c0_i32 = arith.constant 0 : i32
    %c0_i32_0 = arith.constant 0 : i32
    return %arg0, %c0_i32 : i32, i32
  }
  func.func @transform_5(%arg0: i32, %arg1: i32) -> (i32, i32) {
    %c0_i32 = arith.constant 0 : i32
    %c0_i32_0 = arith.constant 0 : i32
    return %arg0, %c0_i32 : i32, i32
  }
  func.func @transform_6(%arg0: i32, %arg1: i32) -> (i32, i32) {
    %c0_i32 = arith.constant 0 : i32
    return %arg0, %arg1 : i32, i32
  }
  func.func @transform_7(%arg0: i32, %arg1: i32) -> (i32, i32) {
    %c0_i32 = arith.constant 0 : i32
    %c0_i32_0 = arith.constant 0 : i32
    %c0_i32_1 = arith.constant 0 : i32
    return %c0_i32, %c0_i32_0 : i32, i32
  }
  func.func @transform_8(%arg0: i32, %arg1: i32) -> (i32, i32) {
    %c0_i32 = arith.constant 0 : i32
    %c0_i32_0 = arith.constant 0 : i32
    return %c0_i32, %arg1 : i32, i32
  }
  func.func @transform_9(%arg0: i32, %arg1: i32) -> (i32, i32) {
    %c0_i32 = arith.constant 0 : i32
    %c0_i32_0 = arith.constant 0 : i32
    return %c0_i32, %arg1 : i32, i32
  }
  func.func @transform_12(%arg0: i32, %arg1: i32) -> (i32, i32) {
    %add3A = arith.constant 5 : i32
    %add3A_0 = arith.addi %arg0, %add3A : i32
    %c0_i32 = arith.constant 0 : i32
    return %add3A_0, %arg1 : i32, i32
  }
  func.func @transform_13(%arg0: i32, %arg1: i32) -> (i32, i32) {
    %add3A = arith.constant 5 : i32
    %add3A_0 = arith.addi %arg0, %add3A : i32
    %c0_i32 = arith.constant 0 : i32
    %c0_i32_1 = arith.constant 0 : i32
    return %add3A_0, %c0_i32 : i32, i32
  }
}

module attributes {stable_mosaic.version = 14 : i64} {
  func.func @_assemble_body(%arg0: i32, %arg1: i32, %arg2: memref<256x1xf32, #tpu.memory_space<vmem>>, %arg3: memref<256x1xf32, #tpu.memory_space<vmem>>, %arg4: memref<256x1xf32, #tpu.memory_space<vmem>>, %arg5: memref<256x1xf32, #tpu.memory_space<vmem>>, %arg6: memref<256x1xf32, #tpu.memory_space<vmem>>, %arg7: memref<256x1xf32, #tpu.memory_space<vmem>>, %arg8: memref<256x128xf32, #tpu.memory_space<vmem>>, %arg9: memref<1x1xf32, #tpu.memory_space<vmem>>, %arg10: memref<1x1024xf32, #tpu.memory_space<vmem>>, %arg11: memref<1x1024xf32, #tpu.memory_space<vmem>>, %arg12: memref<4096x8192xf32, #tpu.memory_space<any>>, %arg13: memref<4096x1xi32, #tpu.memory_space<any>>, %arg14: memref<256x1024xf32, #tpu.memory_space<vmem>>, %arg15: memref<256x1xi32, #tpu.memory_space<vmem>>) attributes {dimension_semantics = [#tpu.dimension_semantics<arbitrary>, #tpu.dimension_semantics<arbitrary>], iteration_bounds = array<i64: 5, 8>, scalar_prefetch = 0 : i64, scratch_operands = 0 : i64, tpu.core_type = #tpu.core_type<tc>, window_params = [{transform_indices = @transform_0, window_bounds = array<i64: 256, 1>}, {transform_indices = @transform_1, window_bounds = array<i64: 256, 1>}, {transform_indices = @transform_2, window_bounds = array<i64: 256, 1>}, {transform_indices = @transform_3, window_bounds = array<i64: 256, 1>}, {transform_indices = @transform_4, window_bounds = array<i64: 256, 1>}, {transform_indices = @transform_5, window_bounds = array<i64: 256, 1>}, {transform_indices = @transform_6, window_bounds = array<i64: 256, 128>}, {pipeline_mode = #tpu.pipeline_mode<synchronous>, transform_indices = @transform_7, window_bounds = array<i64: 1, 1>}, {transform_indices = @transform_8, window_bounds = array<i64: 1, 1024>}, {transform_indices = @transform_9, window_bounds = array<i64: 1, 1024>}, {}, {}, {transform_indices = @transform_12, window_bounds = array<i64: 256, 1024>}, {transform_indices = @transform_13, window_bounds = array<i64: 256, 1>}]} {
    %get3A = arith.constant 0 : index
    %get3A_0 = arith.constant 0 : index
    %get3A_1 = vector.load %arg2[%get3A, %get3A_0] : memref<256x1xf32, #tpu.memory_space<vmem>>, vector<256x1xf32>
    %get3A_2 = arith.constant 0 : index
    %get3A_3 = arith.constant 0 : index
    %get3A_4 = vector.load %arg3[%get3A_2, %get3A_3] : memref<256x1xf32, #tpu.memory_space<vmem>>, vector<256x1xf32>
    %get3A_5 = arith.constant 0 : index
    %get3A_6 = arith.constant 0 : index
    %get3A_7 = vector.load %arg4[%get3A_5, %get3A_6] : memref<256x1xf32, #tpu.memory_space<vmem>>, vector<256x1xf32>
    %get3A_8 = arith.constant 0 : index
    %get3A_9 = arith.constant 0 : index
    %get3A_10 = vector.load %arg5[%get3A_8, %get3A_9] : memref<256x1xf32, #tpu.memory_space<vmem>>, vector<256x1xf32>
    %get3A_11 = arith.constant 0 : index
    %get3A_12 = arith.constant 0 : index
    %get3A_13 = vector.load %arg6[%get3A_11, %get3A_12] : memref<256x1xf32, #tpu.memory_space<vmem>>, vector<256x1xf32>
    %get3A_14 = arith.constant 0 : index
    %get3A_15 = arith.constant 0 : index
    %get3A_16 = vector.load %arg7[%get3A_14, %get3A_15] : memref<256x1xf32, #tpu.memory_space<vmem>>, vector<256x1xf32>
    %mul3A = arith.mulf %get3A_10, %get3A_10 : vector<256x1xf32>
    %mul3A_17 = arith.mulf %get3A_13, %get3A_13 : vector<256x1xf32>
    %add3A = arith.addf %mul3A, %mul3A_17 : vector<256x1xf32>
    %mul3A_18 = arith.mulf %get3A_16, %get3A_16 : vector<256x1xf32>
    %add3A_19 = arith.addf %add3A, %mul3A_18 : vector<256x1xf32>
    %sqrt3A = math.sqrt %add3A_19 : vector<256x1xf32>
    %add3A_20 = arith.constant 9.99999971E-10 : f32
    %add3A_21 = vector.broadcast %add3A_20 : f32 to vector<256x1xf32>
    %add3A_22 = arith.addf %sqrt3A, %add3A_21 : vector<256x1xf32>
    %div3A = arith.divf %get3A_10, %add3A_22 : vector<256x1xf32>
    %div3A_23 = arith.divf %get3A_13, %add3A_22 : vector<256x1xf32>
    %div3A_24 = arith.divf %get3A_16, %add3A_22 : vector<256x1xf32>
    %abs3A = math.absf %div3A : vector<256x1xf32>
    %gt3A = arith.constant 9.99999971E-10 : f32
    %gt3A_25 = vector.broadcast %gt3A : f32 to vector<256x1xf32>
    %gt3A_26 = arith.cmpf ogt, %abs3A, %gt3A_25 : vector<256x1xf32>
    %jit3A = arith.constant 9.99999971E-10 : f32
    %broadcast_in_dim3A = vector.broadcast %jit3A : f32 to vector<256x1xf32>
    %select_n3A = arith.select %gt3A_26, %div3A, %broadcast_in_dim3A : vector<256x1xi1>, vector<256x1xf32>
    %div3A_27 = arith.constant 1.000000e+00 : f32
    %div3A_28 = vector.broadcast %div3A_27 : f32 to vector<256x1xf32>
    %div3A_29 = arith.divf %div3A_28, %select_n3A : vector<256x1xf32>
    %abs3A_30 = math.absf %div3A_23 : vector<256x1xf32>
    %gt3A_31 = arith.constant 9.99999971E-10 : f32
    %gt3A_32 = vector.broadcast %gt3A_31 : f32 to vector<256x1xf32>
    %gt3A_33 = arith.cmpf ogt, %abs3A_30, %gt3A_32 : vector<256x1xf32>
    %jit3A_34 = arith.constant 9.99999971E-10 : f32
    %broadcast_in_dim3A_35 = vector.broadcast %jit3A_34 : f32 to vector<256x1xf32>
    %select_n3A_36 = arith.select %gt3A_33, %div3A_23, %broadcast_in_dim3A_35 : vector<256x1xi1>, vector<256x1xf32>
    %div3A_37 = arith.constant 1.000000e+00 : f32
    %div3A_38 = vector.broadcast %div3A_37 : f32 to vector<256x1xf32>
    %div3A_39 = arith.divf %div3A_38, %select_n3A_36 : vector<256x1xf32>
    %abs3A_40 = math.absf %div3A_24 : vector<256x1xf32>
    %gt3A_41 = arith.constant 9.99999971E-10 : f32
    %gt3A_42 = vector.broadcast %gt3A_41 : f32 to vector<256x1xf32>
    %gt3A_43 = arith.cmpf ogt, %abs3A_40, %gt3A_42 : vector<256x1xf32>
    %jit3A_44 = arith.constant 9.99999971E-10 : f32
    %broadcast_in_dim3A_45 = vector.broadcast %jit3A_44 : f32 to vector<256x1xf32>
    %select_n3A_46 = arith.select %gt3A_43, %div3A_24, %broadcast_in_dim3A_45 : vector<256x1xi1>, vector<256x1xf32>
    %div3A_47 = arith.constant 1.000000e+00 : f32
    %div3A_48 = vector.broadcast %div3A_47 : f32 to vector<256x1xf32>
    %div3A_49 = arith.divf %div3A_48, %select_n3A_46 : vector<256x1xf32>
    %sub3A = arith.constant 0.000000e+00 : f32
    %sub3A_50 = vector.broadcast %sub3A : f32 to vector<256x1xf32>
    %sub3A_51 = arith.subf %sub3A_50, %get3A_1 : vector<256x1xf32>
    %mul3A_52 = arith.mulf %sub3A_51, %div3A_29 : vector<256x1xf32>
    %sub3A_53 = arith.constant 1.000000e+00 : f32
    %sub3A_54 = vector.broadcast %sub3A_53 : f32 to vector<256x1xf32>
    %sub3A_55 = arith.subf %sub3A_54, %get3A_1 : vector<256x1xf32>
    %mul3A_56 = arith.mulf %sub3A_55, %div3A_29 : vector<256x1xf32>
    %sub3A_57 = arith.constant 0.000000e+00 : f32
    %sub3A_58 = vector.broadcast %sub3A_57 : f32 to vector<256x1xf32>
    %sub3A_59 = arith.subf %sub3A_58, %get3A_4 : vector<256x1xf32>
    %mul3A_60 = arith.mulf %sub3A_59, %div3A_39 : vector<256x1xf32>
    %sub3A_61 = arith.constant 1.000000e+00 : f32
    %sub3A_62 = vector.broadcast %sub3A_61 : f32 to vector<256x1xf32>
    %sub3A_63 = arith.subf %sub3A_62, %get3A_4 : vector<256x1xf32>
    %mul3A_64 = arith.mulf %sub3A_63, %div3A_39 : vector<256x1xf32>
    %sub3A_65 = arith.constant 0.000000e+00 : f32
    %sub3A_66 = vector.broadcast %sub3A_65 : f32 to vector<256x1xf32>
    %sub3A_67 = arith.subf %sub3A_66, %get3A_7 : vector<256x1xf32>
    %mul3A_68 = arith.mulf %sub3A_67, %div3A_49 : vector<256x1xf32>
    %sub3A_69 = arith.constant 1.000000e+00 : f32
    %sub3A_70 = vector.broadcast %sub3A_69 : f32 to vector<256x1xf32>
    %sub3A_71 = arith.subf %sub3A_70, %get3A_7 : vector<256x1xf32>
    %mul3A_72 = arith.mulf %sub3A_71, %div3A_49 : vector<256x1xf32>
    %min3A = arith.minimumf %mul3A_52, %mul3A_56 : vector<256x1xf32>
    %min3A_73 = arith.minimumf %mul3A_60, %mul3A_64 : vector<256x1xf32>
    %max3A = arith.maximumf %min3A, %min3A_73 : vector<256x1xf32>
    %min3A_74 = arith.minimumf %mul3A_68, %mul3A_72 : vector<256x1xf32>
    %max3A_75 = arith.maximumf %max3A, %min3A_74 : vector<256x1xf32>
    %max3A_76 = arith.constant 5.000000e-02 : f32
    %max3A_77 = vector.broadcast %max3A_76 : f32 to vector<256x1xf32>
    %max3A_78 = arith.maximumf %max3A_75, %max3A_77 : vector<256x1xf32>
    %max3A_79 = arith.maximumf %mul3A_52, %mul3A_56 : vector<256x1xf32>
    %max3A_80 = arith.maximumf %mul3A_60, %mul3A_64 : vector<256x1xf32>
    %min3A_81 = arith.minimumf %max3A_79, %max3A_80 : vector<256x1xf32>
    %max3A_82 = arith.maximumf %mul3A_68, %mul3A_72 : vector<256x1xf32>
    %min3A_83 = arith.minimumf %min3A_81, %max3A_82 : vector<256x1xf32>
    %get3A_84 = arith.constant 0 : index
    %get3A_85 = arith.constant 0 : index
    %get3A_86 = vector.load %arg10[%get3A_84, %get3A_85] : memref<1x1024xf32, #tpu.memory_space<vmem>>, vector<1x1024xf32>
    %mul3A_87 = vector.broadcast %max3A_78 : vector<256x1xf32> to vector<256x1024xf32>
    %mul3A_88 = vector.broadcast %get3A_86 : vector<1x1024xf32> to vector<256x1024xf32>
    %mul3A_89 = arith.mulf %mul3A_87, %mul3A_88 : vector<256x1024xf32>
    %get3A_90 = arith.constant 0 : index
    %get3A_91 = arith.constant 0 : index
    %get3A_92 = vector.load %arg11[%get3A_90, %get3A_91] : memref<1x1024xf32, #tpu.memory_space<vmem>>, vector<1x1024xf32>
    %add3A_93 = vector.broadcast %max3A_78 : vector<256x1xf32> to vector<256x1024xf32>
    %add3A_94 = vector.broadcast %get3A_92 : vector<1x1024xf32> to vector<256x1024xf32>
    %add3A_95 = arith.addf %add3A_93, %add3A_94 : vector<256x1024xf32>
    %max3A_96 = arith.maximumf %mul3A_89, %add3A_95 : vector<256x1024xf32>
    %mul3A_97 = arith.constant 3.906250e-03 : f32
    %mul3A_98 = vector.broadcast %mul3A_97 : f32 to vector<256x1024xf32>
    %mul3A_99 = arith.mulf %max3A_96, %mul3A_98 : vector<256x1024xf32>
    %jit3A_100 = arith.constant 0.00169145584 : f32
    %jit3A_101 = arith.constant 0.108253174 : f32
    %max3A_102 = vector.broadcast %jit3A_100 : f32 to vector<256x1024xf32>
    %max3A_103 = arith.maximumf %max3A_102, %mul3A_99 : vector<256x1024xf32>
    %min3A_104 = vector.broadcast %jit3A_101 : f32 to vector<256x1024xf32>
    %min3A_105 = arith.minimumf %min3A_104, %max3A_103 : vector<256x1024xf32>
    %get3A_106 = arith.constant 0 : index
    %get3A_107 = arith.constant 0 : index
    %get3A_108 = vector.load %arg2[%get3A_106, %get3A_107] : memref<256x1xf32, #tpu.memory_space<vmem>>, vector<256x1xf32>
    %mul3A_109 = vector.broadcast %div3A : vector<256x1xf32> to vector<256x1024xf32>
    %mul3A_110 = arith.mulf %mul3A_109, %max3A_96 : vector<256x1024xf32>
    %add3A_111 = vector.broadcast %get3A_108 : vector<256x1xf32> to vector<256x1024xf32>
    %add3A_112 = arith.addf %add3A_111, %mul3A_110 : vector<256x1024xf32>
    %get3A_113 = arith.constant 0 : index
    %get3A_114 = arith.constant 0 : index
    %get3A_115 = vector.load %arg3[%get3A_113, %get3A_114] : memref<256x1xf32, #tpu.memory_space<vmem>>, vector<256x1xf32>
    %mul3A_116 = vector.broadcast %div3A_23 : vector<256x1xf32> to vector<256x1024xf32>
    %mul3A_117 = arith.mulf %mul3A_116, %max3A_96 : vector<256x1024xf32>
    %add3A_118 = vector.broadcast %get3A_115 : vector<256x1xf32> to vector<256x1024xf32>
    %add3A_119 = arith.addf %add3A_118, %mul3A_117 : vector<256x1024xf32>
    %get3A_120 = arith.constant 0 : index
    %get3A_121 = arith.constant 0 : index
    %get3A_122 = vector.load %arg4[%get3A_120, %get3A_121] : memref<256x1xf32, #tpu.memory_space<vmem>>, vector<256x1xf32>
    %mul3A_123 = vector.broadcast %div3A_24 : vector<256x1xf32> to vector<256x1024xf32>
    %mul3A_124 = arith.mulf %mul3A_123, %max3A_96 : vector<256x1024xf32>
    %add3A_125 = vector.broadcast %get3A_122 : vector<256x1xf32> to vector<256x1024xf32>
    %add3A_126 = arith.addf %add3A_125, %mul3A_124 : vector<256x1024xf32>
    %lt3A = vector.broadcast %min3A_83 : vector<256x1xf32> to vector<256x1024xf32>
    %lt3A_127 = arith.cmpf olt, %max3A_96, %lt3A : vector<256x1024xf32>
    %ge3A = arith.constant 0.000000e+00 : f32
    %ge3A_128 = vector.broadcast %ge3A : f32 to vector<256x1024xf32>
    %ge3A_129 = arith.cmpf oge, %add3A_112, %ge3A_128 : vector<256x1024xf32>
    %and3A = arith.andi %lt3A_127, %ge3A_129 : vector<256x1024xi1>
    %lt3A_130 = arith.constant 1.000000e+00 : f32
    %lt3A_131 = vector.broadcast %lt3A_130 : f32 to vector<256x1024xf32>
    %lt3A_132 = arith.cmpf olt, %add3A_112, %lt3A_131 : vector<256x1024xf32>
    %and3A_133 = arith.andi %and3A, %lt3A_132 : vector<256x1024xi1>
    %ge3A_134 = arith.constant 0.000000e+00 : f32
    %ge3A_135 = vector.broadcast %ge3A_134 : f32 to vector<256x1024xf32>
    %ge3A_136 = arith.cmpf oge, %add3A_119, %ge3A_135 : vector<256x1024xf32>
    %and3A_137 = arith.andi %and3A_133, %ge3A_136 : vector<256x1024xi1>
    %lt3A_138 = arith.constant 1.000000e+00 : f32
    %lt3A_139 = vector.broadcast %lt3A_138 : f32 to vector<256x1024xf32>
    %lt3A_140 = arith.cmpf olt, %add3A_119, %lt3A_139 : vector<256x1024xf32>
    %and3A_141 = arith.andi %and3A_137, %lt3A_140 : vector<256x1024xi1>
    %ge3A_142 = arith.constant 0.000000e+00 : f32
    %ge3A_143 = vector.broadcast %ge3A_142 : f32 to vector<256x1024xf32>
    %ge3A_144 = arith.cmpf oge, %add3A_126, %ge3A_143 : vector<256x1024xf32>
    %and3A_145 = arith.andi %and3A_141, %ge3A_144 : vector<256x1024xi1>
    %lt3A_146 = arith.constant 1.000000e+00 : f32
    %lt3A_147 = vector.broadcast %lt3A_146 : f32 to vector<256x1024xf32>
    %lt3A_148 = arith.cmpf olt, %add3A_126, %lt3A_147 : vector<256x1024xf32>
    %and3A_149 = arith.andi %and3A_145, %lt3A_148 : vector<256x1024xi1>
    %iota3A = tpu.iota {dimensions = array<i32: 0>} : vector<128x1024xi32>
    %iota3A_150 = tpu.iota {dimensions = array<i32: 1>} : vector<128x1024xi32>
    %jit3A_151 = arith.constant 8 : i32
    %div3A_152 = vector.broadcast %jit3A_151 : i32 to vector<128x1024xi32>
    %div3A_153 = arith.divsi %iota3A_150, %div3A_152 : vector<128x1024xi32>
    %sign3A = arith.constant 0 : i32
    %sign3A_154 = vector.broadcast %sign3A : i32 to vector<128x1024xi32>
    %sign3A_155 = arith.cmpi sgt, %iota3A_150, %sign3A_154 : vector<128x1024xi32>
    %sign3A_156 = arith.extui %sign3A_155 : vector<128x1024xi1> to vector<128x1024xi32>
    %sign3A_157 = arith.constant 0 : i32
    %sign3A_158 = vector.broadcast %sign3A_157 : i32 to vector<128x1024xi32>
    %sign3A_159 = arith.cmpi slt, %iota3A_150, %sign3A_158 : vector<128x1024xi32>
    %sign3A_160 = arith.extui %sign3A_159 : vector<128x1024xi1> to vector<128x1024xi32>
    %sign3A_161 = arith.subi %sign3A_156, %sign3A_160 : vector<128x1024xi32>
    %sign3A_162 = arith.constant 0 : i32
    %sign3A_163 = arith.cmpi sgt, %jit3A_151, %sign3A_162 : i32
    %sign3A_164 = arith.extui %sign3A_163 : i1 to i32
    %sign3A_165 = arith.constant 0 : i32
    %sign3A_166 = arith.cmpi slt, %jit3A_151, %sign3A_165 : i32
    %sign3A_167 = arith.extui %sign3A_166 : i1 to i32
    %sign3A_168 = arith.subi %sign3A_164, %sign3A_167 : i32
    %ne3A = vector.broadcast %sign3A_168 : i32 to vector<128x1024xi32>
    %ne3A_169 = arith.cmpi ne, %sign3A_161, %ne3A : vector<128x1024xi32>
    %rem3A = vector.broadcast %jit3A_151 : i32 to vector<128x1024xi32>
    %rem3A_170 = arith.remsi %iota3A_150, %rem3A : vector<128x1024xi32>
    %ne3A_171 = arith.constant 0 : i32
    %ne3A_172 = vector.broadcast %ne3A_171 : i32 to vector<128x1024xi32>
    %ne3A_173 = arith.cmpi ne, %rem3A_170, %ne3A_172 : vector<128x1024xi32>
    %and3A_174 = arith.andi %ne3A_169, %ne3A_173 : vector<128x1024xi1>
    %sub3A_175 = arith.constant 1 : i32
    %sub3A_176 = vector.broadcast %sub3A_175 : i32 to vector<128x1024xi32>
    %sub3A_177 = arith.subi %div3A_153, %sub3A_176 : vector<128x1024xi32>
    %select_n3A_178 = arith.select %and3A_174, %sub3A_177, %div3A_153 : vector<128x1024xi1>, vector<128x1024xi32>
    %eq3A = arith.cmpi eq, %iota3A, %select_n3A_178 : vector<128x1024xi32>
    %convert_element_type3A = arith.extui %eq3A : vector<128x1024xi1> to vector<128x1024xi32>
    %convert_element_type3A_179 = arith.sitofp %convert_element_type3A : vector<128x1024xi32> to vector<128x1024xf32>
    %get3A_180 = arith.constant 0 : index
    %get3A_181 = arith.constant 0 : index
    %get3A_182 = vector.load %arg8[%get3A_180, %get3A_181] : memref<256x128xf32, #tpu.memory_space<vmem>>, vector<256x128xf32>
    %dot_general3A = arith.constant dense<0.000000e+00> : vector<256x1024xf32>
    %dot_general3A_183 = tpu.matmul %get3A_182, %convert_element_type3A_179, %dot_general3A {dimension_numbers = #tpu.dot_dimension_numbers<[1], [0], [0], [1], [0, 0, 1, 1], [], []>, precision = #tpu.contract_precision<fp32>, transpose_lhs_hint = false} : vector<256x128xf32>, vector<128x1024xf32>, vector<256x1024xf32> -> vector<256x1024xf32>
    %get3A_184 = arith.constant 0 : index
    %get3A_185 = arith.constant 0 : index
    %get3A_186 = vector.load %arg9[%get3A_184, %get3A_185] : memref<1x1xf32, #tpu.memory_space<vmem>>, vector<1x1xf32>
    %get3A_187 = vector.extract %get3A_186[0, 0] : f32 from vector<1x1xf32>
    %div3A_188 = arith.constant 0x4A000000 : f32
    %div3A_189 = arith.divf %get3A_187, %div3A_188 : f32
    %min3A_190 = arith.constant 0.00999999977 : f32
    %min3A_191 = arith.minimumf %div3A_189, %min3A_190 : f32
    %gt3A_192 = vector.broadcast %min3A_191 : f32 to vector<256x1024xf32>
    %gt3A_193 = arith.cmpf ogt, %dot_general3A_183, %gt3A_192 : vector<256x1024xf32>
    %and3A_194 = arith.andi %and3A_149, %gt3A_193 : vector<256x1024xi1>
    %convert_element_type3A_195 = arith.extui %and3A_194 : vector<256x1024xi1> to vector<256x1024xi32>
    %convert_element_type3A_196 = arith.sitofp %convert_element_type3A_195 : vector<256x1024xi32> to vector<256x1024xf32>
    %iota3A_197 = tpu.iota {dimensions = array<i32: 1>} : vector<256x1024xi32>
    %jit3A_198 = arith.constant 8 : i32
    %eq3A_199 = arith.constant 0 : i32
    %eq3A_200 = arith.cmpi eq, %jit3A_198, %eq3A_199 : i32
    %jit3A_201 = arith.constant 1 : i32
    %select_n3A_202 = arith.select %eq3A_200, %jit3A_201, %jit3A_198 : i32
    %rem3A_203 = vector.broadcast %select_n3A_202 : i32 to vector<256x1024xi32>
    %rem3A_204 = arith.remsi %iota3A_197, %rem3A_203 : vector<256x1024xi32>
    %ne3A_205 = arith.constant 0 : i32
    %ne3A_206 = vector.broadcast %ne3A_205 : i32 to vector<256x1024xi32>
    %ne3A_207 = arith.cmpi ne, %rem3A_204, %ne3A_206 : vector<256x1024xi32>
    %lt3A_208 = arith.constant 0 : i32
    %lt3A_209 = vector.broadcast %lt3A_208 : i32 to vector<256x1024xi32>
    %lt3A_210 = arith.cmpi slt, %rem3A_204, %lt3A_209 : vector<256x1024xi32>
    %lt3A_211 = arith.constant 0 : i32
    %lt3A_212 = arith.cmpi slt, %select_n3A_202, %lt3A_211 : i32
    %ne3A_213 = vector.broadcast %lt3A_212 : i1 to vector<256x1024xi1>
    %ne3A_214 = vector.broadcast %ne3A_213 : vector<256x1024xi1> to vector<256x1024xi1>
    %ne3A_215 = arith.xori %lt3A_210, %ne3A_214 : vector<256x1024xi1>
    %and3A_216 = arith.andi %ne3A_215, %ne3A_207 : vector<256x1024xi1>
    %add3A_217 = vector.broadcast %select_n3A_202 : i32 to vector<256x1024xi32>
    %add3A_218 = arith.addi %rem3A_204, %add3A_217 : vector<256x1024xi32>
    %select_n3A_219 = arith.select %and3A_216, %add3A_218, %rem3A_204 : vector<256x1024xi1>, vector<256x1024xi32>
    %broadcast_in_dim3A_220 = arith.constant 1.000000e+00 : f32
    %broadcast_in_dim3A_221 = vector.broadcast %broadcast_in_dim3A_220 : f32 to vector<256x1024xf32>
    %eq3A_222 = arith.constant 0 : i32
    %eq3A_223 = vector.broadcast %eq3A_222 : i32 to vector<256x1024xi32>
    %eq3A_224 = arith.cmpi eq, %select_n3A_219, %eq3A_223 : vector<256x1024xi32>
    %eq3A_225 = arith.constant 1 : i32
    %eq3A_226 = vector.broadcast %eq3A_225 : i32 to vector<256x1024xi32>
    %eq3A_227 = arith.cmpi eq, %select_n3A_219, %eq3A_226 : vector<256x1024xi32>
    %eq3A_228 = arith.constant 2 : i32
    %eq3A_229 = vector.broadcast %eq3A_228 : i32 to vector<256x1024xi32>
    %eq3A_230 = arith.cmpi eq, %select_n3A_219, %eq3A_229 : vector<256x1024xi32>
    %eq3A_231 = arith.constant 3 : i32
    %eq3A_232 = vector.broadcast %eq3A_231 : i32 to vector<256x1024xi32>
    %eq3A_233 = arith.cmpi eq, %select_n3A_219, %eq3A_232 : vector<256x1024xi32>
    %eq3A_234 = arith.constant 4 : i32
    %eq3A_235 = vector.broadcast %eq3A_234 : i32 to vector<256x1024xi32>
    %eq3A_236 = arith.cmpi eq, %select_n3A_219, %eq3A_235 : vector<256x1024xi32>
    %mul3A_237 = vector.broadcast %div3A : vector<256x1xf32> to vector<256x1024xf32>
    %mul3A_238 = arith.mulf %mul3A_237, %broadcast_in_dim3A_221 : vector<256x1024xf32>
    %eq3A_239 = arith.constant 5 : i32
    %eq3A_240 = vector.broadcast %eq3A_239 : i32 to vector<256x1024xi32>
    %eq3A_241 = arith.cmpi eq, %select_n3A_219, %eq3A_240 : vector<256x1024xi32>
    %mul3A_242 = vector.broadcast %div3A_23 : vector<256x1xf32> to vector<256x1024xf32>
    %mul3A_243 = arith.mulf %mul3A_242, %broadcast_in_dim3A_221 : vector<256x1024xf32>
    %eq3A_244 = arith.constant 6 : i32
    %eq3A_245 = vector.broadcast %eq3A_244 : i32 to vector<256x1024xi32>
    %eq3A_246 = arith.cmpi eq, %select_n3A_219, %eq3A_245 : vector<256x1024xi32>
    %mul3A_247 = vector.broadcast %div3A_24 : vector<256x1xf32> to vector<256x1024xf32>
    %mul3A_248 = arith.mulf %mul3A_247, %broadcast_in_dim3A_221 : vector<256x1024xf32>
    %select_n3A_249 = arith.select %eq3A_246, %mul3A_248, %dot_general3A_183 : vector<256x1024xi1>, vector<256x1024xf32>
    %select_n3A_250 = arith.select %eq3A_241, %mul3A_243, %select_n3A_249 : vector<256x1024xi1>, vector<256x1024xf32>
    %select_n3A_251 = arith.select %eq3A_236, %mul3A_238, %select_n3A_250 : vector<256x1024xi1>, vector<256x1024xf32>
    %select_n3A_252 = arith.select %eq3A_233, %min3A_105, %select_n3A_251 : vector<256x1024xi1>, vector<256x1024xf32>
    %select_n3A_253 = arith.select %eq3A_230, %add3A_126, %select_n3A_252 : vector<256x1024xi1>, vector<256x1024xf32>
    %select_n3A_254 = arith.select %eq3A_227, %add3A_119, %select_n3A_253 : vector<256x1024xi1>, vector<256x1024xf32>
    %select_n3A_255 = arith.select %eq3A_224, %add3A_112, %select_n3A_254 : vector<256x1024xi1>, vector<256x1024xf32>
    %mul3A_256 = arith.mulf %select_n3A_255, %convert_element_type3A_196 : vector<256x1024xf32>
    %swap3A = arith.constant 0 : index
    %swap3A_257 = arith.constant 0 : index
    %swap3A_258 = vector.load %arg14[%swap3A, %swap3A_257] : memref<256x1024xf32, #tpu.memory_space<vmem>>, vector<256x1024xf32>
    tpu.vector_store %arg14[%swap3A, %swap3A_257], %mul3A_256 {strides = array<i32>} : memref<256x1024xf32, #tpu.memory_space<vmem>>, vector<256x1024xf32>,
    %eq3A_259 = arith.constant 0 : i32
    %eq3A_260 = arith.cmpi eq, %arg1, %eq3A_259 : i32
    %convert_element_type3A_261 = arith.extui %eq3A_260 : i1 to i32
    %cond3A = arith.constant 0 : i32
    %cond3A_262 = arith.cmpi ne, %convert_element_type3A_261, %cond3A : i32
    scf.if %cond3A_262 {
      %broadcast_in_dim3A_304 = arith.constant 0 : i32
      %broadcast_in_dim3A_305 = vector.broadcast %broadcast_in_dim3A_304 : i32 to vector<256x1xi32>
      %swap3A_306 = arith.constant 0 : index
      %swap3A_307 = arith.constant 0 : index
      %swap3A_308 = vector.load %arg15[%swap3A_306, %swap3A_307] : memref<256x1xi32, #tpu.memory_space<vmem>>, vector<256x1xi32>
      tpu.vector_store %arg15[%swap3A_306, %swap3A_307], %broadcast_in_dim3A_305 {strides = array<i32>} : memref<256x1xi32, #tpu.memory_space<vmem>>, vector<256x1xi32>,
    } else {
    }
    %get3A_263 = arith.constant 0 : index
    %get3A_264 = arith.constant 0 : index
    %get3A_265 = vector.load %arg15[%get3A_263, %get3A_264] : memref<256x1xi32, #tpu.memory_space<vmem>>, vector<256x1xi32>
    %convert_element_type3A_266 = arith.extui %and3A_194 : vector<256x1024xi1> to vector<256x1024xi32>
    %reduce_sum3A = arith.constant dense<0> : vector<256xi32>
    %reduce_sum3A_267 = vector.multi_reduction <add>, %convert_element_type3A_266, %reduce_sum3A [1] : vector<256x1024xi32> to vector<256xi32>
    %broadcast_in_dim3A_268 = vector.shape_cast %reduce_sum3A_267 : vector<256xi32> to vector<256x1xi32>
    %jit3A_269 = arith.constant 8 : i32
    %div3A_270 = vector.broadcast %jit3A_269 : i32 to vector<256x1xi32>
    %div3A_271 = arith.divsi %broadcast_in_dim3A_268, %div3A_270 : vector<256x1xi32>
    %sign3A_272 = arith.constant 0 : i32
    %sign3A_273 = vector.broadcast %sign3A_272 : i32 to vector<256x1xi32>
    %sign3A_274 = arith.cmpi sgt, %broadcast_in_dim3A_268, %sign3A_273 : vector<256x1xi32>
    %sign3A_275 = arith.extui %sign3A_274 : vector<256x1xi1> to vector<256x1xi32>
    %sign3A_276 = arith.constant 0 : i32
    %sign3A_277 = vector.broadcast %sign3A_276 : i32 to vector<256x1xi32>
    %sign3A_278 = arith.cmpi slt, %broadcast_in_dim3A_268, %sign3A_277 : vector<256x1xi32>
    %sign3A_279 = arith.extui %sign3A_278 : vector<256x1xi1> to vector<256x1xi32>
    %sign3A_280 = arith.subi %sign3A_275, %sign3A_279 : vector<256x1xi32>
    %sign3A_281 = arith.constant 0 : i32
    %sign3A_282 = arith.cmpi sgt, %jit3A_269, %sign3A_281 : i32
    %sign3A_283 = arith.extui %sign3A_282 : i1 to i32
    %sign3A_284 = arith.constant 0 : i32
    %sign3A_285 = arith.cmpi slt, %jit3A_269, %sign3A_284 : i32
    %sign3A_286 = arith.extui %sign3A_285 : i1 to i32
    %sign3A_287 = arith.subi %sign3A_283, %sign3A_286 : i32
    %ne3A_288 = vector.broadcast %sign3A_287 : i32 to vector<256x1xi32>
    %ne3A_289 = arith.cmpi ne, %sign3A_280, %ne3A_288 : vector<256x1xi32>
    %rem3A_290 = vector.broadcast %jit3A_269 : i32 to vector<256x1xi32>
    %rem3A_291 = arith.remsi %broadcast_in_dim3A_268, %rem3A_290 : vector<256x1xi32>
    %ne3A_292 = arith.constant 0 : i32
    %ne3A_293 = vector.broadcast %ne3A_292 : i32 to vector<256x1xi32>
    %ne3A_294 = arith.cmpi ne, %rem3A_291, %ne3A_293 : vector<256x1xi32>
    %and3A_295 = arith.andi %ne3A_289, %ne3A_294 : vector<256x1xi1>
    %sub3A_296 = arith.constant 1 : i32
    %sub3A_297 = vector.broadcast %sub3A_296 : i32 to vector<256x1xi32>
    %sub3A_298 = arith.subi %div3A_271, %sub3A_297 : vector<256x1xi32>
    %select_n3A_299 = arith.select %and3A_295, %sub3A_298, %div3A_271 : vector<256x1xi1>, vector<256x1xi32>
    %add3A_300 = arith.addi %get3A_265, %select_n3A_299 : vector<256x1xi32>
    %swap3A_301 = arith.constant 0 : index
    %swap3A_302 = arith.constant 0 : index
    %swap3A_303 = vector.load %arg15[%swap3A_301, %swap3A_302] : memref<256x1xi32, #tpu.memory_space<vmem>>, vector<256x1xi32>
    tpu.vector_store %arg15[%swap3A_301, %swap3A_302], %add3A_300 {strides = array<i32>} : memref<256x1xi32, #tpu.memory_space<vmem>>, vector<256x1xi32>,
    return
  }
  func.func @transform_0(%arg0: i32, %arg1: i32) -> (i32, i32) {
    %c0_i32 = arith.constant 0 : i32
    %c0_i32_0 = arith.constant 0 : i32
    return %arg0, %c0_i32 : i32, i32
  }
  func.func @transform_1(%arg0: i32, %arg1: i32) -> (i32, i32) {
    %c0_i32 = arith.constant 0 : i32
    %c0_i32_0 = arith.constant 0 : i32
    return %arg0, %c0_i32 : i32, i32
  }
  func.func @transform_2(%arg0: i32, %arg1: i32) -> (i32, i32) {
    %c0_i32 = arith.constant 0 : i32
    %c0_i32_0 = arith.constant 0 : i32
    return %arg0, %c0_i32 : i32, i32
  }
  func.func @transform_3(%arg0: i32, %arg1: i32) -> (i32, i32) {
    %c0_i32 = arith.constant 0 : i32
    %c0_i32_0 = arith.constant 0 : i32
    return %arg0, %c0_i32 : i32, i32
  }
  func.func @transform_4(%arg0: i32, %arg1: i32) -> (i32, i32) {
    %c0_i32 = arith.constant 0 : i32
    %c0_i32_0 = arith.constant 0 : i32
    return %arg0, %c0_i32 : i32, i32
  }
  func.func @transform_5(%arg0: i32, %arg1: i32) -> (i32, i32) {
    %c0_i32 = arith.constant 0 : i32
    %c0_i32_0 = arith.constant 0 : i32
    return %arg0, %c0_i32 : i32, i32
  }
  func.func @transform_6(%arg0: i32, %arg1: i32) -> (i32, i32) {
    %c0_i32 = arith.constant 0 : i32
    return %arg0, %arg1 : i32, i32
  }
  func.func @transform_7(%arg0: i32, %arg1: i32) -> (i32, i32) {
    %c0_i32 = arith.constant 0 : i32
    %c0_i32_0 = arith.constant 0 : i32
    %c0_i32_1 = arith.constant 0 : i32
    return %c0_i32, %c0_i32_0 : i32, i32
  }
  func.func @transform_8(%arg0: i32, %arg1: i32) -> (i32, i32) {
    %c0_i32 = arith.constant 0 : i32
    %c0_i32_0 = arith.constant 0 : i32
    return %c0_i32, %arg1 : i32, i32
  }
  func.func @transform_9(%arg0: i32, %arg1: i32) -> (i32, i32) {
    %c0_i32 = arith.constant 0 : i32
    %c0_i32_0 = arith.constant 0 : i32
    return %c0_i32, %arg1 : i32, i32
  }
  func.func @transform_12(%arg0: i32, %arg1: i32) -> (i32, i32) {
    %add3A = arith.constant 10 : i32
    %add3A_0 = arith.addi %arg0, %add3A : i32
    %c0_i32 = arith.constant 0 : i32
    return %add3A_0, %arg1 : i32, i32
  }
  func.func @transform_13(%arg0: i32, %arg1: i32) -> (i32, i32) {
    %add3A = arith.constant 10 : i32
    %add3A_0 = arith.addi %arg0, %add3A : i32
    %c0_i32 = arith.constant 0 : i32
    %c0_i32_1 = arith.constant 0 : i32
    return %add3A_0, %c0_i32 : i32, i32
  }
}

module attributes {stable_mosaic.version = 14 : i64} {
  func.func @_assemble_body(%arg0: i32, %arg1: i32, %arg2: memref<256x1xf32, #tpu.memory_space<vmem>>, %arg3: memref<256x1xf32, #tpu.memory_space<vmem>>, %arg4: memref<256x1xf32, #tpu.memory_space<vmem>>, %arg5: memref<256x1xf32, #tpu.memory_space<vmem>>, %arg6: memref<256x1xf32, #tpu.memory_space<vmem>>, %arg7: memref<256x1xf32, #tpu.memory_space<vmem>>, %arg8: memref<256x128xf32, #tpu.memory_space<vmem>>, %arg9: memref<1x1xf32, #tpu.memory_space<vmem>>, %arg10: memref<1x1024xf32, #tpu.memory_space<vmem>>, %arg11: memref<1x1024xf32, #tpu.memory_space<vmem>>, %arg12: memref<4096x8192xf32, #tpu.memory_space<any>>, %arg13: memref<4096x1xi32, #tpu.memory_space<any>>, %arg14: memref<256x1024xf32, #tpu.memory_space<vmem>>, %arg15: memref<256x1xi32, #tpu.memory_space<vmem>>) attributes {dimension_semantics = [#tpu.dimension_semantics<arbitrary>, #tpu.dimension_semantics<arbitrary>], iteration_bounds = array<i64: 1, 8>, scalar_prefetch = 0 : i64, scratch_operands = 0 : i64, tpu.core_type = #tpu.core_type<tc>, window_params = [{transform_indices = @transform_0, window_bounds = array<i64: 256, 1>}, {transform_indices = @transform_1, window_bounds = array<i64: 256, 1>}, {transform_indices = @transform_2, window_bounds = array<i64: 256, 1>}, {transform_indices = @transform_3, window_bounds = array<i64: 256, 1>}, {transform_indices = @transform_4, window_bounds = array<i64: 256, 1>}, {transform_indices = @transform_5, window_bounds = array<i64: 256, 1>}, {transform_indices = @transform_6, window_bounds = array<i64: 256, 128>}, {pipeline_mode = #tpu.pipeline_mode<synchronous>, transform_indices = @transform_7, window_bounds = array<i64: 1, 1>}, {transform_indices = @transform_8, window_bounds = array<i64: 1, 1024>}, {transform_indices = @transform_9, window_bounds = array<i64: 1, 1024>}, {}, {}, {transform_indices = @transform_12, window_bounds = array<i64: 256, 1024>}, {transform_indices = @transform_13, window_bounds = array<i64: 256, 1>}]} {
    %get3A = arith.constant 0 : index
    %get3A_0 = arith.constant 0 : index
    %get3A_1 = vector.load %arg2[%get3A, %get3A_0] : memref<256x1xf32, #tpu.memory_space<vmem>>, vector<256x1xf32>
    %get3A_2 = arith.constant 0 : index
    %get3A_3 = arith.constant 0 : index
    %get3A_4 = vector.load %arg3[%get3A_2, %get3A_3] : memref<256x1xf32, #tpu.memory_space<vmem>>, vector<256x1xf32>
    %get3A_5 = arith.constant 0 : index
    %get3A_6 = arith.constant 0 : index
    %get3A_7 = vector.load %arg4[%get3A_5, %get3A_6] : memref<256x1xf32, #tpu.memory_space<vmem>>, vector<256x1xf32>
    %get3A_8 = arith.constant 0 : index
    %get3A_9 = arith.constant 0 : index
    %get3A_10 = vector.load %arg5[%get3A_8, %get3A_9] : memref<256x1xf32, #tpu.memory_space<vmem>>, vector<256x1xf32>
    %get3A_11 = arith.constant 0 : index
    %get3A_12 = arith.constant 0 : index
    %get3A_13 = vector.load %arg6[%get3A_11, %get3A_12] : memref<256x1xf32, #tpu.memory_space<vmem>>, vector<256x1xf32>
    %get3A_14 = arith.constant 0 : index
    %get3A_15 = arith.constant 0 : index
    %get3A_16 = vector.load %arg7[%get3A_14, %get3A_15] : memref<256x1xf32, #tpu.memory_space<vmem>>, vector<256x1xf32>
    %mul3A = arith.mulf %get3A_10, %get3A_10 : vector<256x1xf32>
    %mul3A_17 = arith.mulf %get3A_13, %get3A_13 : vector<256x1xf32>
    %add3A = arith.addf %mul3A, %mul3A_17 : vector<256x1xf32>
    %mul3A_18 = arith.mulf %get3A_16, %get3A_16 : vector<256x1xf32>
    %add3A_19 = arith.addf %add3A, %mul3A_18 : vector<256x1xf32>
    %sqrt3A = math.sqrt %add3A_19 : vector<256x1xf32>
    %add3A_20 = arith.constant 9.99999971E-10 : f32
    %add3A_21 = vector.broadcast %add3A_20 : f32 to vector<256x1xf32>
    %add3A_22 = arith.addf %sqrt3A, %add3A_21 : vector<256x1xf32>
    %div3A = arith.divf %get3A_10, %add3A_22 : vector<256x1xf32>
    %div3A_23 = arith.divf %get3A_13, %add3A_22 : vector<256x1xf32>
    %div3A_24 = arith.divf %get3A_16, %add3A_22 : vector<256x1xf32>
    %abs3A = math.absf %div3A : vector<256x1xf32>
    %gt3A = arith.constant 9.99999971E-10 : f32
    %gt3A_25 = vector.broadcast %gt3A : f32 to vector<256x1xf32>
    %gt3A_26 = arith.cmpf ogt, %abs3A, %gt3A_25 : vector<256x1xf32>
    %jit3A = arith.constant 9.99999971E-10 : f32
    %broadcast_in_dim3A = vector.broadcast %jit3A : f32 to vector<256x1xf32>
    %select_n3A = arith.select %gt3A_26, %div3A, %broadcast_in_dim3A : vector<256x1xi1>, vector<256x1xf32>
    %div3A_27 = arith.constant 1.000000e+00 : f32
    %div3A_28 = vector.broadcast %div3A_27 : f32 to vector<256x1xf32>
    %div3A_29 = arith.divf %div3A_28, %select_n3A : vector<256x1xf32>
    %abs3A_30 = math.absf %div3A_23 : vector<256x1xf32>
    %gt3A_31 = arith.constant 9.99999971E-10 : f32
    %gt3A_32 = vector.broadcast %gt3A_31 : f32 to vector<256x1xf32>
    %gt3A_33 = arith.cmpf ogt, %abs3A_30, %gt3A_32 : vector<256x1xf32>
    %jit3A_34 = arith.constant 9.99999971E-10 : f32
    %broadcast_in_dim3A_35 = vector.broadcast %jit3A_34 : f32 to vector<256x1xf32>
    %select_n3A_36 = arith.select %gt3A_33, %div3A_23, %broadcast_in_dim3A_35 : vector<256x1xi1>, vector<256x1xf32>
    %div3A_37 = arith.constant 1.000000e+00 : f32
    %div3A_38 = vector.broadcast %div3A_37 : f32 to vector<256x1xf32>
    %div3A_39 = arith.divf %div3A_38, %select_n3A_36 : vector<256x1xf32>
    %abs3A_40 = math.absf %div3A_24 : vector<256x1xf32>
    %gt3A_41 = arith.constant 9.99999971E-10 : f32
    %gt3A_42 = vector.broadcast %gt3A_41 : f32 to vector<256x1xf32>
    %gt3A_43 = arith.cmpf ogt, %abs3A_40, %gt3A_42 : vector<256x1xf32>
    %jit3A_44 = arith.constant 9.99999971E-10 : f32
    %broadcast_in_dim3A_45 = vector.broadcast %jit3A_44 : f32 to vector<256x1xf32>
    %select_n3A_46 = arith.select %gt3A_43, %div3A_24, %broadcast_in_dim3A_45 : vector<256x1xi1>, vector<256x1xf32>
    %div3A_47 = arith.constant 1.000000e+00 : f32
    %div3A_48 = vector.broadcast %div3A_47 : f32 to vector<256x1xf32>
    %div3A_49 = arith.divf %div3A_48, %select_n3A_46 : vector<256x1xf32>
    %sub3A = arith.constant 0.000000e+00 : f32
    %sub3A_50 = vector.broadcast %sub3A : f32 to vector<256x1xf32>
    %sub3A_51 = arith.subf %sub3A_50, %get3A_1 : vector<256x1xf32>
    %mul3A_52 = arith.mulf %sub3A_51, %div3A_29 : vector<256x1xf32>
    %sub3A_53 = arith.constant 1.000000e+00 : f32
    %sub3A_54 = vector.broadcast %sub3A_53 : f32 to vector<256x1xf32>
    %sub3A_55 = arith.subf %sub3A_54, %get3A_1 : vector<256x1xf32>
    %mul3A_56 = arith.mulf %sub3A_55, %div3A_29 : vector<256x1xf32>
    %sub3A_57 = arith.constant 0.000000e+00 : f32
    %sub3A_58 = vector.broadcast %sub3A_57 : f32 to vector<256x1xf32>
    %sub3A_59 = arith.subf %sub3A_58, %get3A_4 : vector<256x1xf32>
    %mul3A_60 = arith.mulf %sub3A_59, %div3A_39 : vector<256x1xf32>
    %sub3A_61 = arith.constant 1.000000e+00 : f32
    %sub3A_62 = vector.broadcast %sub3A_61 : f32 to vector<256x1xf32>
    %sub3A_63 = arith.subf %sub3A_62, %get3A_4 : vector<256x1xf32>
    %mul3A_64 = arith.mulf %sub3A_63, %div3A_39 : vector<256x1xf32>
    %sub3A_65 = arith.constant 0.000000e+00 : f32
    %sub3A_66 = vector.broadcast %sub3A_65 : f32 to vector<256x1xf32>
    %sub3A_67 = arith.subf %sub3A_66, %get3A_7 : vector<256x1xf32>
    %mul3A_68 = arith.mulf %sub3A_67, %div3A_49 : vector<256x1xf32>
    %sub3A_69 = arith.constant 1.000000e+00 : f32
    %sub3A_70 = vector.broadcast %sub3A_69 : f32 to vector<256x1xf32>
    %sub3A_71 = arith.subf %sub3A_70, %get3A_7 : vector<256x1xf32>
    %mul3A_72 = arith.mulf %sub3A_71, %div3A_49 : vector<256x1xf32>
    %min3A = arith.minimumf %mul3A_52, %mul3A_56 : vector<256x1xf32>
    %min3A_73 = arith.minimumf %mul3A_60, %mul3A_64 : vector<256x1xf32>
    %max3A = arith.maximumf %min3A, %min3A_73 : vector<256x1xf32>
    %min3A_74 = arith.minimumf %mul3A_68, %mul3A_72 : vector<256x1xf32>
    %max3A_75 = arith.maximumf %max3A, %min3A_74 : vector<256x1xf32>
    %max3A_76 = arith.constant 5.000000e-02 : f32
    %max3A_77 = vector.broadcast %max3A_76 : f32 to vector<256x1xf32>
    %max3A_78 = arith.maximumf %max3A_75, %max3A_77 : vector<256x1xf32>
    %max3A_79 = arith.maximumf %mul3A_52, %mul3A_56 : vector<256x1xf32>
    %max3A_80 = arith.maximumf %mul3A_60, %mul3A_64 : vector<256x1xf32>
    %min3A_81 = arith.minimumf %max3A_79, %max3A_80 : vector<256x1xf32>
    %max3A_82 = arith.maximumf %mul3A_68, %mul3A_72 : vector<256x1xf32>
    %min3A_83 = arith.minimumf %min3A_81, %max3A_82 : vector<256x1xf32>
    %get3A_84 = arith.constant 0 : index
    %get3A_85 = arith.constant 0 : index
    %get3A_86 = vector.load %arg10[%get3A_84, %get3A_85] : memref<1x1024xf32, #tpu.memory_space<vmem>>, vector<1x1024xf32>
    %mul3A_87 = vector.broadcast %max3A_78 : vector<256x1xf32> to vector<256x1024xf32>
    %mul3A_88 = vector.broadcast %get3A_86 : vector<1x1024xf32> to vector<256x1024xf32>
    %mul3A_89 = arith.mulf %mul3A_87, %mul3A_88 : vector<256x1024xf32>
    %get3A_90 = arith.constant 0 : index
    %get3A_91 = arith.constant 0 : index
    %get3A_92 = vector.load %arg11[%get3A_90, %get3A_91] : memref<1x1024xf32, #tpu.memory_space<vmem>>, vector<1x1024xf32>
    %add3A_93 = vector.broadcast %max3A_78 : vector<256x1xf32> to vector<256x1024xf32>
    %add3A_94 = vector.broadcast %get3A_92 : vector<1x1024xf32> to vector<256x1024xf32>
    %add3A_95 = arith.addf %add3A_93, %add3A_94 : vector<256x1024xf32>
    %max3A_96 = arith.maximumf %mul3A_89, %add3A_95 : vector<256x1024xf32>
    %mul3A_97 = arith.constant 3.906250e-03 : f32
    %mul3A_98 = vector.broadcast %mul3A_97 : f32 to vector<256x1024xf32>
    %mul3A_99 = arith.mulf %max3A_96, %mul3A_98 : vector<256x1024xf32>
    %jit3A_100 = arith.constant 0.00169145584 : f32
    %jit3A_101 = arith.constant 0.108253174 : f32
    %max3A_102 = vector.broadcast %jit3A_100 : f32 to vector<256x1024xf32>
    %max3A_103 = arith.maximumf %max3A_102, %mul3A_99 : vector<256x1024xf32>
    %min3A_104 = vector.broadcast %jit3A_101 : f32 to vector<256x1024xf32>
    %min3A_105 = arith.minimumf %min3A_104, %max3A_103 : vector<256x1024xf32>
    %get3A_106 = arith.constant 0 : index
    %get3A_107 = arith.constant 0 : index
    %get3A_108 = vector.load %arg2[%get3A_106, %get3A_107] : memref<256x1xf32, #tpu.memory_space<vmem>>, vector<256x1xf32>
    %mul3A_109 = vector.broadcast %div3A : vector<256x1xf32> to vector<256x1024xf32>
    %mul3A_110 = arith.mulf %mul3A_109, %max3A_96 : vector<256x1024xf32>
    %add3A_111 = vector.broadcast %get3A_108 : vector<256x1xf32> to vector<256x1024xf32>
    %add3A_112 = arith.addf %add3A_111, %mul3A_110 : vector<256x1024xf32>
    %get3A_113 = arith.constant 0 : index
    %get3A_114 = arith.constant 0 : index
    %get3A_115 = vector.load %arg3[%get3A_113, %get3A_114] : memref<256x1xf32, #tpu.memory_space<vmem>>, vector<256x1xf32>
    %mul3A_116 = vector.broadcast %div3A_23 : vector<256x1xf32> to vector<256x1024xf32>
    %mul3A_117 = arith.mulf %mul3A_116, %max3A_96 : vector<256x1024xf32>
    %add3A_118 = vector.broadcast %get3A_115 : vector<256x1xf32> to vector<256x1024xf32>
    %add3A_119 = arith.addf %add3A_118, %mul3A_117 : vector<256x1024xf32>
    %get3A_120 = arith.constant 0 : index
    %get3A_121 = arith.constant 0 : index
    %get3A_122 = vector.load %arg4[%get3A_120, %get3A_121] : memref<256x1xf32, #tpu.memory_space<vmem>>, vector<256x1xf32>
    %mul3A_123 = vector.broadcast %div3A_24 : vector<256x1xf32> to vector<256x1024xf32>
    %mul3A_124 = arith.mulf %mul3A_123, %max3A_96 : vector<256x1024xf32>
    %add3A_125 = vector.broadcast %get3A_122 : vector<256x1xf32> to vector<256x1024xf32>
    %add3A_126 = arith.addf %add3A_125, %mul3A_124 : vector<256x1024xf32>
    %lt3A = vector.broadcast %min3A_83 : vector<256x1xf32> to vector<256x1024xf32>
    %lt3A_127 = arith.cmpf olt, %max3A_96, %lt3A : vector<256x1024xf32>
    %ge3A = arith.constant 0.000000e+00 : f32
    %ge3A_128 = vector.broadcast %ge3A : f32 to vector<256x1024xf32>
    %ge3A_129 = arith.cmpf oge, %add3A_112, %ge3A_128 : vector<256x1024xf32>
    %and3A = arith.andi %lt3A_127, %ge3A_129 : vector<256x1024xi1>
    %lt3A_130 = arith.constant 1.000000e+00 : f32
    %lt3A_131 = vector.broadcast %lt3A_130 : f32 to vector<256x1024xf32>
    %lt3A_132 = arith.cmpf olt, %add3A_112, %lt3A_131 : vector<256x1024xf32>
    %and3A_133 = arith.andi %and3A, %lt3A_132 : vector<256x1024xi1>
    %ge3A_134 = arith.constant 0.000000e+00 : f32
    %ge3A_135 = vector.broadcast %ge3A_134 : f32 to vector<256x1024xf32>
    %ge3A_136 = arith.cmpf oge, %add3A_119, %ge3A_135 : vector<256x1024xf32>
    %and3A_137 = arith.andi %and3A_133, %ge3A_136 : vector<256x1024xi1>
    %lt3A_138 = arith.constant 1.000000e+00 : f32
    %lt3A_139 = vector.broadcast %lt3A_138 : f32 to vector<256x1024xf32>
    %lt3A_140 = arith.cmpf olt, %add3A_119, %lt3A_139 : vector<256x1024xf32>
    %and3A_141 = arith.andi %and3A_137, %lt3A_140 : vector<256x1024xi1>
    %ge3A_142 = arith.constant 0.000000e+00 : f32
    %ge3A_143 = vector.broadcast %ge3A_142 : f32 to vector<256x1024xf32>
    %ge3A_144 = arith.cmpf oge, %add3A_126, %ge3A_143 : vector<256x1024xf32>
    %and3A_145 = arith.andi %and3A_141, %ge3A_144 : vector<256x1024xi1>
    %lt3A_146 = arith.constant 1.000000e+00 : f32
    %lt3A_147 = vector.broadcast %lt3A_146 : f32 to vector<256x1024xf32>
    %lt3A_148 = arith.cmpf olt, %add3A_126, %lt3A_147 : vector<256x1024xf32>
    %and3A_149 = arith.andi %and3A_145, %lt3A_148 : vector<256x1024xi1>
    %iota3A = tpu.iota {dimensions = array<i32: 0>} : vector<128x1024xi32>
    %iota3A_150 = tpu.iota {dimensions = array<i32: 1>} : vector<128x1024xi32>
    %jit3A_151 = arith.constant 8 : i32
    %div3A_152 = vector.broadcast %jit3A_151 : i32 to vector<128x1024xi32>
    %div3A_153 = arith.divsi %iota3A_150, %div3A_152 : vector<128x1024xi32>
    %sign3A = arith.constant 0 : i32
    %sign3A_154 = vector.broadcast %sign3A : i32 to vector<128x1024xi32>
    %sign3A_155 = arith.cmpi sgt, %iota3A_150, %sign3A_154 : vector<128x1024xi32>
    %sign3A_156 = arith.extui %sign3A_155 : vector<128x1024xi1> to vector<128x1024xi32>
    %sign3A_157 = arith.constant 0 : i32
    %sign3A_158 = vector.broadcast %sign3A_157 : i32 to vector<128x1024xi32>
    %sign3A_159 = arith.cmpi slt, %iota3A_150, %sign3A_158 : vector<128x1024xi32>
    %sign3A_160 = arith.extui %sign3A_159 : vector<128x1024xi1> to vector<128x1024xi32>
    %sign3A_161 = arith.subi %sign3A_156, %sign3A_160 : vector<128x1024xi32>
    %sign3A_162 = arith.constant 0 : i32
    %sign3A_163 = arith.cmpi sgt, %jit3A_151, %sign3A_162 : i32
    %sign3A_164 = arith.extui %sign3A_163 : i1 to i32
    %sign3A_165 = arith.constant 0 : i32
    %sign3A_166 = arith.cmpi slt, %jit3A_151, %sign3A_165 : i32
    %sign3A_167 = arith.extui %sign3A_166 : i1 to i32
    %sign3A_168 = arith.subi %sign3A_164, %sign3A_167 : i32
    %ne3A = vector.broadcast %sign3A_168 : i32 to vector<128x1024xi32>
    %ne3A_169 = arith.cmpi ne, %sign3A_161, %ne3A : vector<128x1024xi32>
    %rem3A = vector.broadcast %jit3A_151 : i32 to vector<128x1024xi32>
    %rem3A_170 = arith.remsi %iota3A_150, %rem3A : vector<128x1024xi32>
    %ne3A_171 = arith.constant 0 : i32
    %ne3A_172 = vector.broadcast %ne3A_171 : i32 to vector<128x1024xi32>
    %ne3A_173 = arith.cmpi ne, %rem3A_170, %ne3A_172 : vector<128x1024xi32>
    %and3A_174 = arith.andi %ne3A_169, %ne3A_173 : vector<128x1024xi1>
    %sub3A_175 = arith.constant 1 : i32
    %sub3A_176 = vector.broadcast %sub3A_175 : i32 to vector<128x1024xi32>
    %sub3A_177 = arith.subi %div3A_153, %sub3A_176 : vector<128x1024xi32>
    %select_n3A_178 = arith.select %and3A_174, %sub3A_177, %div3A_153 : vector<128x1024xi1>, vector<128x1024xi32>
    %eq3A = arith.cmpi eq, %iota3A, %select_n3A_178 : vector<128x1024xi32>
    %convert_element_type3A = arith.extui %eq3A : vector<128x1024xi1> to vector<128x1024xi32>
    %convert_element_type3A_179 = arith.sitofp %convert_element_type3A : vector<128x1024xi32> to vector<128x1024xf32>
    %get3A_180 = arith.constant 0 : index
    %get3A_181 = arith.constant 0 : index
    %get3A_182 = vector.load %arg8[%get3A_180, %get3A_181] : memref<256x128xf32, #tpu.memory_space<vmem>>, vector<256x128xf32>
    %dot_general3A = arith.constant dense<0.000000e+00> : vector<256x1024xf32>
    %dot_general3A_183 = tpu.matmul %get3A_182, %convert_element_type3A_179, %dot_general3A {dimension_numbers = #tpu.dot_dimension_numbers<[1], [0], [0], [1], [0, 0, 1, 1], [], []>, precision = #tpu.contract_precision<fp32>, transpose_lhs_hint = false} : vector<256x128xf32>, vector<128x1024xf32>, vector<256x1024xf32> -> vector<256x1024xf32>
    %get3A_184 = arith.constant 0 : index
    %get3A_185 = arith.constant 0 : index
    %get3A_186 = vector.load %arg9[%get3A_184, %get3A_185] : memref<1x1xf32, #tpu.memory_space<vmem>>, vector<1x1xf32>
    %get3A_187 = vector.extract %get3A_186[0, 0] : f32 from vector<1x1xf32>
    %div3A_188 = arith.constant 0x4A000000 : f32
    %div3A_189 = arith.divf %get3A_187, %div3A_188 : f32
    %min3A_190 = arith.constant 0.00999999977 : f32
    %min3A_191 = arith.minimumf %div3A_189, %min3A_190 : f32
    %gt3A_192 = vector.broadcast %min3A_191 : f32 to vector<256x1024xf32>
    %gt3A_193 = arith.cmpf ogt, %dot_general3A_183, %gt3A_192 : vector<256x1024xf32>
    %and3A_194 = arith.andi %and3A_149, %gt3A_193 : vector<256x1024xi1>
    %convert_element_type3A_195 = arith.extui %and3A_194 : vector<256x1024xi1> to vector<256x1024xi32>
    %convert_element_type3A_196 = arith.sitofp %convert_element_type3A_195 : vector<256x1024xi32> to vector<256x1024xf32>
    %iota3A_197 = tpu.iota {dimensions = array<i32: 1>} : vector<256x1024xi32>
    %jit3A_198 = arith.constant 8 : i32
    %eq3A_199 = arith.constant 0 : i32
    %eq3A_200 = arith.cmpi eq, %jit3A_198, %eq3A_199 : i32
    %jit3A_201 = arith.constant 1 : i32
    %select_n3A_202 = arith.select %eq3A_200, %jit3A_201, %jit3A_198 : i32
    %rem3A_203 = vector.broadcast %select_n3A_202 : i32 to vector<256x1024xi32>
    %rem3A_204 = arith.remsi %iota3A_197, %rem3A_203 : vector<256x1024xi32>
    %ne3A_205 = arith.constant 0 : i32
    %ne3A_206 = vector.broadcast %ne3A_205 : i32 to vector<256x1024xi32>
    %ne3A_207 = arith.cmpi ne, %rem3A_204, %ne3A_206 : vector<256x1024xi32>
    %lt3A_208 = arith.constant 0 : i32
    %lt3A_209 = vector.broadcast %lt3A_208 : i32 to vector<256x1024xi32>
    %lt3A_210 = arith.cmpi slt, %rem3A_204, %lt3A_209 : vector<256x1024xi32>
    %lt3A_211 = arith.constant 0 : i32
    %lt3A_212 = arith.cmpi slt, %select_n3A_202, %lt3A_211 : i32
    %ne3A_213 = vector.broadcast %lt3A_212 : i1 to vector<256x1024xi1>
    %ne3A_214 = vector.broadcast %ne3A_213 : vector<256x1024xi1> to vector<256x1024xi1>
    %ne3A_215 = arith.xori %lt3A_210, %ne3A_214 : vector<256x1024xi1>
    %and3A_216 = arith.andi %ne3A_215, %ne3A_207 : vector<256x1024xi1>
    %add3A_217 = vector.broadcast %select_n3A_202 : i32 to vector<256x1024xi32>
    %add3A_218 = arith.addi %rem3A_204, %add3A_217 : vector<256x1024xi32>
    %select_n3A_219 = arith.select %and3A_216, %add3A_218, %rem3A_204 : vector<256x1024xi1>, vector<256x1024xi32>
    %broadcast_in_dim3A_220 = arith.constant 1.000000e+00 : f32
    %broadcast_in_dim3A_221 = vector.broadcast %broadcast_in_dim3A_220 : f32 to vector<256x1024xf32>
    %eq3A_222 = arith.constant 0 : i32
    %eq3A_223 = vector.broadcast %eq3A_222 : i32 to vector<256x1024xi32>
    %eq3A_224 = arith.cmpi eq, %select_n3A_219, %eq3A_223 : vector<256x1024xi32>
    %eq3A_225 = arith.constant 1 : i32
    %eq3A_226 = vector.broadcast %eq3A_225 : i32 to vector<256x1024xi32>
    %eq3A_227 = arith.cmpi eq, %select_n3A_219, %eq3A_226 : vector<256x1024xi32>
    %eq3A_228 = arith.constant 2 : i32
    %eq3A_229 = vector.broadcast %eq3A_228 : i32 to vector<256x1024xi32>
    %eq3A_230 = arith.cmpi eq, %select_n3A_219, %eq3A_229 : vector<256x1024xi32>
    %eq3A_231 = arith.constant 3 : i32
    %eq3A_232 = vector.broadcast %eq3A_231 : i32 to vector<256x1024xi32>
    %eq3A_233 = arith.cmpi eq, %select_n3A_219, %eq3A_232 : vector<256x1024xi32>
    %eq3A_234 = arith.constant 4 : i32
    %eq3A_235 = vector.broadcast %eq3A_234 : i32 to vector<256x1024xi32>
    %eq3A_236 = arith.cmpi eq, %select_n3A_219, %eq3A_235 : vector<256x1024xi32>
    %mul3A_237 = vector.broadcast %div3A : vector<256x1xf32> to vector<256x1024xf32>
    %mul3A_238 = arith.mulf %mul3A_237, %broadcast_in_dim3A_221 : vector<256x1024xf32>
    %eq3A_239 = arith.constant 5 : i32
    %eq3A_240 = vector.broadcast %eq3A_239 : i32 to vector<256x1024xi32>
    %eq3A_241 = arith.cmpi eq, %select_n3A_219, %eq3A_240 : vector<256x1024xi32>
    %mul3A_242 = vector.broadcast %div3A_23 : vector<256x1xf32> to vector<256x1024xf32>
    %mul3A_243 = arith.mulf %mul3A_242, %broadcast_in_dim3A_221 : vector<256x1024xf32>
    %eq3A_244 = arith.constant 6 : i32
    %eq3A_245 = vector.broadcast %eq3A_244 : i32 to vector<256x1024xi32>
    %eq3A_246 = arith.cmpi eq, %select_n3A_219, %eq3A_245 : vector<256x1024xi32>
    %mul3A_247 = vector.broadcast %div3A_24 : vector<256x1xf32> to vector<256x1024xf32>
    %mul3A_248 = arith.mulf %mul3A_247, %broadcast_in_dim3A_221 : vector<256x1024xf32>
    %select_n3A_249 = arith.select %eq3A_246, %mul3A_248, %dot_general3A_183 : vector<256x1024xi1>, vector<256x1024xf32>
    %select_n3A_250 = arith.select %eq3A_241, %mul3A_243, %select_n3A_249 : vector<256x1024xi1>, vector<256x1024xf32>
    %select_n3A_251 = arith.select %eq3A_236, %mul3A_238, %select_n3A_250 : vector<256x1024xi1>, vector<256x1024xf32>
    %select_n3A_252 = arith.select %eq3A_233, %min3A_105, %select_n3A_251 : vector<256x1024xi1>, vector<256x1024xf32>
    %select_n3A_253 = arith.select %eq3A_230, %add3A_126, %select_n3A_252 : vector<256x1024xi1>, vector<256x1024xf32>
    %select_n3A_254 = arith.select %eq3A_227, %add3A_119, %select_n3A_253 : vector<256x1024xi1>, vector<256x1024xf32>
    %select_n3A_255 = arith.select %eq3A_224, %add3A_112, %select_n3A_254 : vector<256x1024xi1>, vector<256x1024xf32>
    %mul3A_256 = arith.mulf %select_n3A_255, %convert_element_type3A_196 : vector<256x1024xf32>
    %swap3A = arith.constant 0 : index
    %swap3A_257 = arith.constant 0 : index
    %swap3A_258 = vector.load %arg14[%swap3A, %swap3A_257] : memref<256x1024xf32, #tpu.memory_space<vmem>>, vector<256x1024xf32>
    tpu.vector_store %arg14[%swap3A, %swap3A_257], %mul3A_256 {strides = array<i32>} : memref<256x1024xf32, #tpu.memory_space<vmem>>, vector<256x1024xf32>,
    %eq3A_259 = arith.constant 0 : i32
    %eq3A_260 = arith.cmpi eq, %arg1, %eq3A_259 : i32
    %convert_element_type3A_261 = arith.extui %eq3A_260 : i1 to i32
    %cond3A = arith.constant 0 : i32
    %cond3A_262 = arith.cmpi ne, %convert_element_type3A_261, %cond3A : i32
    scf.if %cond3A_262 {
      %broadcast_in_dim3A_304 = arith.constant 0 : i32
      %broadcast_in_dim3A_305 = vector.broadcast %broadcast_in_dim3A_304 : i32 to vector<256x1xi32>
      %swap3A_306 = arith.constant 0 : index
      %swap3A_307 = arith.constant 0 : index
      %swap3A_308 = vector.load %arg15[%swap3A_306, %swap3A_307] : memref<256x1xi32, #tpu.memory_space<vmem>>, vector<256x1xi32>
      tpu.vector_store %arg15[%swap3A_306, %swap3A_307], %broadcast_in_dim3A_305 {strides = array<i32>} : memref<256x1xi32, #tpu.memory_space<vmem>>, vector<256x1xi32>,
    } else {
    }
    %get3A_263 = arith.constant 0 : index
    %get3A_264 = arith.constant 0 : index
    %get3A_265 = vector.load %arg15[%get3A_263, %get3A_264] : memref<256x1xi32, #tpu.memory_space<vmem>>, vector<256x1xi32>
    %convert_element_type3A_266 = arith.extui %and3A_194 : vector<256x1024xi1> to vector<256x1024xi32>
    %reduce_sum3A = arith.constant dense<0> : vector<256xi32>
    %reduce_sum3A_267 = vector.multi_reduction <add>, %convert_element_type3A_266, %reduce_sum3A [1] : vector<256x1024xi32> to vector<256xi32>
    %broadcast_in_dim3A_268 = vector.shape_cast %reduce_sum3A_267 : vector<256xi32> to vector<256x1xi32>
    %jit3A_269 = arith.constant 8 : i32
    %div3A_270 = vector.broadcast %jit3A_269 : i32 to vector<256x1xi32>
    %div3A_271 = arith.divsi %broadcast_in_dim3A_268, %div3A_270 : vector<256x1xi32>
    %sign3A_272 = arith.constant 0 : i32
    %sign3A_273 = vector.broadcast %sign3A_272 : i32 to vector<256x1xi32>
    %sign3A_274 = arith.cmpi sgt, %broadcast_in_dim3A_268, %sign3A_273 : vector<256x1xi32>
    %sign3A_275 = arith.extui %sign3A_274 : vector<256x1xi1> to vector<256x1xi32>
    %sign3A_276 = arith.constant 0 : i32
    %sign3A_277 = vector.broadcast %sign3A_276 : i32 to vector<256x1xi32>
    %sign3A_278 = arith.cmpi slt, %broadcast_in_dim3A_268, %sign3A_277 : vector<256x1xi32>
    %sign3A_279 = arith.extui %sign3A_278 : vector<256x1xi1> to vector<256x1xi32>
    %sign3A_280 = arith.subi %sign3A_275, %sign3A_279 : vector<256x1xi32>
    %sign3A_281 = arith.constant 0 : i32
    %sign3A_282 = arith.cmpi sgt, %jit3A_269, %sign3A_281 : i32
    %sign3A_283 = arith.extui %sign3A_282 : i1 to i32
    %sign3A_284 = arith.constant 0 : i32
    %sign3A_285 = arith.cmpi slt, %jit3A_269, %sign3A_284 : i32
    %sign3A_286 = arith.extui %sign3A_285 : i1 to i32
    %sign3A_287 = arith.subi %sign3A_283, %sign3A_286 : i32
    %ne3A_288 = vector.broadcast %sign3A_287 : i32 to vector<256x1xi32>
    %ne3A_289 = arith.cmpi ne, %sign3A_280, %ne3A_288 : vector<256x1xi32>
    %rem3A_290 = vector.broadcast %jit3A_269 : i32 to vector<256x1xi32>
    %rem3A_291 = arith.remsi %broadcast_in_dim3A_268, %rem3A_290 : vector<256x1xi32>
    %ne3A_292 = arith.constant 0 : i32
    %ne3A_293 = vector.broadcast %ne3A_292 : i32 to vector<256x1xi32>
    %ne3A_294 = arith.cmpi ne, %rem3A_291, %ne3A_293 : vector<256x1xi32>
    %and3A_295 = arith.andi %ne3A_289, %ne3A_294 : vector<256x1xi1>
    %sub3A_296 = arith.constant 1 : i32
    %sub3A_297 = vector.broadcast %sub3A_296 : i32 to vector<256x1xi32>
    %sub3A_298 = arith.subi %div3A_271, %sub3A_297 : vector<256x1xi32>
    %select_n3A_299 = arith.select %and3A_295, %sub3A_298, %div3A_271 : vector<256x1xi1>, vector<256x1xi32>
    %add3A_300 = arith.addi %get3A_265, %select_n3A_299 : vector<256x1xi32>
    %swap3A_301 = arith.constant 0 : index
    %swap3A_302 = arith.constant 0 : index
    %swap3A_303 = vector.load %arg15[%swap3A_301, %swap3A_302] : memref<256x1xi32, #tpu.memory_space<vmem>>, vector<256x1xi32>
    tpu.vector_store %arg15[%swap3A_301, %swap3A_302], %add3A_300 {strides = array<i32>} : memref<256x1xi32, #tpu.memory_space<vmem>>, vector<256x1xi32>,
    return
  }
  func.func @transform_0(%arg0: i32, %arg1: i32) -> (i32, i32) {
    %c0_i32 = arith.constant 0 : i32
    %c0_i32_0 = arith.constant 0 : i32
    return %arg0, %c0_i32 : i32, i32
  }
  func.func @transform_1(%arg0: i32, %arg1: i32) -> (i32, i32) {
    %c0_i32 = arith.constant 0 : i32
    %c0_i32_0 = arith.constant 0 : i32
    return %arg0, %c0_i32 : i32, i32
  }
  func.func @transform_2(%arg0: i32, %arg1: i32) -> (i32, i32) {
    %c0_i32 = arith.constant 0 : i32
    %c0_i32_0 = arith.constant 0 : i32
    return %arg0, %c0_i32 : i32, i32
  }
  func.func @transform_3(%arg0: i32, %arg1: i32) -> (i32, i32) {
    %c0_i32 = arith.constant 0 : i32
    %c0_i32_0 = arith.constant 0 : i32
    return %arg0, %c0_i32 : i32, i32
  }
  func.func @transform_4(%arg0: i32, %arg1: i32) -> (i32, i32) {
    %c0_i32 = arith.constant 0 : i32
    %c0_i32_0 = arith.constant 0 : i32
    return %arg0, %c0_i32 : i32, i32
  }
  func.func @transform_5(%arg0: i32, %arg1: i32) -> (i32, i32) {
    %c0_i32 = arith.constant 0 : i32
    %c0_i32_0 = arith.constant 0 : i32
    return %arg0, %c0_i32 : i32, i32
  }
  func.func @transform_6(%arg0: i32, %arg1: i32) -> (i32, i32) {
    %c0_i32 = arith.constant 0 : i32
    return %arg0, %arg1 : i32, i32
  }
  func.func @transform_7(%arg0: i32, %arg1: i32) -> (i32, i32) {
    %c0_i32 = arith.constant 0 : i32
    %c0_i32_0 = arith.constant 0 : i32
    %c0_i32_1 = arith.constant 0 : i32
    return %c0_i32, %c0_i32_0 : i32, i32
  }
  func.func @transform_8(%arg0: i32, %arg1: i32) -> (i32, i32) {
    %c0_i32 = arith.constant 0 : i32
    %c0_i32_0 = arith.constant 0 : i32
    return %c0_i32, %arg1 : i32, i32
  }
  func.func @transform_9(%arg0: i32, %arg1: i32) -> (i32, i32) {
    %c0_i32 = arith.constant 0 : i32
    %c0_i32_0 = arith.constant 0 : i32
    return %c0_i32, %arg1 : i32, i32
  }
  func.func @transform_12(%arg0: i32, %arg1: i32) -> (i32, i32) {
    %add3A = arith.constant 15 : i32
    %add3A_0 = arith.addi %arg0, %add3A : i32
    %c0_i32 = arith.constant 0 : i32
    return %add3A_0, %arg1 : i32, i32
  }
  func.func @transform_13(%arg0: i32, %arg1: i32) -> (i32, i32) {
    %add3A = arith.constant 15 : i32
    %add3A_0 = arith.addi %arg0, %add3A : i32
    %c0_i32 = arith.constant 0 : i32
    %c0_i32_1 = arith.constant 0 : i32
    return %add3A_0, %c0_i32 : i32, i32
  }
}

</mosaic_0001>

<sc_bundles>
// kernel: kernel.15.cloned.1.call-start
scs
__scs_entry_jumppad:
0x0: {  	(pc) =	sbr.rel $0x88, $3  }
0x1: {  	(tag) =	ssettag $0x0;
	lr =	simm.s32 $0x1  }
0x2: {  	[smem:$0x3F9E] =	sst lr;
	_ =	strace $0xD0000000  }
0x3: {  	_ = 	snop  }
0x4: {  	_ = 	snop  }
0x5: {  	_ = 	snop  }
0x6: {  	_ = 	snop  }
0x7: {  	_ = 	snop  }
__scs_overlays_trampoline_lowered:
0x8: {  	[smem:$0x3FAD] =	sst s0  }
0x9: {  	[smem:$0x3FAE] =	sst s1  }
0xa: {  	[smem:$0x3FAF] =	sst s2  }
0xb: {  	[smem:$0x3FB0] =	sst s3  }
0xc: {  	[smem:$0x3FB1] =	sst s4  }
0xd: {  	[smem:$0x3FB2] =	sst s5  }
0xe: {  	[smem:$0x3FB3] =	sst s6  }
0xf: {  	[smem:$0x3FB4] =	sst s7  }
0x10: {  	[smem:$0x3FB5] =	sst s8  }
0x11: {  	[smem:$0x3FB6] =	sst s9;
	s0 =	simm.s32 @!p0 $0x0  }
0x12: {  	s1 =	sld [smem:$0x3F9C];
	s0 =	simm.s32 @p0 $0x1  }
0x13: {  	[smem:$0x3FB7] =	sst s0;
	s0 =	simm.s32 @!p1 $0x0  }
0x14: {  	s2 =	sld [smem:$0x3F9B];
	s0 =	simm.s32 @p1 $0x1  }
0x15: {  	[smem:$0x3FB8] =	sst s0;
	s0 =	simm.s32 @!p2 $0x0  }
0x16: {  	s3 =	sld [smem:$0x3FDB];
	s0 =	simm.s32 @p2 $0x1  }
0x17: {  	s4 =	simm.s32 $0x1BF5;
	[smem:$0x3FBA] =	sst s0  }
0x18: {  	s0 =	sld [smem:$0x3F9D];
	_ =	swait.ge [sflag:s4], $0x0  }
0x19: {  	s7 =	sld [smem:$0x3F9E]  }
0x1a: {  	s8 =	sadd.s32 $0xFFFFE003, lr  }
0x1b: {  	s9 =	sadd.s32 $0xFFFFFEF7, lr;
	s5 =	simm.s32 $0xFFFFFFFF;
	p2 =	slt.u32 s8, $0xFFFFF086  }
0x1c: {  	p1 =	slt.u32 s9, $0xF7A;
	s5 =	simm.s32 @!p2 $0x0  }
0x1d: {  	s5 =	simm.s32 @p1 $0x1;
	p0 =	seq.s32 s7, s2  }
0x1e: {  	s7 =	smul.u32 @!p0 $0xF7A, s2;
	p2 =	seq.s32 @!p0 s5, $0x0  }
0x1f: {  	s9 =	smul.u32 $0xF7A, s1;
	s8 =	simm.s32 @!p0 $0x1BF5;
	p2 =	por !p2, p0  }
0x20: {  	[sflag:s8] =	ssyncset.s32 @!p0 $0xFFFFF086;
	s6 =	sadd.s32 @!p0 s3, s7;
	s7 =	simm.s32 @!p0 $0x108  }
0x21: {  	s3 =	sadd.s32 s3, s9;
	s6 =	sadd.s32 @!p0 $0x88, s6;
	s7 =	simm.s32 @p2 $0x1082  }
0x22: {  	[simem:s7], [sflag:s8] =	dma.local @!p0 [hbm:s6], $0xF7A  }
0x23: {  	s9 =	sor.u32 $0xD0000000, s2;
	s6 =	simm.s32 $0x108;
	_ =	swait.ge @!p0 [sflag:s8], $0x0  }
0x24: {  	s3 =	sadd.s32 $0x88, s3;
	s6 =	simm.s32 @!p1 $0x1082;
	[sflag:s4] =	ssyncset.s32 $0xFFFFF086  }
0x25: {  	[simem:s6], [sflag:s4] =	dma.local [hbm:s3], $0xF7A  }
0x26: {  	[smem:$0x3F9E] =	sst s1;
	(tag) =	ssettag s2;
	_ =	strace s9  }
0x27: {  	s1 =	sld [smem:$0x3FAE]  }
0x28: {  	s2 =	sld [smem:$0x3FAF]  }
0x29: {  	s4 =	sld [smem:$0x3FB1]  }
0x2a: {  	p0 =	seq.s32 s5, $0x0;
	s5 =	sld [smem:$0x3FB2]  }
0x2b: {  	s6 =	sld [smem:$0x3FB3]  }
0x2c: {  	s7 =	sld [smem:$0x3FB4]  }
0x2d: {  	s3 =	simm.s32 $0x108;
	s8 =	sld [smem:$0x3FB5]  }
0x2e: {  	s3 =	simm.s32 @!p0 $0x1082;
	s9 =	sld [smem:$0x3FB6]  }
0x2f: {  	lr =	sadd.s32 s0, s3;
	s0 =	sld [smem:$0x3FAD]  }
0x30: {  	s3 =	sld [smem:$0x3FB0]  }
0x31: {  	[smem:$0x3FB9] =	sst s10  }
0x32: {  	s10 =	sld [smem:$0x3FB7];
	_ =	sdelay $0x3  }
0x33: {  	p0 =	seq.s32 s10, $0x1;
	s10 =	sld [smem:$0x3FB9];
	_ =	sdelay $0x3  }
0x34: {  	[smem:$0x3FB9] =	sst s10  }
0x35: {  	s10 =	sld [smem:$0x3FB8];
	_ =	sdelay $0x3  }
0x36: {  	p1 =	seq.s32 s10, $0x1;
	s10 =	sld [smem:$0x3FB9];
	_ =	sdelay $0x3  }
0x37: {  	[smem:$0x3FB9] =	sst s10  }
0x38: {  	s10 =	sld [smem:$0x3FBA]  }
0x39: {  	_ = 	snop;
	(pc) =	sbr.ind lr, $3  }
0x3a: {  	_ = 	snop  }
0x3b: {  	_ = 	snop  }
0x3c: {  	p2 =	seq.s32 s10, $0x1;
	s10 =	sld [smem:$0x3FB9]  }
0x3d: {  	_ =	shalt  }
0x3e: {  	_ =	shalt  }
0x3f: {  	_ =	shalt  }
0x40: {  	_ =	shalt  }
0x41: {  	_ =	shalt  }
0x42: {  	_ =	shalt  }
0x43: {  	_ =	shalt  }
0x44: {  	_ =	shalt  }
0x45: {  	_ =	shalt  }
0x46: {  	_ =	shalt  }
0x47: {  	_ =	shalt  }
0x48: {  	_ =	shalt  }
0x49: {  	_ =	shalt  }
0x4a: {  	_ =	shalt  }
0x4b: {  	_ =	shalt  }
0x4c: {  	_ =	shalt  }
0x4d: {  	_ =	shalt  }
0x4e: {  	_ =	shalt  }
0x4f: {  	_ =	shalt  }
0x50: {  	_ =	shalt  }
0x51: {  	_ =	shalt  }
0x52: {  	_ =	shalt  }
0x53: {  	_ =	shalt  }
0x54: {  	_ =	shalt  }
0x55: {  	_ =	shalt  }
0x56: {  	_ =	shalt  }
0x57: {  	_ =	shalt  }
0x58: {  	_ =	shalt  }
0x59: {  	_ =	shalt  }
0x5a: {  	_ =	shalt  }
0x5b: {  	_ =	shalt  }
0x5c: {  	_ =	shalt  }
0x5d: {  	_ =	shalt  }
0x5e: {  	_ =	shalt  }
0x5f: {  	_ =	shalt  }
0x60: {  	_ =	shalt  }
0x61: {  	_ =	shalt  }
0x62: {  	_ =	shalt  }
0x63: {  	_ =	shalt  }
0x64: {  	_ =	shalt  }
0x65: {  	_ =	shalt  }
0x66: {  	_ =	shalt  }
0x67: {  	_ =	shalt  }
0x68: {  	_ =	shalt  }
0x69: {  	_ =	shalt  }
0x6a: {  	_ =	shalt  }
0x6b: {  	_ =	shalt  }
0x6c: {  	_ =	shalt  }
0x6d: {  	_ =	shalt  }
0x6e: {  	_ =	shalt  }
0x6f: {  	_ =	shalt  }
0x70: {  	_ =	shalt  }
0x71: {  	_ =	shalt  }
0x72: {  	_ =	shalt  }
0x73: {  	_ =	shalt  }
0x74: {  	_ =	shalt  }
0x75: {  	_ =	shalt  }
0x76: {  	_ =	shalt  }
0x77: {  	_ =	shalt  }
0x78: {  	_ =	shalt  }
0x79: {  	_ =	shalt  }
0x7a: {  	_ =	shalt  }
0x7b: {  	_ =	shalt  }
0x7c: {  	_ =	shalt  }
0x7d: {  	_ =	shalt  }
0x7e: {  	_ =	shalt  }
0x7f: {  	_ =	shalt  }
0x80: {  	_ =	shalt  }
0x81: {  	_ =	shalt  }
0x82: {  	_ =	shalt  }
0x83: {  	_ =	shalt  }
0x84: {  	_ =	shalt  }
0x85: {  	_ =	shalt  }
0x86: {  	_ =	shalt  }
0x87: {  	_ =	shalt  }
.Lfunc_end0:
.L_simem_size_0:
called_computation.1_lowered:
.L_overlay_start_0:
0x88: {  	s2 =	sld [smem:$0x3FD9]  }
0x89: {  	s3 =	sld [smem:$0x3FFE];
	_ =	sdelay $0x1  }
0x8a: {  	s1 =	srdreg.scid  }
0x8b: {  	s0 =	sand.u32 $0x1, s1  }
0x8c: {  	s14 =	sshll.u32 s0, $0xA;
	s2 =	sadd.s32 s3, s2  }
0x8d: {  	s2 =	sadd.s32 s2, s14  }
0x8e: {  	[smem:$0x3FC5] =	sst s2  }
0x8f: {  	_ = 	snop  }
0x90: {  	s2 =	sld [smem:$0x3FD0];
	_ =	sdelay $0x2  }
0x91: {  	s4 =	simm.s32 $0xD;
	s5 =	simm.s32 $0x10;
	s15 =	sld [smem:$0x3FC7]  }
0x92: {  	[smem:s5], [sflag:s4] =	dma.local [hbm:s2], $0x1  }
0x93: {  	_ =	swait.eq [sflag:s4], $0x1  }
0x94: {  	[sflag:s4] =	ssyncset.done $0x0  }
0x95: {  	[sflag:s4] =	ssyncadd.s32 $0xFFFFFFFF  }
0x96: {  	s16 =	sld [smem:$0x10];
	(tm) =	ssettm $0x1  }
0x97: {  	s17 =	sld [smem:$0x3FFB];
	_ =	sdelay $0x3  }
0x98: {  	_ =	strace s17  }
0x99: {  	s4 =	sld [smem:$0x3FFC];
	_ =	sdelay $0x3  }
0x9a: {  	_ =	strace s4  }
0x9b: {  	s4 =	sld [smem:$0x3FFD];
	_ =	sdelay $0x3  }
0x9c: {  	_ =	strace s4  }
0x9d: {  	_ =	strace $0x8FFFFFFF  }
0x9e: {  	s18 =	sld [smem:$0x3FDB];
	_ =	sdelay $0x1  }
0x9f: {  	s19 =	simm.s32 $_scs_section_size  }
0xa0: {  	s6 =	simm.s32 $_size__tile_overlayer_lowered;
	s7 =	simm.s32 $_tile_overlayer_lowered  }
0xa1: {  	s22 =	simm.s32 $0x1BFF;
	s21 =	sshll.u32 s7, $0x1;
	s4 =	sadd.s32 s19, s18  }
0xa2: {  	s8 =	simm.s32 $0x0;
	s20 =	sshll.u32 s6, $0x1;
	s6 =	sadd.s32 s21, s4  }
0xa3: {  	[timem:s8], [sflag:s22] =	dma.local [hbm:s6], s20  }
0xa4: {  	_ =	swait.ge [sflag:s22], s20  }
0xa5: {  	s5 =	ssub.s32 $0x0, s20;
	[sflag:s22] =	ssyncset.done $0x0  }
0xa6: {  	[sflag:s22] =	ssyncadd.s32 s5;
	_ =	sdelay $0x1  }
0xa7: {  	s23 =	simm.s32 $0x1B8B  }
0xa8: {  	_ =	swait.ge [sflag:s23], $0x1  }
0xa9: {  	[sflag:s23] =	ssyncset.done $0x0  }
0xaa: {  	s25 =	simm.s32 $0x1B8E;
	s24 =	sld [smem:$0x3FFE];
	[sflag:s23] =	ssyncadd.s32 $0xFFFFFFFF  }
0xab: {  	s26 =	simm.s32 $execute0_lowered;
	[smem:$0x3FD2] =	sst s25  }
0xac: {  	s6 =	sshll.u32 s26, $0x1;
	_ =	strace $0x80000046;
	[dreg:$0x1] =	wrdreg $0xFFFFFFFF  }
0xad: {  	s28 =	simm.s32 $_size_execute0_lowered;
	s4 =	sadd.s32 s4, s6;
	[dreg:$0x0] =	wrdreg $0x0  }
0xae: {  	s6 =	sshll.u32 s28, $0x1;
	[dreg:$0x2] =	wrdreg s4  }
0xaf: {  	[dreg:$0x3] =	wrdreg s6  }
0xb0: {  	[dreg:$0x4] =	wrdreg $0xC0  }
0xb1: {  	_ =	task [dreg:s8], $0x5FFFF  }
0xb2: {  	[dreg:$0x1] =	wrdreg $0xFFFFFFFF  }
0xb3: {  	[dreg:$0x0] =	wrdreg $0x60  }
0xb4: {  	[dreg:$0x2] =	wrdreg s16  }
0xb5: {  	[dreg:$0x3] =	wrdreg s15  }
0xb6: {  	[dreg:$0x4] =	wrdreg s24  }
0xb7: {  	[dreg:$0x5] =	wrdreg $0x9  }
0xb8: {  	_ =	task.clear_ibuf [dreg:s8], $0x6FFFF;
	_ =	strace $0x90000046  }
0xb9: {  	s29 =	simm.s32 $0x9;
	_ =	strace $0x80000048  }
0xba: {  	_ =	swait.ge [sflag:s29], $0x1  }
0xbb: {  	[sflag:s29] =	ssyncadd.s32 $0xFFFFFFFF  }
0xbc: {  	_ =	strace $0x90000048  }
0xbd: {  	_ =	sfence  }
0xbe: {  	s30 =	sld [smem:$0x0];
	_ =	sdelay $0x2  }
0xbf: {  	s31 =	sshll.u32 s1, $0xD;
	s1 =	sshrl.u32 s1, $0x2  }
0xc0: {  	s3 =	sand.u32 $0x4000, s31;
	s1 =	sadd.s32 s1, s30  }
0xc1: {  	s0 =	sor.u32 s3, s0;
	s1 =	sshll.u32 s1, $0x11  }
0xc2: {  	s0 =	sor.u32 s1, s0  }
0xc3: {  	s0 =	sadd.s32 $0x8F2B, s0  }
0xc4: {  	[sflag:s0] =	ssyncadd.remote.s32 $0x1  }
0xc5: {  	_ =	sfence.sel $0xFFFF  }
0xc6: {  	[dreg:$0x0] =	wrdreg $0xFFFFFFFF;
	(pc) =	sbr.abs _section_cstart, $3  }
0xc7: {  	[dreg:$0x1] =	wrdreg $0xFFFFFFFF  }
0xc8: {  	_ =	task.clear_ibuf [dreg:s8], $0x2FFFF;
	_ =	strace $0x9FFFFFFF  }
0xc9: {  	(tm) =	ssettm $0x7FFFFFFF  }
tec
execute0_lowered:
.L_overlay_start_1:
0x0: {  	(tag) =	ssettag $0x1  }
0x1: {  	s0 =	rddreg [dreg:$0x0]  }
0x2: {  	s2 =	rddreg [dreg:$0x1]  }
0x3: {  	s1 =	srdreg.scid;
	s8 =	stileid.u32  }
0x4: {  	s4 =	rddreg [dreg:$0x2];
	s3 =	simm.s32 $0x0;
	s18 =	simm.s32 $0x1  }
0x5: {  	s19 =	simm.s32 $0x1000;
	s20 =	simm.s32 $0x800;
	s28 =	simm.s32 $0x1800  }
0x6: {  	s29 =	simm.s32 $0x3800;
	s30 =	simm.s32 $0x4;
	s31 =	simm.s32 $0x6  }
0x7: {  	s1 =	sand.u32 $0x1, s1;
	s5 =	sshll.u32 s8, $0x1;
	s9 =	smul.u32 $0x14000, s8  }
0x8: {  	s5 =	sor.u32 s1, s5;
	s6 =	ssub.s32 $0x2, s1;
	s1 =	smul.u32 $0xA000, s1  }
0x9: {  	[smem:$0x7FF] =	sst s3;
	s5 =	smul.u32 $0xA000, s5;
	s7 =	sshrl.u32 s6, $0x1  }
0xa: {  	s4 =	sadd.s32 $0x2E00, s4;
	_ =	strace $0x80000047;
	s6 =	ssub.s32 s6, s7  }
0xb: {  	s1 =	sadd.s32 s1, s9;
	s21 =	sshrl.u32 s5, $0x3;
	s5 =	sor.u32 $0x1000, s5  }
0xc: {  	s6 =	smax.u32 s6, $0x1;
	s25 =	sadd.s32 $0x4000, s1;
	s26 =	sadd.s32 $0x3000, s1  }
0xd: {  	s17 =	sadd.s32 $0x2000, s1;
	s1 =	simm.s32 $0x7;
	s10 =	sadd.s32 s0, s21  }
0xe: {  	[dreg:$0x5] =	wrdreg s6;
	s5 =	sshrl.u32 s5, $0x3;
	s8 =	sadd.s32 s4, s21  }
0xf: {  	s24 =	sadd.s32 $0x1200, s21;
	s6 =	sshrl.u32 s25, $0x3;
	s7 =	sshrl.u32 s26, $0x3  }
0x10: {  	s21 =	simm.s32 $0x2000;
	s25 =	simm.s32 $0x2;
	s26 =	simm.s32 $0x3000  }
0x11: {  	s22 =	sadd.s32 s0, s5;
	[dreg:$0x4] =	wrdreg s10;
	s23 =	sadd.s32 $0x400, s10  }
0x12: {  	s5 =	sadd.s32 s4, s5;
	s11 =	sadd.s32 s0, s24;
	s12 =	sadd.s32 $0x1000, s8  }
0x13: {  	s13 =	sadd.s32 s4, s24;
	s14 =	sadd.s32 s6, s0;
	s15 =	sadd.s32 s7, s4  }
0x14: {  	s16 =	sadd.s32 s7, s0;
	s24 =	simm.s32 $0x5;
	[dreg:$0x6] =	wrdreg s22  }
0x15: {  	s0 =	simm.s32 $0x8;
	s6 =	simm.s32 $0x0;
	[dreg:$0x7] =	wrdreg s23  }
0x16: {  	[dreg:$0x8] =	wrdreg s5;
	s22 =	simm.s32 $0x2800;
	s23 =	simm.s32 $0x3  }
.LBB2_1:
0x17: {  	s5 =	rddreg [dreg:$0x4]  }
0x18: {  	[tilespmem:s3], [sflag:$0x1] =	stream.linear.gather [hbm4b:s5+s3], $0x1000, $0x38;
	[tilespmem:$0x4000] =	vst v63  }
0x19: {  	_ =	swait.ge [sflag:s18], $0x1000  }
0x1a: {  	[sflag:s18] =	ssyncset.done $0x0  }
0x1b: {  	s7 =	rddreg [dreg:$0x6];
	[sflag:s18] =	ssyncadd.s32 $0xFFFFF000  }
0x1c: {  	[tilespmem:s19], [sflag:$0x2] =	stream.linear.gather [hbm4b:s7+s3], $0x1000, $0x38;
	[tilespmem:$0x4000] =	vst v63  }
0x1d: {  	_ = 	snop  }
0x1e: {  	[tilespmem:s21], [sflag:$0x3] =	stream.indirect.gather [hbm4b:s2+s20], $0x1, s3, s20, $0xb8;
	[tilespmem:$0x4000] =	vst v63  }
0x1f: {  	_ = 	snop  }
0x20: {  	[tilespmem:s22], [sflag:$0x5] =	stream.indirect.gather [hbm4b:s2+s20], $0x1, s20, s20, $0xb8;
	[tilespmem:$0x4000] =	vst v63  }
0x21: {  	_ =	swait.ge [sflag:s23], $0x800  }
0x22: {  	[sflag:s23] =	ssyncset.done $0x0  }
0x23: {  	[sflag:s23] =	ssyncadd.s32 $0xFFFFF800  }
0x24: {  	_ =	swait.ge [sflag:s24], $0x800  }
0x25: {  	[sflag:s24] =	ssyncset.done $0x0  }
0x26: {  	[sflag:s24] =	ssyncadd.s32 $0xFFFFF800  }
0x27: {  	[hbm4b:s8+s3] =	stream.linear.scatter [tilespmem:s21], [sflag:$0x7], $0x1000, $0x38;
	[tilespmem:$0x4000] =	vst v63  }
0x28: {  	_ =	swait.ge [sflag:s25], $0x1000  }
0x29: {  	[sflag:s25] =	ssyncset.done $0x0  }
0x2a: {  	s9 =	rddreg [dreg:$0x7];
	[sflag:s25] =	ssyncadd.s32 $0xFFFFF000  }
0x2b: {  	[tilespmem:s3], [sflag:$0x1] =	stream.linear.gather [hbm4b:s9+s3], $0x1000, $0x38;
	[tilespmem:$0x4000] =	vst v63  }
0x2c: {  	_ = 	snop  }
0x2d: {  	[tilespmem:s26], [sflag:$0x4] =	stream.indirect.gather [hbm4b:s2+s20], $0x1, s19, s20, $0xb8;
	[tilespmem:$0x4000] =	vst v63  }
0x2e: {  	_ = 	snop  }
0x2f: {  	[tilespmem:s29], [sflag:$0x6] =	stream.indirect.gather [hbm4b:s2+s20], $0x1, s28, s20, $0xb8;
	[tilespmem:$0x4000] =	vst v63  }
0x30: {  	_ =	swait.ge [sflag:s30], $0x800  }
0x31: {  	[sflag:s30] =	ssyncset.done $0x0  }
0x32: {  	[sflag:s30] =	ssyncadd.s32 $0xFFFFF800  }
0x33: {  	_ =	swait.ge [sflag:s31], $0x800  }
0x34: {  	[sflag:s31] =	ssyncset.done $0x0  }
0x35: {  	s10 =	rddreg [dreg:$0x8];
	[sflag:s31] =	ssyncadd.s32 $0xFFFFF800  }
0x36: {  	[hbm4b:s10+s3] =	stream.linear.scatter [tilespmem:s26], [sflag:$0x8], $0x1000, $0x38;
	[tilespmem:$0x4000] =	vst v63  }
0x37: {  	_ =	swait.ge [sflag:s1], $0x1000  }
0x38: {  	[sflag:s1] =	ssyncset.done $0x0  }
0x39: {  	[sflag:s1] =	ssyncadd.s32 $0xFFFFF000  }
0x3a: {  	_ =	swait.ge [sflag:s18], $0x1000  }
0x3b: {  	[sflag:s18] =	ssyncset.done $0x0  }
0x3c: {  	s7 =	sadd.s32 $0x0, s16;
	[sflag:s18] =	ssyncadd.s32 $0xFFFFF000  }
0x3d: {  	[tilespmem:s19], [sflag:$0x2] =	stream.linear.gather [hbm4b:s7+s3], $0x1000, $0x38;
	[tilespmem:$0x4000] =	vst v63  }
0x3e: {  	_ = 	snop  }
0x3f: {  	[tilespmem:s21], [sflag:$0x3] =	stream.indirect.gather [hbm4b:s2+s20], $0x1, s3, s20, $0xb8;
	[tilespmem:$0x4000] =	vst v63  }
0x40: {  	_ = 	snop  }
0x41: {  	[tilespmem:s22], [sflag:$0x5] =	stream.indirect.gather [hbm4b:s2+s20], $0x1, s20, s20, $0xb8;
	[tilespmem:$0x4000] =	vst v63  }
0x42: {  	_ =	swait.ge [sflag:s23], $0x800  }
0x43: {  	[sflag:s23] =	ssyncset.done $0x0  }
0x44: {  	[sflag:s23] =	ssyncadd.s32 $0xFFFFF800  }
0x45: {  	_ =	swait.ge [sflag:s24], $0x800  }
0x46: {  	s9 =	sshrl.u32 s17, $0x3;
	[sflag:s24] =	ssyncset.done $0x0  }
0x47: {  	s5 =	sadd.s32 s4, s9;
	[sflag:s24] =	ssyncadd.s32 $0xFFFFF800  }
0x48: {  	[hbm4b:s5+s3] =	stream.linear.scatter [tilespmem:s21], [sflag:$0x7], $0x1000, $0x38;
	[tilespmem:$0x4000] =	vst v63  }
0x49: {  	_ =	swait.ge [sflag:s0], $0x1000  }
0x4a: {  	[sflag:s0] =	ssyncset.done $0x0  }
0x4b: {  	[sflag:s0] =	ssyncadd.s32 $0xFFFFF000  }
0x4c: {  	_ =	swait.ge [sflag:s25], $0x1000  }
0x4d: {  	[sflag:s25] =	ssyncset.done $0x0  }
0x4e: {  	s10 =	sadd.s32 $0x0, s14;
	[sflag:s25] =	ssyncadd.s32 $0xFFFFF000  }
0x4f: {  	[tilespmem:s3], [sflag:$0x1] =	stream.linear.gather [hbm4b:s10+s3], $0x1000, $0x38;
	[tilespmem:$0x4000] =	vst v63  }
0x50: {  	_ = 	snop  }
0x51: {  	[tilespmem:s26], [sflag:$0x4] =	stream.indirect.gather [hbm4b:s2+s20], $0x1, s19, s20, $0xb8;
	[tilespmem:$0x4000] =	vst v63  }
0x52: {  	_ = 	snop  }
0x53: {  	[tilespmem:s29], [sflag:$0x6] =	stream.indirect.gather [hbm4b:s2+s20], $0x1, s28, s20, $0xb8;
	[tilespmem:$0x4000] =	vst v63  }
0x54: {  	_ =	swait.ge [sflag:s30], $0x800  }
0x55: {  	[sflag:s30] =	ssyncset.done $0x0  }
0x56: {  	[sflag:s30] =	ssyncadd.s32 $0xFFFFF800  }
0x57: {  	_ =	swait.ge [sflag:s31], $0x800  }
0x58: {  	s9 =	sadd.s32 $0x0, s15;
	[sflag:s31] =	ssyncset.done $0x0  }
0x59: {  	s7 =	simm.s32 $0x400;
	s5 =	sadd.s32 $0x2000, s17;
	[sflag:s31] =	ssyncadd.s32 $0xFFFFF800  }
.LBB2_2:
0x5a: {  	[hbm4b:s9+s3] =	stream.linear.scatter [tilespmem:s26], [sflag:$0x8], $0x1000, $0x38;
	[tilespmem:$0x4000] =	vst v63  }
0x5b: {  	s9 =	smov.u32 s7  }
0x5c: {  	p0 =	sne.s32 s7, $0x800;
	s7 =	sadd.s32 $0x400, s7;
	_ =	swait.ge [sflag:s1], $0x1000  }
0x5d: {  	[sflag:s1] =	ssyncset.done $0x0  }
0x5e: {  	[sflag:s1] =	ssyncadd.s32 $0xFFFFF000  }
0x5f: {  	_ =	swait.ge [sflag:s18], $0x1000  }
0x60: {  	[sflag:s18] =	ssyncset.done $0x0  }
0x61: {  	s10 =	sadd.s32 s9, s16;
	[sflag:s18] =	ssyncadd.s32 $0xFFFFF000  }
0x62: {  	[tilespmem:s19], [sflag:$0x2] =	stream.linear.gather [hbm4b:s10+s3], $0x1000, $0x38;
	[tilespmem:$0x4000] =	vst v63  }
0x63: {  	_ = 	snop  }
0x64: {  	[tilespmem:s21], [sflag:$0x3] =	stream.indirect.gather [hbm4b:s2+s20], $0x1, s3, s20, $0xb8;
	[tilespmem:$0x4000] =	vst v63  }
0x65: {  	_ = 	snop  }
0x66: {  	[tilespmem:s22], [sflag:$0x5] =	stream.indirect.gather [hbm4b:s2+s20], $0x1, s20, s20, $0xb8;
	[tilespmem:$0x4000] =	vst v63  }
0x67: {  	_ =	swait.ge [sflag:s23], $0x800  }
0x68: {  	[sflag:s23] =	ssyncset.done $0x0  }
0x69: {  	[sflag:s23] =	ssyncadd.s32 $0xFFFFF800  }
0x6a: {  	_ =	swait.ge [sflag:s24], $0x800  }
0x6b: {  	s10 =	sshrl.u32 s5, $0x3;
	[sflag:s24] =	ssyncset.done $0x0  }
0x6c: {  	s10 =	sadd.s32 s4, s10;
	[sflag:s24] =	ssyncadd.s32 $0xFFFFF800  }
0x6d: {  	[hbm4b:s10+s3] =	stream.linear.scatter [tilespmem:s21], [sflag:$0x7], $0x1000, $0x38;
	[tilespmem:$0x4000] =	vst v63  }
0x6e: {  	_ =	swait.ge [sflag:s0], $0x1000  }
0x6f: {  	[sflag:s0] =	ssyncset.done $0x0  }
0x70: {  	[sflag:s0] =	ssyncadd.s32 $0xFFFFF000  }
0x71: {  	_ =	swait.ge [sflag:s25], $0x1000  }
0x72: {  	[sflag:s25] =	ssyncset.done $0x0  }
0x73: {  	s10 =	sadd.s32 s9, s14;
	[sflag:s25] =	ssyncadd.s32 $0xFFFFF000  }
0x74: {  	[tilespmem:s3], [sflag:$0x1] =	stream.linear.gather [hbm4b:s10+s3], $0x1000, $0x38;
	[tilespmem:$0x4000] =	vst v63  }
0x75: {  	_ = 	snop  }
0x76: {  	[tilespmem:s26], [sflag:$0x4] =	stream.indirect.gather [hbm4b:s2+s20], $0x1, s19, s20, $0xb8;
	[tilespmem:$0x4000] =	vst v63  }
0x77: {  	_ = 	snop  }
0x78: {  	[tilespmem:s29], [sflag:$0x6] =	stream.indirect.gather [hbm4b:s2+s20], $0x1, s28, s20, $0xb8;
	[tilespmem:$0x4000] =	vst v63  }
0x79: {  	_ =	swait.ge [sflag:s30], $0x800  }
.Ltmp0:
0x7a: {  	[sflag:s30] =	ssyncset.done $0x0;
	(pc) =	sbr.rel @p0 .LBB2_2-.Ltmp0, $4  }
0x7b: {  	[sflag:s30] =	ssyncadd.s32 $0xFFFFF800  }
0x7c: {  	_ =	swait.ge [sflag:s31], $0x800  }
0x7d: {  	[sflag:s31] =	ssyncset.done $0x0  }
0x7e: {  	s5 =	sadd.s32 $0x2000, s5;
	s9 =	sadd.s32 s9, s15;
	[sflag:s31] =	ssyncadd.s32 $0xFFFFF800  }
0x7f: {  	[hbm4b:s9+s3] =	stream.linear.scatter [tilespmem:s26], [sflag:$0x8], $0x1000, $0x38;
	[tilespmem:$0x4000] =	vst v63  }
0x80: {  	_ =	swait.ge [sflag:s1], $0x1000  }
0x81: {  	[sflag:s1] =	ssyncset.done $0x0  }
0x82: {  	[sflag:s1] =	ssyncadd.s32 $0xFFFFF000  }
0x83: {  	_ =	swait.ge [sflag:s18], $0x1000  }
0x84: {  	[sflag:s18] =	ssyncset.done $0x0  }
0x85: {  	[sflag:s18] =	ssyncadd.s32 $0xFFFFF000  }
0x86: {  	[tilespmem:s19], [sflag:$0x2] =	stream.linear.gather [hbm4b:s11+s3], $0x1000, $0x38;
	[tilespmem:$0x4000] =	vst v63  }
0x87: {  	_ = 	snop  }
0x88: {  	[tilespmem:s21], [sflag:$0x3] =	stream.indirect.gather [hbm4b:s2+s20], $0x1, s3, s20, $0xb8;
	[tilespmem:$0x4000] =	vst v63  }
0x89: {  	_ = 	snop  }
0x8a: {  	[tilespmem:s22], [sflag:$0x5] =	stream.indirect.gather [hbm4b:s2+s20], $0x1, s20, s20, $0xb8;
	[tilespmem:$0x4000] =	vst v63  }
0x8b: {  	_ =	swait.ge [sflag:s23], $0x800  }
0x8c: {  	[sflag:s23] =	ssyncset.done $0x0  }
0x8d: {  	[sflag:s23] =	ssyncadd.s32 $0xFFFFF800  }
0x8e: {  	_ =	swait.ge [sflag:s24], $0x800  }
0x8f: {  	[sflag:s24] =	ssyncset.done $0x0  }
0x90: {  	[sflag:s24] =	ssyncadd.s32 $0xFFFFF800  }
0x91: {  	[hbm4b:s12+s3] =	stream.linear.scatter [tilespmem:s21], [sflag:$0x7], $0x1000, $0x38;
	[tilespmem:$0x4000] =	vst v63  }
0x92: {  	_ =	swait.ge [sflag:s0], $0x1000  }
0x93: {  	[sflag:s0] =	ssyncset.done $0x0  }
0x94: {  	[sflag:s0] =	ssyncadd.s32 $0xFFFFF000  }
0x95: {  	_ =	swait.ge [sflag:s25], $0x1000  }
0x96: {  	[sflag:s25] =	ssyncset.done $0x0  }
0x97: {  	[sflag:s25] =	ssyncadd.s32 $0xFFFFF000  }
0x98: {  	[tilespmem:s26], [sflag:$0x4] =	stream.indirect.gather [hbm4b:s2+s20], $0x1, s19, s20, $0xb8;
	[tilespmem:$0x4000] =	vst v63  }
0x99: {  	_ = 	snop  }
0x9a: {  	[tilespmem:s29], [sflag:$0x6] =	stream.indirect.gather [hbm4b:s2+s20], $0x1, s28, s20, $0xb8;
	[tilespmem:$0x4000] =	vst v63  }
0x9b: {  	_ =	swait.ge [sflag:s30], $0x800  }
0x9c: {  	[sflag:s30] =	ssyncset.done $0x0  }
0x9d: {  	[sflag:s30] =	ssyncadd.s32 $0xFFFFF800  }
0x9e: {  	_ =	swait.ge [sflag:s31], $0x800  }
0x9f: {  	[sflag:s31] =	ssyncset.done $0x0  }
0xa0: {  	[sflag:s31] =	ssyncadd.s32 $0xFFFFF800  }
0xa1: {  	[hbm4b:s13+s3] =	stream.linear.scatter [tilespmem:s26], [sflag:$0x8], $0x1000, $0x38;
	[tilespmem:$0x4000] =	vst v63  }
0xa2: {  	_ =	swait.ge [sflag:s1], $0x1000  }
0xa3: {  	[sflag:s1] =	ssyncset.done $0x0  }
0xa4: {  	[sflag:s1] =	ssyncadd.s32 $0xFFFFF000  }
0xa5: {  	_ =	swait.ge [sflag:s0], $0x1000  }
0xa6: {  	s6 =	sadd.s32 $0x1, s6;
	s5 =	rddreg [dreg:$0x5]  }
0xa7: {  	p0 =	sne.s32 s6, s5  }
.Ltmp1:
0xa8: {  	_ = 	snop;
	(pc) =	sbr.rel @p0 .LBB2_1-.Ltmp1, $3  }
0xa9: {  	_ =	sdelay $0x1  }
0xaa: {  	[sflag:s0] =	ssyncset.done $0x0  }
0xab: {  	[sflag:s0] =	ssyncadd.s32 $0xFFFFF000  }
0xac: {  	_ =	sfence.sel $0x180000  }
0xad: {  	[bflag:$0x0] =	sbarrier.arrive $0xFFFF  }
0xae: {  	_ =	strace $0x90000047  }
0xaf: {  	s0 =	stileid.u32;
	[bflag:$0x2] =	sbarrier.arrive $0xFFFF  }
0xb0: {  	p0 =	sne.s32 s0, $0x0;
	s0 =	rddreg [dreg:$0x3]  }
0xb1: {  	s0 =	sadd.s32 @!p0 $0x100000, s0  }
0xb2: {  	[sflag:s0] =	ssyncadd.tile.s32 @!p0 $0x1;
	_ =	shalt  }
.Lfunc_end2:
_tile_overlayer_lowered:
.L_overlay_start_2:
0xb3: {  	(tag) =	ssettag $0x2  }
0xb4: {  	s0 =	rddreg [dreg:$0x0];
	s2 =	stileid.u32  }
0xb5: {  	s1 =	rddreg [dreg:$0x1];
	p0 =	sne.s32 s2, $0x0  }
0xb6: {  	s3 =	rddreg [dreg:$0x2];
	[bflag:$0x3] =	sbarrier.arrive $0xFFFF;
	s2 =	simm.s32 @!p0 $0x1C09  }
0xb7: {  	[timem:s3], [sflag:s2] =	dma.local @!p0 [hbm:s0], s1  }
0xb8: {  	s0 =	simm.s32 @!p0 $0x9  }
0xb9: {  	_ =	swait.ge @!p0 [sflag:s0], s1  }
0xba: {  	s1 =	ssub.s32 @!p0 $0x0, s1;
	[sflag:s0] =	ssyncset.done @!p0 $0x0  }
0xbb: {  	[sflag:s0] =	ssyncadd.s32 @!p0 s1  }
0xbc: {  	[bflag:$0x3] =	sbarrier.arrive $0xFFFF  }
0xbd: {  	_ =	shalt  }

// kernel: kernel.18.cloned.1.call-start
scs
__scs_entry_jumppad:
0x0: {  	(pc) =	sbr.rel $0x88, $3  }
0x1: {  	(tag) =	ssettag $0x0;
	lr =	simm.s32 $0x1  }
0x2: {  	[smem:$0x3F9E] =	sst lr;
	_ =	strace $0xD0000000  }
0x3: {  	_ = 	snop  }
0x4: {  	_ = 	snop  }
0x5: {  	_ = 	snop  }
0x6: {  	_ = 	snop  }
0x7: {  	_ = 	snop  }
__scs_overlays_trampoline_lowered:
0x8: {  	[smem:$0x3FAD] =	sst s0  }
0x9: {  	[smem:$0x3FAE] =	sst s1  }
0xa: {  	[smem:$0x3FAF] =	sst s2  }
0xb: {  	[smem:$0x3FB0] =	sst s3  }
0xc: {  	[smem:$0x3FB1] =	sst s4  }
0xd: {  	[smem:$0x3FB2] =	sst s5  }
0xe: {  	[smem:$0x3FB3] =	sst s6  }
0xf: {  	[smem:$0x3FB4] =	sst s7  }
0x10: {  	[smem:$0x3FB5] =	sst s8  }
0x11: {  	[smem:$0x3FB6] =	sst s9;
	s0 =	simm.s32 @!p0 $0x0  }
0x12: {  	s1 =	sld [smem:$0x3F9C];
	s0 =	simm.s32 @p0 $0x1  }
0x13: {  	[smem:$0x3FB7] =	sst s0;
	s0 =	simm.s32 @!p1 $0x0  }
0x14: {  	s2 =	sld [smem:$0x3F9B];
	s0 =	simm.s32 @p1 $0x1  }
0x15: {  	[smem:$0x3FB8] =	sst s0;
	s0 =	simm.s32 @!p2 $0x0  }
0x16: {  	s3 =	sld [smem:$0x3FDB];
	s0 =	simm.s32 @p2 $0x1  }
0x17: {  	s4 =	simm.s32 $0x1BF5;
	[smem:$0x3FBA] =	sst s0  }
0x18: {  	s0 =	sld [smem:$0x3F9D];
	_ =	swait.ge [sflag:s4], $0x0  }
0x19: {  	s7 =	sld [smem:$0x3F9E]  }
0x1a: {  	s8 =	sadd.s32 $0xFFFFE003, lr  }
0x1b: {  	s9 =	sadd.s32 $0xFFFFFEF7, lr;
	s5 =	simm.s32 $0xFFFFFFFF;
	p2 =	slt.u32 s8, $0xFFFFF086  }
0x1c: {  	p1 =	slt.u32 s9, $0xF7A;
	s5 =	simm.s32 @!p2 $0x0  }
0x1d: {  	s5 =	simm.s32 @p1 $0x1;
	p0 =	seq.s32 s7, s2  }
0x1e: {  	s7 =	smul.u32 @!p0 $0xF7A, s2;
	p2 =	seq.s32 @!p0 s5, $0x0  }
0x1f: {  	s9 =	smul.u32 $0xF7A, s1;
	s8 =	simm.s32 @!p0 $0x1BF5;
	p2 =	por !p2, p0  }
0x20: {  	[sflag:s8] =	ssyncset.s32 @!p0 $0xFFFFF086;
	s6 =	sadd.s32 @!p0 s3, s7;
	s7 =	simm.s32 @!p0 $0x108  }
0x21: {  	s3 =	sadd.s32 s3, s9;
	s6 =	sadd.s32 @!p0 $0x88, s6;
	s7 =	simm.s32 @p2 $0x1082  }
0x22: {  	[simem:s7], [sflag:s8] =	dma.local @!p0 [hbm:s6], $0xF7A  }
0x23: {  	s9 =	sor.u32 $0xD0000000, s2;
	s6 =	simm.s32 $0x108;
	_ =	swait.ge @!p0 [sflag:s8], $0x0  }
0x24: {  	s3 =	sadd.s32 $0x88, s3;
	s6 =	simm.s32 @!p1 $0x1082;
	[sflag:s4] =	ssyncset.s32 $0xFFFFF086  }
0x25: {  	[simem:s6], [sflag:s4] =	dma.local [hbm:s3], $0xF7A  }
0x26: {  	[smem:$0x3F9E] =	sst s1;
	(tag) =	ssettag s2;
	_ =	strace s9  }
0x27: {  	s1 =	sld [smem:$0x3FAE]  }
0x28: {  	s2 =	sld [smem:$0x3FAF]  }
0x29: {  	s4 =	sld [smem:$0x3FB1]  }
0x2a: {  	p0 =	seq.s32 s5, $0x0;
	s5 =	sld [smem:$0x3FB2]  }
0x2b: {  	s6 =	sld [smem:$0x3FB3]  }
0x2c: {  	s7 =	sld [smem:$0x3FB4]  }
0x2d: {  	s3 =	simm.s32 $0x108;
	s8 =	sld [smem:$0x3FB5]  }
0x2e: {  	s3 =	simm.s32 @!p0 $0x1082;
	s9 =	sld [smem:$0x3FB6]  }
0x2f: {  	lr =	sadd.s32 s0, s3;
	s0 =	sld [smem:$0x3FAD]  }
0x30: {  	s3 =	sld [smem:$0x3FB0]  }
0x31: {  	[smem:$0x3FB9] =	sst s10  }
0x32: {  	s10 =	sld [smem:$0x3FB7];
	_ =	sdelay $0x3  }
0x33: {  	p0 =	seq.s32 s10, $0x1;
	s10 =	sld [smem:$0x3FB9];
	_ =	sdelay $0x3  }
0x34: {  	[smem:$0x3FB9] =	sst s10  }
0x35: {  	s10 =	sld [smem:$0x3FB8];
	_ =	sdelay $0x3  }
0x36: {  	p1 =	seq.s32 s10, $0x1;
	s10 =	sld [smem:$0x3FB9];
	_ =	sdelay $0x3  }
0x37: {  	[smem:$0x3FB9] =	sst s10  }
0x38: {  	s10 =	sld [smem:$0x3FBA]  }
0x39: {  	_ = 	snop;
	(pc) =	sbr.ind lr, $3  }
0x3a: {  	_ = 	snop  }
0x3b: {  	_ = 	snop  }
0x3c: {  	p2 =	seq.s32 s10, $0x1;
	s10 =	sld [smem:$0x3FB9]  }
0x3d: {  	_ =	shalt  }
0x3e: {  	_ =	shalt  }
0x3f: {  	_ =	shalt  }
0x40: {  	_ =	shalt  }
0x41: {  	_ =	shalt  }
0x42: {  	_ =	shalt  }
0x43: {  	_ =	shalt  }
0x44: {  	_ =	shalt  }
0x45: {  	_ =	shalt  }
0x46: {  	_ =	shalt  }
0x47: {  	_ =	shalt  }
0x48: {  	_ =	shalt  }
0x49: {  	_ =	shalt  }
0x4a: {  	_ =	shalt  }
0x4b: {  	_ =	shalt  }
0x4c: {  	_ =	shalt  }
0x4d: {  	_ =	shalt  }
0x4e: {  	_ =	shalt  }
0x4f: {  	_ =	shalt  }
0x50: {  	_ =	shalt  }
0x51: {  	_ =	shalt  }
0x52: {  	_ =	shalt  }
0x53: {  	_ =	shalt  }
0x54: {  	_ =	shalt  }
0x55: {  	_ =	shalt  }
0x56: {  	_ =	shalt  }
0x57: {  	_ =	shalt  }
0x58: {  	_ =	shalt  }
0x59: {  	_ =	shalt  }
0x5a: {  	_ =	shalt  }
0x5b: {  	_ =	shalt  }
0x5c: {  	_ =	shalt  }
0x5d: {  	_ =	shalt  }
0x5e: {  	_ =	shalt  }
0x5f: {  	_ =	shalt  }
0x60: {  	_ =	shalt  }
0x61: {  	_ =	shalt  }
0x62: {  	_ =	shalt  }
0x63: {  	_ =	shalt  }
0x64: {  	_ =	shalt  }
0x65: {  	_ =	shalt  }
0x66: {  	_ =	shalt  }
0x67: {  	_ =	shalt  }
0x68: {  	_ =	shalt  }
0x69: {  	_ =	shalt  }
0x6a: {  	_ =	shalt  }
0x6b: {  	_ =	shalt  }
0x6c: {  	_ =	shalt  }
0x6d: {  	_ =	shalt  }
0x6e: {  	_ =	shalt  }
0x6f: {  	_ =	shalt  }
0x70: {  	_ =	shalt  }
0x71: {  	_ =	shalt  }
0x72: {  	_ =	shalt  }
0x73: {  	_ =	shalt  }
0x74: {  	_ =	shalt  }
0x75: {  	_ =	shalt  }
0x76: {  	_ =	shalt  }
0x77: {  	_ =	shalt  }
0x78: {  	_ =	shalt  }
0x79: {  	_ =	shalt  }
0x7a: {  	_ =	shalt  }
0x7b: {  	_ =	shalt  }
0x7c: {  	_ =	shalt  }
0x7d: {  	_ =	shalt  }
0x7e: {  	_ =	shalt  }
0x7f: {  	_ =	shalt  }
0x80: {  	_ =	shalt  }
0x81: {  	_ =	shalt  }
0x82: {  	_ =	shalt  }
0x83: {  	_ =	shalt  }
0x84: {  	_ =	shalt  }
0x85: {  	_ =	shalt  }
0x86: {  	_ =	shalt  }
0x87: {  	_ =	shalt  }
.Lfunc_end0:
.L_simem_size_0:
called_computation.2_lowered:
.L_overlay_start_0:
0x88: {  	s2 =	sld [smem:$0x3FD9]  }
0x89: {  	s3 =	sld [smem:$0x3FFE];
	_ =	sdelay $0x1  }
0x8a: {  	s1 =	srdreg.scid  }
0x8b: {  	s0 =	sand.u32 $0x1, s1  }
0x8c: {  	s17 =	sshll.u32 s0, $0xA;
	s2 =	sadd.s32 s3, s2  }
0x8d: {  	s2 =	sadd.s32 s2, s17  }
0x8e: {  	[smem:$0x3FC5] =	sst s2  }
0x8f: {  	_ = 	snop  }
0x90: {  	s18 =	sld [smem:$0x3FC7];
	(tm) =	ssettm $0x1  }
0x91: {  	s19 =	sld [smem:$0x3FFB];
	_ =	sdelay $0x3  }
0x92: {  	_ =	strace s19  }
0x93: {  	s2 =	sld [smem:$0x3FFC];
	_ =	sdelay $0x3  }
0x94: {  	_ =	strace s2  }
0x95: {  	s2 =	sld [smem:$0x3FFD];
	_ =	sdelay $0x3  }
0x96: {  	_ =	strace s2  }
0x97: {  	_ =	strace $0x8FFFFFFF  }
0x98: {  	s20 =	sld [smem:$0x3FDB];
	_ =	sdelay $0x1  }
0x99: {  	s4 =	simm.s32 $_scs_section_size  }
0x9a: {  	s5 =	simm.s32 $_size__tile_overlayer_lowered;
	s6 =	simm.s32 $_tile_overlayer_lowered  }
0x9b: {  	s7 =	simm.s32 $0x1BFF;
	s21 =	sshll.u32 s6, $0x1;
	s4 =	sadd.s32 s4, s20  }
0x9c: {  	s22 =	simm.s32 $0x0;
	s5 =	sshll.u32 s5, $0x1;
	s6 =	sadd.s32 s21, s4  }
0x9d: {  	[timem:s22], [sflag:s7] =	dma.local [hbm:s6], s5  }
0x9e: {  	_ =	swait.ge [sflag:s7], s5  }
0x9f: {  	s5 =	ssub.s32 $0x0, s5;
	[sflag:s7] =	ssyncset.done $0x0  }
0xa0: {  	[sflag:s7] =	ssyncadd.s32 s5;
	_ =	sdelay $0x1  }
0xa1: {  	s23 =	simm.s32 $0x1B8B  }
0xa2: {  	_ =	swait.ge [sflag:s23], $0x1  }
0xa3: {  	[sflag:s23] =	ssyncset.done $0x0  }
0xa4: {  	[sflag:s23] =	ssyncadd.s32 $0xFFFFFFFF  }
0xa5: {  	s5 =	sld [smem:$0x0]  }
0xa6: {  	s6 =	sand.u32 $0xFFFFFFFE, s1  }
0xa7: {  	p0 =	sne.s32 s1, s6  }
0xa8: {  	s6 =	sshll.u32 @p0 s6, $0xE  }
0xa9: {  	s6 =	sadd.s32 @p0 $0x11B8D, s6;
	s7 =	sshll.u32 @p0 s5, $0x11  }
0xaa: {  	s6 =	sor.u32 @p0 s7, s6  }
0xab: {  	[sflag:s6] =	ssyncadd.remote.s32 @p0 $0x1;
	_ =	sdelay $0x1  }
0xac: {  	s6 =	simm.s32 @p0 $0x1B8D  }
0xad: {  	_ =	swait.eq @p0 [sflag:s6], $0x1  }
0xae: {  	[sflag:s6] =	ssyncadd.s32 @p0 $0xFFFFFFFF  }
0xaf: {  	s7 =	sshll.u32 @!p0 s1, $0xE  }
0xb0: {  	s7 =	sor.u32 @!p0 $0x4000, s7;
	s6 =	simm.s32 @!p0 $0x1B8D  }
0xb1: {  	s5 =	sshll.u32 @!p0 s5, $0x11;
	s7 =	sadd.s32 @!p0 $0x11B8D, s7;
	_ =	swait.eq @!p0 [sflag:s6], $0x1  }
0xb2: {  	s5 =	sor.u32 @!p0 s5, s7;
	[sflag:s6] =	ssyncadd.s32 @!p0 $0xFFFFFFFF  }
0xb3: {  	s25 =	simm.s32 $0x1B8E;
	s24 =	sld [smem:$0x3FFE];
	[sflag:s5] =	ssyncadd.remote.s32 @!p0 $0x1  }
0xb4: {  	s26 =	simm.s32 $execute0_lowered;
	[smem:$0x3FD2] =	sst s25  }
0xb5: {  	s6 =	sshll.u32 s26, $0x1;
	_ =	strace $0x80000049;
	[dreg:$0x1] =	wrdreg $0xFFFFFFFF  }
0xb6: {  	s28 =	simm.s32 $_size_execute0_lowered;
	s4 =	sadd.s32 s4, s6;
	[dreg:$0x0] =	wrdreg $0x0  }
0xb7: {  	s6 =	sshll.u32 s28, $0x1;
	[dreg:$0x2] =	wrdreg s4  }
0xb8: {  	[dreg:$0x3] =	wrdreg s6  }
0xb9: {  	[dreg:$0x4] =	wrdreg $0xC0  }
0xba: {  	_ =	task [dreg:s22], $0x5FFFF  }
0xbb: {  	[dreg:$0x1] =	wrdreg $0xFFFFFFFF  }
0xbc: {  	[dreg:$0x0] =	wrdreg $0x60  }
0xbd: {  	[dreg:$0x2] =	wrdreg s24  }
0xbe: {  	[dreg:$0x3] =	wrdreg s18  }
0xbf: {  	[dreg:$0x4] =	wrdreg $0xA  }
0xc0: {  	_ =	task.clear_ibuf [dreg:s22], $0x5FFFF;
	_ =	strace $0x90000049  }
0xc1: {  	s29 =	simm.s32 $0xA;
	_ =	strace $0x8000004B  }
0xc2: {  	_ =	swait.ge [sflag:s29], $0x1  }
0xc3: {  	[sflag:s29] =	ssyncadd.s32 $0xFFFFFFFF  }
0xc4: {  	_ =	strace $0x9000004B  }
0xc5: {  	_ =	sfence  }
0xc6: {  	s30 =	sld [smem:$0x0];
	_ =	sdelay $0x2  }
0xc7: {  	s31 =	sshll.u32 s1, $0xD;
	s1 =	sshrl.u32 s1, $0x2  }
0xc8: {  	s4 =	sand.u32 $0x4000, s31;
	s1 =	sadd.s32 s1, s30  }
0xc9: {  	s0 =	sor.u32 s4, s0;
	s1 =	sshll.u32 s1, $0x11  }
0xca: {  	s0 =	sor.u32 s1, s0  }
0xcb: {  	s0 =	sadd.s32 $0x8F2B, s0  }
0xcc: {  	[sflag:s0] =	ssyncadd.remote.s32 $0x1  }
0xcd: {  	_ =	sfence.sel $0xFFFF  }
0xce: {  	[dreg:$0x0] =	wrdreg $0xFFFFFFFF;
	(pc) =	sbr.abs _section_cstart, $3  }
0xcf: {  	[dreg:$0x1] =	wrdreg $0xFFFFFFFF  }
0xd0: {  	_ =	task.clear_ibuf [dreg:s22], $0x2FFFF;
	_ =	strace $0x9FFFFFFF  }
0xd1: {  	(tm) =	ssettm $0x7FFFFFFF  }
tec
execute0_lowered:
.L_overlay_start_1:
0x0: {  	(tag) =	ssettag $0x1  }
0x1: {  	s0 =	rddreg [dreg:$0x0];
	s1 =	srdreg.scid  }
0x2: {  	s9 =	stileid.u32;
	s2 =	rddreg [dreg:$0x1]  }
0x3: {  	s3 =	simm.s32 $0x0;
	s18 =	simm.s32 $0x1;
	s19 =	simm.s32 $0x1000  }
0x4: {  	s28 =	simm.s32 $0x1800;
	s29 =	simm.s32 $0x3800;
	s30 =	simm.s32 $0x4  }
0x5: {  	s31 =	simm.s32 $0x6;
	s1 =	sand.u32 $0x1, s1;
	s4 =	sshll.u32 s9, $0x1  }
0x6: {  	[smem:$0x7FF] =	sst s3;
	s7 =	sadd.s32 $0x2AE00, s0;
	s9 =	smul.u32 $0x14000, s9  }
0x7: {  	s4 =	sor.u32 s1, s4;
	s5 =	ssub.s32 $0x2, s1;
	s1 =	smul.u32 $0xA000, s1  }
0x8: {  	_ =	strace $0x8000004A;
	s6 =	smul.u32 $0xA000, s4;
	s8 =	sshrl.u32 s5, $0x1  }
0x9: {  	s4 =	sadd.s32 $0x52E00, s0;
	s20 =	ssub.s32 s5, s8;
	s1 =	sadd.s32 s1, s9  }
0xa: {  	s21 =	sshrl.u32 s6, $0x3;
	s6 =	sor.u32 $0x1000, s6;
	s0 =	smax.u32 s20, $0x1  }
0xb: {  	s25 =	sadd.s32 $0x4000, s1;
	s26 =	sadd.s32 $0x3000, s1;
	s17 =	sadd.s32 $0x2000, s1  }
0xc: {  	s20 =	simm.s32 $0x800;
	s1 =	simm.s32 $0x7;
	s10 =	sadd.s32 s7, s21  }
0xd: {  	[dreg:$0x4] =	wrdreg s0;
	s22 =	sshrl.u32 s6, $0x3;
	s8 =	sadd.s32 s4, s21  }
0xe: {  	s24 =	sadd.s32 $0x1200, s21;
	s5 =	sshrl.u32 s25, $0x3;
	s21 =	simm.s32 $0x2000  }
0xf: {  	s25 =	simm.s32 $0x2;
	s6 =	sadd.s32 s7, s22;
	[dreg:$0x3] =	wrdreg s10  }
0x10: {  	s23 =	sadd.s32 $0x400, s10;
	s0 =	sadd.s32 s4, s22;
	s11 =	sadd.s32 s7, s24  }
0x11: {  	s12 =	sadd.s32 $0x1000, s8;
	s13 =	sadd.s32 s4, s24;
	[dreg:$0x5] =	wrdreg s6  }
0x12: {  	s14 =	sadd.s32 s5, s7;
	s22 =	simm.s32 $0x2800;
	[dreg:$0x6] =	wrdreg s23  }
0x13: {  	s24 =	simm.s32 $0x5;
	[dreg:$0x7] =	wrdreg s0;
	s6 =	sshrl.u32 s26, $0x3  }
0x14: {  	s23 =	simm.s32 $0x3;
	s26 =	simm.s32 $0x3000;
	s0 =	simm.s32 $0x8  }
0x15: {  	s15 =	sadd.s32 s6, s4;
	s16 =	sadd.s32 s6, s7;
	s6 =	simm.s32 $0x0  }
.LBB2_1:
0x16: {  	s5 =	rddreg [dreg:$0x3]  }
0x17: {  	[tilespmem:s3], [sflag:$0x1] =	stream.linear.gather [hbm4b:s5+s3], $0x1000, $0x38;
	[tilespmem:$0x4000] =	vst v63  }
0x18: {  	_ =	swait.ge [sflag:s18], $0x1000  }
0x19: {  	[sflag:s18] =	ssyncset.done $0x0  }
0x1a: {  	s7 =	rddreg [dreg:$0x5];
	[sflag:s18] =	ssyncadd.s32 $0xFFFFF000  }
0x1b: {  	[tilespmem:s19], [sflag:$0x2] =	stream.linear.gather [hbm4b:s7+s3], $0x1000, $0x38;
	[tilespmem:$0x4000] =	vst v63  }
0x1c: {  	_ = 	snop  }
0x1d: {  	[tilespmem:s21], [sflag:$0x3] =	stream.indirect.gather [hbm4b:s2+s20], $0x1, s3, s20, $0xb8;
	[tilespmem:$0x4000] =	vst v63  }
0x1e: {  	_ = 	snop  }
0x1f: {  	[tilespmem:s22], [sflag:$0x5] =	stream.indirect.gather [hbm4b:s2+s20], $0x1, s20, s20, $0xb8;
	[tilespmem:$0x4000] =	vst v63  }
0x20: {  	_ =	swait.ge [sflag:s23], $0x800  }
0x21: {  	[sflag:s23] =	ssyncset.done $0x0  }
0x22: {  	[sflag:s23] =	ssyncadd.s32 $0xFFFFF800  }
0x23: {  	_ =	swait.ge [sflag:s24], $0x800  }
0x24: {  	[sflag:s24] =	ssyncset.done $0x0  }
0x25: {  	[sflag:s24] =	ssyncadd.s32 $0xFFFFF800  }
0x26: {  	[hbm4b:s8+s3] =	stream.linear.scatter [tilespmem:s21], [sflag:$0x7], $0x1000, $0x38;
	[tilespmem:$0x4000] =	vst v63  }
0x27: {  	_ =	swait.ge [sflag:s25], $0x1000  }
0x28: {  	[sflag:s25] =	ssyncset.done $0x0  }
0x29: {  	s9 =	rddreg [dreg:$0x6];
	[sflag:s25] =	ssyncadd.s32 $0xFFFFF000  }
0x2a: {  	[tilespmem:s3], [sflag:$0x1] =	stream.linear.gather [hbm4b:s9+s3], $0x1000, $0x38;
	[tilespmem:$0x4000] =	vst v63  }
0x2b: {  	_ = 	snop  }
0x2c: {  	[tilespmem:s26], [sflag:$0x4] =	stream.indirect.gather [hbm4b:s2+s20], $0x1, s19, s20, $0xb8;
	[tilespmem:$0x4000] =	vst v63  }
0x2d: {  	_ = 	snop  }
0x2e: {  	[tilespmem:s29], [sflag:$0x6] =	stream.indirect.gather [hbm4b:s2+s20], $0x1, s28, s20, $0xb8;
	[tilespmem:$0x4000] =	vst v63  }
0x2f: {  	_ =	swait.ge [sflag:s30], $0x800  }
0x30: {  	[sflag:s30] =	ssyncset.done $0x0  }
0x31: {  	[sflag:s30] =	ssyncadd.s32 $0xFFFFF800  }
0x32: {  	_ =	swait.ge [sflag:s31], $0x800  }
0x33: {  	[sflag:s31] =	ssyncset.done $0x0  }
0x34: {  	s10 =	rddreg [dreg:$0x7];
	[sflag:s31] =	ssyncadd.s32 $0xFFFFF800  }
0x35: {  	[hbm4b:s10+s3] =	stream.linear.scatter [tilespmem:s26], [sflag:$0x8], $0x1000, $0x38;
	[tilespmem:$0x4000] =	vst v63  }
0x36: {  	_ =	swait.ge [sflag:s1], $0x1000  }
0x37: {  	[sflag:s1] =	ssyncset.done $0x0  }
0x38: {  	[sflag:s1] =	ssyncadd.s32 $0xFFFFF000  }
0x39: {  	_ =	swait.ge [sflag:s18], $0x1000  }
0x3a: {  	[sflag:s18] =	ssyncset.done $0x0  }
0x3b: {  	s7 =	sadd.s32 $0x0, s16;
	[sflag:s18] =	ssyncadd.s32 $0xFFFFF000  }
0x3c: {  	[tilespmem:s19], [sflag:$0x2] =	stream.linear.gather [hbm4b:s7+s3], $0x1000, $0x38;
	[tilespmem:$0x4000] =	vst v63  }
0x3d: {  	_ = 	snop  }
0x3e: {  	[tilespmem:s21], [sflag:$0x3] =	stream.indirect.gather [hbm4b:s2+s20], $0x1, s3, s20, $0xb8;
	[tilespmem:$0x4000] =	vst v63  }
0x3f: {  	_ = 	snop  }
0x40: {  	[tilespmem:s22], [sflag:$0x5] =	stream.indirect.gather [hbm4b:s2+s20], $0x1, s20, s20, $0xb8;
	[tilespmem:$0x4000] =	vst v63  }
0x41: {  	_ =	swait.ge [sflag:s23], $0x800  }
0x42: {  	[sflag:s23] =	ssyncset.done $0x0  }
0x43: {  	[sflag:s23] =	ssyncadd.s32 $0xFFFFF800  }
0x44: {  	_ =	swait.ge [sflag:s24], $0x800  }
0x45: {  	s9 =	sshrl.u32 s17, $0x3;
	[sflag:s24] =	ssyncset.done $0x0  }
0x46: {  	s5 =	sadd.s32 s4, s9;
	[sflag:s24] =	ssyncadd.s32 $0xFFFFF800  }
0x47: {  	[hbm4b:s5+s3] =	stream.linear.scatter [tilespmem:s21], [sflag:$0x7], $0x1000, $0x38;
	[tilespmem:$0x4000] =	vst v63  }
0x48: {  	_ =	swait.ge [sflag:s0], $0x1000  }
0x49: {  	[sflag:s0] =	ssyncset.done $0x0  }
0x4a: {  	[sflag:s0] =	ssyncadd.s32 $0xFFFFF000  }
0x4b: {  	_ =	swait.ge [sflag:s25], $0x1000  }
0x4c: {  	[sflag:s25] =	ssyncset.done $0x0  }
0x4d: {  	s10 =	sadd.s32 $0x0, s14;
	[sflag:s25] =	ssyncadd.s32 $0xFFFFF000  }
0x4e: {  	[tilespmem:s3], [sflag:$0x1] =	stream.linear.gather [hbm4b:s10+s3], $0x1000, $0x38;
	[tilespmem:$0x4000] =	vst v63  }
0x4f: {  	_ = 	snop  }
0x50: {  	[tilespmem:s26], [sflag:$0x4] =	stream.indirect.gather [hbm4b:s2+s20], $0x1, s19, s20, $0xb8;
	[tilespmem:$0x4000] =	vst v63  }
0x51: {  	_ = 	snop  }
0x52: {  	[tilespmem:s29], [sflag:$0x6] =	stream.indirect.gather [hbm4b:s2+s20], $0x1, s28, s20, $0xb8;
	[tilespmem:$0x4000] =	vst v63  }
0x53: {  	_ =	swait.ge [sflag:s30], $0x800  }
0x54: {  	[sflag:s30] =	ssyncset.done $0x0  }
0x55: {  	[sflag:s30] =	ssyncadd.s32 $0xFFFFF800  }
0x56: {  	_ =	swait.ge [sflag:s31], $0x800  }
0x57: {  	s9 =	sadd.s32 $0x0, s15;
	[sflag:s31] =	ssyncset.done $0x0  }
0x58: {  	s7 =	simm.s32 $0x400;
	s5 =	sadd.s32 $0x2000, s17;
	[sflag:s31] =	ssyncadd.s32 $0xFFFFF800  }
.LBB2_2:
0x59: {  	[hbm4b:s9+s3] =	stream.linear.scatter [tilespmem:s26], [sflag:$0x8], $0x1000, $0x38;
	[tilespmem:$0x4000] =	vst v63  }
0x5a: {  	s9 =	smov.u32 s7  }
0x5b: {  	p0 =	sne.s32 s7, $0x800;
	s7 =	sadd.s32 $0x400, s7;
	_ =	swait.ge [sflag:s1], $0x1000  }
0x5c: {  	[sflag:s1] =	ssyncset.done $0x0  }
0x5d: {  	[sflag:s1] =	ssyncadd.s32 $0xFFFFF000  }
0x5e: {  	_ =	swait.ge [sflag:s18], $0x1000  }
0x5f: {  	[sflag:s18] =	ssyncset.done $0x0  }
0x60: {  	s10 =	sadd.s32 s9, s16;
	[sflag:s18] =	ssyncadd.s32 $0xFFFFF000  }
0x61: {  	[tilespmem:s19], [sflag:$0x2] =	stream.linear.gather [hbm4b:s10+s3], $0x1000, $0x38;
	[tilespmem:$0x4000] =	vst v63  }
0x62: {  	_ = 	snop  }
0x63: {  	[tilespmem:s21], [sflag:$0x3] =	stream.indirect.gather [hbm4b:s2+s20], $0x1, s3, s20, $0xb8;
	[tilespmem:$0x4000] =	vst v63  }
0x64: {  	_ = 	snop  }
0x65: {  	[tilespmem:s22], [sflag:$0x5] =	stream.indirect.gather [hbm4b:s2+s20], $0x1, s20, s20, $0xb8;
	[tilespmem:$0x4000] =	vst v63  }
0x66: {  	_ =	swait.ge [sflag:s23], $0x800  }
0x67: {  	[sflag:s23] =	ssyncset.done $0x0  }
0x68: {  	[sflag:s23] =	ssyncadd.s32 $0xFFFFF800  }
0x69: {  	_ =	swait.ge [sflag:s24], $0x800  }
0x6a: {  	s10 =	sshrl.u32 s5, $0x3;
	[sflag:s24] =	ssyncset.done $0x0  }
0x6b: {  	s10 =	sadd.s32 s4, s10;
	[sflag:s24] =	ssyncadd.s32 $0xFFFFF800  }
0x6c: {  	[hbm4b:s10+s3] =	stream.linear.scatter [tilespmem:s21], [sflag:$0x7], $0x1000, $0x38;
	[tilespmem:$0x4000] =	vst v63  }
0x6d: {  	_ =	swait.ge [sflag:s0], $0x1000  }
0x6e: {  	[sflag:s0] =	ssyncset.done $0x0  }
0x6f: {  	[sflag:s0] =	ssyncadd.s32 $0xFFFFF000  }
0x70: {  	_ =	swait.ge [sflag:s25], $0x1000  }
0x71: {  	[sflag:s25] =	ssyncset.done $0x0  }
0x72: {  	s10 =	sadd.s32 s9, s14;
	[sflag:s25] =	ssyncadd.s32 $0xFFFFF000  }
0x73: {  	[tilespmem:s3], [sflag:$0x1] =	stream.linear.gather [hbm4b:s10+s3], $0x1000, $0x38;
	[tilespmem:$0x4000] =	vst v63  }
0x74: {  	_ = 	snop  }
0x75: {  	[tilespmem:s26], [sflag:$0x4] =	stream.indirect.gather [hbm4b:s2+s20], $0x1, s19, s20, $0xb8;
	[tilespmem:$0x4000] =	vst v63  }
0x76: {  	_ = 	snop  }
0x77: {  	[tilespmem:s29], [sflag:$0x6] =	stream.indirect.gather [hbm4b:s2+s20], $0x1, s28, s20, $0xb8;
	[tilespmem:$0x4000] =	vst v63  }
0x78: {  	_ =	swait.ge [sflag:s30], $0x800  }
.Ltmp0:
0x79: {  	[sflag:s30] =	ssyncset.done $0x0;
	(pc) =	sbr.rel @p0 .LBB2_2-.Ltmp0, $4  }
0x7a: {  	[sflag:s30] =	ssyncadd.s32 $0xFFFFF800  }
0x7b: {  	_ =	swait.ge [sflag:s31], $0x800  }
0x7c: {  	[sflag:s31] =	ssyncset.done $0x0  }
0x7d: {  	s5 =	sadd.s32 $0x2000, s5;
	s9 =	sadd.s32 s9, s15;
	[sflag:s31] =	ssyncadd.s32 $0xFFFFF800  }
0x7e: {  	[hbm4b:s9+s3] =	stream.linear.scatter [tilespmem:s26], [sflag:$0x8], $0x1000, $0x38;
	[tilespmem:$0x4000] =	vst v63  }
0x7f: {  	_ =	swait.ge [sflag:s1], $0x1000  }
0x80: {  	[sflag:s1] =	ssyncset.done $0x0  }
0x81: {  	[sflag:s1] =	ssyncadd.s32 $0xFFFFF000  }
0x82: {  	_ =	swait.ge [sflag:s18], $0x1000  }
0x83: {  	[sflag:s18] =	ssyncset.done $0x0  }
0x84: {  	[sflag:s18] =	ssyncadd.s32 $0xFFFFF000  }
0x85: {  	[tilespmem:s19], [sflag:$0x2] =	stream.linear.gather [hbm4b:s11+s3], $0x1000, $0x38;
	[tilespmem:$0x4000] =	vst v63  }
0x86: {  	_ = 	snop  }
0x87: {  	[tilespmem:s21], [sflag:$0x3] =	stream.indirect.gather [hbm4b:s2+s20], $0x1, s3, s20, $0xb8;
	[tilespmem:$0x4000] =	vst v63  }
0x88: {  	_ = 	snop  }
0x89: {  	[tilespmem:s22], [sflag:$0x5] =	stream.indirect.gather [hbm4b:s2+s20], $0x1, s20, s20, $0xb8;
	[tilespmem:$0x4000] =	vst v63  }
0x8a: {  	_ =	swait.ge [sflag:s23], $0x800  }
0x8b: {  	[sflag:s23] =	ssyncset.done $0x0  }
0x8c: {  	[sflag:s23] =	ssyncadd.s32 $0xFFFFF800  }
0x8d: {  	_ =	swait.ge [sflag:s24], $0x800  }
0x8e: {  	[sflag:s24] =	ssyncset.done $0x0  }
0x8f: {  	[sflag:s24] =	ssyncadd.s32 $0xFFFFF800  }
0x90: {  	[hbm4b:s12+s3] =	stream.linear.scatter [tilespmem:s21], [sflag:$0x7], $0x1000, $0x38;
	[tilespmem:$0x4000] =	vst v63  }
0x91: {  	_ =	swait.ge [sflag:s0], $0x1000  }
0x92: {  	[sflag:s0] =	ssyncset.done $0x0  }
0x93: {  	[sflag:s0] =	ssyncadd.s32 $0xFFFFF000  }
0x94: {  	_ =	swait.ge [sflag:s25], $0x1000  }
0x95: {  	[sflag:s25] =	ssyncset.done $0x0  }
0x96: {  	[sflag:s25] =	ssyncadd.s32 $0xFFFFF000  }
0x97: {  	[tilespmem:s26], [sflag:$0x4] =	stream.indirect.gather [hbm4b:s2+s20], $0x1, s19, s20, $0xb8;
	[tilespmem:$0x4000] =	vst v63  }
0x98: {  	_ = 	snop  }
0x99: {  	[tilespmem:s29], [sflag:$0x6] =	stream.indirect.gather [hbm4b:s2+s20], $0x1, s28, s20, $0xb8;
	[tilespmem:$0x4000] =	vst v63  }
0x9a: {  	_ =	swait.ge [sflag:s30], $0x800  }
0x9b: {  	[sflag:s30] =	ssyncset.done $0x0  }
0x9c: {  	[sflag:s30] =	ssyncadd.s32 $0xFFFFF800  }
0x9d: {  	_ =	swait.ge [sflag:s31], $0x800  }
0x9e: {  	[sflag:s31] =	ssyncset.done $0x0  }
0x9f: {  	[sflag:s31] =	ssyncadd.s32 $0xFFFFF800  }
0xa0: {  	[hbm4b:s13+s3] =	stream.linear.scatter [tilespmem:s26], [sflag:$0x8], $0x1000, $0x38;
	[tilespmem:$0x4000] =	vst v63  }
0xa1: {  	_ =	swait.ge [sflag:s1], $0x1000  }
0xa2: {  	[sflag:s1] =	ssyncset.done $0x0  }
0xa3: {  	[sflag:s1] =	ssyncadd.s32 $0xFFFFF000  }
0xa4: {  	_ =	swait.ge [sflag:s0], $0x1000  }
0xa5: {  	s6 =	sadd.s32 $0x1, s6;
	s5 =	rddreg [dreg:$0x4]  }
0xa6: {  	p0 =	sne.s32 s6, s5  }
.Ltmp1:
0xa7: {  	_ = 	snop;
	(pc) =	sbr.rel @p0 .LBB2_1-.Ltmp1, $3  }
0xa8: {  	_ =	sdelay $0x1  }
0xa9: {  	[sflag:s0] =	ssyncset.done $0x0  }
0xaa: {  	[sflag:s0] =	ssyncadd.s32 $0xFFFFF000  }
0xab: {  	_ =	sfence.sel $0x180000  }
0xac: {  	[bflag:$0x0] =	sbarrier.arrive $0xFFFF  }
0xad: {  	_ =	strace $0x9000004A  }
0xae: {  	s0 =	stileid.u32;
	[bflag:$0x2] =	sbarrier.arrive $0xFFFF  }
0xaf: {  	p0 =	sne.s32 s0, $0x0;
	s0 =	rddreg [dreg:$0x2]  }
0xb0: {  	s0 =	sadd.s32 @!p0 $0x100000, s0  }
0xb1: {  	[sflag:s0] =	ssyncadd.tile.s32 @!p0 $0x1;
	_ =	shalt  }
.Lfunc_end2:
_tile_overlayer_lowered:
.L_overlay_start_2:
0xb2: {  	(tag) =	ssettag $0x2  }
0xb3: {  	s0 =	rddreg [dreg:$0x0];
	s2 =	stileid.u32  }
0xb4: {  	s1 =	rddreg [dreg:$0x1];
	p0 =	sne.s32 s2, $0x0  }
0xb5: {  	s3 =	rddreg [dreg:$0x2];
	[bflag:$0x3] =	sbarrier.arrive $0xFFFF;
	s2 =	simm.s32 @!p0 $0x1C09  }
0xb6: {  	[timem:s3], [sflag:s2] =	dma.local @!p0 [hbm:s0], s1  }
0xb7: {  	s0 =	simm.s32 @!p0 $0x9  }
0xb8: {  	_ =	swait.ge @!p0 [sflag:s0], s1  }
0xb9: {  	s1 =	ssub.s32 @!p0 $0x0, s1;
	[sflag:s0] =	ssyncset.done @!p0 $0x0  }
0xba: {  	[sflag:s0] =	ssyncadd.s32 @!p0 s1  }
0xbb: {  	[bflag:$0x3] =	sbarrier.arrive $0xFFFF  }
0xbc: {  	_ =	shalt  }

// kernel: kernel.21.cloned.1.call-start
scs
__scs_entry_jumppad:
0x0: {  	(pc) =	sbr.rel $0x88, $3  }
0x1: {  	(tag) =	ssettag $0x0;
	lr =	simm.s32 $0x1  }
0x2: {  	[smem:$0x3F9E] =	sst lr;
	_ =	strace $0xD0000000  }
0x3: {  	_ = 	snop  }
0x4: {  	_ = 	snop  }
0x5: {  	_ = 	snop  }
0x6: {  	_ = 	snop  }
0x7: {  	_ = 	snop  }
__scs_overlays_trampoline_lowered:
0x8: {  	[smem:$0x3FAD] =	sst s0  }
0x9: {  	[smem:$0x3FAE] =	sst s1  }
0xa: {  	[smem:$0x3FAF] =	sst s2  }
0xb: {  	[smem:$0x3FB0] =	sst s3  }
0xc: {  	[smem:$0x3FB1] =	sst s4  }
0xd: {  	[smem:$0x3FB2] =	sst s5  }
0xe: {  	[smem:$0x3FB3] =	sst s6  }
0xf: {  	[smem:$0x3FB4] =	sst s7  }
0x10: {  	[smem:$0x3FB5] =	sst s8  }
0x11: {  	[smem:$0x3FB6] =	sst s9;
	s0 =	simm.s32 @!p0 $0x0  }
0x12: {  	s1 =	sld [smem:$0x3F9C];
	s0 =	simm.s32 @p0 $0x1  }
0x13: {  	[smem:$0x3FB7] =	sst s0;
	s0 =	simm.s32 @!p1 $0x0  }
0x14: {  	s2 =	sld [smem:$0x3F9B];
	s0 =	simm.s32 @p1 $0x1  }
0x15: {  	[smem:$0x3FB8] =	sst s0;
	s0 =	simm.s32 @!p2 $0x0  }
0x16: {  	s3 =	sld [smem:$0x3FDB];
	s0 =	simm.s32 @p2 $0x1  }
0x17: {  	s4 =	simm.s32 $0x1BF5;
	[smem:$0x3FBA] =	sst s0  }
0x18: {  	s0 =	sld [smem:$0x3F9D];
	_ =	swait.ge [sflag:s4], $0x0  }
0x19: {  	s7 =	sld [smem:$0x3F9E]  }
0x1a: {  	s8 =	sadd.s32 $0xFFFFE003, lr  }
0x1b: {  	s9 =	sadd.s32 $0xFFFFFEF7, lr;
	s5 =	simm.s32 $0xFFFFFFFF;
	p2 =	slt.u32 s8, $0xFFFFF086  }
0x1c: {  	p1 =	slt.u32 s9, $0xF7A;
	s5 =	simm.s32 @!p2 $0x0  }
0x1d: {  	s5 =	simm.s32 @p1 $0x1;
	p0 =	seq.s32 s7, s2  }
0x1e: {  	s7 =	smul.u32 @!p0 $0xF7A, s2;
	p2 =	seq.s32 @!p0 s5, $0x0  }
0x1f: {  	s9 =	smul.u32 $0xF7A, s1;
	s8 =	simm.s32 @!p0 $0x1BF5;
	p2 =	por !p2, p0  }
0x20: {  	[sflag:s8] =	ssyncset.s32 @!p0 $0xFFFFF086;
	s6 =	sadd.s32 @!p0 s3, s7;
	s7 =	simm.s32 @!p0 $0x108  }
0x21: {  	s3 =	sadd.s32 s3, s9;
	s6 =	sadd.s32 @!p0 $0x88, s6;
	s7 =	simm.s32 @p2 $0x1082  }
0x22: {  	[simem:s7], [sflag:s8] =	dma.local @!p0 [hbm:s6], $0xF7A  }
0x23: {  	s9 =	sor.u32 $0xD0000000, s2;
	s6 =	simm.s32 $0x108;
	_ =	swait.ge @!p0 [sflag:s8], $0x0  }
0x24: {  	s3 =	sadd.s32 $0x88, s3;
	s6 =	simm.s32 @!p1 $0x1082;
	[sflag:s4] =	ssyncset.s32 $0xFFFFF086  }
0x25: {  	[simem:s6], [sflag:s4] =	dma.local [hbm:s3], $0xF7A  }
0x26: {  	[smem:$0x3F9E] =	sst s1;
	(tag) =	ssettag s2;
	_ =	strace s9  }
0x27: {  	s1 =	sld [smem:$0x3FAE]  }
0x28: {  	s2 =	sld [smem:$0x3FAF]  }
0x29: {  	s4 =	sld [smem:$0x3FB1]  }
0x2a: {  	p0 =	seq.s32 s5, $0x0;
	s5 =	sld [smem:$0x3FB2]  }
0x2b: {  	s6 =	sld [smem:$0x3FB3]  }
0x2c: {  	s7 =	sld [smem:$0x3FB4]  }
0x2d: {  	s3 =	simm.s32 $0x108;
	s8 =	sld [smem:$0x3FB5]  }
0x2e: {  	s3 =	simm.s32 @!p0 $0x1082;
	s9 =	sld [smem:$0x3FB6]  }
0x2f: {  	lr =	sadd.s32 s0, s3;
	s0 =	sld [smem:$0x3FAD]  }
0x30: {  	s3 =	sld [smem:$0x3FB0]  }
0x31: {  	[smem:$0x3FB9] =	sst s10  }
0x32: {  	s10 =	sld [smem:$0x3FB7];
	_ =	sdelay $0x3  }
0x33: {  	p0 =	seq.s32 s10, $0x1;
	s10 =	sld [smem:$0x3FB9];
	_ =	sdelay $0x3  }
0x34: {  	[smem:$0x3FB9] =	sst s10  }
0x35: {  	s10 =	sld [smem:$0x3FB8];
	_ =	sdelay $0x3  }
0x36: {  	p1 =	seq.s32 s10, $0x1;
	s10 =	sld [smem:$0x3FB9];
	_ =	sdelay $0x3  }
0x37: {  	[smem:$0x3FB9] =	sst s10  }
0x38: {  	s10 =	sld [smem:$0x3FBA]  }
0x39: {  	_ = 	snop;
	(pc) =	sbr.ind lr, $3  }
0x3a: {  	_ = 	snop  }
0x3b: {  	_ = 	snop  }
0x3c: {  	p2 =	seq.s32 s10, $0x1;
	s10 =	sld [smem:$0x3FB9]  }
0x3d: {  	_ =	shalt  }
0x3e: {  	_ =	shalt  }
0x3f: {  	_ =	shalt  }
0x40: {  	_ =	shalt  }
0x41: {  	_ =	shalt  }
0x42: {  	_ =	shalt  }
0x43: {  	_ =	shalt  }
0x44: {  	_ =	shalt  }
0x45: {  	_ =	shalt  }
0x46: {  	_ =	shalt  }
0x47: {  	_ =	shalt  }
0x48: {  	_ =	shalt  }
0x49: {  	_ =	shalt  }
0x4a: {  	_ =	shalt  }
0x4b: {  	_ =	shalt  }
0x4c: {  	_ =	shalt  }
0x4d: {  	_ =	shalt  }
0x4e: {  	_ =	shalt  }
0x4f: {  	_ =	shalt  }
0x50: {  	_ =	shalt  }
0x51: {  	_ =	shalt  }
0x52: {  	_ =	shalt  }
0x53: {  	_ =	shalt  }
0x54: {  	_ =	shalt  }
0x55: {  	_ =	shalt  }
0x56: {  	_ =	shalt  }
0x57: {  	_ =	shalt  }
0x58: {  	_ =	shalt  }
0x59: {  	_ =	shalt  }
0x5a: {  	_ =	shalt  }
0x5b: {  	_ =	shalt  }
0x5c: {  	_ =	shalt  }
0x5d: {  	_ =	shalt  }
0x5e: {  	_ =	shalt  }
0x5f: {  	_ =	shalt  }
0x60: {  	_ =	shalt  }
0x61: {  	_ =	shalt  }
0x62: {  	_ =	shalt  }
0x63: {  	_ =	shalt  }
0x64: {  	_ =	shalt  }
0x65: {  	_ =	shalt  }
0x66: {  	_ =	shalt  }
0x67: {  	_ =	shalt  }
0x68: {  	_ =	shalt  }
0x69: {  	_ =	shalt  }
0x6a: {  	_ =	shalt  }
0x6b: {  	_ =	shalt  }
0x6c: {  	_ =	shalt  }
0x6d: {  	_ =	shalt  }
0x6e: {  	_ =	shalt  }
0x6f: {  	_ =	shalt  }
0x70: {  	_ =	shalt  }
0x71: {  	_ =	shalt  }
0x72: {  	_ =	shalt  }
0x73: {  	_ =	shalt  }
0x74: {  	_ =	shalt  }
0x75: {  	_ =	shalt  }
0x76: {  	_ =	shalt  }
0x77: {  	_ =	shalt  }
0x78: {  	_ =	shalt  }
0x79: {  	_ =	shalt  }
0x7a: {  	_ =	shalt  }
0x7b: {  	_ =	shalt  }
0x7c: {  	_ =	shalt  }
0x7d: {  	_ =	shalt  }
0x7e: {  	_ =	shalt  }
0x7f: {  	_ =	shalt  }
0x80: {  	_ =	shalt  }
0x81: {  	_ =	shalt  }
0x82: {  	_ =	shalt  }
0x83: {  	_ =	shalt  }
0x84: {  	_ =	shalt  }
0x85: {  	_ =	shalt  }
0x86: {  	_ =	shalt  }
0x87: {  	_ =	shalt  }
.Lfunc_end0:
.L_simem_size_0:
called_computation.3_lowered:
.L_overlay_start_0:
0x88: {  	s2 =	sld [smem:$0x3FD9]  }
0x89: {  	s3 =	sld [smem:$0x3FFE];
	_ =	sdelay $0x1  }
0x8a: {  	s1 =	srdreg.scid  }
0x8b: {  	s0 =	sand.u32 $0x1, s1  }
0x8c: {  	s17 =	sshll.u32 s0, $0xA;
	s2 =	sadd.s32 s3, s2  }
0x8d: {  	s2 =	sadd.s32 s2, s17  }
0x8e: {  	[smem:$0x3FC5] =	sst s2  }
0x8f: {  	_ = 	snop  }
0x90: {  	s18 =	sld [smem:$0x3FC7];
	(tm) =	ssettm $0x1  }
0x91: {  	s19 =	sld [smem:$0x3FFB];
	_ =	sdelay $0x3  }
0x92: {  	_ =	strace s19  }
0x93: {  	s2 =	sld [smem:$0x3FFC];
	_ =	sdelay $0x3  }
0x94: {  	_ =	strace s2  }
0x95: {  	s2 =	sld [smem:$0x3FFD];
	_ =	sdelay $0x3  }
0x96: {  	_ =	strace s2  }
0x97: {  	_ =	strace $0x8FFFFFFF  }
0x98: {  	s20 =	sld [smem:$0x3FDB];
	_ =	sdelay $0x1  }
0x99: {  	s4 =	simm.s32 $_scs_section_size  }
0x9a: {  	s5 =	simm.s32 $_size__tile_overlayer_lowered;
	s6 =	simm.s32 $_tile_overlayer_lowered  }
0x9b: {  	s7 =	simm.s32 $0x1BFF;
	s21 =	sshll.u32 s6, $0x1;
	s4 =	sadd.s32 s4, s20  }
0x9c: {  	s22 =	simm.s32 $0x0;
	s5 =	sshll.u32 s5, $0x1;
	s6 =	sadd.s32 s21, s4  }
0x9d: {  	[timem:s22], [sflag:s7] =	dma.local [hbm:s6], s5  }
0x9e: {  	_ =	swait.ge [sflag:s7], s5  }
0x9f: {  	s5 =	ssub.s32 $0x0, s5;
	[sflag:s7] =	ssyncset.done $0x0  }
0xa0: {  	[sflag:s7] =	ssyncadd.s32 s5;
	_ =	sdelay $0x1  }
0xa1: {  	s23 =	simm.s32 $0x1B8B  }
0xa2: {  	_ =	swait.ge [sflag:s23], $0x1  }
0xa3: {  	[sflag:s23] =	ssyncset.done $0x0  }
0xa4: {  	[sflag:s23] =	ssyncadd.s32 $0xFFFFFFFF  }
0xa5: {  	s5 =	sld [smem:$0x0]  }
0xa6: {  	s6 =	sand.u32 $0xFFFFFFFE, s1  }
0xa7: {  	p0 =	sne.s32 s1, s6  }
0xa8: {  	s6 =	sshll.u32 @p0 s6, $0xE  }
0xa9: {  	s6 =	sadd.s32 @p0 $0x11B8D, s6;
	s7 =	sshll.u32 @p0 s5, $0x11  }
0xaa: {  	s6 =	sor.u32 @p0 s7, s6  }
0xab: {  	[sflag:s6] =	ssyncadd.remote.s32 @p0 $0x1;
	_ =	sdelay $0x1  }
0xac: {  	s6 =	simm.s32 @p0 $0x1B8D  }
0xad: {  	_ =	swait.eq @p0 [sflag:s6], $0x1  }
0xae: {  	[sflag:s6] =	ssyncadd.s32 @p0 $0xFFFFFFFF  }
0xaf: {  	s7 =	sshll.u32 @!p0 s1, $0xE  }
0xb0: {  	s7 =	sor.u32 @!p0 $0x4000, s7;
	s6 =	simm.s32 @!p0 $0x1B8D  }
0xb1: {  	s5 =	sshll.u32 @!p0 s5, $0x11;
	s7 =	sadd.s32 @!p0 $0x11B8D, s7;
	_ =	swait.eq @!p0 [sflag:s6], $0x1  }
0xb2: {  	s5 =	sor.u32 @!p0 s5, s7;
	[sflag:s6] =	ssyncadd.s32 @!p0 $0xFFFFFFFF  }
0xb3: {  	s25 =	simm.s32 $0x1B8E;
	s24 =	sld [smem:$0x3FFE];
	[sflag:s5] =	ssyncadd.remote.s32 @!p0 $0x1  }
0xb4: {  	s26 =	simm.s32 $execute0_lowered;
	[smem:$0x3FD2] =	sst s25  }
0xb5: {  	s6 =	sshll.u32 s26, $0x1;
	_ =	strace $0x8000004C;
	[dreg:$0x1] =	wrdreg $0xFFFFFFFF  }
0xb6: {  	s28 =	simm.s32 $_size_execute0_lowered;
	s4 =	sadd.s32 s4, s6;
	[dreg:$0x0] =	wrdreg $0x0  }
0xb7: {  	s6 =	sshll.u32 s28, $0x1;
	[dreg:$0x2] =	wrdreg s4  }
0xb8: {  	[dreg:$0x3] =	wrdreg s6  }
0xb9: {  	[dreg:$0x4] =	wrdreg $0xC0  }
0xba: {  	_ =	task [dreg:s22], $0x5FFFF  }
0xbb: {  	[dreg:$0x1] =	wrdreg $0xFFFFFFFF  }
0xbc: {  	[dreg:$0x0] =	wrdreg $0x60  }
0xbd: {  	[dreg:$0x2] =	wrdreg s24  }
0xbe: {  	[dreg:$0x3] =	wrdreg s18  }
0xbf: {  	[dreg:$0x4] =	wrdreg $0xB  }
0xc0: {  	_ =	task.clear_ibuf [dreg:s22], $0x5FFFF;
	_ =	strace $0x9000004C  }
0xc1: {  	s29 =	simm.s32 $0xB;
	_ =	strace $0x8000004E  }
0xc2: {  	_ =	swait.ge [sflag:s29], $0x1  }
0xc3: {  	[sflag:s29] =	ssyncadd.s32 $0xFFFFFFFF  }
0xc4: {  	_ =	strace $0x9000004E  }
0xc5: {  	_ =	sfence  }
0xc6: {  	s30 =	sld [smem:$0x0];
	_ =	sdelay $0x2  }
0xc7: {  	s31 =	sshll.u32 s1, $0xD;
	s1 =	sshrl.u32 s1, $0x2  }
0xc8: {  	s4 =	sand.u32 $0x4000, s31;
	s1 =	sadd.s32 s1, s30  }
0xc9: {  	s0 =	sor.u32 s4, s0;
	s1 =	sshll.u32 s1, $0x11  }
0xca: {  	s0 =	sor.u32 s1, s0  }
0xcb: {  	s0 =	sadd.s32 $0x8F2B, s0  }
0xcc: {  	[sflag:s0] =	ssyncadd.remote.s32 $0x1  }
0xcd: {  	_ =	sfence.sel $0xFFFF  }
0xce: {  	[dreg:$0x0] =	wrdreg $0xFFFFFFFF;
	(pc) =	sbr.abs _section_cstart, $3  }
0xcf: {  	[dreg:$0x1] =	wrdreg $0xFFFFFFFF  }
0xd0: {  	_ =	task.clear_ibuf [dreg:s22], $0x2FFFF;
	_ =	strace $0x9FFFFFFF  }
0xd1: {  	(tm) =	ssettm $0x7FFFFFFF  }
tec
execute0_lowered:
.L_overlay_start_1:
0x0: {  	(tag) =	ssettag $0x1  }
0x1: {  	s0 =	rddreg [dreg:$0x0];
	s1 =	srdreg.scid  }
0x2: {  	s9 =	stileid.u32;
	s2 =	rddreg [dreg:$0x1]  }
0x3: {  	s3 =	simm.s32 $0x0;
	s18 =	simm.s32 $0x1;
	s19 =	simm.s32 $0x1000  }
0x4: {  	s28 =	simm.s32 $0x1800;
	s29 =	simm.s32 $0x3800;
	s30 =	simm.s32 $0x4  }
0x5: {  	s31 =	simm.s32 $0x6;
	s1 =	sand.u32 $0x1, s1;
	s4 =	sshll.u32 s9, $0x1  }
0x6: {  	[smem:$0x7FF] =	sst s3;
	s7 =	sadd.s32 $0x7AE00, s0;
	s9 =	smul.u32 $0x14000, s9  }
0x7: {  	s4 =	sor.u32 s1, s4;
	s5 =	ssub.s32 $0x2, s1;
	s1 =	smul.u32 $0xA000, s1  }
0x8: {  	_ =	strace $0x8000004D;
	s6 =	smul.u32 $0xA000, s4;
	s8 =	sshrl.u32 s5, $0x1  }
0x9: {  	s4 =	sadd.s32 $0xA2E00, s0;
	s20 =	ssub.s32 s5, s8;
	s1 =	sadd.s32 s1, s9  }
0xa: {  	s21 =	sshrl.u32 s6, $0x3;
	s6 =	sor.u32 $0x1000, s6;
	s0 =	smax.u32 s20, $0x1  }
0xb: {  	s25 =	sadd.s32 $0x4000, s1;
	s26 =	sadd.s32 $0x3000, s1;
	s17 =	sadd.s32 $0x2000, s1  }
0xc: {  	s20 =	simm.s32 $0x800;
	s1 =	simm.s32 $0x7;
	s10 =	sadd.s32 s7, s21  }
0xd: {  	[dreg:$0x4] =	wrdreg s0;
	s22 =	sshrl.u32 s6, $0x3;
	s8 =	sadd.s32 s4, s21  }
0xe: {  	s24 =	sadd.s32 $0x1200, s21;
	s5 =	sshrl.u32 s25, $0x3;
	s21 =	simm.s32 $0x2000  }
0xf: {  	s25 =	simm.s32 $0x2;
	s6 =	sadd.s32 s7, s22;
	[dreg:$0x3] =	wrdreg s10  }
0x10: {  	s23 =	sadd.s32 $0x400, s10;
	s0 =	sadd.s32 s4, s22;
	s11 =	sadd.s32 s7, s24  }
0x11: {  	s12 =	sadd.s32 $0x1000, s8;
	s13 =	sadd.s32 s4, s24;
	[dreg:$0x5] =	wrdreg s6  }
0x12: {  	s14 =	sadd.s32 s5, s7;
	s22 =	simm.s32 $0x2800;
	[dreg:$0x6] =	wrdreg s23  }
0x13: {  	s24 =	simm.s32 $0x5;
	[dreg:$0x7] =	wrdreg s0;
	s6 =	sshrl.u32 s26, $0x3  }
0x14: {  	s23 =	simm.s32 $0x3;
	s26 =	simm.s32 $0x3000;
	s0 =	simm.s32 $0x8  }
0x15: {  	s15 =	sadd.s32 s6, s4;
	s16 =	sadd.s32 s6, s7;
	s6 =	simm.s32 $0x0  }
.LBB2_1:
0x16: {  	s5 =	rddreg [dreg:$0x3]  }
0x17: {  	[tilespmem:s3], [sflag:$0x1] =	stream.linear.gather [hbm4b:s5+s3], $0x1000, $0x38;
	[tilespmem:$0x4000] =	vst v63  }
0x18: {  	_ =	swait.ge [sflag:s18], $0x1000  }
0x19: {  	[sflag:s18] =	ssyncset.done $0x0  }
0x1a: {  	s7 =	rddreg [dreg:$0x5];
	[sflag:s18] =	ssyncadd.s32 $0xFFFFF000  }
0x1b: {  	[tilespmem:s19], [sflag:$0x2] =	stream.linear.gather [hbm4b:s7+s3], $0x1000, $0x38;
	[tilespmem:$0x4000] =	vst v63  }
0x1c: {  	_ = 	snop  }
0x1d: {  	[tilespmem:s21], [sflag:$0x3] =	stream.indirect.gather [hbm4b:s2+s20], $0x1, s3, s20, $0xb8;
	[tilespmem:$0x4000] =	vst v63  }
0x1e: {  	_ = 	snop  }
0x1f: {  	[tilespmem:s22], [sflag:$0x5] =	stream.indirect.gather [hbm4b:s2+s20], $0x1, s20, s20, $0xb8;
	[tilespmem:$0x4000] =	vst v63  }
0x20: {  	_ =	swait.ge [sflag:s23], $0x800  }
0x21: {  	[sflag:s23] =	ssyncset.done $0x0  }
0x22: {  	[sflag:s23] =	ssyncadd.s32 $0xFFFFF800  }
0x23: {  	_ =	swait.ge [sflag:s24], $0x800  }
0x24: {  	[sflag:s24] =	ssyncset.done $0x0  }
0x25: {  	[sflag:s24] =	ssyncadd.s32 $0xFFFFF800  }
0x26: {  	[hbm4b:s8+s3] =	stream.linear.scatter [tilespmem:s21], [sflag:$0x7], $0x1000, $0x38;
	[tilespmem:$0x4000] =	vst v63  }
0x27: {  	_ =	swait.ge [sflag:s25], $0x1000  }
0x28: {  	[sflag:s25] =	ssyncset.done $0x0  }
0x29: {  	s9 =	rddreg [dreg:$0x6];
	[sflag:s25] =	ssyncadd.s32 $0xFFFFF000  }
0x2a: {  	[tilespmem:s3], [sflag:$0x1] =	stream.linear.gather [hbm4b:s9+s3], $0x1000, $0x38;
	[tilespmem:$0x4000] =	vst v63  }
0x2b: {  	_ = 	snop  }
0x2c: {  	[tilespmem:s26], [sflag:$0x4] =	stream.indirect.gather [hbm4b:s2+s20], $0x1, s19, s20, $0xb8;
	[tilespmem:$0x4000] =	vst v63  }
0x2d: {  	_ = 	snop  }
0x2e: {  	[tilespmem:s29], [sflag:$0x6] =	stream.indirect.gather [hbm4b:s2+s20], $0x1, s28, s20, $0xb8;
	[tilespmem:$0x4000] =	vst v63  }
0x2f: {  	_ =	swait.ge [sflag:s30], $0x800  }
0x30: {  	[sflag:s30] =	ssyncset.done $0x0  }
0x31: {  	[sflag:s30] =	ssyncadd.s32 $0xFFFFF800  }
0x32: {  	_ =	swait.ge [sflag:s31], $0x800  }
0x33: {  	[sflag:s31] =	ssyncset.done $0x0  }
0x34: {  	s10 =	rddreg [dreg:$0x7];
	[sflag:s31] =	ssyncadd.s32 $0xFFFFF800  }
0x35: {  	[hbm4b:s10+s3] =	stream.linear.scatter [tilespmem:s26], [sflag:$0x8], $0x1000, $0x38;
	[tilespmem:$0x4000] =	vst v63  }
0x36: {  	_ =	swait.ge [sflag:s1], $0x1000  }
0x37: {  	[sflag:s1] =	ssyncset.done $0x0  }
0x38: {  	[sflag:s1] =	ssyncadd.s32 $0xFFFFF000  }
0x39: {  	_ =	swait.ge [sflag:s18], $0x1000  }
0x3a: {  	[sflag:s18] =	ssyncset.done $0x0  }
0x3b: {  	s7 =	sadd.s32 $0x0, s16;
	[sflag:s18] =	ssyncadd.s32 $0xFFFFF000  }
0x3c: {  	[tilespmem:s19], [sflag:$0x2] =	stream.linear.gather [hbm4b:s7+s3], $0x1000, $0x38;
	[tilespmem:$0x4000] =	vst v63  }
0x3d: {  	_ = 	snop  }
0x3e: {  	[tilespmem:s21], [sflag:$0x3] =	stream.indirect.gather [hbm4b:s2+s20], $0x1, s3, s20, $0xb8;
	[tilespmem:$0x4000] =	vst v63  }
0x3f: {  	_ = 	snop  }
0x40: {  	[tilespmem:s22], [sflag:$0x5] =	stream.indirect.gather [hbm4b:s2+s20], $0x1, s20, s20, $0xb8;
	[tilespmem:$0x4000] =	vst v63  }
0x41: {  	_ =	swait.ge [sflag:s23], $0x800  }
0x42: {  	[sflag:s23] =	ssyncset.done $0x0  }
0x43: {  	[sflag:s23] =	ssyncadd.s32 $0xFFFFF800  }
0x44: {  	_ =	swait.ge [sflag:s24], $0x800  }
0x45: {  	s9 =	sshrl.u32 s17, $0x3;
	[sflag:s24] =	ssyncset.done $0x0  }
0x46: {  	s5 =	sadd.s32 s4, s9;
	[sflag:s24] =	ssyncadd.s32 $0xFFFFF800  }
0x47: {  	[hbm4b:s5+s3] =	stream.linear.scatter [tilespmem:s21], [sflag:$0x7], $0x1000, $0x38;
	[tilespmem:$0x4000] =	vst v63  }
0x48: {  	_ =	swait.ge [sflag:s0], $0x1000  }
0x49: {  	[sflag:s0] =	ssyncset.done $0x0  }
0x4a: {  	[sflag:s0] =	ssyncadd.s32 $0xFFFFF000  }
0x4b: {  	_ =	swait.ge [sflag:s25], $0x1000  }
0x4c: {  	[sflag:s25] =	ssyncset.done $0x0  }
0x4d: {  	s10 =	sadd.s32 $0x0, s14;
	[sflag:s25] =	ssyncadd.s32 $0xFFFFF000  }
0x4e: {  	[tilespmem:s3], [sflag:$0x1] =	stream.linear.gather [hbm4b:s10+s3], $0x1000, $0x38;
	[tilespmem:$0x4000] =	vst v63  }
0x4f: {  	_ = 	snop  }
0x50: {  	[tilespmem:s26], [sflag:$0x4] =	stream.indirect.gather [hbm4b:s2+s20], $0x1, s19, s20, $0xb8;
	[tilespmem:$0x4000] =	vst v63  }
0x51: {  	_ = 	snop  }
0x52: {  	[tilespmem:s29], [sflag:$0x6] =	stream.indirect.gather [hbm4b:s2+s20], $0x1, s28, s20, $0xb8;
	[tilespmem:$0x4000] =	vst v63  }
0x53: {  	_ =	swait.ge [sflag:s30], $0x800  }
0x54: {  	[sflag:s30] =	ssyncset.done $0x0  }
0x55: {  	[sflag:s30] =	ssyncadd.s32 $0xFFFFF800  }
0x56: {  	_ =	swait.ge [sflag:s31], $0x800  }
0x57: {  	s9 =	sadd.s32 $0x0, s15;
	[sflag:s31] =	ssyncset.done $0x0  }
0x58: {  	s7 =	simm.s32 $0x400;
	s5 =	sadd.s32 $0x2000, s17;
	[sflag:s31] =	ssyncadd.s32 $0xFFFFF800  }
.LBB2_2:
0x59: {  	[hbm4b:s9+s3] =	stream.linear.scatter [tilespmem:s26], [sflag:$0x8], $0x1000, $0x38;
	[tilespmem:$0x4000] =	vst v63  }
0x5a: {  	s9 =	smov.u32 s7  }
0x5b: {  	p0 =	sne.s32 s7, $0x800;
	s7 =	sadd.s32 $0x400, s7;
	_ =	swait.ge [sflag:s1], $0x1000  }
0x5c: {  	[sflag:s1] =	ssyncset.done $0x0  }
0x5d: {  	[sflag:s1] =	ssyncadd.s32 $0xFFFFF000  }
0x5e: {  	_ =	swait.ge [sflag:s18], $0x1000  }
0x5f: {  	[sflag:s18] =	ssyncset.done $0x0  }
0x60: {  	s10 =	sadd.s32 s9, s16;
	[sflag:s18] =	ssyncadd.s32 $0xFFFFF000  }
0x61: {  	[tilespmem:s19], [sflag:$0x2] =	stream.linear.gather [hbm4b:s10+s3], $0x1000, $0x38;
	[tilespmem:$0x4000] =	vst v63  }
0x62: {  	_ = 	snop  }
0x63: {  	[tilespmem:s21], [sflag:$0x3] =	stream.indirect.gather [hbm4b:s2+s20], $0x1, s3, s20, $0xb8;
	[tilespmem:$0x4000] =	vst v63  }
0x64: {  	_ = 	snop  }
0x65: {  	[tilespmem:s22], [sflag:$0x5] =	stream.indirect.gather [hbm4b:s2+s20], $0x1, s20, s20, $0xb8;
	[tilespmem:$0x4000] =	vst v63  }
0x66: {  	_ =	swait.ge [sflag:s23], $0x800  }
0x67: {  	[sflag:s23] =	ssyncset.done $0x0  }
0x68: {  	[sflag:s23] =	ssyncadd.s32 $0xFFFFF800  }
0x69: {  	_ =	swait.ge [sflag:s24], $0x800  }
0x6a: {  	s10 =	sshrl.u32 s5, $0x3;
	[sflag:s24] =	ssyncset.done $0x0  }
0x6b: {  	s10 =	sadd.s32 s4, s10;
	[sflag:s24] =	ssyncadd.s32 $0xFFFFF800  }
0x6c: {  	[hbm4b:s10+s3] =	stream.linear.scatter [tilespmem:s21], [sflag:$0x7], $0x1000, $0x38;
	[tilespmem:$0x4000] =	vst v63  }
0x6d: {  	_ =	swait.ge [sflag:s0], $0x1000  }
0x6e: {  	[sflag:s0] =	ssyncset.done $0x0  }
0x6f: {  	[sflag:s0] =	ssyncadd.s32 $0xFFFFF000  }
0x70: {  	_ =	swait.ge [sflag:s25], $0x1000  }
0x71: {  	[sflag:s25] =	ssyncset.done $0x0  }
0x72: {  	s10 =	sadd.s32 s9, s14;
	[sflag:s25] =	ssyncadd.s32 $0xFFFFF000  }
0x73: {  	[tilespmem:s3], [sflag:$0x1] =	stream.linear.gather [hbm4b:s10+s3], $0x1000, $0x38;
	[tilespmem:$0x4000] =	vst v63  }
0x74: {  	_ = 	snop  }
0x75: {  	[tilespmem:s26], [sflag:$0x4] =	stream.indirect.gather [hbm4b:s2+s20], $0x1, s19, s20, $0xb8;
	[tilespmem:$0x4000] =	vst v63  }
0x76: {  	_ = 	snop  }
0x77: {  	[tilespmem:s29], [sflag:$0x6] =	stream.indirect.gather [hbm4b:s2+s20], $0x1, s28, s20, $0xb8;
	[tilespmem:$0x4000] =	vst v63  }
0x78: {  	_ =	swait.ge [sflag:s30], $0x800  }
.Ltmp0:
0x79: {  	[sflag:s30] =	ssyncset.done $0x0;
	(pc) =	sbr.rel @p0 .LBB2_2-.Ltmp0, $4  }
0x7a: {  	[sflag:s30] =	ssyncadd.s32 $0xFFFFF800  }
0x7b: {  	_ =	swait.ge [sflag:s31], $0x800  }
0x7c: {  	[sflag:s31] =	ssyncset.done $0x0  }
0x7d: {  	s5 =	sadd.s32 $0x2000, s5;
	s9 =	sadd.s32 s9, s15;
	[sflag:s31] =	ssyncadd.s32 $0xFFFFF800  }
0x7e: {  	[hbm4b:s9+s3] =	stream.linear.scatter [tilespmem:s26], [sflag:$0x8], $0x1000, $0x38;
	[tilespmem:$0x4000] =	vst v63  }
0x7f: {  	_ =	swait.ge [sflag:s1], $0x1000  }
0x80: {  	[sflag:s1] =	ssyncset.done $0x0  }
0x81: {  	[sflag:s1] =	ssyncadd.s32 $0xFFFFF000  }
0x82: {  	_ =	swait.ge [sflag:s18], $0x1000  }
0x83: {  	[sflag:s18] =	ssyncset.done $0x0  }
0x84: {  	[sflag:s18] =	ssyncadd.s32 $0xFFFFF000  }
0x85: {  	[tilespmem:s19], [sflag:$0x2] =	stream.linear.gather [hbm4b:s11+s3], $0x1000, $0x38;
	[tilespmem:$0x4000] =	vst v63  }
0x86: {  	_ = 	snop  }
0x87: {  	[tilespmem:s21], [sflag:$0x3] =	stream.indirect.gather [hbm4b:s2+s20], $0x1, s3, s20, $0xb8;
	[tilespmem:$0x4000] =	vst v63  }
0x88: {  	_ = 	snop  }
0x89: {  	[tilespmem:s22], [sflag:$0x5] =	stream.indirect.gather [hbm4b:s2+s20], $0x1, s20, s20, $0xb8;
	[tilespmem:$0x4000] =	vst v63  }
0x8a: {  	_ =	swait.ge [sflag:s23], $0x800  }
0x8b: {  	[sflag:s23] =	ssyncset.done $0x0  }
0x8c: {  	[sflag:s23] =	ssyncadd.s32 $0xFFFFF800  }
0x8d: {  	_ =	swait.ge [sflag:s24], $0x800  }
0x8e: {  	[sflag:s24] =	ssyncset.done $0x0  }
0x8f: {  	[sflag:s24] =	ssyncadd.s32 $0xFFFFF800  }
0x90: {  	[hbm4b:s12+s3] =	stream.linear.scatter [tilespmem:s21], [sflag:$0x7], $0x1000, $0x38;
	[tilespmem:$0x4000] =	vst v63  }
0x91: {  	_ =	swait.ge [sflag:s0], $0x1000  }
0x92: {  	[sflag:s0] =	ssyncset.done $0x0  }
0x93: {  	[sflag:s0] =	ssyncadd.s32 $0xFFFFF000  }
0x94: {  	_ =	swait.ge [sflag:s25], $0x1000  }
0x95: {  	[sflag:s25] =	ssyncset.done $0x0  }
0x96: {  	[sflag:s25] =	ssyncadd.s32 $0xFFFFF000  }
0x97: {  	[tilespmem:s26], [sflag:$0x4] =	stream.indirect.gather [hbm4b:s2+s20], $0x1, s19, s20, $0xb8;
	[tilespmem:$0x4000] =	vst v63  }
0x98: {  	_ = 	snop  }
0x99: {  	[tilespmem:s29], [sflag:$0x6] =	stream.indirect.gather [hbm4b:s2+s20], $0x1, s28, s20, $0xb8;
	[tilespmem:$0x4000] =	vst v63  }
0x9a: {  	_ =	swait.ge [sflag:s30], $0x800  }
0x9b: {  	[sflag:s30] =	ssyncset.done $0x0  }
0x9c: {  	[sflag:s30] =	ssyncadd.s32 $0xFFFFF800  }
0x9d: {  	_ =	swait.ge [sflag:s31], $0x800  }
0x9e: {  	[sflag:s31] =	ssyncset.done $0x0  }
0x9f: {  	[sflag:s31] =	ssyncadd.s32 $0xFFFFF800  }
0xa0: {  	[hbm4b:s13+s3] =	stream.linear.scatter [tilespmem:s26], [sflag:$0x8], $0x1000, $0x38;
	[tilespmem:$0x4000] =	vst v63  }
0xa1: {  	_ =	swait.ge [sflag:s1], $0x1000  }
0xa2: {  	[sflag:s1] =	ssyncset.done $0x0  }
0xa3: {  	[sflag:s1] =	ssyncadd.s32 $0xFFFFF000  }
0xa4: {  	_ =	swait.ge [sflag:s0], $0x1000  }
0xa5: {  	s6 =	sadd.s32 $0x1, s6;
	s5 =	rddreg [dreg:$0x4]  }
0xa6: {  	p0 =	sne.s32 s6, s5  }
.Ltmp1:
0xa7: {  	_ = 	snop;
	(pc) =	sbr.rel @p0 .LBB2_1-.Ltmp1, $3  }
0xa8: {  	_ =	sdelay $0x1  }
0xa9: {  	[sflag:s0] =	ssyncset.done $0x0  }
0xaa: {  	[sflag:s0] =	ssyncadd.s32 $0xFFFFF000  }
0xab: {  	_ =	sfence.sel $0x180000  }
0xac: {  	[bflag:$0x0] =	sbarrier.arrive $0xFFFF  }
0xad: {  	_ =	strace $0x9000004D  }
0xae: {  	s0 =	stileid.u32;
	[bflag:$0x2] =	sbarrier.arrive $0xFFFF  }
0xaf: {  	p0 =	sne.s32 s0, $0x0;
	s0 =	rddreg [dreg:$0x2]  }
0xb0: {  	s0 =	sadd.s32 @!p0 $0x100000, s0  }
0xb1: {  	[sflag:s0] =	ssyncadd.tile.s32 @!p0 $0x1;
	_ =	shalt  }
.Lfunc_end2:
_tile_overlayer_lowered:
.L_overlay_start_2:
0xb2: {  	(tag) =	ssettag $0x2  }
0xb3: {  	s0 =	rddreg [dreg:$0x0];
	s2 =	stileid.u32  }
0xb4: {  	s1 =	rddreg [dreg:$0x1];
	p0 =	sne.s32 s2, $0x0  }
0xb5: {  	s3 =	rddreg [dreg:$0x2];
	[bflag:$0x3] =	sbarrier.arrive $0xFFFF;
	s2 =	simm.s32 @!p0 $0x1C09  }
0xb6: {  	[timem:s3], [sflag:s2] =	dma.local @!p0 [hbm:s0], s1  }
0xb7: {  	s0 =	simm.s32 @!p0 $0x9  }
0xb8: {  	_ =	swait.ge @!p0 [sflag:s0], s1  }
0xb9: {  	s1 =	ssub.s32 @!p0 $0x0, s1;
	[sflag:s0] =	ssyncset.done @!p0 $0x0  }
0xba: {  	[sflag:s0] =	ssyncadd.s32 @!p0 s1  }
0xbb: {  	[bflag:$0x3] =	sbarrier.arrive $0xFFFF  }
0xbc: {  	_ =	shalt  }

// kernel: kernel.24.cloned.1.call-start
scs
__scs_entry_jumppad:
0x0: {  	(pc) =	sbr.rel $0x88, $3  }
0x1: {  	(tag) =	ssettag $0x0;
	lr =	simm.s32 $0x1  }
0x2: {  	[smem:$0x3F9E] =	sst lr;
	_ =	strace $0xD0000000  }
0x3: {  	_ = 	snop  }
0x4: {  	_ = 	snop  }
0x5: {  	_ = 	snop  }
0x6: {  	_ = 	snop  }
0x7: {  	_ = 	snop  }
__scs_overlays_trampoline_lowered:
0x8: {  	[smem:$0x3FAD] =	sst s0  }
0x9: {  	[smem:$0x3FAE] =	sst s1  }
0xa: {  	[smem:$0x3FAF] =	sst s2  }
0xb: {  	[smem:$0x3FB0] =	sst s3  }
0xc: {  	[smem:$0x3FB1] =	sst s4  }
0xd: {  	[smem:$0x3FB2] =	sst s5  }
0xe: {  	[smem:$0x3FB3] =	sst s6  }
0xf: {  	[smem:$0x3FB4] =	sst s7  }
0x10: {  	[smem:$0x3FB5] =	sst s8  }
0x11: {  	[smem:$0x3FB6] =	sst s9;
	s0 =	simm.s32 @!p0 $0x0  }
0x12: {  	s1 =	sld [smem:$0x3F9C];
	s0 =	simm.s32 @p0 $0x1  }
0x13: {  	[smem:$0x3FB7] =	sst s0;
	s0 =	simm.s32 @!p1 $0x0  }
0x14: {  	s2 =	sld [smem:$0x3F9B];
	s0 =	simm.s32 @p1 $0x1  }
0x15: {  	[smem:$0x3FB8] =	sst s0;
	s0 =	simm.s32 @!p2 $0x0  }
0x16: {  	s3 =	sld [smem:$0x3FDB];
	s0 =	simm.s32 @p2 $0x1  }
0x17: {  	s4 =	simm.s32 $0x1BF5;
	[smem:$0x3FBA] =	sst s0  }
0x18: {  	s0 =	sld [smem:$0x3F9D];
	_ =	swait.ge [sflag:s4], $0x0  }
0x19: {  	s7 =	sld [smem:$0x3F9E]  }
0x1a: {  	s8 =	sadd.s32 $0xFFFFE003, lr  }
0x1b: {  	s9 =	sadd.s32 $0xFFFFFEF7, lr;
	s5 =	simm.s32 $0xFFFFFFFF;
	p2 =	slt.u32 s8, $0xFFFFF086  }
0x1c: {  	p1 =	slt.u32 s9, $0xF7A;
	s5 =	simm.s32 @!p2 $0x0  }
0x1d: {  	s5 =	simm.s32 @p1 $0x1;
	p0 =	seq.s32 s7, s2  }
0x1e: {  	s7 =	smul.u32 @!p0 $0xF7A, s2;
	p2 =	seq.s32 @!p0 s5, $0x0  }
0x1f: {  	s9 =	smul.u32 $0xF7A, s1;
	s8 =	simm.s32 @!p0 $0x1BF5;
	p2 =	por !p2, p0  }
0x20: {  	[sflag:s8] =	ssyncset.s32 @!p0 $0xFFFFF086;
	s6 =	sadd.s32 @!p0 s3, s7;
	s7 =	simm.s32 @!p0 $0x108  }
0x21: {  	s3 =	sadd.s32 s3, s9;
	s6 =	sadd.s32 @!p0 $0x88, s6;
	s7 =	simm.s32 @p2 $0x1082  }
0x22: {  	[simem:s7], [sflag:s8] =	dma.local @!p0 [hbm:s6], $0xF7A  }
0x23: {  	s9 =	sor.u32 $0xD0000000, s2;
	s6 =	simm.s32 $0x108;
	_ =	swait.ge @!p0 [sflag:s8], $0x0  }
0x24: {  	s3 =	sadd.s32 $0x88, s3;
	s6 =	simm.s32 @!p1 $0x1082;
	[sflag:s4] =	ssyncset.s32 $0xFFFFF086  }
0x25: {  	[simem:s6], [sflag:s4] =	dma.local [hbm:s3], $0xF7A  }
0x26: {  	[smem:$0x3F9E] =	sst s1;
	(tag) =	ssettag s2;
	_ =	strace s9  }
0x27: {  	s1 =	sld [smem:$0x3FAE]  }
0x28: {  	s2 =	sld [smem:$0x3FAF]  }
0x29: {  	s4 =	sld [smem:$0x3FB1]  }
0x2a: {  	p0 =	seq.s32 s5, $0x0;
	s5 =	sld [smem:$0x3FB2]  }
0x2b: {  	s6 =	sld [smem:$0x3FB3]  }
0x2c: {  	s7 =	sld [smem:$0x3FB4]  }
0x2d: {  	s3 =	simm.s32 $0x108;
	s8 =	sld [smem:$0x3FB5]  }
0x2e: {  	s3 =	simm.s32 @!p0 $0x1082;
	s9 =	sld [smem:$0x3FB6]  }
0x2f: {  	lr =	sadd.s32 s0, s3;
	s0 =	sld [smem:$0x3FAD]  }
0x30: {  	s3 =	sld [smem:$0x3FB0]  }
0x31: {  	[smem:$0x3FB9] =	sst s10  }
0x32: {  	s10 =	sld [smem:$0x3FB7];
	_ =	sdelay $0x3  }
0x33: {  	p0 =	seq.s32 s10, $0x1;
	s10 =	sld [smem:$0x3FB9];
	_ =	sdelay $0x3  }
0x34: {  	[smem:$0x3FB9] =	sst s10  }
0x35: {  	s10 =	sld [smem:$0x3FB8];
	_ =	sdelay $0x3  }
0x36: {  	p1 =	seq.s32 s10, $0x1;
	s10 =	sld [smem:$0x3FB9];
	_ =	sdelay $0x3  }
0x37: {  	[smem:$0x3FB9] =	sst s10  }
0x38: {  	s10 =	sld [smem:$0x3FBA]  }
0x39: {  	_ = 	snop;
	(pc) =	sbr.ind lr, $3  }
0x3a: {  	_ = 	snop  }
0x3b: {  	_ = 	snop  }
0x3c: {  	p2 =	seq.s32 s10, $0x1;
	s10 =	sld [smem:$0x3FB9]  }
0x3d: {  	_ =	shalt  }
0x3e: {  	_ =	shalt  }
0x3f: {  	_ =	shalt  }
0x40: {  	_ =	shalt  }
0x41: {  	_ =	shalt  }
0x42: {  	_ =	shalt  }
0x43: {  	_ =	shalt  }
0x44: {  	_ =	shalt  }
0x45: {  	_ =	shalt  }
0x46: {  	_ =	shalt  }
0x47: {  	_ =	shalt  }
0x48: {  	_ =	shalt  }
0x49: {  	_ =	shalt  }
0x4a: {  	_ =	shalt  }
0x4b: {  	_ =	shalt  }
0x4c: {  	_ =	shalt  }
0x4d: {  	_ =	shalt  }
0x4e: {  	_ =	shalt  }
0x4f: {  	_ =	shalt  }
0x50: {  	_ =	shalt  }
0x51: {  	_ =	shalt  }
0x52: {  	_ =	shalt  }
0x53: {  	_ =	shalt  }
0x54: {  	_ =	shalt  }
0x55: {  	_ =	shalt  }
0x56: {  	_ =	shalt  }
0x57: {  	_ =	shalt  }
0x58: {  	_ =	shalt  }
0x59: {  	_ =	shalt  }
0x5a: {  	_ =	shalt  }
0x5b: {  	_ =	shalt  }
0x5c: {  	_ =	shalt  }
0x5d: {  	_ =	shalt  }
0x5e: {  	_ =	shalt  }
0x5f: {  	_ =	shalt  }
0x60: {  	_ =	shalt  }
0x61: {  	_ =	shalt  }
0x62: {  	_ =	shalt  }
0x63: {  	_ =	shalt  }
0x64: {  	_ =	shalt  }
0x65: {  	_ =	shalt  }
0x66: {  	_ =	shalt  }
0x67: {  	_ =	shalt  }
0x68: {  	_ =	shalt  }
0x69: {  	_ =	shalt  }
0x6a: {  	_ =	shalt  }
0x6b: {  	_ =	shalt  }
0x6c: {  	_ =	shalt  }
0x6d: {  	_ =	shalt  }
0x6e: {  	_ =	shalt  }
0x6f: {  	_ =	shalt  }
0x70: {  	_ =	shalt  }
0x71: {  	_ =	shalt  }
0x72: {  	_ =	shalt  }
0x73: {  	_ =	shalt  }
0x74: {  	_ =	shalt  }
0x75: {  	_ =	shalt  }
0x76: {  	_ =	shalt  }
0x77: {  	_ =	shalt  }
0x78: {  	_ =	shalt  }
0x79: {  	_ =	shalt  }
0x7a: {  	_ =	shalt  }
0x7b: {  	_ =	shalt  }
0x7c: {  	_ =	shalt  }
0x7d: {  	_ =	shalt  }
0x7e: {  	_ =	shalt  }
0x7f: {  	_ =	shalt  }
0x80: {  	_ =	shalt  }
0x81: {  	_ =	shalt  }
0x82: {  	_ =	shalt  }
0x83: {  	_ =	shalt  }
0x84: {  	_ =	shalt  }
0x85: {  	_ =	shalt  }
0x86: {  	_ =	shalt  }
0x87: {  	_ =	shalt  }
.Lfunc_end0:
.L_simem_size_0:
called_computation.4_lowered:
.L_overlay_start_0:
0x88: {  	s2 =	sld [smem:$0x3FD9]  }
0x89: {  	s3 =	sld [smem:$0x3FFE];
	_ =	sdelay $0x1  }
0x8a: {  	s1 =	srdreg.scid  }
0x8b: {  	s0 =	sand.u32 $0x1, s1  }
0x8c: {  	s17 =	sshll.u32 s0, $0xA;
	s2 =	sadd.s32 s3, s2  }
0x8d: {  	s2 =	sadd.s32 s2, s17  }
0x8e: {  	[smem:$0x3FC5] =	sst s2  }
0x8f: {  	_ = 	snop  }
0x90: {  	s18 =	sld [smem:$0x3FC7];
	(tm) =	ssettm $0x1  }
0x91: {  	s19 =	sld [smem:$0x3FFB];
	_ =	sdelay $0x3  }
0x92: {  	_ =	strace s19  }
0x93: {  	s2 =	sld [smem:$0x3FFC];
	_ =	sdelay $0x3  }
0x94: {  	_ =	strace s2  }
0x95: {  	s2 =	sld [smem:$0x3FFD];
	_ =	sdelay $0x3  }
0x96: {  	_ =	strace s2  }
0x97: {  	_ =	strace $0x8FFFFFFF  }
0x98: {  	s20 =	sld [smem:$0x3FDB];
	_ =	sdelay $0x1  }
0x99: {  	s4 =	simm.s32 $_scs_section_size  }
0x9a: {  	s5 =	simm.s32 $_size__tile_overlayer_lowered;
	s6 =	simm.s32 $_tile_overlayer_lowered  }
0x9b: {  	s7 =	simm.s32 $0x1BFF;
	s21 =	sshll.u32 s6, $0x1;
	s4 =	sadd.s32 s4, s20  }
0x9c: {  	s22 =	simm.s32 $0x0;
	s5 =	sshll.u32 s5, $0x1;
	s6 =	sadd.s32 s21, s4  }
0x9d: {  	[timem:s22], [sflag:s7] =	dma.local [hbm:s6], s5  }
0x9e: {  	_ =	swait.ge [sflag:s7], s5  }
0x9f: {  	s5 =	ssub.s32 $0x0, s5;
	[sflag:s7] =	ssyncset.done $0x0  }
0xa0: {  	[sflag:s7] =	ssyncadd.s32 s5;
	_ =	sdelay $0x1  }
0xa1: {  	s23 =	simm.s32 $0x1B8B  }
0xa2: {  	_ =	swait.ge [sflag:s23], $0x1  }
0xa3: {  	[sflag:s23] =	ssyncset.done $0x0  }
0xa4: {  	[sflag:s23] =	ssyncadd.s32 $0xFFFFFFFF  }
0xa5: {  	s5 =	sld [smem:$0x0]  }
0xa6: {  	s6 =	sand.u32 $0xFFFFFFFE, s1  }
0xa7: {  	p0 =	sne.s32 s1, s6  }
0xa8: {  	s6 =	sshll.u32 @p0 s6, $0xE  }
0xa9: {  	s6 =	sadd.s32 @p0 $0x11B8D, s6;
	s7 =	sshll.u32 @p0 s5, $0x11  }
0xaa: {  	s6 =	sor.u32 @p0 s7, s6  }
0xab: {  	[sflag:s6] =	ssyncadd.remote.s32 @p0 $0x1;
	_ =	sdelay $0x1  }
0xac: {  	s6 =	simm.s32 @p0 $0x1B8D  }
0xad: {  	_ =	swait.eq @p0 [sflag:s6], $0x1  }
0xae: {  	[sflag:s6] =	ssyncadd.s32 @p0 $0xFFFFFFFF  }
0xaf: {  	s7 =	sshll.u32 @!p0 s1, $0xE  }
0xb0: {  	s7 =	sor.u32 @!p0 $0x4000, s7;
	s6 =	simm.s32 @!p0 $0x1B8D  }
0xb1: {  	s5 =	sshll.u32 @!p0 s5, $0x11;
	s7 =	sadd.s32 @!p0 $0x11B8D, s7;
	_ =	swait.eq @!p0 [sflag:s6], $0x1  }
0xb2: {  	s5 =	sor.u32 @!p0 s5, s7;
	[sflag:s6] =	ssyncadd.s32 @!p0 $0xFFFFFFFF  }
0xb3: {  	s25 =	simm.s32 $0x1B8E;
	s24 =	sld [smem:$0x3FFE];
	[sflag:s5] =	ssyncadd.remote.s32 @!p0 $0x1  }
0xb4: {  	s26 =	simm.s32 $execute0_lowered;
	[smem:$0x3FD2] =	sst s25  }
0xb5: {  	s6 =	sshll.u32 s26, $0x1;
	_ =	strace $0x8000004F;
	[dreg:$0x1] =	wrdreg $0xFFFFFFFF  }
0xb6: {  	s28 =	simm.s32 $_size_execute0_lowered;
	s4 =	sadd.s32 s4, s6;
	[dreg:$0x0] =	wrdreg $0x0  }
0xb7: {  	s6 =	sshll.u32 s28, $0x1;
	[dreg:$0x2] =	wrdreg s4  }
0xb8: {  	[dreg:$0x3] =	wrdreg s6  }
0xb9: {  	[dreg:$0x4] =	wrdreg $0xC0  }
0xba: {  	_ =	task [dreg:s22], $0x5FFFF  }
0xbb: {  	[dreg:$0x1] =	wrdreg $0xFFFFFFFF  }
0xbc: {  	[dreg:$0x0] =	wrdreg $0x60  }
0xbd: {  	[dreg:$0x2] =	wrdreg s24  }
0xbe: {  	[dreg:$0x3] =	wrdreg s18  }
0xbf: {  	[dreg:$0x4] =	wrdreg $0xC  }
0xc0: {  	_ =	task.clear_ibuf [dreg:s22], $0x5FFFF;
	_ =	strace $0x9000004F  }
0xc1: {  	s29 =	simm.s32 $0xC;
	_ =	strace $0x80000051  }
0xc2: {  	_ =	swait.ge [sflag:s29], $0x1  }
0xc3: {  	[sflag:s29] =	ssyncadd.s32 $0xFFFFFFFF  }
0xc4: {  	_ =	strace $0x90000051  }
0xc5: {  	_ =	sfence  }
0xc6: {  	s30 =	sld [smem:$0x0];
	_ =	sdelay $0x2  }
0xc7: {  	s31 =	sshll.u32 s1, $0xD;
	s1 =	sshrl.u32 s1, $0x2  }
0xc8: {  	s4 =	sand.u32 $0x4000, s31;
	s1 =	sadd.s32 s1, s30  }
0xc9: {  	s0 =	sor.u32 s4, s0;
	s1 =	sshll.u32 s1, $0x11  }
0xca: {  	s0 =	sor.u32 s1, s0  }
0xcb: {  	s0 =	sadd.s32 $0x8F2B, s0  }
0xcc: {  	[sflag:s0] =	ssyncadd.remote.s32 $0x1  }
0xcd: {  	_ =	sfence.sel $0xFFFF  }
0xce: {  	[dreg:$0x0] =	wrdreg $0xFFFFFFFF;
	(pc) =	sbr.abs _section_cstart, $3  }
0xcf: {  	[dreg:$0x1] =	wrdreg $0xFFFFFFFF  }
0xd0: {  	_ =	task.clear_ibuf [dreg:s22], $0x2FFFF;
	_ =	strace $0x9FFFFFFF  }
0xd1: {  	(tm) =	ssettm $0x7FFFFFFF  }
tec
execute0_lowered:
.L_overlay_start_1:
0x0: {  	(tag) =	ssettag $0x1  }
0x1: {  	s13 =	rddreg [dreg:$0x0]  }
0x2: {  	s2 =	rddreg [dreg:$0x1];
	s3 =	srdreg.scid  }
0x3: {  	s0 =	rddreg [dreg:$0x2];
	s1 =	stileid.u32;
	s20 =	sand.u32 $0x1, s3  }
0x4: {  	s3 =	simm.s32 $0x0;
	s4 =	sshll.u32 s1, $0xB;
	s5 =	sshll.u32 s20, $0xA  }
0x5: {  	s6 =	sadd.s32 $0xCAE00, s13;
	[smem:$0x7FF] =	sst s3;
	s14 =	sor.u32 s5, s4  }
0x6: {  	_ =	strace $0x80000050;
	s5 =	simm.s32 $0x1;
	s4 =	sadd.s32 s6, s14  }
0x7: {  	[tilespmem:s3], [sflag:$0x1] =	stream.linear.gather [hbm4b:s4+s3], $0x1000, $0x38;
	[tilespmem:$0x4000] =	vst v63  }
0x8: {  	_ =	swait.ge [sflag:s5], $0x1000  }
0x9: {  	s21 =	sor.u32 $0x200, s14;
	[sflag:s5] =	ssyncset.done $0x0  }
0xa: {  	s7 =	simm.s32 $0x1000;
	s6 =	sadd.s32 s6, s21;
	[sflag:s5] =	ssyncadd.s32 $0xFFFFF000  }
0xb: {  	[tilespmem:s7], [sflag:$0x2] =	stream.linear.gather [hbm4b:s6+s3], $0x1000, $0x38;
	[tilespmem:$0x4000] =	vst v63  }
0xc: {  	s8 =	simm.s32 $0x800;
	s9 =	simm.s32 $0x2000  }
0xd: {  	[tilespmem:s9], [sflag:$0x3] =	stream.indirect.gather [hbm4b:s2+s8], $0x1, s3, s8, $0xb8;
	[tilespmem:$0x4000] =	vst v63  }
0xe: {  	s10 =	simm.s32 $0x2800;
	s11 =	simm.s32 $0x3  }
0xf: {  	[tilespmem:s10], [sflag:$0x5] =	stream.indirect.gather [hbm4b:s2+s8], $0x1, s8, s8, $0xb8;
	[tilespmem:$0x4000] =	vst v63  }
0x10: {  	_ =	swait.ge [sflag:s11], $0x800  }
0x11: {  	[sflag:s11] =	ssyncset.done $0x0  }
0x12: {  	s12 =	simm.s32 $0x5;
	[sflag:s11] =	ssyncadd.s32 $0xFFFFF800  }
0x13: {  	_ =	swait.ge [sflag:s12], $0x800  }
0x14: {  	s22 =	sadd.s32 $0xD2E00, s13;
	[sflag:s12] =	ssyncset.done $0x0  }
0x15: {  	s13 =	sadd.s32 s22, s14;
	s14 =	simm.s32 $0x2;
	[sflag:s12] =	ssyncadd.s32 $0xFFFFF800  }
0x16: {  	[hbm4b:s13+s3] =	stream.linear.scatter [tilespmem:s9], [sflag:$0x7], $0x1000, $0x38;
	[tilespmem:$0x4000] =	vst v63  }
0x17: {  	_ =	swait.ge [sflag:s14], $0x1000  }
0x18: {  	[sflag:s14] =	ssyncset.done $0x0  }
0x19: {  	s15 =	simm.s32 $0x3000;
	[sflag:s14] =	ssyncadd.s32 $0xFFFFF000  }
0x1a: {  	[tilespmem:s15], [sflag:$0x4] =	stream.indirect.gather [hbm4b:s2+s8], $0x1, s7, s8, $0xb8;
	[tilespmem:$0x4000] =	vst v63  }
0x1b: {  	s16 =	simm.s32 $0x1800;
	s17 =	simm.s32 $0x3800;
	s18 =	simm.s32 $0x4  }
0x1c: {  	[tilespmem:s17], [sflag:$0x6] =	stream.indirect.gather [hbm4b:s2+s8], $0x1, s16, s8, $0xb8;
	[tilespmem:$0x4000] =	vst v63  }
0x1d: {  	_ =	swait.ge [sflag:s18], $0x800  }
0x1e: {  	s23 =	ssub.s32 $0x2, s20;
	[sflag:s18] =	ssyncset.done $0x0  }
0x1f: {  	s19 =	simm.s32 $0x6;
	s31 =	sshrl.u32 s23, $0x1;
	[sflag:s18] =	ssyncadd.s32 $0xFFFFF800  }
0x20: {  	s20 =	sadd.s32 s22, s21;
	s22 =	ssub.s32 s23, s31;
	_ =	swait.ge [sflag:s19], $0x800  }
0x21: {  	s23 =	smax.u32 s22, $0x1;
	[sflag:s19] =	ssyncset.done $0x0  }
0x22: {  	s21 =	simm.s32 $0x7;
	p0 =	sne.s32 s23, $0x1;
	[sflag:s19] =	ssyncadd.s32 $0xFFFFF800  }
0x23: {  	[hbm4b:s20+s3] =	stream.linear.scatter [tilespmem:s15], [sflag:$0x8], $0x1000, $0x38;
	[tilespmem:$0x4000] =	vst v63  }
.Ltmp0:
0x24: {  	_ =	swait.ge [sflag:s21], $0x1000;
	(pc) =	sbr.rel @!p0 .LBB2_2-.Ltmp0, $4  }
0x25: {  	[sflag:s21] =	ssyncset.done $0x0  }
0x26: {  	s22 =	simm.s32 $0x8;
	[sflag:s21] =	ssyncadd.s32 $0xFFFFF000  }
0x27: {  	_ =	swait.ge [sflag:s22], $0x1000  }
0x28: {  	s23 =	sadd.s32 $0xFFFFFFFF, s23;
	[sflag:s22] =	ssyncset.done $0x0  }
.LBB2_1:
0x29: {  	p0 =	sne.s32 s23, $0x1;
	s23 =	sadd.s32 $0xFFFFFFFF, s23;
	[sflag:s22] =	ssyncadd.s32 $0xFFFFF000  }
0x2a: {  	[tilespmem:s3], [sflag:$0x1] =	stream.linear.gather [hbm4b:s4+s3], $0x1000, $0x38;
	[tilespmem:$0x4000] =	vst v63  }
0x2b: {  	_ =	swait.ge [sflag:s5], $0x1000  }
0x2c: {  	[sflag:s5] =	ssyncset.done $0x0  }
0x2d: {  	[sflag:s5] =	ssyncadd.s32 $0xFFFFF000  }
0x2e: {  	[tilespmem:s7], [sflag:$0x2] =	stream.linear.gather [hbm4b:s6+s3], $0x1000, $0x38;
	[tilespmem:$0x4000] =	vst v63  }
0x2f: {  	_ = 	snop  }
0x30: {  	[tilespmem:s9], [sflag:$0x3] =	stream.indirect.gather [hbm4b:s2+s8], $0x1, s3, s8, $0xb8;
	[tilespmem:$0x4000] =	vst v63  }
0x31: {  	_ = 	snop  }
0x32: {  	[tilespmem:s10], [sflag:$0x5] =	stream.indirect.gather [hbm4b:s2+s8], $0x1, s8, s8, $0xb8;
	[tilespmem:$0x4000] =	vst v63  }
0x33: {  	_ =	swait.ge [sflag:s11], $0x800  }
0x34: {  	[sflag:s11] =	ssyncset.done $0x0  }
0x35: {  	[sflag:s11] =	ssyncadd.s32 $0xFFFFF800  }
0x36: {  	_ =	swait.ge [sflag:s12], $0x800  }
0x37: {  	[sflag:s12] =	ssyncset.done $0x0  }
0x38: {  	[sflag:s12] =	ssyncadd.s32 $0xFFFFF800  }
0x39: {  	[hbm4b:s13+s3] =	stream.linear.scatter [tilespmem:s9], [sflag:$0x7], $0x1000, $0x38;
	[tilespmem:$0x4000] =	vst v63  }
0x3a: {  	_ =	swait.ge [sflag:s14], $0x1000  }
0x3b: {  	[sflag:s14] =	ssyncset.done $0x0  }
0x3c: {  	[sflag:s14] =	ssyncadd.s32 $0xFFFFF000  }
0x3d: {  	[tilespmem:s15], [sflag:$0x4] =	stream.indirect.gather [hbm4b:s2+s8], $0x1, s7, s8, $0xb8;
	[tilespmem:$0x4000] =	vst v63  }
0x3e: {  	_ = 	snop  }
0x3f: {  	[tilespmem:s17], [sflag:$0x6] =	stream.indirect.gather [hbm4b:s2+s8], $0x1, s16, s8, $0xb8;
	[tilespmem:$0x4000] =	vst v63  }
0x40: {  	_ =	swait.ge [sflag:s18], $0x800  }
0x41: {  	[sflag:s18] =	ssyncset.done $0x0  }
0x42: {  	[sflag:s18] =	ssyncadd.s32 $0xFFFFF800  }
0x43: {  	_ =	swait.ge [sflag:s19], $0x800  }
0x44: {  	[sflag:s19] =	ssyncset.done $0x0  }
0x45: {  	[sflag:s19] =	ssyncadd.s32 $0xFFFFF800  }
0x46: {  	[hbm4b:s20+s3] =	stream.linear.scatter [tilespmem:s15], [sflag:$0x8], $0x1000, $0x38;
	[tilespmem:$0x4000] =	vst v63  }
.Ltmp1:
0x47: {  	_ =	swait.ge [sflag:s21], $0x1000;
	(pc) =	sbr.rel @p0 .LBB2_1-.Ltmp1, $4  }
0x48: {  	[sflag:s21] =	ssyncset.done $0x0  }
0x49: {  	[sflag:s21] =	ssyncadd.s32 $0xFFFFF000  }
0x4a: {  	_ =	swait.ge [sflag:s22], $0x1000  }
0x4b: {  	[sflag:s22] =	ssyncset.done $0x0  }
.LBB2_2:
0x4c: {  	[sflag:s22] =	ssyncadd.s32 $0xFFFFF000  }
0x4d: {  	_ =	sfence.sel $0x180000  }
0x4e: {  	[bflag:$0x0] =	sbarrier.arrive $0xFFFF  }
0x4f: {  	p0 =	sne.s32 s1, $0x0;
	_ =	strace $0x90000050  }
0x50: {  	s0 =	sadd.s32 @!p0 $0x100000, s0;
	[bflag:$0x2] =	sbarrier.arrive $0xFFFF  }
0x51: {  	[sflag:s0] =	ssyncadd.tile.s32 @!p0 $0x1;
	_ =	shalt  }
.Lfunc_end2:
_tile_overlayer_lowered:
.L_overlay_start_2:
0x52: {  	(tag) =	ssettag $0x2  }
0x53: {  	s0 =	rddreg [dreg:$0x0];
	s2 =	stileid.u32  }
0x54: {  	s1 =	rddreg [dreg:$0x1];
	p0 =	sne.s32 s2, $0x0  }
0x55: {  	s3 =	rddreg [dreg:$0x2];
	[bflag:$0x3] =	sbarrier.arrive $0xFFFF;
	s2 =	simm.s32 @!p0 $0x1C09  }
0x56: {  	[timem:s3], [sflag:s2] =	dma.local @!p0 [hbm:s0], s1  }
0x57: {  	s0 =	simm.s32 @!p0 $0x9  }
0x58: {  	_ =	swait.ge @!p0 [sflag:s0], s1  }
0x59: {  	s1 =	ssub.s32 @!p0 $0x0, s1;
	[sflag:s0] =	ssyncset.done @!p0 $0x0  }
0x5a: {  	[sflag:s0] =	ssyncadd.s32 @!p0 s1  }
0x5b: {  	[bflag:$0x3] =	sbarrier.arrive $0xFFFF  }
0x5c: {  	_ =	shalt  }

// kernel: sparse-core-data-format-call.cloned.1.call-start
scs
called_computation_lowered:
.L_overlay_start_0:
0x0: {  	s2 =	sld [smem:$0x3FD9]  }
0x1: {  	s3 =	sld [smem:$0x3FFE];
	_ =	sdelay $0x1  }
0x2: {  	s1 =	srdreg.scid  }
0x3: {  	s0 =	sand.u32 $0x1, s1  }
0x4: {  	s15 =	sshll.u32 s0, $0xA;
	s2 =	sadd.s32 s3, s2  }
0x5: {  	s2 =	sadd.s32 s2, s15  }
0x6: {  	[smem:$0x3FC5] =	sst s2  }
0x7: {  	_ = 	snop  }
0x8: {  	s2 =	sld [smem:$0x3FD0];
	_ =	sdelay $0x2  }
0x9: {  	s16 =	simm.s32 $0xD;
	s4 =	simm.s32 $0x10  }
0xa: {  	[smem:s4], [sflag:s16] =	dma.local [hbm:s2], $0x1  }
0xb: {  	_ =	swait.eq [sflag:s16], $0x1  }
0xc: {  	[sflag:s16] =	ssyncset.done $0x0  }
0xd: {  	[sflag:s16] =	ssyncadd.s32 $0xFFFFFFFF  }
0xe: {  	s17 =	sld [smem:$0x10];
	(tm) =	ssettm $0x1  }
0xf: {  	s18 =	sld [smem:$0x3FFB];
	_ =	sdelay $0x3  }
0x10: {  	_ =	strace s18  }
0x11: {  	s3 =	sld [smem:$0x3FFC];
	_ =	sdelay $0x3  }
0x12: {  	_ =	strace s3  }
0x13: {  	s3 =	sld [smem:$0x3FFD];
	_ =	sdelay $0x3  }
0x14: {  	_ =	strace s3  }
0x15: {  	_ =	strace $0x8FFFFFFF  }
0x16: {  	s19 =	sld [smem:$0x3FDB];
	_ =	sdelay $0x1  }
0x17: {  	s20 =	simm.s32 $_scs_section_size  }
0x18: {  	s5 =	simm.s32 $_size__tile_overlayer_lowered;
	s6 =	simm.s32 $_tile_overlayer_lowered  }
0x19: {  	s23 =	simm.s32 $0x1BFF;
	s22 =	sshll.u32 s6, $0x1;
	s3 =	sadd.s32 s20, s19  }
0x1a: {  	s7 =	simm.s32 $0x0;
	s21 =	sshll.u32 s5, $0x1;
	s5 =	sadd.s32 s22, s3  }
0x1b: {  	[timem:s7], [sflag:s23] =	dma.local [hbm:s5], s21  }
0x1c: {  	_ =	swait.ge [sflag:s23], s21  }
0x1d: {  	s4 =	ssub.s32 $0x0, s21;
	[sflag:s23] =	ssyncset.done $0x0  }
0x1e: {  	[sflag:s23] =	ssyncadd.s32 s4;
	_ =	sdelay $0x1  }
0x1f: {  	s24 =	simm.s32 $0x1B8B  }
0x20: {  	_ =	swait.ge [sflag:s24], $0x1  }
0x21: {  	[sflag:s24] =	ssyncset.done $0x0  }
0x22: {  	s26 =	simm.s32 $0x1B8E;
	s25 =	sld [smem:$0x3FFE];
	[sflag:s24] =	ssyncadd.s32 $0xFFFFFFFF  }
0x23: {  	s27 =	simm.s32 $execute0_lowered;
	[smem:$0x3FD2] =	sst s26  }
0x24: {  	s5 =	sshll.u32 s27, $0x1;
	_ =	strace $0x80000052;
	[dreg:$0x1] =	wrdreg $0xFFFFFFFF  }
0x25: {  	s28 =	simm.s32 $_size_execute0_lowered;
	s3 =	sadd.s32 s3, s5;
	[dreg:$0x0] =	wrdreg $0x0  }
0x26: {  	s5 =	sshll.u32 s28, $0x1;
	[dreg:$0x2] =	wrdreg s3  }
0x27: {  	[dreg:$0x3] =	wrdreg s5  }
0x28: {  	[dreg:$0x4] =	wrdreg $0xC0  }
0x29: {  	_ =	task [dreg:s7], $0x5FFFF  }
0x2a: {  	[dreg:$0x1] =	wrdreg $0xFFFFFFFF  }
0x2b: {  	[dreg:$0x0] =	wrdreg $0x60  }
0x2c: {  	[dreg:$0x2] =	wrdreg s25  }
0x2d: {  	[dreg:$0x3] =	wrdreg s17  }
0x2e: {  	[dreg:$0x4] =	wrdreg $0x9  }
0x2f: {  	_ =	task.clear_ibuf [dreg:s7], $0x5FFFF;
	_ =	strace $0x90000052  }
0x30: {  	s29 =	simm.s32 $0x9;
	_ =	strace $0x80000054  }
0x31: {  	_ =	swait.ge [sflag:s29], $0x1  }
0x32: {  	[sflag:s29] =	ssyncadd.s32 $0xFFFFFFFF  }
0x33: {  	_ =	strace $0x90000054  }
0x34: {  	_ =	sfence  }
0x35: {  	s30 =	sld [smem:$0x0];
	_ =	sdelay $0x2  }
0x36: {  	s31 =	sshll.u32 s1, $0xD;
	s1 =	sshrl.u32 s1, $0x2  }
0x37: {  	s3 =	sand.u32 $0x4000, s31;
	s1 =	sadd.s32 s1, s30  }
0x38: {  	s0 =	sor.u32 s3, s0;
	s1 =	sshll.u32 s1, $0x11  }
0x39: {  	s0 =	sor.u32 s1, s0  }
0x3a: {  	s0 =	sadd.s32 $0x8F2B, s0  }
0x3b: {  	[sflag:s0] =	ssyncadd.remote.s32 $0x1  }
0x3c: {  	_ =	sfence.sel $0xFFFF  }
0x3d: {  	[dreg:$0x0] =	wrdreg $0xFFFFFFFF;
	(pc) =	sbr.abs _section_cstart, $3  }
0x3e: {  	[dreg:$0x1] =	wrdreg $0xFFFFFFFF  }
0x3f: {  	_ =	task.clear_ibuf [dreg:s7], $0x2FFFF;
	_ =	strace $0x9FFFFFFF  }
0x40: {  	(tm) =	ssettm $0x7FFFFFFF  }
0x41: {  	_ =	shalt  }
tec
execute0_lowered:
.L_overlay_start_1:
0x0: {  	(tag) =	ssettag $0x1  }
0x1: {  	s4 =	rddreg [dreg:$0x0]  }
0x2: {  	s0 =	stileid.u32;
	s2 =	rddreg [dreg:$0x1]  }
0x3: {  	s1 =	rddreg [dreg:$0x2];
	_ =	strace $0x80000053;
	s5 =	srdreg.scid  }
0x4: {  	s31 =	simm.s32 $0x2;
	s14 =	simm.s32 $0x0;
	s9 =	simm.s32 $0x2000  }
0x5: {  	s16 =	simm.s32 $0x0;
	s15 =	simm.s32 $0x0;
	s3 =	sshll.u32 s0, $0x7  }
0x6: {  	s10 =	simm.s32 $0x0;
	s5 =	sshll.u32 s5, $0x4;
	s3 =	sand.u32 $0x380, s3  }
0x7: {  	s13 =	simm.s32 $0x0;
	s5 =	sand.u32 $0x10, s5;
	s6 =	ssub.s32 $0x400, s3  }
0x8: {  	s4 =	sadd.s32 $0x12E00, s4;
	s5 =	sor.u32 s0, s5;
	s7 =	sand.u32 $0x380, s6  }
.Ltmp0:
0x9: {  	p0 =	sne.s32 s7, $0x0;
	s7 =	simm.s32 $0x1;
	(pc) =	sbr.rel .LBB1_1-.Ltmp0, $4  }
0xa: {  	s12 =	smov.u32 s3;
	s8 =	sshrl.u32 s6, $0xA;
	s7 =	simm.s32 @!p0 $0x0  }
0xb: {  	s5 =	sshrl.u32 s5, $0x3;
	s6 =	simm.s32 $0x1;
	s7 =	sadd.s32 s7, s8  }
0xc: {  	[sflag:s6] =	ssyncpa.u1 $0x0;
	s11 =	smov.u32 s5;
	s7 =	sshll.u32 s7, $0x6  }
0xd: {  	[sflag:s31] =	ssyncpa.u1 $0x0;
	p0 =	por $0x0, $0x0;
	s8 =	sor.u32 $0x1, s7  }
.LBB1_4:
0xe: {  	v5 =	vld [tilespmem:s20+$0xFFFFFFD0];
	[tilespmem:s19+$0x2040 ss:$0x81] =	vst.msk $0xffff, v1  }
0xf: {  	v58 =	vld [tilespmem:s20+$0xFFFFFFE0];
	[tilespmem:s19+$0x2850 ss:$0x81] =	vst.msk $0xffff, v2  }
0x10: {  	s21 =	sshra.s32 s21, $0x2;
	v59 =	vld [tilespmem:s20+$0xFFFFFFF0];
	[tilespmem:s19+$0x3060 ss:$0x81] =	vst.msk $0xffff, v3  }
0x11: {  	v60 =	vld [tilespmem:s20+$0x0];
	[tilespmem:s19+$0x0 ss:$0x81] =	vst.msk $0xffff, v0;
	s18 =	sadd.s32 s21, s18  }
0x12: {  	v61 =	vld [tilespmem:s20+$0x10];
	[tilespmem:s18+$0x3870 ss:$0x81] =	vst.msk $0xffff, v4  }
0x13: {  	v62 =	vld [tilespmem:s20+$0x20];
	[tilespmem:s18+$0x810 ss:$0x81] =	vst.msk $0xffff, v5  }
0x14: {  	v63 =	vld [tilespmem:s20+$0xFFFFFFC0];
	[tilespmem:s18+$0x1020 ss:$0x81] =	vst.msk $0xffff, v58  }
0x15: {  	s16 =	sshll.u32 s16, $0x7;
	s29 =	sand.u32 $0x78, s15;
	[tilespmem:s18+$0x1830 ss:$0x81] =	vst.msk $0xffff, v59  }
0x16: {  	s30 =	sand.u32 $0x380, s15;
	s14 =	sshll.u32 s14, $0xA;
	s16 =	sand.u32 $0x380, s16;
	[tilespmem:s18+$0x2040 ss:$0x81] =	vst.msk $0xffff, v60  }
0x17: {  	s31 =	sand.u32 $0x7, s15;
	s19 =	sadd.s32 s2, s30;
	s16 =	sor.u32 s29, s16;
	[tilespmem:s18+$0x2850 ss:$0x81] =	vst.msk $0xffff, v61  }
0x18: {  	s15 =	sshll.u32 s31, $0x12;
	s14 =	sadd.s32 s14, s19;
	s16 =	sshrl.u32 s16, $0x3;
	[tilespmem:s18+$0x3060 ss:$0x81] =	vst.msk $0xffff, v62  }
0x19: {  	s15 =	sor.u32 $0x80, s15;
	s14 =	sadd.s32 s16, s14;
	[tilespmem:s18+$0x0 ss:$0x81] =	vst.msk $0xffff, v63  }
0x1a: {  	[hbm4b:s14+s15] =	stream.strided.scatter [tilespmem:s17], [sflag:$0x2], $0x4000, s9, s15, $0x20;
	[tilespmem:$0x10100] =	vst v63  }
.LBB1_5:
0x1b: {  	s17 =	sadd.s32 $0x80, s10  }
0x1c: {  	s14 =	sadd.s32 $0x4, s11;
	s18 =	smov.u32 s11;
	p2 =	sgt.s32 s17, $0xFFF  }
0x1d: {  	s18 =	smov.u32 @p2 s14  }
0x1e: {  	s20 =	smov.u32 s12;
	s14 =	sadd.s32 $0x400, s12;
	p3 =	sgt.s32 s18, $0x7  }
0x1f: {  	s20 =	smov.u32 @p3 s14  }
0x20: {  	s17 =	simm.s32 @p2 $0x0;
	p2 =	sgt.s32 s20, $0x3FF  }
0x21: {  	p1 =	slt.u32 s13, $0x2;
	s20 =	smov.u32 @p2 s3;
	p2 =	sne.s32 s13, s8  }
.Ltmp1:
0x22: {  	s19 =	simm.s32 @!p1 $0x2;
	(pc) =	sbr.rel @!p2 .LBB1_6-.Ltmp1, $4  }
0x23: {  	s16 =	smov.u32 s11;
	s15 =	smov.u32 s12;
	_ =	swait.ge @!p1 [sflag:s19], $0x4000  }
0x24: {  	p0 =	por !p0, !p0;
	[sflag:s19] =	ssyncset.done @!p1 $0x0;
	s18 =	smov.u32 @p3 s5  }
0x25: {  	s14 =	smov.u32 s10;
	[sflag:s19] =	ssyncadd.s32 @!p1 $0xFFFFC000;
	s10 =	smov.u32 s17  }
0x26: {  	s11 =	smov.u32 s18;
	s13 =	sadd.s32 $0x1, s13;
	s12 =	smov.u32 s20  }
.LBB1_1:
0x27: {  	p1 =	sge.u32 s13, s7  }
0x28: {  	s31 =	sadd.s32 $0xFFFFFFFF, s13;
	s17 =	sxor.u32 @!p1 $0xFFFFFFFF, s13;
	s18 =	sshll.u32 @!p1 s11, $0x7  }
0x29: {  	s19 =	sand.u32 @!p1 $0x78, s10;
	s20 =	sshll.u32 @!p1 s10, $0x3;
	s18 =	sand.u32 @!p1 $0x380, s18  }
0x2a: {  	s20 =	sand.u32 @!p1 $0xC00, s20;
	s18 =	sor.u32 @!p1 s18, s19;
	s19 =	sshll.u32 @!p1 s12, $0xC  }
0x2b: {  	s18 =	sor.u32 @!p1 s20, s18;
	s20 =	sand.u32 @!p1 $0xE00, s10;
	s19 =	sadd.s32 @!p1 s4, s19  }
0x2c: {  	s17 =	sshll.u32 @!p1 s17, $0xE;
	s19 =	sadd.s32 @!p1 s20, s19;
	s20 =	sand.u32 @!p1 $0x7, s10  }
0x2d: {  	s17 =	sand.u32 @!p1 $0x4000, s17;
	s18 =	sshrl.u32 @!p1 s18, $0x3;
	s20 =	sshll.u32 @!p1 s20, $0x12  }
0x2e: {  	s18 =	sadd.s32 @!p1 s18, s19;
	s19 =	sor.u32 @!p1 $0x80, s20;
	s20 =	simm.s32 @!p1 $0x8000  }
0x2f: {  	[tilespmem:s17], [sflag:$0x1] =	stream.strided.gather @!p1 [hbm4b:s18+s19], $0x4000, s20, s19, $0x38;
	[tilespmem:$0x10100] =	vst v63  }
0x30: {  	p1 =	sge.u32 s31, s7  }
.Ltmp2:
0x31: {  	_ = 	snop;
	(pc) =	sbr.rel @p1 .LBB1_5-.Ltmp2, $1  }
0x32: {  	_ =	sdelay $0x3  }
0x33: {  	s17 =	simm.s32 $0x1  }
0x34: {  	_ =	swait.ge [sflag:s6], $0x4000;
	s17 =	simm.s32 @!p0 $0x0  }
0x35: {  	[sflag:s6] =	ssyncset.done $0x0;
	s18 =	sshll.u32 s17, $0xE  }
0x36: {  	[sflag:s6] =	ssyncadd.s32 $0xFFFFC000;
	s20 =	sor.u32 $0x40, s18  }
0x37: {  	s17 =	smul.u32 $0x10200, s17;
	v0 =	vld [tilespmem:s20+$0x30]  }
0x38: {  	v3 =	vld [tilespmem:s20+$0xFFFFFFD0]  }
0x39: {  	s17 =	sshrl.u32 s17, $0x2;
	v4 =	vld [tilespmem:s20+$0xFFFFFFE0]  }
0x3a: {  	v5 =	vld [tilespmem:s20+$0xFFFFFFF0];
	s18 =	sor.u32 $0x8000, s17  }
0x3b: {  	s31 =	sand.u32 $0x1, s13;
	v1 =	vld [tilespmem:s20+$0x0];
	s19 =	sadd.s32 $0x0, s18  }
0x3c: {  	v2 =	vld [tilespmem:s20+$0x10];
	s17 =	smul.u32 $0x10200, s31;
	[tilespmem:s19+$0x3870 ss:$0x81] =	vst.msk $0xffff, v0  }
0x3d: {  	[tilespmem:s19+$0x810 ss:$0x81] =	vst.msk $0xffff, v3;
	v3 =	vld [tilespmem:s20+$0x20]  }
0x3e: {  	s17 =	sshrl.u32 s17, $0x2;
	v0 =	vld [tilespmem:s20+$0xFFFFFFC0];
	[tilespmem:s19+$0x1020 ss:$0x81] =	vst.msk $0xffff, v4;
	s20 =	sadd.s32 $0x80, s20  }
0x3f: {  	s21 =	simm.s32 $0x4;
	s22 =	simm.s32 $0x8;
	s17 =	sor.u32 $0x8000, s17;
	[tilespmem:s19+$0x1830 ss:$0x81] =	vst.msk $0xffff, v5;
	v4 =	vld [tilespmem:s20+$0x30]  }
.LBB1_3:
0x40: {  	p1 =	sne.s32 s22, $0x1FC;
	v5 =	vld [tilespmem:s20+$0xFFFFFFD0];
	[tilespmem:s19+$0x2040 ss:$0x81] =	vst.msk $0xffff, v1  }
0x41: {  	v6 =	vld [tilespmem:s20+$0xFFFFFFE0];
	[tilespmem:s19+$0x2850 ss:$0x81] =	vst.msk $0xffff, v2  }
0x42: {  	s23 =	sshra.s32 s21, $0x2;
	s21 =	smov.u32 s22;
	v7 =	vld [tilespmem:s20+$0xFFFFFFF0];
	[tilespmem:s19+$0x3060 ss:$0x81] =	vst.msk $0xffff, v3  }
.Ltmp3:
0x43: {  	v1 =	vld [tilespmem:s20+$0x0];
	[tilespmem:s19+$0x0 ss:$0x81] =	vst.msk $0xffff, v0;
	s19 =	sadd.s32 s23, s18;
	(pc) =	sbr.rel @p1 .LBB1_3-.Ltmp3, $4  }
0x44: {  	v2 =	vld [tilespmem:s20+$0x10];
	[tilespmem:s19+$0x3870 ss:$0x81] =	vst.msk $0xffff, v4  }
0x45: {  	[tilespmem:s19+$0x810 ss:$0x81] =	vst.msk $0xffff, v5;
	v3 =	vld [tilespmem:s20+$0x20]  }
0x46: {  	v0 =	vld [tilespmem:s20+$0xFFFFFFC0];
	[tilespmem:s19+$0x1020 ss:$0x81] =	vst.msk $0xffff, v6;
	s20 =	sadd.s32 $0x80, s20  }
0x47: {  	s22 =	sadd.s32 $0x4, s22;
	v4 =	vld [tilespmem:s20+$0x30];
	[tilespmem:s19+$0x1830 ss:$0x81] =	vst.msk $0xffff, v7  }
.Ltmp4:
0x48: {  	_ = 	snop;
	(pc) =	sbr.rel .LBB1_4-.Ltmp4, $1  }
0x49: {  	_ =	sdelay $0x3  }
.LBB1_6:
0x4a: {  	_ =	sfence.sel $0x180000  }
0x4b: {  	s2 =	simm.s32 $0x1;
	[bflag:$0x0] =	sbarrier.arrive $0xFFFF  }
0x4c: {  	s31 =	simm.s32 $0x2;
	[sflag:s2] =	ssyncpa.u1 $0x1  }
0x4d: {  	[sflag:s31] =	ssyncpa.u1 $0x1  }
0x4e: {  	p0 =	sne.s32 s0, $0x0;
	_ =	strace $0x90000053  }
0x4f: {  	s0 =	sadd.s32 @!p0 $0x100000, s1;
	[bflag:$0x2] =	sbarrier.arrive $0xFFFF  }
0x50: {  	[sflag:s0] =	ssyncadd.tile.s32 @!p0 $0x1;
	_ =	shalt  }
.Lfunc_end1:
_tile_overlayer_lowered:
.L_overlay_start_2:
0x51: {  	(tag) =	ssettag $0x2  }
0x52: {  	s0 =	rddreg [dreg:$0x0];
	s2 =	stileid.u32  }
0x53: {  	s1 =	rddreg [dreg:$0x1];
	p0 =	sne.s32 s2, $0x0  }
0x54: {  	s3 =	rddreg [dreg:$0x2];
	[bflag:$0x3] =	sbarrier.arrive $0xFFFF;
	s2 =	simm.s32 @!p0 $0x1C01  }
0x55: {  	[timem:s3], [sflag:s2] =	dma.local @!p0 [hbm:s0], s1  }
0x56: {  	s0 =	simm.s32 @!p0 $0x1  }
0x57: {  	_ =	swait.ge @!p0 [sflag:s0], s1  }
0x58: {  	s1 =	ssub.s32 @!p0 $0x0, s1;
	[sflag:s0] =	ssyncset.done @!p0 $0x0  }
0x59: {  	[sflag:s0] =	ssyncadd.s32 @!p0 s1  }
0x5a: {  	[bflag:$0x3] =	sbarrier.arrive $0xFFFF  }
0x5b: {  	_ =	shalt  }

</sc_bundles>
